<compile_context>
chip_gen: v7x
topology: tpu7x:2x2x1
jax: 0.10.2.dev20260603
libtpu: 0.0.44.dev20260713+nightly
codegen_flags: <defaults>
</compile_context>

<pallas_src>
import functools

import jax
import jax.numpy as jnp
import numpy as np
from jax import lax
from jax.experimental import pallas as pl
from jax.experimental.pallas import tpu as pltpu
from jax.experimental.pallas import tpu_sc as plsc

NC = 2
NS = 16
NW = NC * NS
L = 16


def _interleave_perm(d):
    perm = np.zeros(d, dtype=np.int32)
    for g in range(d // 32):
        for i in range(16):
            perm[g * 32 + 2 * i] = g * 32 + i
            perm[g * 32 + 2 * i + 1] = g * 32 + 16 + i
    return perm


def _project(u2e, base, W1, b1):
    N, D = u2e.shape
    deg_inv = 1.0 / 32.0
    Wa = W1[0:D]
    Wb = W1[D:2 * D][:, _interleave_perm(D)]
    Wc = W1[2 * D:3 * D]
    b1_2d = b1.reshape(1, D)

    BLK = 2000
    assert N % BLK == 0

    def body(u_ref, c_ref, wa_ref, wb_ref, wc_ref, b1_ref, q_ref, p_ref):
        u = u_ref[...]
        q_ref[...] = (
            jnp.dot(u, wa_ref[...], preferred_element_type=jnp.float32,
                    precision=lax.Precision.DEFAULT)
            + jnp.dot(c_ref[...], wc_ref[...], preferred_element_type=jnp.float32,
                      precision=lax.Precision.DEFAULT)
            + b1_ref[...]
        )
        p_ref[...] = (jnp.dot(u, wb_ref[...], preferred_element_type=jnp.float32,
                              precision=lax.Precision.DEFAULT)
                      * deg_inv).astype(jnp.bfloat16)

    grid = (N // BLK,)
    return pl.pallas_call(
        body,
        grid=grid,
        in_specs=[
            pl.BlockSpec((BLK, D), lambda i: (i, 0)),
            pl.BlockSpec((BLK, D), lambda i: (i, 0)),
            pl.BlockSpec((D, D), lambda i: (0, 0)),
            pl.BlockSpec((D, D), lambda i: (0, 0)),
            pl.BlockSpec((D, D), lambda i: (0, 0)),
            pl.BlockSpec((1, D), lambda i: (0, 0)),
        ],
        out_specs=[
            pl.BlockSpec((BLK, D), lambda i: (i, 0)),
            pl.BlockSpec((BLK, D), lambda i: (i, 0)),
        ],
        out_shape=[
            jax.ShapeDtypeStruct((N, D), jnp.float32),
            jax.ShapeDtypeStruct((N, D), jnp.bfloat16),
        ],
    )(u2e, base, Wa, Wb, Wc, b1_2d)


def _sc_index(nodes, neighbors):
    B, = nodes.shape
    N, DEG = neighbors.shape
    BPW = B // NW
    mesh = plsc.VectorSubcoreMesh(core_axis_name="c", subcore_axis_name="s")

    @functools.partial(
        pl.kernel,
        mesh=mesh,
        out_type=jax.ShapeDtypeStruct((B * DEG,), jnp.int32),
        compiler_params=pltpu.CompilerParams(use_tc_tiling_on_sc=False,
                                             needs_layout_passes=False),
        scratch_types=[
            pltpu.VMEM((BPW,), jnp.int32),
            pltpu.VMEM((BPW, DEG), jnp.int32),
            pltpu.VMEM((BPW * DEG,), jnp.int32),
            pltpu.SemaphoreType.DMA,
        ],
    )
    def k(nodes_hbm, neigh_hbm, out_hbm, idx_v, nidx_v, flat_v, sem):
        wid = lax.axis_index("s") * NC + lax.axis_index("c")
        base = wid * BPW
        pltpu.sync_copy(nodes_hbm.at[pl.ds(base, BPW)], idx_v)
        pltpu.async_copy(neigh_hbm.at[idx_v], nidx_v, sem).wait()

        @pl.loop(0, BPW)
        def _(i):
            for j in range(DEG // L):
                flat_v[pl.ds(i * DEG + j * L, L)] = nidx_v[i, pl.ds(j * L, L)]

        pltpu.sync_copy(flat_v, out_hbm.at[pl.ds(base * DEG, BPW * DEG)])

    return k(nodes, neighbors)


def _sc_gather_agg(nodes, flat_idx, q_tab, p_tab):
    B, = nodes.shape
    DEG = flat_idx.shape[0] // B
    D = q_tab.shape[1]
    BPW = B // NW
    CH = 8
    NCHUNK = BPW // CH
    mesh = plsc.VectorSubcoreMesh(core_axis_name="c", subcore_axis_name="s")

    @functools.partial(
        pl.kernel,
        mesh=mesh,
        out_type=jax.ShapeDtypeStruct((B, D), jnp.float32),
        compiler_params=pltpu.CompilerParams(use_tc_tiling_on_sc=False,
                                             needs_layout_passes=False),
        scratch_types=[
            pltpu.VMEM((BPW,), jnp.int32),
            pltpu.VMEM((BPW * DEG,), jnp.int32),
            pltpu.VMEM((BPW, D), jnp.float32),
            pltpu.VMEM((CH * DEG, D), jnp.bfloat16),
            pltpu.VMEM((CH * DEG, D), jnp.bfloat16),
            pltpu.VMEM((CH * DEG, D), jnp.bfloat16),
            pltpu.VMEM((CH * DEG, D), jnp.bfloat16),
            pltpu.VMEM((BPW, D), jnp.float32),
            pltpu.SemaphoreType.DMA,
            pltpu.SemaphoreType.DMA,
            pltpu.SemaphoreType.DMA,
            pltpu.SemaphoreType.DMA,
            pltpu.SemaphoreType.DMA,
        ],
    )
    def k(nodes_hbm, flat_hbm, q_hbm, p_hbm, out_hbm,
          idx_v, flat_v, q_v, buf0, buf1, buf2, buf3, out_v,
          sem0, sem1, sem2, sem3, semq):
        wid = lax.axis_index("s") * NC + lax.axis_index("c")
        base = wid * BPW
        pltpu.sync_copy(nodes_hbm.at[pl.ds(base, BPW)], idx_v)
        pltpu.async_copy(q_hbm.at[idx_v], q_v, semq)
        pltpu.sync_copy(flat_hbm.at[pl.ds(base * DEG, BPW * DEG)], flat_v)

        def issue(c, buf, sem):
            pltpu.async_copy(
                p_hbm.at[flat_v.at[pl.ds(c * (CH * DEG), CH * DEG)]], buf, sem)

        def drain(buf, sem):
            pltpu.make_async_copy(
                p_hbm.at[flat_v.at[pl.ds(0, CH * DEG)]], buf, sem).wait()

        def accum(c, buf):
            @pl.loop(0, CH)
            def _(rr):
                row = c * CH + rr
                for g in range(D // (2 * L)):
                    sl = pl.ds(g * 2 * L, 2 * L)
                    accs = [buf[rr * DEG + t, sl] for t in range(4)]
                    for j in range(4, DEG):
                        accs[j % 4] = accs[j % 4] + buf[rr * DEG + j, sl]
                    acc = (accs[0] + accs[1]) + (accs[2] + accs[3])
                    lo, hi = plsc.unpack(acc, format=plsc.PackFormat.INTERLEAVED)
                    sl_lo = pl.ds(g * 2 * L, L)
                    sl_hi = pl.ds(g * 2 * L + L, L)
                    out_v[row, sl_lo] = jnp.maximum(q_v[row, sl_lo] + lo, 0.0)
                    out_v[row, sl_hi] = jnp.maximum(q_v[row, sl_hi] + hi, 0.0)

        bufs = (buf0, buf1, buf2, buf3)
        sems = (sem0, sem1, sem2, sem3)
        NBUF = 4
        issue(0, bufs[0], sems[0])
        issue(1, bufs[1], sems[1])
        issue(2, bufs[2], sems[2])
        pltpu.make_async_copy(q_hbm.at[idx_v], q_v, semq).wait()

        @pl.loop(0, NCHUNK, step=NBUF)
        def _(c):
            for t in range(NBUF):
                drain(bufs[t], sems[t])
                accum(c + t, bufs[t])

                @pl.when(c + t + NBUF - 1 < NCHUNK)
                def _():
                    issue(c + t + NBUF - 1, bufs[(t + NBUF - 1) % NBUF],
                          sems[(t + NBUF - 1) % NBUF])

        pltpu.sync_copy(out_v, out_hbm.at[pl.ds(base, BPW)])

    return k(nodes, flat_idx, q_tab, p_tab)


def kernel(nodes, neighbors, u2e_weight, base_weight, W1, b1):
    flat_idx = _sc_index(nodes, neighbors)
    q_tab, p_tab = _project(u2e_weight, base_weight, W1, b1)
    return _sc_gather_agg(nodes, flat_idx, q_tab, p_tab)

# --- scband reference (transcript-rebuilt; emitter-appended) ---
"""Pipeline reference for scband-social-encoder-13030930776709 (READ-ONLY COPY).

The authoritative reference and input builder live on the scoring server;
editing this copy changes nothing except your own understanding.
"""

import jax, jax.numpy as jnp
import numpy as np

N = 10000   # n_nodes
DEG = 32    # avg_degree (padded fixed-degree adjacency)
D = 128     # embed_dim
B = 4096    # queried node batch


def setup_inputs(seed: int = 0) -> dict:
    key = jax.random.key(seed)
    ks = jax.random.split(key, 6)
    nodes = jax.random.randint(ks[0], (B,), 0, N)
    neighbors = jax.random.randint(ks[1], (N, DEG), 0, N)
    u2e_weight = jax.random.normal(ks[2], (N, D), dtype=jnp.float32)
    base_weight = jax.random.normal(ks[3], (N, D), dtype=jnp.float32)
    W1 = jax.random.normal(ks[4], (3 * D, D), dtype=jnp.float32) * (1.0 / np.sqrt(3 * D))
    b1 = jnp.zeros((D,), dtype=jnp.float32)
    return {
        "nodes": nodes,
        "neighbors": neighbors,
        "u2e_weight": u2e_weight,
        "base_weight": base_weight,
        "W1": W1,
        "b1": b1,
    }


def reference(nodes, neighbors, u2e_weight, base_weight, W1, b1):
    # social_adj_lists lookup: gather padded neighbor lists for the batch
    to_neighs = jnp.take(neighbors, nodes, axis=0)              # [B, DEG]
    # aggregator.forward(nodes, to_neighs): mean of neighbor u2e embeddings
    neigh_emb = jnp.take(u2e_weight, to_neighs, axis=0)         # [B, DEG, D]
    neigh_feats = jnp.mean(neigh_emb, axis=1)                   # [B, D]
    # self_feats = self.u2e.weight[nodes]
    self_feats = jnp.take(u2e_weight, nodes, axis=0)            # [B, D]
    # self_cluster = self.base_model.weight[nodes]
    self_cluster = jnp.take(base_weight, nodes, axis=0)         # [B, D]
    combined = jnp.concatenate([self_feats, neigh_feats, self_cluster], axis=1)  # [B, 3D]
    combined = jax.nn.relu(combined @ W1 + b1)                  # linear1 + relu
    # dropout(p=0.5) is identity in eval mode
    return combined

if __name__ == "__main__":
    import jax
    _d = setup_inputs()
    print(jax.jit(kernel)(*tuple(_d.values())))

</pallas_src>

<mosaic_0001>
#map = affine_map<(d0, d1) -> (0)>
#map1 = affine_map<(d0, d1) -> (0, 0)>
module attributes {stable_mosaic.version = 14 : i64} {
  func.func @k(%arg0: i32, %arg1: i32, %arg2: memref<4096xi32, #tpu.memory_space<hbm>>, %arg3: memref<131072xi32, #tpu.memory_space<hbm>>, %arg4: memref<10000x128xf32, #tpu.memory_space<hbm>>, %arg5: memref<10000x128xbf16, #tpu.memory_space<hbm>>, %arg6: memref<4096x128xf32, #tpu.memory_space<hbm>>, %arg7: memref<128xi32, #tpu.memory_space<vmem>>, %arg8: memref<4096xi32, #tpu.memory_space<vmem>>, %arg9: memref<128x128xf32, #tpu.memory_space<vmem>>, %arg10: memref<256x128xbf16, #tpu.memory_space<vmem>>, %arg11: memref<256x128xbf16, #tpu.memory_space<vmem>>, %arg12: memref<256x128xbf16, #tpu.memory_space<vmem>>, %arg13: memref<256x128xbf16, #tpu.memory_space<vmem>>, %arg14: memref<128x128xf32, #tpu.memory_space<vmem>>, %arg15: memref<!tpu.dma_semaphore, #tpu.memory_space<semaphore_mem>>, %arg16: memref<!tpu.dma_semaphore, #tpu.memory_space<semaphore_mem>>, %arg17: memref<!tpu.dma_semaphore, #tpu.memory_space<semaphore_mem>>, %arg18: memref<!tpu.dma_semaphore, #tpu.memory_space<semaphore_mem>>, %arg19: memref<!tpu.dma_semaphore, #tpu.memory_space<semaphore_mem>>) attributes {dimension_semantics = [#tpu.dimension_semantics<core_parallel>, #tpu.dimension_semantics<subcore_parallel>], iteration_bounds = array<i64: 2, 16>, scalar_prefetch = 0 : i64, scratch_operands = 13 : i64, tpu.core_type = #tpu.core_type<sc_vector_subcore>, window_params = [{transform_indices = #map}, {transform_indices = #map}, {transform_indices = #map1}, {transform_indices = #map1}, {transform_indices = #map1}]} {
    %mul3A = arith.constant 2 : i32
    %mul3A_0 = arith.muli %arg1, %mul3A : i32
    %add3A = arith.addi %mul3A_0, %arg0 : i32
    %mul3A_1 = arith.constant 128 : i32
    %mul3A_2 = arith.muli %add3A, %mul3A_1 : i32
    "tpu.region"() ({
      %run_scoped3A = tpu.sem_alloc : memref<!tpu.dma_semaphore, #tpu.memory_space<semaphore_mem>>
      %dma_start3A_28 = tpu.memref_slice %arg2[%mul3A_2] : memref<4096xi32, #tpu.memory_space<hbm>> -> memref<128xi32, #tpu.memory_space<hbm>>
      %dma_start3A_29 = tpu.memref_slice %arg2[%mul3A_2] : memref<4096xi32, #tpu.memory_space<hbm>> -> memref<128xi32, #tpu.memory_space<hbm>>
      tpu.enqueue_dma source(%dma_start3A_29 : memref<128xi32, #tpu.memory_space<hbm>>) target(%arg7 : memref<128xi32, #tpu.memory_space<vmem>>) target_semaphore(%run_scoped3A : memref<!tpu.dma_semaphore, #tpu.memory_space<semaphore_mem>>)
      %dma_wait3A_30 = tpu.memref_slice %arg2[%mul3A_2] : memref<4096xi32, #tpu.memory_space<hbm>> -> memref<128xi32, #tpu.memory_space<hbm>>
      %dma_wait3A_31 = tpu.memref_slice %arg2[%mul3A_2] : memref<4096xi32, #tpu.memory_space<hbm>> -> memref<128xi32, #tpu.memory_space<hbm>>
      tpu.wait_dma2 semaphore(%run_scoped3A : memref<!tpu.dma_semaphore, #tpu.memory_space<semaphore_mem>>) src(%dma_wait3A_31 : memref<128xi32, #tpu.memory_space<hbm>>) dst(%arg7 : memref<128xi32, #tpu.memory_space<vmem>>)
      tpu.yield
    }) : () -> ()
    %dma_start3A = arith.constant 0 : i32
    %dma_start3A_3 = arith.constant 0 : i32
    %dma_start3A_4 = tpu.memref_slice %arg4[%dma_start3A, %dma_start3A_3] : memref<10000x128xf32, #tpu.memory_space<hbm>> -> memref<10000x128xf32, #tpu.memory_space<hbm>>
    tpu.enqueue_indirect_dma source(%dma_start3A_4 : memref<10000x128xf32, #tpu.memory_space<hbm>>) target(%arg9 : memref<128x128xf32, #tpu.memory_space<vmem>>) offsets(%arg7 : memref<128xi32, #tpu.memory_space<vmem>>) semaphore(%arg19 : memref<!tpu.dma_semaphore, #tpu.memory_space<semaphore_mem>>)
    %mul3A_5 = arith.constant 32 : i32
    %mul3A_6 = arith.muli %mul3A_2, %mul3A_5 : i32
    "tpu.region"() ({
      %run_scoped3A = tpu.sem_alloc : memref<!tpu.dma_semaphore, #tpu.memory_space<semaphore_mem>>
      %dma_start3A_28 = tpu.memref_slice %arg3[%mul3A_6] : memref<131072xi32, #tpu.memory_space<hbm>> -> memref<4096xi32, #tpu.memory_space<hbm>>
      %dma_start3A_29 = tpu.memref_slice %arg3[%mul3A_6] : memref<131072xi32, #tpu.memory_space<hbm>> -> memref<4096xi32, #tpu.memory_space<hbm>>
      tpu.enqueue_dma source(%dma_start3A_29 : memref<4096xi32, #tpu.memory_space<hbm>>) target(%arg8 : memref<4096xi32, #tpu.memory_space<vmem>>) target_semaphore(%run_scoped3A : memref<!tpu.dma_semaphore, #tpu.memory_space<semaphore_mem>>)
      %dma_wait3A_30 = tpu.memref_slice %arg3[%mul3A_6] : memref<131072xi32, #tpu.memory_space<hbm>> -> memref<4096xi32, #tpu.memory_space<hbm>>
      %dma_wait3A_31 = tpu.memref_slice %arg3[%mul3A_6] : memref<131072xi32, #tpu.memory_space<hbm>> -> memref<4096xi32, #tpu.memory_space<hbm>>
      tpu.wait_dma2 semaphore(%run_scoped3A : memref<!tpu.dma_semaphore, #tpu.memory_space<semaphore_mem>>) src(%dma_wait3A_31 : memref<4096xi32, #tpu.memory_space<hbm>>) dst(%arg8 : memref<4096xi32, #tpu.memory_space<vmem>>)
      tpu.yield
    }) : () -> ()
    %dma_start3A_7 = arith.constant 0 : i32
    %dma_start3A_8 = tpu.memref_slice %arg8[%dma_start3A_7] : memref<4096xi32, #tpu.memory_space<vmem>> -> memref<256xi32, #tpu.memory_space<vmem>>
    %dma_start3A_9 = arith.constant 0 : i32
    %dma_start3A_10 = arith.constant 0 : i32
    %dma_start3A_11 = tpu.memref_slice %arg5[%dma_start3A_9, %dma_start3A_10] : memref<10000x128xbf16, #tpu.memory_space<hbm>> -> memref<10000x128xbf16, #tpu.memory_space<hbm>>
    tpu.enqueue_indirect_dma source(%dma_start3A_11 : memref<10000x128xbf16, #tpu.memory_space<hbm>>) target(%arg10 : memref<256x128xbf16, #tpu.memory_space<vmem>>) offsets(%dma_start3A_8 : memref<256xi32, #tpu.memory_space<vmem>>) semaphore(%arg15 : memref<!tpu.dma_semaphore, #tpu.memory_space<semaphore_mem>>)
    %dma_start3A_12 = arith.constant 256 : i32
    %dma_start3A_13 = tpu.memref_slice %arg8[%dma_start3A_12] : memref<4096xi32, #tpu.memory_space<vmem>> -> memref<256xi32, #tpu.memory_space<vmem>>
    %dma_start3A_14 = arith.constant 0 : i32
    %dma_start3A_15 = arith.constant 0 : i32
    %dma_start3A_16 = tpu.memref_slice %arg5[%dma_start3A_14, %dma_start3A_15] : memref<10000x128xbf16, #tpu.memory_space<hbm>> -> memref<10000x128xbf16, #tpu.memory_space<hbm>>
    tpu.enqueue_indirect_dma source(%dma_start3A_16 : memref<10000x128xbf16, #tpu.memory_space<hbm>>) target(%arg11 : memref<256x128xbf16, #tpu.memory_space<vmem>>) offsets(%dma_start3A_13 : memref<256xi32, #tpu.memory_space<vmem>>) semaphore(%arg16 : memref<!tpu.dma_semaphore, #tpu.memory_space<semaphore_mem>>)
    %dma_start3A_17 = arith.constant 512 : i32
    %dma_start3A_18 = tpu.memref_slice %arg8[%dma_start3A_17] : memref<4096xi32, #tpu.memory_space<vmem>> -> memref<256xi32, #tpu.memory_space<vmem>>
    %dma_start3A_19 = arith.constant 0 : i32
    %dma_start3A_20 = arith.constant 0 : i32
    %dma_start3A_21 = tpu.memref_slice %arg5[%dma_start3A_19, %dma_start3A_20] : memref<10000x128xbf16, #tpu.memory_space<hbm>> -> memref<10000x128xbf16, #tpu.memory_space<hbm>>
    tpu.enqueue_indirect_dma source(%dma_start3A_21 : memref<10000x128xbf16, #tpu.memory_space<hbm>>) target(%arg12 : memref<256x128xbf16, #tpu.memory_space<vmem>>) offsets(%dma_start3A_18 : memref<256xi32, #tpu.memory_space<vmem>>) semaphore(%arg17 : memref<!tpu.dma_semaphore, #tpu.memory_space<semaphore_mem>>)
    %dma_wait3A = arith.constant 0 : i32
    %dma_wait3A_22 = arith.constant 0 : i32
    %dma_wait3A_23 = tpu.memref_slice %arg4[%dma_wait3A, %dma_wait3A_22] : memref<10000x128xf32, #tpu.memory_space<hbm>> -> memref<10000x128xf32, #tpu.memory_space<hbm>>
    tpu.wait_indirect_dma semaphore(%arg19 : memref<!tpu.dma_semaphore, #tpu.memory_space<semaphore_mem>>) src(%dma_wait3A_23 : memref<10000x128xf32, #tpu.memory_space<hbm>>) dst(%arg9 : memref<128x128xf32, #tpu.memory_space<vmem>>)
    %scan3A = arith.constant 0 : i32
    %scan3A_24 = arith.constant 4 : i32
    %scan3A_25 = arith.addi %scan3A, %scan3A_24 : i32
    %scan3A_26 = arith.constant 1 : i32
    scf.for %scan3A_28 = %scan3A to %scan3A_25 step %scan3A_26  : i32 {
      %mul3A_29 = arith.constant 4 : i32
      %mul3A_30 = arith.muli %scan3A_28, %mul3A_29 : i32
      %add3A_31 = arith.constant 0 : i32
      %add3A_32 = arith.addi %add3A_31, %mul3A_30 : i32
      %dma_wait3A_33 = arith.constant 0 : i32
      %dma_wait3A_34 = tpu.memref_slice %arg8[%dma_wait3A_33] : memref<4096xi32, #tpu.memory_space<vmem>> -> memref<256xi32, #tpu.memory_space<vmem>>
      %dma_wait3A_35 = arith.constant 0 : i32
      %dma_wait3A_36 = arith.constant 0 : i32
      %dma_wait3A_37 = tpu.memref_slice %arg5[%dma_wait3A_35, %dma_wait3A_36] : memref<10000x128xbf16, #tpu.memory_space<hbm>> -> memref<10000x128xbf16, #tpu.memory_space<hbm>>
      tpu.wait_indirect_dma semaphore(%arg15 : memref<!tpu.dma_semaphore, #tpu.memory_space<semaphore_mem>>) src(%dma_wait3A_37 : memref<10000x128xbf16, #tpu.memory_space<hbm>>) dst(%arg10 : memref<256x128xbf16, #tpu.memory_space<vmem>>)
      %add3A_38 = arith.constant 0 : i32
      %add3A_39 = arith.addi %add3A_32, %add3A_38 : i32
      %scan3A_40 = arith.constant 0 : i32
      %scan3A_41 = arith.constant 8 : i32
      %scan3A_42 = arith.addi %scan3A_40, %scan3A_41 : i32
      %scan3A_43 = arith.constant 1 : i32
      scf.for %scan3A_121 = %scan3A_40 to %scan3A_42 step %scan3A_43  : i32 {
        %mul3A_122 = arith.constant 1 : i32
        %mul3A_123 = arith.muli %scan3A_121, %mul3A_122 : i32
        %add3A_124 = arith.constant 0 : i32
        %add3A_125 = arith.addi %add3A_124, %mul3A_123 : i32
        %mul3A_126 = arith.constant 8 : i32
        %mul3A_127 = arith.muli %add3A_39, %mul3A_126 : i32
        %add3A_128 = arith.addi %mul3A_127, %add3A_125 : i32
        %mul3A_129 = arith.constant 32 : i32
        %mul3A_130 = arith.muli %add3A_125, %mul3A_129 : i32
        %add3A_131 = arith.constant 0 : i32
        %add3A_132 = arith.addi %mul3A_130, %add3A_131 : i32
        %get3A = arith.index_cast %add3A_132 : i32 to index
        %get3A_133 = arith.constant 0 : index
        %get3A_134 = tpu.vector_load %arg10[%get3A, %get3A_133] {strides = array<i32>} : memref<256x128xbf16, #tpu.memory_space<vmem>>, vector<32xbf16>,
        %mul3A_135 = arith.constant 32 : i32
        %mul3A_136 = arith.muli %add3A_125, %mul3A_135 : i32
        %add3A_137 = arith.constant 1 : i32
        %add3A_138 = arith.addi %mul3A_136, %add3A_137 : i32
        %get3A_139 = arith.index_cast %add3A_138 : i32 to index
        %get3A_140 = arith.constant 0 : index
        %get3A_141 = tpu.vector_load %arg10[%get3A_139, %get3A_140] {strides = array<i32>} : memref<256x128xbf16, #tpu.memory_space<vmem>>, vector<32xbf16>,
        %mul3A_142 = arith.constant 32 : i32
        %mul3A_143 = arith.muli %add3A_125, %mul3A_142 : i32
        %add3A_144 = arith.constant 2 : i32
        %add3A_145 = arith.addi %mul3A_143, %add3A_144 : i32
        %get3A_146 = arith.index_cast %add3A_145 : i32 to index
        %get3A_147 = arith.constant 0 : index
        %get3A_148 = tpu.vector_load %arg10[%get3A_146, %get3A_147] {strides = array<i32>} : memref<256x128xbf16, #tpu.memory_space<vmem>>, vector<32xbf16>,
        %mul3A_149 = arith.constant 32 : i32
        %mul3A_150 = arith.muli %add3A_125, %mul3A_149 : i32
        %add3A_151 = arith.constant 3 : i32
        %add3A_152 = arith.addi %mul3A_150, %add3A_151 : i32
        %get3A_153 = arith.index_cast %add3A_152 : i32 to index
        %get3A_154 = arith.constant 0 : index
        %get3A_155 = tpu.vector_load %arg10[%get3A_153, %get3A_154] {strides = array<i32>} : memref<256x128xbf16, #tpu.memory_space<vmem>>, vector<32xbf16>,
        %mul3A_156 = arith.constant 32 : i32
        %mul3A_157 = arith.muli %add3A_125, %mul3A_156 : i32
        %add3A_158 = arith.constant 4 : i32
        %add3A_159 = arith.addi %mul3A_157, %add3A_158 : i32
        %get3A_160 = arith.index_cast %add3A_159 : i32 to index
        %get3A_161 = arith.constant 0 : index
        %get3A_162 = tpu.vector_load %arg10[%get3A_160, %get3A_161] {strides = array<i32>} : memref<256x128xbf16, #tpu.memory_space<vmem>>, vector<32xbf16>,
        %add3A_163 = arith.addf %get3A_134, %get3A_162 : vector<32xbf16>
        %mul3A_164 = arith.constant 32 : i32
        %mul3A_165 = arith.muli %add3A_125, %mul3A_164 : i32
        %add3A_166 = arith.constant 5 : i32
        %add3A_167 = arith.addi %mul3A_165, %add3A_166 : i32
        %get3A_168 = arith.index_cast %add3A_167 : i32 to index
        %get3A_169 = arith.constant 0 : index
        %get3A_170 = tpu.vector_load %arg10[%get3A_168, %get3A_169] {strides = array<i32>} : memref<256x128xbf16, #tpu.memory_space<vmem>>, vector<32xbf16>,
        %add3A_171 = arith.addf %get3A_141, %get3A_170 : vector<32xbf16>
        %mul3A_172 = arith.constant 32 : i32
        %mul3A_173 = arith.muli %add3A_125, %mul3A_172 : i32
        %add3A_174 = arith.constant 6 : i32
        %add3A_175 = arith.addi %mul3A_173, %add3A_174 : i32
        %get3A_176 = arith.index_cast %add3A_175 : i32 to index
        %get3A_177 = arith.constant 0 : index
        %get3A_178 = tpu.vector_load %arg10[%get3A_176, %get3A_177] {strides = array<i32>} : memref<256x128xbf16, #tpu.memory_space<vmem>>, vector<32xbf16>,
        %add3A_179 = arith.addf %get3A_148, %get3A_178 : vector<32xbf16>
        %mul3A_180 = arith.constant 32 : i32
        %mul3A_181 = arith.muli %add3A_125, %mul3A_180 : i32
        %add3A_182 = arith.constant 7 : i32
        %add3A_183 = arith.addi %mul3A_181, %add3A_182 : i32
        %get3A_184 = arith.index_cast %add3A_183 : i32 to index
        %get3A_185 = arith.constant 0 : index
        %get3A_186 = tpu.vector_load %arg10[%get3A_184, %get3A_185] {strides = array<i32>} : memref<256x128xbf16, #tpu.memory_space<vmem>>, vector<32xbf16>,
        %add3A_187 = arith.addf %get3A_155, %get3A_186 : vector<32xbf16>
        %mul3A_188 = arith.constant 32 : i32
        %mul3A_189 = arith.muli %add3A_125, %mul3A_188 : i32
        %add3A_190 = arith.constant 8 : i32
        %add3A_191 = arith.addi %mul3A_189, %add3A_190 : i32
        %get3A_192 = arith.index_cast %add3A_191 : i32 to index
        %get3A_193 = arith.constant 0 : index
        %get3A_194 = tpu.vector_load %arg10[%get3A_192, %get3A_193] {strides = array<i32>} : memref<256x128xbf16, #tpu.memory_space<vmem>>, vector<32xbf16>,
        %add3A_195 = arith.addf %add3A_163, %get3A_194 : vector<32xbf16>
        %mul3A_196 = arith.constant 32 : i32
        %mul3A_197 = arith.muli %add3A_125, %mul3A_196 : i32
        %add3A_198 = arith.constant 9 : i32
        %add3A_199 = arith.addi %mul3A_197, %add3A_198 : i32
        %get3A_200 = arith.index_cast %add3A_199 : i32 to index
        %get3A_201 = arith.constant 0 : index
        %get3A_202 = tpu.vector_load %arg10[%get3A_200, %get3A_201] {strides = array<i32>} : memref<256x128xbf16, #tpu.memory_space<vmem>>, vector<32xbf16>,
        %add3A_203 = arith.addf %add3A_171, %get3A_202 : vector<32xbf16>
        %mul3A_204 = arith.constant 32 : i32
        %mul3A_205 = arith.muli %add3A_125, %mul3A_204 : i32
        %add3A_206 = arith.constant 10 : i32
        %add3A_207 = arith.addi %mul3A_205, %add3A_206 : i32
        %get3A_208 = arith.index_cast %add3A_207 : i32 to index
        %get3A_209 = arith.constant 0 : index
        %get3A_210 = tpu.vector_load %arg10[%get3A_208, %get3A_209] {strides = array<i32>} : memref<256x128xbf16, #tpu.memory_space<vmem>>, vector<32xbf16>,
        %add3A_211 = arith.addf %add3A_179, %get3A_210 : vector<32xbf16>
        %mul3A_212 = arith.constant 32 : i32
        %mul3A_213 = arith.muli %add3A_125, %mul3A_212 : i32
        %add3A_214 = arith.constant 11 : i32
        %add3A_215 = arith.addi %mul3A_213, %add3A_214 : i32
        %get3A_216 = arith.index_cast %add3A_215 : i32 to index
        %get3A_217 = arith.constant 0 : index
        %get3A_218 = tpu.vector_load %arg10[%get3A_216, %get3A_217] {strides = array<i32>} : memref<256x128xbf16, #tpu.memory_space<vmem>>, vector<32xbf16>,
        %add3A_219 = arith.addf %add3A_187, %get3A_218 : vector<32xbf16>
        %mul3A_220 = arith.constant 32 : i32
        %mul3A_221 = arith.muli %add3A_125, %mul3A_220 : i32
        %add3A_222 = arith.constant 12 : i32
        %add3A_223 = arith.addi %mul3A_221, %add3A_222 : i32
        %get3A_224 = arith.index_cast %add3A_223 : i32 to index
        %get3A_225 = arith.constant 0 : index
        %get3A_226 = tpu.vector_load %arg10[%get3A_224, %get3A_225] {strides = array<i32>} : memref<256x128xbf16, #tpu.memory_space<vmem>>, vector<32xbf16>,
        %add3A_227 = arith.addf %add3A_195, %get3A_226 : vector<32xbf16>
        %mul3A_228 = arith.constant 32 : i32
        %mul3A_229 = arith.muli %add3A_125, %mul3A_228 : i32
        %add3A_230 = arith.constant 13 : i32
        %add3A_231 = arith.addi %mul3A_229, %add3A_230 : i32
        %get3A_232 = arith.index_cast %add3A_231 : i32 to index
        %get3A_233 = arith.constant 0 : index
        %get3A_234 = tpu.vector_load %arg10[%get3A_232, %get3A_233] {strides = array<i32>} : memref<256x128xbf16, #tpu.memory_space<vmem>>, vector<32xbf16>,
        %add3A_235 = arith.addf %add3A_203, %get3A_234 : vector<32xbf16>
        %mul3A_236 = arith.constant 32 : i32
        %mul3A_237 = arith.muli %add3A_125, %mul3A_236 : i32
        %add3A_238 = arith.constant 14 : i32
        %add3A_239 = arith.addi %mul3A_237, %add3A_238 : i32
        %get3A_240 = arith.index_cast %add3A_239 : i32 to index
        %get3A_241 = arith.constant 0 : index
        %get3A_242 = tpu.vector_load %arg10[%get3A_240, %get3A_241] {strides = array<i32>} : memref<256x128xbf16, #tpu.memory_space<vmem>>, vector<32xbf16>,
        %add3A_243 = arith.addf %add3A_211, %get3A_242 : vector<32xbf16>
        %mul3A_244 = arith.constant 32 : i32
        %mul3A_245 = arith.muli %add3A_125, %mul3A_244 : i32
        %add3A_246 = arith.constant 15 : i32
        %add3A_247 = arith.addi %mul3A_245, %add3A_246 : i32
        %get3A_248 = arith.index_cast %add3A_247 : i32 to index
        %get3A_249 = arith.constant 0 : index
        %get3A_250 = tpu.vector_load %arg10[%get3A_248, %get3A_249] {strides = array<i32>} : memref<256x128xbf16, #tpu.memory_space<vmem>>, vector<32xbf16>,
        %add3A_251 = arith.addf %add3A_219, %get3A_250 : vector<32xbf16>
        %mul3A_252 = arith.constant 32 : i32
        %mul3A_253 = arith.muli %add3A_125, %mul3A_252 : i32
        %add3A_254 = arith.constant 16 : i32
        %add3A_255 = arith.addi %mul3A_253, %add3A_254 : i32
        %get3A_256 = arith.index_cast %add3A_255 : i32 to index
        %get3A_257 = arith.constant 0 : index
        %get3A_258 = tpu.vector_load %arg10[%get3A_256, %get3A_257] {strides = array<i32>} : memref<256x128xbf16, #tpu.memory_space<vmem>>, vector<32xbf16>,
        %add3A_259 = arith.addf %add3A_227, %get3A_258 : vector<32xbf16>
        %mul3A_260 = arith.constant 32 : i32
        %mul3A_261 = arith.muli %add3A_125, %mul3A_260 : i32
        %add3A_262 = arith.constant 17 : i32
        %add3A_263 = arith.addi %mul3A_261, %add3A_262 : i32
        %get3A_264 = arith.index_cast %add3A_263 : i32 to index
        %get3A_265 = arith.constant 0 : index
        %get3A_266 = tpu.vector_load %arg10[%get3A_264, %get3A_265] {strides = array<i32>} : memref<256x128xbf16, #tpu.memory_space<vmem>>, vector<32xbf16>,
        %add3A_267 = arith.addf %add3A_235, %get3A_266 : vector<32xbf16>
        %mul3A_268 = arith.constant 32 : i32
        %mul3A_269 = arith.muli %add3A_125, %mul3A_268 : i32
        %add3A_270 = arith.constant 18 : i32
        %add3A_271 = arith.addi %mul3A_269, %add3A_270 : i32
        %get3A_272 = arith.index_cast %add3A_271 : i32 to index
        %get3A_273 = arith.constant 0 : index
        %get3A_274 = tpu.vector_load %arg10[%get3A_272, %get3A_273] {strides = array<i32>} : memref<256x128xbf16, #tpu.memory_space<vmem>>, vector<32xbf16>,
        %add3A_275 = arith.addf %add3A_243, %get3A_274 : vector<32xbf16>
        %mul3A_276 = arith.constant 32 : i32
        %mul3A_277 = arith.muli %add3A_125, %mul3A_276 : i32
        %add3A_278 = arith.constant 19 : i32
        %add3A_279 = arith.addi %mul3A_277, %add3A_278 : i32
        %get3A_280 = arith.index_cast %add3A_279 : i32 to index
        %get3A_281 = arith.constant 0 : index
        %get3A_282 = tpu.vector_load %arg10[%get3A_280, %get3A_281] {strides = array<i32>} : memref<256x128xbf16, #tpu.memory_space<vmem>>, vector<32xbf16>,
        %add3A_283 = arith.addf %add3A_251, %get3A_282 : vector<32xbf16>
        %mul3A_284 = arith.constant 32 : i32
        %mul3A_285 = arith.muli %add3A_125, %mul3A_284 : i32
        %add3A_286 = arith.constant 20 : i32
        %add3A_287 = arith.addi %mul3A_285, %add3A_286 : i32
        %get3A_288 = arith.index_cast %add3A_287 : i32 to index
        %get3A_289 = arith.constant 0 : index
        %get3A_290 = tpu.vector_load %arg10[%get3A_288, %get3A_289] {strides = array<i32>} : memref<256x128xbf16, #tpu.memory_space<vmem>>, vector<32xbf16>,
        %add3A_291 = arith.addf %add3A_259, %get3A_290 : vector<32xbf16>
        %mul3A_292 = arith.constant 32 : i32
        %mul3A_293 = arith.muli %add3A_125, %mul3A_292 : i32
        %add3A_294 = arith.constant 21 : i32
        %add3A_295 = arith.addi %mul3A_293, %add3A_294 : i32
        %get3A_296 = arith.index_cast %add3A_295 : i32 to index
        %get3A_297 = arith.constant 0 : index
        %get3A_298 = tpu.vector_load %arg10[%get3A_296, %get3A_297] {strides = array<i32>} : memref<256x128xbf16, #tpu.memory_space<vmem>>, vector<32xbf16>,
        %add3A_299 = arith.addf %add3A_267, %get3A_298 : vector<32xbf16>
        %mul3A_300 = arith.constant 32 : i32
        %mul3A_301 = arith.muli %add3A_125, %mul3A_300 : i32
        %add3A_302 = arith.constant 22 : i32
        %add3A_303 = arith.addi %mul3A_301, %add3A_302 : i32
        %get3A_304 = arith.index_cast %add3A_303 : i32 to index
        %get3A_305 = arith.constant 0 : index
        %get3A_306 = tpu.vector_load %arg10[%get3A_304, %get3A_305] {strides = array<i32>} : memref<256x128xbf16, #tpu.memory_space<vmem>>, vector<32xbf16>,
        %add3A_307 = arith.addf %add3A_275, %get3A_306 : vector<32xbf16>
        %mul3A_308 = arith.constant 32 : i32
        %mul3A_309 = arith.muli %add3A_125, %mul3A_308 : i32
        %add3A_310 = arith.constant 23 : i32
        %add3A_311 = arith.addi %mul3A_309, %add3A_310 : i32
        %get3A_312 = arith.index_cast %add3A_311 : i32 to index
        %get3A_313 = arith.constant 0 : index
        %get3A_314 = tpu.vector_load %arg10[%get3A_312, %get3A_313] {strides = array<i32>} : memref<256x128xbf16, #tpu.memory_space<vmem>>, vector<32xbf16>,
        %add3A_315 = arith.addf %add3A_283, %get3A_314 : vector<32xbf16>
        %mul3A_316 = arith.constant 32 : i32
        %mul3A_317 = arith.muli %add3A_125, %mul3A_316 : i32
        %add3A_318 = arith.constant 24 : i32
        %add3A_319 = arith.addi %mul3A_317, %add3A_318 : i32
        %get3A_320 = arith.index_cast %add3A_319 : i32 to index
        %get3A_321 = arith.constant 0 : index
        %get3A_322 = tpu.vector_load %arg10[%get3A_320, %get3A_321] {strides = array<i32>} : memref<256x128xbf16, #tpu.memory_space<vmem>>, vector<32xbf16>,
        %add3A_323 = arith.addf %add3A_291, %get3A_322 : vector<32xbf16>
        %mul3A_324 = arith.constant 32 : i32
        %mul3A_325 = arith.muli %add3A_125, %mul3A_324 : i32
        %add3A_326 = arith.constant 25 : i32
        %add3A_327 = arith.addi %mul3A_325, %add3A_326 : i32
        %get3A_328 = arith.index_cast %add3A_327 : i32 to index
        %get3A_329 = arith.constant 0 : index
        %get3A_330 = tpu.vector_load %arg10[%get3A_328, %get3A_329] {strides = array<i32>} : memref<256x128xbf16, #tpu.memory_space<vmem>>, vector<32xbf16>,
        %add3A_331 = arith.addf %add3A_299, %get3A_330 : vector<32xbf16>
        %mul3A_332 = arith.constant 32 : i32
        %mul3A_333 = arith.muli %add3A_125, %mul3A_332 : i32
        %add3A_334 = arith.constant 26 : i32
        %add3A_335 = arith.addi %mul3A_333, %add3A_334 : i32
        %get3A_336 = arith.index_cast %add3A_335 : i32 to index
        %get3A_337 = arith.constant 0 : index
        %get3A_338 = tpu.vector_load %arg10[%get3A_336, %get3A_337] {strides = array<i32>} : memref<256x128xbf16, #tpu.memory_space<vmem>>, vector<32xbf16>,
        %add3A_339 = arith.addf %add3A_307, %get3A_338 : vector<32xbf16>
        %mul3A_340 = arith.constant 32 : i32
        %mul3A_341 = arith.muli %add3A_125, %mul3A_340 : i32
        %add3A_342 = arith.constant 27 : i32
        %add3A_343 = arith.addi %mul3A_341, %add3A_342 : i32
        %get3A_344 = arith.index_cast %add3A_343 : i32 to index
        %get3A_345 = arith.constant 0 : index
        %get3A_346 = tpu.vector_load %arg10[%get3A_344, %get3A_345] {strides = array<i32>} : memref<256x128xbf16, #tpu.memory_space<vmem>>, vector<32xbf16>,
        %add3A_347 = arith.addf %add3A_315, %get3A_346 : vector<32xbf16>
        %mul3A_348 = arith.constant 32 : i32
        %mul3A_349 = arith.muli %add3A_125, %mul3A_348 : i32
        %add3A_350 = arith.constant 28 : i32
        %add3A_351 = arith.addi %mul3A_349, %add3A_350 : i32
        %get3A_352 = arith.index_cast %add3A_351 : i32 to index
        %get3A_353 = arith.constant 0 : index
        %get3A_354 = tpu.vector_load %arg10[%get3A_352, %get3A_353] {strides = array<i32>} : memref<256x128xbf16, #tpu.memory_space<vmem>>, vector<32xbf16>,
        %add3A_355 = arith.addf %add3A_323, %get3A_354 : vector<32xbf16>
        %mul3A_356 = arith.constant 32 : i32
        %mul3A_357 = arith.muli %add3A_125, %mul3A_356 : i32
        %add3A_358 = arith.constant 29 : i32
        %add3A_359 = arith.addi %mul3A_357, %add3A_358 : i32
        %get3A_360 = arith.index_cast %add3A_359 : i32 to index
        %get3A_361 = arith.constant 0 : index
        %get3A_362 = tpu.vector_load %arg10[%get3A_360, %get3A_361] {strides = array<i32>} : memref<256x128xbf16, #tpu.memory_space<vmem>>, vector<32xbf16>,
        %add3A_363 = arith.addf %add3A_331, %get3A_362 : vector<32xbf16>
        %mul3A_364 = arith.constant 32 : i32
        %mul3A_365 = arith.muli %add3A_125, %mul3A_364 : i32
        %add3A_366 = arith.constant 30 : i32
        %add3A_367 = arith.addi %mul3A_365, %add3A_366 : i32
        %get3A_368 = arith.index_cast %add3A_367 : i32 to index
        %get3A_369 = arith.constant 0 : index
        %get3A_370 = tpu.vector_load %arg10[%get3A_368, %get3A_369] {strides = array<i32>} : memref<256x128xbf16, #tpu.memory_space<vmem>>, vector<32xbf16>,
        %add3A_371 = arith.addf %add3A_339, %get3A_370 : vector<32xbf16>
        %mul3A_372 = arith.constant 32 : i32
        %mul3A_373 = arith.muli %add3A_125, %mul3A_372 : i32
        %add3A_374 = arith.constant 31 : i32
        %add3A_375 = arith.addi %mul3A_373, %add3A_374 : i32
        %get3A_376 = arith.index_cast %add3A_375 : i32 to index
        %get3A_377 = arith.constant 0 : index
        %get3A_378 = tpu.vector_load %arg10[%get3A_376, %get3A_377] {strides = array<i32>} : memref<256x128xbf16, #tpu.memory_space<vmem>>, vector<32xbf16>,
        %add3A_379 = arith.addf %add3A_347, %get3A_378 : vector<32xbf16>
        %add3A_380 = arith.addf %add3A_355, %add3A_363 : vector<32xbf16>
        %add3A_381 = arith.addf %add3A_371, %add3A_379 : vector<32xbf16>
        %add3A_382 = arith.addf %add3A_380, %add3A_381 : vector<32xbf16>
        %unpack3A = tpu.unpack_subelements %add3A_382, 0 {pack_format = #tpu.pack_format<interleaved>} : vector<32xbf16> -> vector<16xf32>
        %unpack3A_383 = tpu.unpack_subelements %add3A_382, 1 {pack_format = #tpu.pack_format<interleaved>} : vector<32xbf16> -> vector<16xf32>
        %get3A_384 = arith.index_cast %add3A_128 : i32 to index
        %get3A_385 = arith.constant 0 : index
        %get3A_386 = tpu.vector_load %arg9[%get3A_384, %get3A_385] {strides = array<i32>} : memref<128x128xf32, #tpu.memory_space<vmem>>, vector<16xf32>,
        %add3A_387 = arith.addf %get3A_386, %unpack3A : vector<16xf32>
        %max3A = arith.constant 0.000000e+00 : f32
        %max3A_388 = vector.broadcast %max3A : f32 to vector<16xf32>
        %max3A_389 = arith.maximumf %add3A_387, %max3A_388 : vector<16xf32>
        %swap3A = arith.index_cast %add3A_128 : i32 to index
        %swap3A_390 = arith.constant 0 : index
        %swap3A_391 = tpu.vector_load %arg14[%swap3A, %swap3A_390] {strides = array<i32>} : memref<128x128xf32, #tpu.memory_space<vmem>>, vector<16xf32>,
        tpu.vector_store %arg14[%swap3A, %swap3A_390], %max3A_389 {strides = array<i32>} : memref<128x128xf32, #tpu.memory_space<vmem>>, vector<16xf32>,
        %get3A_392 = arith.index_cast %add3A_128 : i32 to index
        %get3A_393 = arith.constant 16 : index
        %get3A_394 = tpu.vector_load %arg9[%get3A_392, %get3A_393] {strides = array<i32>} : memref<128x128xf32, #tpu.memory_space<vmem>>, vector<16xf32>,
        %add3A_395 = arith.addf %get3A_394, %unpack3A_383 : vector<16xf32>
        %max3A_396 = arith.constant 0.000000e+00 : f32
        %max3A_397 = vector.broadcast %max3A_396 : f32 to vector<16xf32>
        %max3A_398 = arith.maximumf %add3A_395, %max3A_397 : vector<16xf32>
        %swap3A_399 = arith.index_cast %add3A_128 : i32 to index
        %swap3A_400 = arith.constant 16 : index
        %swap3A_401 = tpu.vector_load %arg14[%swap3A_399, %swap3A_400] {strides = array<i32>} : memref<128x128xf32, #tpu.memory_space<vmem>>, vector<16xf32>,
        tpu.vector_store %arg14[%swap3A_399, %swap3A_400], %max3A_398 {strides = array<i32>} : memref<128x128xf32, #tpu.memory_space<vmem>>, vector<16xf32>,
        %mul3A_402 = arith.constant 32 : i32
        %mul3A_403 = arith.muli %add3A_125, %mul3A_402 : i32
        %add3A_404 = arith.constant 0 : i32
        %add3A_405 = arith.addi %mul3A_403, %add3A_404 : i32
        %get3A_406 = arith.index_cast %add3A_405 : i32 to index
        %get3A_407 = arith.constant 32 : index
        %get3A_408 = tpu.vector_load %arg10[%get3A_406, %get3A_407] {strides = array<i32>} : memref<256x128xbf16, #tpu.memory_space<vmem>>, vector<32xbf16>,
        %mul3A_409 = arith.constant 32 : i32
        %mul3A_410 = arith.muli %add3A_125, %mul3A_409 : i32
        %add3A_411 = arith.constant 1 : i32
        %add3A_412 = arith.addi %mul3A_410, %add3A_411 : i32
        %get3A_413 = arith.index_cast %add3A_412 : i32 to index
        %get3A_414 = arith.constant 32 : index
        %get3A_415 = tpu.vector_load %arg10[%get3A_413, %get3A_414] {strides = array<i32>} : memref<256x128xbf16, #tpu.memory_space<vmem>>, vector<32xbf16>,
        %mul3A_416 = arith.constant 32 : i32
        %mul3A_417 = arith.muli %add3A_125, %mul3A_416 : i32
        %add3A_418 = arith.constant 2 : i32
        %add3A_419 = arith.addi %mul3A_417, %add3A_418 : i32
        %get3A_420 = arith.index_cast %add3A_419 : i32 to index
        %get3A_421 = arith.constant 32 : index
        %get3A_422 = tpu.vector_load %arg10[%get3A_420, %get3A_421] {strides = array<i32>} : memref<256x128xbf16, #tpu.memory_space<vmem>>, vector<32xbf16>,
        %mul3A_423 = arith.constant 32 : i32
        %mul3A_424 = arith.muli %add3A_125, %mul3A_423 : i32
        %add3A_425 = arith.constant 3 : i32
        %add3A_426 = arith.addi %mul3A_424, %add3A_425 : i32
        %get3A_427 = arith.index_cast %add3A_426 : i32 to index
        %get3A_428 = arith.constant 32 : index
        %get3A_429 = tpu.vector_load %arg10[%get3A_427, %get3A_428] {strides = array<i32>} : memref<256x128xbf16, #tpu.memory_space<vmem>>, vector<32xbf16>,
        %mul3A_430 = arith.constant 32 : i32
        %mul3A_431 = arith.muli %add3A_125, %mul3A_430 : i32
        %add3A_432 = arith.constant 4 : i32
        %add3A_433 = arith.addi %mul3A_431, %add3A_432 : i32
        %get3A_434 = arith.index_cast %add3A_433 : i32 to index
        %get3A_435 = arith.constant 32 : index
        %get3A_436 = tpu.vector_load %arg10[%get3A_434, %get3A_435] {strides = array<i32>} : memref<256x128xbf16, #tpu.memory_space<vmem>>, vector<32xbf16>,
        %add3A_437 = arith.addf %get3A_408, %get3A_436 : vector<32xbf16>
        %mul3A_438 = arith.constant 32 : i32
        %mul3A_439 = arith.muli %add3A_125, %mul3A_438 : i32
        %add3A_440 = arith.constant 5 : i32
        %add3A_441 = arith.addi %mul3A_439, %add3A_440 : i32
        %get3A_442 = arith.index_cast %add3A_441 : i32 to index
        %get3A_443 = arith.constant 32 : index
        %get3A_444 = tpu.vector_load %arg10[%get3A_442, %get3A_443] {strides = array<i32>} : memref<256x128xbf16, #tpu.memory_space<vmem>>, vector<32xbf16>,
        %add3A_445 = arith.addf %get3A_415, %get3A_444 : vector<32xbf16>
        %mul3A_446 = arith.constant 32 : i32
        %mul3A_447 = arith.muli %add3A_125, %mul3A_446 : i32
        %add3A_448 = arith.constant 6 : i32
        %add3A_449 = arith.addi %mul3A_447, %add3A_448 : i32
        %get3A_450 = arith.index_cast %add3A_449 : i32 to index
        %get3A_451 = arith.constant 32 : index
        %get3A_452 = tpu.vector_load %arg10[%get3A_450, %get3A_451] {strides = array<i32>} : memref<256x128xbf16, #tpu.memory_space<vmem>>, vector<32xbf16>,
        %add3A_453 = arith.addf %get3A_422, %get3A_452 : vector<32xbf16>
        %mul3A_454 = arith.constant 32 : i32
        %mul3A_455 = arith.muli %add3A_125, %mul3A_454 : i32
        %add3A_456 = arith.constant 7 : i32
        %add3A_457 = arith.addi %mul3A_455, %add3A_456 : i32
        %get3A_458 = arith.index_cast %add3A_457 : i32 to index
        %get3A_459 = arith.constant 32 : index
        %get3A_460 = tpu.vector_load %arg10[%get3A_458, %get3A_459] {strides = array<i32>} : memref<256x128xbf16, #tpu.memory_space<vmem>>, vector<32xbf16>,
        %add3A_461 = arith.addf %get3A_429, %get3A_460 : vector<32xbf16>
        %mul3A_462 = arith.constant 32 : i32
        %mul3A_463 = arith.muli %add3A_125, %mul3A_462 : i32
        %add3A_464 = arith.constant 8 : i32
        %add3A_465 = arith.addi %mul3A_463, %add3A_464 : i32
        %get3A_466 = arith.index_cast %add3A_465 : i32 to index
        %get3A_467 = arith.constant 32 : index
        %get3A_468 = tpu.vector_load %arg10[%get3A_466, %get3A_467] {strides = array<i32>} : memref<256x128xbf16, #tpu.memory_space<vmem>>, vector<32xbf16>,
        %add3A_469 = arith.addf %add3A_437, %get3A_468 : vector<32xbf16>
        %mul3A_470 = arith.constant 32 : i32
        %mul3A_471 = arith.muli %add3A_125, %mul3A_470 : i32
        %add3A_472 = arith.constant 9 : i32
        %add3A_473 = arith.addi %mul3A_471, %add3A_472 : i32
        %get3A_474 = arith.index_cast %add3A_473 : i32 to index
        %get3A_475 = arith.constant 32 : index
        %get3A_476 = tpu.vector_load %arg10[%get3A_474, %get3A_475] {strides = array<i32>} : memref<256x128xbf16, #tpu.memory_space<vmem>>, vector<32xbf16>,
        %add3A_477 = arith.addf %add3A_445, %get3A_476 : vector<32xbf16>
        %mul3A_478 = arith.constant 32 : i32
        %mul3A_479 = arith.muli %add3A_125, %mul3A_478 : i32
        %add3A_480 = arith.constant 10 : i32
        %add3A_481 = arith.addi %mul3A_479, %add3A_480 : i32
        %get3A_482 = arith.index_cast %add3A_481 : i32 to index
        %get3A_483 = arith.constant 32 : index
        %get3A_484 = tpu.vector_load %arg10[%get3A_482, %get3A_483] {strides = array<i32>} : memref<256x128xbf16, #tpu.memory_space<vmem>>, vector<32xbf16>,
        %add3A_485 = arith.addf %add3A_453, %get3A_484 : vector<32xbf16>
        %mul3A_486 = arith.constant 32 : i32
        %mul3A_487 = arith.muli %add3A_125, %mul3A_486 : i32
        %add3A_488 = arith.constant 11 : i32
        %add3A_489 = arith.addi %mul3A_487, %add3A_488 : i32
        %get3A_490 = arith.index_cast %add3A_489 : i32 to index
        %get3A_491 = arith.constant 32 : index
        %get3A_492 = tpu.vector_load %arg10[%get3A_490, %get3A_491] {strides = array<i32>} : memref<256x128xbf16, #tpu.memory_space<vmem>>, vector<32xbf16>,
        %add3A_493 = arith.addf %add3A_461, %get3A_492 : vector<32xbf16>
        %mul3A_494 = arith.constant 32 : i32
        %mul3A_495 = arith.muli %add3A_125, %mul3A_494 : i32
        %add3A_496 = arith.constant 12 : i32
        %add3A_497 = arith.addi %mul3A_495, %add3A_496 : i32
        %get3A_498 = arith.index_cast %add3A_497 : i32 to index
        %get3A_499 = arith.constant 32 : index
        %get3A_500 = tpu.vector_load %arg10[%get3A_498, %get3A_499] {strides = array<i32>} : memref<256x128xbf16, #tpu.memory_space<vmem>>, vector<32xbf16>,
        %add3A_501 = arith.addf %add3A_469, %get3A_500 : vector<32xbf16>
        %mul3A_502 = arith.constant 32 : i32
        %mul3A_503 = arith.muli %add3A_125, %mul3A_502 : i32
        %add3A_504 = arith.constant 13 : i32
        %add3A_505 = arith.addi %mul3A_503, %add3A_504 : i32
        %get3A_506 = arith.index_cast %add3A_505 : i32 to index
        %get3A_507 = arith.constant 32 : index
        %get3A_508 = tpu.vector_load %arg10[%get3A_506, %get3A_507] {strides = array<i32>} : memref<256x128xbf16, #tpu.memory_space<vmem>>, vector<32xbf16>,
        %add3A_509 = arith.addf %add3A_477, %get3A_508 : vector<32xbf16>
        %mul3A_510 = arith.constant 32 : i32
        %mul3A_511 = arith.muli %add3A_125, %mul3A_510 : i32
        %add3A_512 = arith.constant 14 : i32
        %add3A_513 = arith.addi %mul3A_511, %add3A_512 : i32
        %get3A_514 = arith.index_cast %add3A_513 : i32 to index
        %get3A_515 = arith.constant 32 : index
        %get3A_516 = tpu.vector_load %arg10[%get3A_514, %get3A_515] {strides = array<i32>} : memref<256x128xbf16, #tpu.memory_space<vmem>>, vector<32xbf16>,
        %add3A_517 = arith.addf %add3A_485, %get3A_516 : vector<32xbf16>
        %mul3A_518 = arith.constant 32 : i32
        %mul3A_519 = arith.muli %add3A_125, %mul3A_518 : i32
        %add3A_520 = arith.constant 15 : i32
        %add3A_521 = arith.addi %mul3A_519, %add3A_520 : i32
        %get3A_522 = arith.index_cast %add3A_521 : i32 to index
        %get3A_523 = arith.constant 32 : index
        %get3A_524 = tpu.vector_load %arg10[%get3A_522, %get3A_523] {strides = array<i32>} : memref<256x128xbf16, #tpu.memory_space<vmem>>, vector<32xbf16>,
        %add3A_525 = arith.addf %add3A_493, %get3A_524 : vector<32xbf16>
        %mul3A_526 = arith.constant 32 : i32
        %mul3A_527 = arith.muli %add3A_125, %mul3A_526 : i32
        %add3A_528 = arith.constant 16 : i32
        %add3A_529 = arith.addi %mul3A_527, %add3A_528 : i32
        %get3A_530 = arith.index_cast %add3A_529 : i32 to index
        %get3A_531 = arith.constant 32 : index
        %get3A_532 = tpu.vector_load %arg10[%get3A_530, %get3A_531] {strides = array<i32>} : memref<256x128xbf16, #tpu.memory_space<vmem>>, vector<32xbf16>,
        %add3A_533 = arith.addf %add3A_501, %get3A_532 : vector<32xbf16>
        %mul3A_534 = arith.constant 32 : i32
        %mul3A_535 = arith.muli %add3A_125, %mul3A_534 : i32
        %add3A_536 = arith.constant 17 : i32
        %add3A_537 = arith.addi %mul3A_535, %add3A_536 : i32
        %get3A_538 = arith.index_cast %add3A_537 : i32 to index
        %get3A_539 = arith.constant 32 : index
        %get3A_540 = tpu.vector_load %arg10[%get3A_538, %get3A_539] {strides = array<i32>} : memref<256x128xbf16, #tpu.memory_space<vmem>>, vector<32xbf16>,
        %add3A_541 = arith.addf %add3A_509, %get3A_540 : vector<32xbf16>
        %mul3A_542 = arith.constant 32 : i32
        %mul3A_543 = arith.muli %add3A_125, %mul3A_542 : i32
        %add3A_544 = arith.constant 18 : i32
        %add3A_545 = arith.addi %mul3A_543, %add3A_544 : i32
        %get3A_546 = arith.index_cast %add3A_545 : i32 to index
        %get3A_547 = arith.constant 32 : index
        %get3A_548 = tpu.vector_load %arg10[%get3A_546, %get3A_547] {strides = array<i32>} : memref<256x128xbf16, #tpu.memory_space<vmem>>, vector<32xbf16>,
        %add3A_549 = arith.addf %add3A_517, %get3A_548 : vector<32xbf16>
        %mul3A_550 = arith.constant 32 : i32
        %mul3A_551 = arith.muli %add3A_125, %mul3A_550 : i32
        %add3A_552 = arith.constant 19 : i32
        %add3A_553 = arith.addi %mul3A_551, %add3A_552 : i32
        %get3A_554 = arith.index_cast %add3A_553 : i32 to index
        %get3A_555 = arith.constant 32 : index
        %get3A_556 = tpu.vector_load %arg10[%get3A_554, %get3A_555] {strides = array<i32>} : memref<256x128xbf16, #tpu.memory_space<vmem>>, vector<32xbf16>,
        %add3A_557 = arith.addf %add3A_525, %get3A_556 : vector<32xbf16>
        %mul3A_558 = arith.constant 32 : i32
        %mul3A_559 = arith.muli %add3A_125, %mul3A_558 : i32
        %add3A_560 = arith.constant 20 : i32
        %add3A_561 = arith.addi %mul3A_559, %add3A_560 : i32
        %get3A_562 = arith.index_cast %add3A_561 : i32 to index
        %get3A_563 = arith.constant 32 : index
        %get3A_564 = tpu.vector_load %arg10[%get3A_562, %get3A_563] {strides = array<i32>} : memref<256x128xbf16, #tpu.memory_space<vmem>>, vector<32xbf16>,
        %add3A_565 = arith.addf %add3A_533, %get3A_564 : vector<32xbf16>
        %mul3A_566 = arith.constant 32 : i32
        %mul3A_567 = arith.muli %add3A_125, %mul3A_566 : i32
        %add3A_568 = arith.constant 21 : i32
        %add3A_569 = arith.addi %mul3A_567, %add3A_568 : i32
        %get3A_570 = arith.index_cast %add3A_569 : i32 to index
        %get3A_571 = arith.constant 32 : index
        %get3A_572 = tpu.vector_load %arg10[%get3A_570, %get3A_571] {strides = array<i32>} : memref<256x128xbf16, #tpu.memory_space<vmem>>, vector<32xbf16>,
        %add3A_573 = arith.addf %add3A_541, %get3A_572 : vector<32xbf16>
        %mul3A_574 = arith.constant 32 : i32
        %mul3A_575 = arith.muli %add3A_125, %mul3A_574 : i32
        %add3A_576 = arith.constant 22 : i32
        %add3A_577 = arith.addi %mul3A_575, %add3A_576 : i32
        %get3A_578 = arith.index_cast %add3A_577 : i32 to index
        %get3A_579 = arith.constant 32 : index
        %get3A_580 = tpu.vector_load %arg10[%get3A_578, %get3A_579] {strides = array<i32>} : memref<256x128xbf16, #tpu.memory_space<vmem>>, vector<32xbf16>,
        %add3A_581 = arith.addf %add3A_549, %get3A_580 : vector<32xbf16>
        %mul3A_582 = arith.constant 32 : i32
        %mul3A_583 = arith.muli %add3A_125, %mul3A_582 : i32
        %add3A_584 = arith.constant 23 : i32
        %add3A_585 = arith.addi %mul3A_583, %add3A_584 : i32
        %get3A_586 = arith.index_cast %add3A_585 : i32 to index
        %get3A_587 = arith.constant 32 : index
        %get3A_588 = tpu.vector_load %arg10[%get3A_586, %get3A_587] {strides = array<i32>} : memref<256x128xbf16, #tpu.memory_space<vmem>>, vector<32xbf16>,
        %add3A_589 = arith.addf %add3A_557, %get3A_588 : vector<32xbf16>
        %mul3A_590 = arith.constant 32 : i32
        %mul3A_591 = arith.muli %add3A_125, %mul3A_590 : i32
        %add3A_592 = arith.constant 24 : i32
        %add3A_593 = arith.addi %mul3A_591, %add3A_592 : i32
        %get3A_594 = arith.index_cast %add3A_593 : i32 to index
        %get3A_595 = arith.constant 32 : index
        %get3A_596 = tpu.vector_load %arg10[%get3A_594, %get3A_595] {strides = array<i32>} : memref<256x128xbf16, #tpu.memory_space<vmem>>, vector<32xbf16>,
        %add3A_597 = arith.addf %add3A_565, %get3A_596 : vector<32xbf16>
        %mul3A_598 = arith.constant 32 : i32
        %mul3A_599 = arith.muli %add3A_125, %mul3A_598 : i32
        %add3A_600 = arith.constant 25 : i32
        %add3A_601 = arith.addi %mul3A_599, %add3A_600 : i32
        %get3A_602 = arith.index_cast %add3A_601 : i32 to index
        %get3A_603 = arith.constant 32 : index
        %get3A_604 = tpu.vector_load %arg10[%get3A_602, %get3A_603] {strides = array<i32>} : memref<256x128xbf16, #tpu.memory_space<vmem>>, vector<32xbf16>,
        %add3A_605 = arith.addf %add3A_573, %get3A_604 : vector<32xbf16>
        %mul3A_606 = arith.constant 32 : i32
        %mul3A_607 = arith.muli %add3A_125, %mul3A_606 : i32
        %add3A_608 = arith.constant 26 : i32
        %add3A_609 = arith.addi %mul3A_607, %add3A_608 : i32
        %get3A_610 = arith.index_cast %add3A_609 : i32 to index
        %get3A_611 = arith.constant 32 : index
        %get3A_612 = tpu.vector_load %arg10[%get3A_610, %get3A_611] {strides = array<i32>} : memref<256x128xbf16, #tpu.memory_space<vmem>>, vector<32xbf16>,
        %add3A_613 = arith.addf %add3A_581, %get3A_612 : vector<32xbf16>
        %mul3A_614 = arith.constant 32 : i32
        %mul3A_615 = arith.muli %add3A_125, %mul3A_614 : i32
        %add3A_616 = arith.constant 27 : i32
        %add3A_617 = arith.addi %mul3A_615, %add3A_616 : i32
        %get3A_618 = arith.index_cast %add3A_617 : i32 to index
        %get3A_619 = arith.constant 32 : index
        %get3A_620 = tpu.vector_load %arg10[%get3A_618, %get3A_619] {strides = array<i32>} : memref<256x128xbf16, #tpu.memory_space<vmem>>, vector<32xbf16>,
        %add3A_621 = arith.addf %add3A_589, %get3A_620 : vector<32xbf16>
        %mul3A_622 = arith.constant 32 : i32
        %mul3A_623 = arith.muli %add3A_125, %mul3A_622 : i32
        %add3A_624 = arith.constant 28 : i32
        %add3A_625 = arith.addi %mul3A_623, %add3A_624 : i32
        %get3A_626 = arith.index_cast %add3A_625 : i32 to index
        %get3A_627 = arith.constant 32 : index
        %get3A_628 = tpu.vector_load %arg10[%get3A_626, %get3A_627] {strides = array<i32>} : memref<256x128xbf16, #tpu.memory_space<vmem>>, vector<32xbf16>,
        %add3A_629 = arith.addf %add3A_597, %get3A_628 : vector<32xbf16>
        %mul3A_630 = arith.constant 32 : i32
        %mul3A_631 = arith.muli %add3A_125, %mul3A_630 : i32
        %add3A_632 = arith.constant 29 : i32
        %add3A_633 = arith.addi %mul3A_631, %add3A_632 : i32
        %get3A_634 = arith.index_cast %add3A_633 : i32 to index
        %get3A_635 = arith.constant 32 : index
        %get3A_636 = tpu.vector_load %arg10[%get3A_634, %get3A_635] {strides = array<i32>} : memref<256x128xbf16, #tpu.memory_space<vmem>>, vector<32xbf16>,
        %add3A_637 = arith.addf %add3A_605, %get3A_636 : vector<32xbf16>
        %mul3A_638 = arith.constant 32 : i32
        %mul3A_639 = arith.muli %add3A_125, %mul3A_638 : i32
        %add3A_640 = arith.constant 30 : i32
        %add3A_641 = arith.addi %mul3A_639, %add3A_640 : i32
        %get3A_642 = arith.index_cast %add3A_641 : i32 to index
        %get3A_643 = arith.constant 32 : index
        %get3A_644 = tpu.vector_load %arg10[%get3A_642, %get3A_643] {strides = array<i32>} : memref<256x128xbf16, #tpu.memory_space<vmem>>, vector<32xbf16>,
        %add3A_645 = arith.addf %add3A_613, %get3A_644 : vector<32xbf16>
        %mul3A_646 = arith.constant 32 : i32
        %mul3A_647 = arith.muli %add3A_125, %mul3A_646 : i32
        %add3A_648 = arith.constant 31 : i32
        %add3A_649 = arith.addi %mul3A_647, %add3A_648 : i32
        %get3A_650 = arith.index_cast %add3A_649 : i32 to index
        %get3A_651 = arith.constant 32 : index
        %get3A_652 = tpu.vector_load %arg10[%get3A_650, %get3A_651] {strides = array<i32>} : memref<256x128xbf16, #tpu.memory_space<vmem>>, vector<32xbf16>,
        %add3A_653 = arith.addf %add3A_621, %get3A_652 : vector<32xbf16>
        %add3A_654 = arith.addf %add3A_629, %add3A_637 : vector<32xbf16>
        %add3A_655 = arith.addf %add3A_645, %add3A_653 : vector<32xbf16>
        %add3A_656 = arith.addf %add3A_654, %add3A_655 : vector<32xbf16>
        %unpack3A_657 = tpu.unpack_subelements %add3A_656, 0 {pack_format = #tpu.pack_format<interleaved>} : vector<32xbf16> -> vector<16xf32>
        %unpack3A_658 = tpu.unpack_subelements %add3A_656, 1 {pack_format = #tpu.pack_format<interleaved>} : vector<32xbf16> -> vector<16xf32>
        %get3A_659 = arith.index_cast %add3A_128 : i32 to index
        %get3A_660 = arith.constant 32 : index
        %get3A_661 = tpu.vector_load %arg9[%get3A_659, %get3A_660] {strides = array<i32>} : memref<128x128xf32, #tpu.memory_space<vmem>>, vector<16xf32>,
        %add3A_662 = arith.addf %get3A_661, %unpack3A_657 : vector<16xf32>
        %max3A_663 = arith.constant 0.000000e+00 : f32
        %max3A_664 = vector.broadcast %max3A_663 : f32 to vector<16xf32>
        %max3A_665 = arith.maximumf %add3A_662, %max3A_664 : vector<16xf32>
        %swap3A_666 = arith.index_cast %add3A_128 : i32 to index
        %swap3A_667 = arith.constant 32 : index
        %swap3A_668 = tpu.vector_load %arg14[%swap3A_666, %swap3A_667] {strides = array<i32>} : memref<128x128xf32, #tpu.memory_space<vmem>>, vector<16xf32>,
        tpu.vector_store %arg14[%swap3A_666, %swap3A_667], %max3A_665 {strides = array<i32>} : memref<128x128xf32, #tpu.memory_space<vmem>>, vector<16xf32>,
        %get3A_669 = arith.index_cast %add3A_128 : i32 to index
        %get3A_670 = arith.constant 48 : index
        %get3A_671 = tpu.vector_load %arg9[%get3A_669, %get3A_670] {strides = array<i32>} : memref<128x128xf32, #tpu.memory_space<vmem>>, vector<16xf32>,
        %add3A_672 = arith.addf %get3A_671, %unpack3A_658 : vector<16xf32>
        %max3A_673 = arith.constant 0.000000e+00 : f32
        %max3A_674 = vector.broadcast %max3A_673 : f32 to vector<16xf32>
        %max3A_675 = arith.maximumf %add3A_672, %max3A_674 : vector<16xf32>
        %swap3A_676 = arith.index_cast %add3A_128 : i32 to index
        %swap3A_677 = arith.constant 48 : index
        %swap3A_678 = tpu.vector_load %arg14[%swap3A_676, %swap3A_677] {strides = array<i32>} : memref<128x128xf32, #tpu.memory_space<vmem>>, vector<16xf32>,
        tpu.vector_store %arg14[%swap3A_676, %swap3A_677], %max3A_675 {strides = array<i32>} : memref<128x128xf32, #tpu.memory_space<vmem>>, vector<16xf32>,
        %mul3A_679 = arith.constant 32 : i32
        %mul3A_680 = arith.muli %add3A_125, %mul3A_679 : i32
        %add3A_681 = arith.constant 0 : i32
        %add3A_682 = arith.addi %mul3A_680, %add3A_681 : i32
        %get3A_683 = arith.index_cast %add3A_682 : i32 to index
        %get3A_684 = arith.constant 64 : index
        %get3A_685 = tpu.vector_load %arg10[%get3A_683, %get3A_684] {strides = array<i32>} : memref<256x128xbf16, #tpu.memory_space<vmem>>, vector<32xbf16>,
        %mul3A_686 = arith.constant 32 : i32
        %mul3A_687 = arith.muli %add3A_125, %mul3A_686 : i32
        %add3A_688 = arith.constant 1 : i32
        %add3A_689 = arith.addi %mul3A_687, %add3A_688 : i32
        %get3A_690 = arith.index_cast %add3A_689 : i32 to index
        %get3A_691 = arith.constant 64 : index
        %get3A_692 = tpu.vector_load %arg10[%get3A_690, %get3A_691] {strides = array<i32>} : memref<256x128xbf16, #tpu.memory_space<vmem>>, vector<32xbf16>,
        %mul3A_693 = arith.constant 32 : i32
        %mul3A_694 = arith.muli %add3A_125, %mul3A_693 : i32
        %add3A_695 = arith.constant 2 : i32
        %add3A_696 = arith.addi %mul3A_694, %add3A_695 : i32
        %get3A_697 = arith.index_cast %add3A_696 : i32 to index
        %get3A_698 = arith.constant 64 : index
        %get3A_699 = tpu.vector_load %arg10[%get3A_697, %get3A_698] {strides = array<i32>} : memref<256x128xbf16, #tpu.memory_space<vmem>>, vector<32xbf16>,
        %mul3A_700 = arith.constant 32 : i32
        %mul3A_701 = arith.muli %add3A_125, %mul3A_700 : i32
        %add3A_702 = arith.constant 3 : i32
        %add3A_703 = arith.addi %mul3A_701, %add3A_702 : i32
        %get3A_704 = arith.index_cast %add3A_703 : i32 to index
        %get3A_705 = arith.constant 64 : index
        %get3A_706 = tpu.vector_load %arg10[%get3A_704, %get3A_705] {strides = array<i32>} : memref<256x128xbf16, #tpu.memory_space<vmem>>, vector<32xbf16>,
        %mul3A_707 = arith.constant 32 : i32
        %mul3A_708 = arith.muli %add3A_125, %mul3A_707 : i32
        %add3A_709 = arith.constant 4 : i32
        %add3A_710 = arith.addi %mul3A_708, %add3A_709 : i32
        %get3A_711 = arith.index_cast %add3A_710 : i32 to index
        %get3A_712 = arith.constant 64 : index
        %get3A_713 = tpu.vector_load %arg10[%get3A_711, %get3A_712] {strides = array<i32>} : memref<256x128xbf16, #tpu.memory_space<vmem>>, vector<32xbf16>,
        %add3A_714 = arith.addf %get3A_685, %get3A_713 : vector<32xbf16>
        %mul3A_715 = arith.constant 32 : i32
        %mul3A_716 = arith.muli %add3A_125, %mul3A_715 : i32
        %add3A_717 = arith.constant 5 : i32
        %add3A_718 = arith.addi %mul3A_716, %add3A_717 : i32
        %get3A_719 = arith.index_cast %add3A_718 : i32 to index
        %get3A_720 = arith.constant 64 : index
        %get3A_721 = tpu.vector_load %arg10[%get3A_719, %get3A_720] {strides = array<i32>} : memref<256x128xbf16, #tpu.memory_space<vmem>>, vector<32xbf16>,
        %add3A_722 = arith.addf %get3A_692, %get3A_721 : vector<32xbf16>
        %mul3A_723 = arith.constant 32 : i32
        %mul3A_724 = arith.muli %add3A_125, %mul3A_723 : i32
        %add3A_725 = arith.constant 6 : i32
        %add3A_726 = arith.addi %mul3A_724, %add3A_725 : i32
        %get3A_727 = arith.index_cast %add3A_726 : i32 to index
        %get3A_728 = arith.constant 64 : index
        %get3A_729 = tpu.vector_load %arg10[%get3A_727, %get3A_728] {strides = array<i32>} : memref<256x128xbf16, #tpu.memory_space<vmem>>, vector<32xbf16>,
        %add3A_730 = arith.addf %get3A_699, %get3A_729 : vector<32xbf16>
        %mul3A_731 = arith.constant 32 : i32
        %mul3A_732 = arith.muli %add3A_125, %mul3A_731 : i32
        %add3A_733 = arith.constant 7 : i32
        %add3A_734 = arith.addi %mul3A_732, %add3A_733 : i32
        %get3A_735 = arith.index_cast %add3A_734 : i32 to index
        %get3A_736 = arith.constant 64 : index
        %get3A_737 = tpu.vector_load %arg10[%get3A_735, %get3A_736] {strides = array<i32>} : memref<256x128xbf16, #tpu.memory_space<vmem>>, vector<32xbf16>,
        %add3A_738 = arith.addf %get3A_706, %get3A_737 : vector<32xbf16>
        %mul3A_739 = arith.constant 32 : i32
        %mul3A_740 = arith.muli %add3A_125, %mul3A_739 : i32
        %add3A_741 = arith.constant 8 : i32
        %add3A_742 = arith.addi %mul3A_740, %add3A_741 : i32
        %get3A_743 = arith.index_cast %add3A_742 : i32 to index
        %get3A_744 = arith.constant 64 : index
        %get3A_745 = tpu.vector_load %arg10[%get3A_743, %get3A_744] {strides = array<i32>} : memref<256x128xbf16, #tpu.memory_space<vmem>>, vector<32xbf16>,
        %add3A_746 = arith.addf %add3A_714, %get3A_745 : vector<32xbf16>
        %mul3A_747 = arith.constant 32 : i32
        %mul3A_748 = arith.muli %add3A_125, %mul3A_747 : i32
        %add3A_749 = arith.constant 9 : i32
        %add3A_750 = arith.addi %mul3A_748, %add3A_749 : i32
        %get3A_751 = arith.index_cast %add3A_750 : i32 to index
        %get3A_752 = arith.constant 64 : index
        %get3A_753 = tpu.vector_load %arg10[%get3A_751, %get3A_752] {strides = array<i32>} : memref<256x128xbf16, #tpu.memory_space<vmem>>, vector<32xbf16>,
        %add3A_754 = arith.addf %add3A_722, %get3A_753 : vector<32xbf16>
        %mul3A_755 = arith.constant 32 : i32
        %mul3A_756 = arith.muli %add3A_125, %mul3A_755 : i32
        %add3A_757 = arith.constant 10 : i32
        %add3A_758 = arith.addi %mul3A_756, %add3A_757 : i32
        %get3A_759 = arith.index_cast %add3A_758 : i32 to index
        %get3A_760 = arith.constant 64 : index
        %get3A_761 = tpu.vector_load %arg10[%get3A_759, %get3A_760] {strides = array<i32>} : memref<256x128xbf16, #tpu.memory_space<vmem>>, vector<32xbf16>,
        %add3A_762 = arith.addf %add3A_730, %get3A_761 : vector<32xbf16>
        %mul3A_763 = arith.constant 32 : i32
        %mul3A_764 = arith.muli %add3A_125, %mul3A_763 : i32
        %add3A_765 = arith.constant 11 : i32
        %add3A_766 = arith.addi %mul3A_764, %add3A_765 : i32
        %get3A_767 = arith.index_cast %add3A_766 : i32 to index
        %get3A_768 = arith.constant 64 : index
        %get3A_769 = tpu.vector_load %arg10[%get3A_767, %get3A_768] {strides = array<i32>} : memref<256x128xbf16, #tpu.memory_space<vmem>>, vector<32xbf16>,
        %add3A_770 = arith.addf %add3A_738, %get3A_769 : vector<32xbf16>
        %mul3A_771 = arith.constant 32 : i32
        %mul3A_772 = arith.muli %add3A_125, %mul3A_771 : i32
        %add3A_773 = arith.constant 12 : i32
        %add3A_774 = arith.addi %mul3A_772, %add3A_773 : i32
        %get3A_775 = arith.index_cast %add3A_774 : i32 to index
        %get3A_776 = arith.constant 64 : index
        %get3A_777 = tpu.vector_load %arg10[%get3A_775, %get3A_776] {strides = array<i32>} : memref<256x128xbf16, #tpu.memory_space<vmem>>, vector<32xbf16>,
        %add3A_778 = arith.addf %add3A_746, %get3A_777 : vector<32xbf16>
        %mul3A_779 = arith.constant 32 : i32
        %mul3A_780 = arith.muli %add3A_125, %mul3A_779 : i32
        %add3A_781 = arith.constant 13 : i32
        %add3A_782 = arith.addi %mul3A_780, %add3A_781 : i32
        %get3A_783 = arith.index_cast %add3A_782 : i32 to index
        %get3A_784 = arith.constant 64 : index
        %get3A_785 = tpu.vector_load %arg10[%get3A_783, %get3A_784] {strides = array<i32>} : memref<256x128xbf16, #tpu.memory_space<vmem>>, vector<32xbf16>,
        %add3A_786 = arith.addf %add3A_754, %get3A_785 : vector<32xbf16>
        %mul3A_787 = arith.constant 32 : i32
        %mul3A_788 = arith.muli %add3A_125, %mul3A_787 : i32
        %add3A_789 = arith.constant 14 : i32
        %add3A_790 = arith.addi %mul3A_788, %add3A_789 : i32
        %get3A_791 = arith.index_cast %add3A_790 : i32 to index
        %get3A_792 = arith.constant 64 : index
        %get3A_793 = tpu.vector_load %arg10[%get3A_791, %get3A_792] {strides = array<i32>} : memref<256x128xbf16, #tpu.memory_space<vmem>>, vector<32xbf16>,
        %add3A_794 = arith.addf %add3A_762, %get3A_793 : vector<32xbf16>
        %mul3A_795 = arith.constant 32 : i32
        %mul3A_796 = arith.muli %add3A_125, %mul3A_795 : i32
        %add3A_797 = arith.constant 15 : i32
        %add3A_798 = arith.addi %mul3A_796, %add3A_797 : i32
        %get3A_799 = arith.index_cast %add3A_798 : i32 to index
        %get3A_800 = arith.constant 64 : index
        %get3A_801 = tpu.vector_load %arg10[%get3A_799, %get3A_800] {strides = array<i32>} : memref<256x128xbf16, #tpu.memory_space<vmem>>, vector<32xbf16>,
        %add3A_802 = arith.addf %add3A_770, %get3A_801 : vector<32xbf16>
        %mul3A_803 = arith.constant 32 : i32
        %mul3A_804 = arith.muli %add3A_125, %mul3A_803 : i32
        %add3A_805 = arith.constant 16 : i32
        %add3A_806 = arith.addi %mul3A_804, %add3A_805 : i32
        %get3A_807 = arith.index_cast %add3A_806 : i32 to index
        %get3A_808 = arith.constant 64 : index
        %get3A_809 = tpu.vector_load %arg10[%get3A_807, %get3A_808] {strides = array<i32>} : memref<256x128xbf16, #tpu.memory_space<vmem>>, vector<32xbf16>,
        %add3A_810 = arith.addf %add3A_778, %get3A_809 : vector<32xbf16>
        %mul3A_811 = arith.constant 32 : i32
        %mul3A_812 = arith.muli %add3A_125, %mul3A_811 : i32
        %add3A_813 = arith.constant 17 : i32
        %add3A_814 = arith.addi %mul3A_812, %add3A_813 : i32
        %get3A_815 = arith.index_cast %add3A_814 : i32 to index
        %get3A_816 = arith.constant 64 : index
        %get3A_817 = tpu.vector_load %arg10[%get3A_815, %get3A_816] {strides = array<i32>} : memref<256x128xbf16, #tpu.memory_space<vmem>>, vector<32xbf16>,
        %add3A_818 = arith.addf %add3A_786, %get3A_817 : vector<32xbf16>
        %mul3A_819 = arith.constant 32 : i32
        %mul3A_820 = arith.muli %add3A_125, %mul3A_819 : i32
        %add3A_821 = arith.constant 18 : i32
        %add3A_822 = arith.addi %mul3A_820, %add3A_821 : i32
        %get3A_823 = arith.index_cast %add3A_822 : i32 to index
        %get3A_824 = arith.constant 64 : index
        %get3A_825 = tpu.vector_load %arg10[%get3A_823, %get3A_824] {strides = array<i32>} : memref<256x128xbf16, #tpu.memory_space<vmem>>, vector<32xbf16>,
        %add3A_826 = arith.addf %add3A_794, %get3A_825 : vector<32xbf16>
        %mul3A_827 = arith.constant 32 : i32
        %mul3A_828 = arith.muli %add3A_125, %mul3A_827 : i32
        %add3A_829 = arith.constant 19 : i32
        %add3A_830 = arith.addi %mul3A_828, %add3A_829 : i32
        %get3A_831 = arith.index_cast %add3A_830 : i32 to index
        %get3A_832 = arith.constant 64 : index
        %get3A_833 = tpu.vector_load %arg10[%get3A_831, %get3A_832] {strides = array<i32>} : memref<256x128xbf16, #tpu.memory_space<vmem>>, vector<32xbf16>,
        %add3A_834 = arith.addf %add3A_802, %get3A_833 : vector<32xbf16>
        %mul3A_835 = arith.constant 32 : i32
        %mul3A_836 = arith.muli %add3A_125, %mul3A_835 : i32
        %add3A_837 = arith.constant 20 : i32
        %add3A_838 = arith.addi %mul3A_836, %add3A_837 : i32
        %get3A_839 = arith.index_cast %add3A_838 : i32 to index
        %get3A_840 = arith.constant 64 : index
        %get3A_841 = tpu.vector_load %arg10[%get3A_839, %get3A_840] {strides = array<i32>} : memref<256x128xbf16, #tpu.memory_space<vmem>>, vector<32xbf16>,
        %add3A_842 = arith.addf %add3A_810, %get3A_841 : vector<32xbf16>
        %mul3A_843 = arith.constant 32 : i32
        %mul3A_844 = arith.muli %add3A_125, %mul3A_843 : i32
        %add3A_845 = arith.constant 21 : i32
        %add3A_846 = arith.addi %mul3A_844, %add3A_845 : i32
        %get3A_847 = arith.index_cast %add3A_846 : i32 to index
        %get3A_848 = arith.constant 64 : index
        %get3A_849 = tpu.vector_load %arg10[%get3A_847, %get3A_848] {strides = array<i32>} : memref<256x128xbf16, #tpu.memory_space<vmem>>, vector<32xbf16>,
        %add3A_850 = arith.addf %add3A_818, %get3A_849 : vector<32xbf16>
        %mul3A_851 = arith.constant 32 : i32
        %mul3A_852 = arith.muli %add3A_125, %mul3A_851 : i32
        %add3A_853 = arith.constant 22 : i32
        %add3A_854 = arith.addi %mul3A_852, %add3A_853 : i32
        %get3A_855 = arith.index_cast %add3A_854 : i32 to index
        %get3A_856 = arith.constant 64 : index
        %get3A_857 = tpu.vector_load %arg10[%get3A_855, %get3A_856] {strides = array<i32>} : memref<256x128xbf16, #tpu.memory_space<vmem>>, vector<32xbf16>,
        %add3A_858 = arith.addf %add3A_826, %get3A_857 : vector<32xbf16>
        %mul3A_859 = arith.constant 32 : i32
        %mul3A_860 = arith.muli %add3A_125, %mul3A_859 : i32
        %add3A_861 = arith.constant 23 : i32
        %add3A_862 = arith.addi %mul3A_860, %add3A_861 : i32
        %get3A_863 = arith.index_cast %add3A_862 : i32 to index
        %get3A_864 = arith.constant 64 : index
        %get3A_865 = tpu.vector_load %arg10[%get3A_863, %get3A_864] {strides = array<i32>} : memref<256x128xbf16, #tpu.memory_space<vmem>>, vector<32xbf16>,
        %add3A_866 = arith.addf %add3A_834, %get3A_865 : vector<32xbf16>
        %mul3A_867 = arith.constant 32 : i32
        %mul3A_868 = arith.muli %add3A_125, %mul3A_867 : i32
        %add3A_869 = arith.constant 24 : i32
        %add3A_870 = arith.addi %mul3A_868, %add3A_869 : i32
        %get3A_871 = arith.index_cast %add3A_870 : i32 to index
        %get3A_872 = arith.constant 64 : index
        %get3A_873 = tpu.vector_load %arg10[%get3A_871, %get3A_872] {strides = array<i32>} : memref<256x128xbf16, #tpu.memory_space<vmem>>, vector<32xbf16>,
        %add3A_874 = arith.addf %add3A_842, %get3A_873 : vector<32xbf16>
        %mul3A_875 = arith.constant 32 : i32
        %mul3A_876 = arith.muli %add3A_125, %mul3A_875 : i32
        %add3A_877 = arith.constant 25 : i32
        %add3A_878 = arith.addi %mul3A_876, %add3A_877 : i32
        %get3A_879 = arith.index_cast %add3A_878 : i32 to index
        %get3A_880 = arith.constant 64 : index
        %get3A_881 = tpu.vector_load %arg10[%get3A_879, %get3A_880] {strides = array<i32>} : memref<256x128xbf16, #tpu.memory_space<vmem>>, vector<32xbf16>,
        %add3A_882 = arith.addf %add3A_850, %get3A_881 : vector<32xbf16>
        %mul3A_883 = arith.constant 32 : i32
        %mul3A_884 = arith.muli %add3A_125, %mul3A_883 : i32
        %add3A_885 = arith.constant 26 : i32
        %add3A_886 = arith.addi %mul3A_884, %add3A_885 : i32
        %get3A_887 = arith.index_cast %add3A_886 : i32 to index
        %get3A_888 = arith.constant 64 : index
        %get3A_889 = tpu.vector_load %arg10[%get3A_887, %get3A_888] {strides = array<i32>} : memref<256x128xbf16, #tpu.memory_space<vmem>>, vector<32xbf16>,
        %add3A_890 = arith.addf %add3A_858, %get3A_889 : vector<32xbf16>
        %mul3A_891 = arith.constant 32 : i32
        %mul3A_892 = arith.muli %add3A_125, %mul3A_891 : i32
        %add3A_893 = arith.constant 27 : i32
        %add3A_894 = arith.addi %mul3A_892, %add3A_893 : i32
        %get3A_895 = arith.index_cast %add3A_894 : i32 to index
        %get3A_896 = arith.constant 64 : index
        %get3A_897 = tpu.vector_load %arg10[%get3A_895, %get3A_896] {strides = array<i32>} : memref<256x128xbf16, #tpu.memory_space<vmem>>, vector<32xbf16>,
        %add3A_898 = arith.addf %add3A_866, %get3A_897 : vector<32xbf16>
        %mul3A_899 = arith.constant 32 : i32
        %mul3A_900 = arith.muli %add3A_125, %mul3A_899 : i32
        %add3A_901 = arith.constant 28 : i32
        %add3A_902 = arith.addi %mul3A_900, %add3A_901 : i32
        %get3A_903 = arith.index_cast %add3A_902 : i32 to index
        %get3A_904 = arith.constant 64 : index
        %get3A_905 = tpu.vector_load %arg10[%get3A_903, %get3A_904] {strides = array<i32>} : memref<256x128xbf16, #tpu.memory_space<vmem>>, vector<32xbf16>,
        %add3A_906 = arith.addf %add3A_874, %get3A_905 : vector<32xbf16>
        %mul3A_907 = arith.constant 32 : i32
        %mul3A_908 = arith.muli %add3A_125, %mul3A_907 : i32
        %add3A_909 = arith.constant 29 : i32
        %add3A_910 = arith.addi %mul3A_908, %add3A_909 : i32
        %get3A_911 = arith.index_cast %add3A_910 : i32 to index
        %get3A_912 = arith.constant 64 : index
        %get3A_913 = tpu.vector_load %arg10[%get3A_911, %get3A_912] {strides = array<i32>} : memref<256x128xbf16, #tpu.memory_space<vmem>>, vector<32xbf16>,
        %add3A_914 = arith.addf %add3A_882, %get3A_913 : vector<32xbf16>
        %mul3A_915 = arith.constant 32 : i32
        %mul3A_916 = arith.muli %add3A_125, %mul3A_915 : i32
        %add3A_917 = arith.constant 30 : i32
        %add3A_918 = arith.addi %mul3A_916, %add3A_917 : i32
        %get3A_919 = arith.index_cast %add3A_918 : i32 to index
        %get3A_920 = arith.constant 64 : index
        %get3A_921 = tpu.vector_load %arg10[%get3A_919, %get3A_920] {strides = array<i32>} : memref<256x128xbf16, #tpu.memory_space<vmem>>, vector<32xbf16>,
        %add3A_922 = arith.addf %add3A_890, %get3A_921 : vector<32xbf16>
        %mul3A_923 = arith.constant 32 : i32
        %mul3A_924 = arith.muli %add3A_125, %mul3A_923 : i32
        %add3A_925 = arith.constant 31 : i32
        %add3A_926 = arith.addi %mul3A_924, %add3A_925 : i32
        %get3A_927 = arith.index_cast %add3A_926 : i32 to index
        %get3A_928 = arith.constant 64 : index
        %get3A_929 = tpu.vector_load %arg10[%get3A_927, %get3A_928] {strides = array<i32>} : memref<256x128xbf16, #tpu.memory_space<vmem>>, vector<32xbf16>,
        %add3A_930 = arith.addf %add3A_898, %get3A_929 : vector<32xbf16>
        %add3A_931 = arith.addf %add3A_906, %add3A_914 : vector<32xbf16>
        %add3A_932 = arith.addf %add3A_922, %add3A_930 : vector<32xbf16>
        %add3A_933 = arith.addf %add3A_931, %add3A_932 : vector<32xbf16>
        %unpack3A_934 = tpu.unpack_subelements %add3A_933, 0 {pack_format = #tpu.pack_format<interleaved>} : vector<32xbf16> -> vector<16xf32>
        %unpack3A_935 = tpu.unpack_subelements %add3A_933, 1 {pack_format = #tpu.pack_format<interleaved>} : vector<32xbf16> -> vector<16xf32>
        %get3A_936 = arith.index_cast %add3A_128 : i32 to index
        %get3A_937 = arith.constant 64 : index
        %get3A_938 = tpu.vector_load %arg9[%get3A_936, %get3A_937] {strides = array<i32>} : memref<128x128xf32, #tpu.memory_space<vmem>>, vector<16xf32>,
        %add3A_939 = arith.addf %get3A_938, %unpack3A_934 : vector<16xf32>
        %max3A_940 = arith.constant 0.000000e+00 : f32
        %max3A_941 = vector.broadcast %max3A_940 : f32 to vector<16xf32>
        %max3A_942 = arith.maximumf %add3A_939, %max3A_941 : vector<16xf32>
        %swap3A_943 = arith.index_cast %add3A_128 : i32 to index
        %swap3A_944 = arith.constant 64 : index
        %swap3A_945 = tpu.vector_load %arg14[%swap3A_943, %swap3A_944] {strides = array<i32>} : memref<128x128xf32, #tpu.memory_space<vmem>>, vector<16xf32>,
        tpu.vector_store %arg14[%swap3A_943, %swap3A_944], %max3A_942 {strides = array<i32>} : memref<128x128xf32, #tpu.memory_space<vmem>>, vector<16xf32>,
        %get3A_946 = arith.index_cast %add3A_128 : i32 to index
        %get3A_947 = arith.constant 80 : index
        %get3A_948 = tpu.vector_load %arg9[%get3A_946, %get3A_947] {strides = array<i32>} : memref<128x128xf32, #tpu.memory_space<vmem>>, vector<16xf32>,
        %add3A_949 = arith.addf %get3A_948, %unpack3A_935 : vector<16xf32>
        %max3A_950 = arith.constant 0.000000e+00 : f32
        %max3A_951 = vector.broadcast %max3A_950 : f32 to vector<16xf32>
        %max3A_952 = arith.maximumf %add3A_949, %max3A_951 : vector<16xf32>
        %swap3A_953 = arith.index_cast %add3A_128 : i32 to index
        %swap3A_954 = arith.constant 80 : index
        %swap3A_955 = tpu.vector_load %arg14[%swap3A_953, %swap3A_954] {strides = array<i32>} : memref<128x128xf32, #tpu.memory_space<vmem>>, vector<16xf32>,
        tpu.vector_store %arg14[%swap3A_953, %swap3A_954], %max3A_952 {strides = array<i32>} : memref<128x128xf32, #tpu.memory_space<vmem>>, vector<16xf32>,
        %mul3A_956 = arith.constant 32 : i32
        %mul3A_957 = arith.muli %add3A_125, %mul3A_956 : i32
        %add3A_958 = arith.constant 0 : i32
        %add3A_959 = arith.addi %mul3A_957, %add3A_958 : i32
        %get3A_960 = arith.index_cast %add3A_959 : i32 to index
        %get3A_961 = arith.constant 96 : index
        %get3A_962 = tpu.vector_load %arg10[%get3A_960, %get3A_961] {strides = array<i32>} : memref<256x128xbf16, #tpu.memory_space<vmem>>, vector<32xbf16>,
        %mul3A_963 = arith.constant 32 : i32
        %mul3A_964 = arith.muli %add3A_125, %mul3A_963 : i32
        %add3A_965 = arith.constant 1 : i32
        %add3A_966 = arith.addi %mul3A_964, %add3A_965 : i32
        %get3A_967 = arith.index_cast %add3A_966 : i32 to index
        %get3A_968 = arith.constant 96 : index
        %get3A_969 = tpu.vector_load %arg10[%get3A_967, %get3A_968] {strides = array<i32>} : memref<256x128xbf16, #tpu.memory_space<vmem>>, vector<32xbf16>,
        %mul3A_970 = arith.constant 32 : i32
        %mul3A_971 = arith.muli %add3A_125, %mul3A_970 : i32
        %add3A_972 = arith.constant 2 : i32
        %add3A_973 = arith.addi %mul3A_971, %add3A_972 : i32
        %get3A_974 = arith.index_cast %add3A_973 : i32 to index
        %get3A_975 = arith.constant 96 : index
        %get3A_976 = tpu.vector_load %arg10[%get3A_974, %get3A_975] {strides = array<i32>} : memref<256x128xbf16, #tpu.memory_space<vmem>>, vector<32xbf16>,
        %mul3A_977 = arith.constant 32 : i32
        %mul3A_978 = arith.muli %add3A_125, %mul3A_977 : i32
        %add3A_979 = arith.constant 3 : i32
        %add3A_980 = arith.addi %mul3A_978, %add3A_979 : i32
        %get3A_981 = arith.index_cast %add3A_980 : i32 to index
        %get3A_982 = arith.constant 96 : index
        %get3A_983 = tpu.vector_load %arg10[%get3A_981, %get3A_982] {strides = array<i32>} : memref<256x128xbf16, #tpu.memory_space<vmem>>, vector<32xbf16>,
        %mul3A_984 = arith.constant 32 : i32
        %mul3A_985 = arith.muli %add3A_125, %mul3A_984 : i32
        %add3A_986 = arith.constant 4 : i32
        %add3A_987 = arith.addi %mul3A_985, %add3A_986 : i32
        %get3A_988 = arith.index_cast %add3A_987 : i32 to index
        %get3A_989 = arith.constant 96 : index
        %get3A_990 = tpu.vector_load %arg10[%get3A_988, %get3A_989] {strides = array<i32>} : memref<256x128xbf16, #tpu.memory_space<vmem>>, vector<32xbf16>,
        %add3A_991 = arith.addf %get3A_962, %get3A_990 : vector<32xbf16>
        %mul3A_992 = arith.constant 32 : i32
        %mul3A_993 = arith.muli %add3A_125, %mul3A_992 : i32
        %add3A_994 = arith.constant 5 : i32
        %add3A_995 = arith.addi %mul3A_993, %add3A_994 : i32
        %get3A_996 = arith.index_cast %add3A_995 : i32 to index
        %get3A_997 = arith.constant 96 : index
        %get3A_998 = tpu.vector_load %arg10[%get3A_996, %get3A_997] {strides = array<i32>} : memref<256x128xbf16, #tpu.memory_space<vmem>>, vector<32xbf16>,
        %add3A_999 = arith.addf %get3A_969, %get3A_998 : vector<32xbf16>
        %mul3A_1000 = arith.constant 32 : i32
        %mul3A_1001 = arith.muli %add3A_125, %mul3A_1000 : i32
        %add3A_1002 = arith.constant 6 : i32
        %add3A_1003 = arith.addi %mul3A_1001, %add3A_1002 : i32
        %get3A_1004 = arith.index_cast %add3A_1003 : i32 to index
        %get3A_1005 = arith.constant 96 : index
        %get3A_1006 = tpu.vector_load %arg10[%get3A_1004, %get3A_1005] {strides = array<i32>} : memref<256x128xbf16, #tpu.memory_space<vmem>>, vector<32xbf16>,
        %add3A_1007 = arith.addf %get3A_976, %get3A_1006 : vector<32xbf16>
        %mul3A_1008 = arith.constant 32 : i32
        %mul3A_1009 = arith.muli %add3A_125, %mul3A_1008 : i32
        %add3A_1010 = arith.constant 7 : i32
        %add3A_1011 = arith.addi %mul3A_1009, %add3A_1010 : i32
        %get3A_1012 = arith.index_cast %add3A_1011 : i32 to index
        %get3A_1013 = arith.constant 96 : index
        %get3A_1014 = tpu.vector_load %arg10[%get3A_1012, %get3A_1013] {strides = array<i32>} : memref<256x128xbf16, #tpu.memory_space<vmem>>, vector<32xbf16>,
        %add3A_1015 = arith.addf %get3A_983, %get3A_1014 : vector<32xbf16>
        %mul3A_1016 = arith.constant 32 : i32
        %mul3A_1017 = arith.muli %add3A_125, %mul3A_1016 : i32
        %add3A_1018 = arith.constant 8 : i32
        %add3A_1019 = arith.addi %mul3A_1017, %add3A_1018 : i32
        %get3A_1020 = arith.index_cast %add3A_1019 : i32 to index
        %get3A_1021 = arith.constant 96 : index
        %get3A_1022 = tpu.vector_load %arg10[%get3A_1020, %get3A_1021] {strides = array<i32>} : memref<256x128xbf16, #tpu.memory_space<vmem>>, vector<32xbf16>,
        %add3A_1023 = arith.addf %add3A_991, %get3A_1022 : vector<32xbf16>
        %mul3A_1024 = arith.constant 32 : i32
        %mul3A_1025 = arith.muli %add3A_125, %mul3A_1024 : i32
        %add3A_1026 = arith.constant 9 : i32
        %add3A_1027 = arith.addi %mul3A_1025, %add3A_1026 : i32
        %get3A_1028 = arith.index_cast %add3A_1027 : i32 to index
        %get3A_1029 = arith.constant 96 : index
        %get3A_1030 = tpu.vector_load %arg10[%get3A_1028, %get3A_1029] {strides = array<i32>} : memref<256x128xbf16, #tpu.memory_space<vmem>>, vector<32xbf16>,
        %add3A_1031 = arith.addf %add3A_999, %get3A_1030 : vector<32xbf16>
        %mul3A_1032 = arith.constant 32 : i32
        %mul3A_1033 = arith.muli %add3A_125, %mul3A_1032 : i32
        %add3A_1034 = arith.constant 10 : i32
        %add3A_1035 = arith.addi %mul3A_1033, %add3A_1034 : i32
        %get3A_1036 = arith.index_cast %add3A_1035 : i32 to index
        %get3A_1037 = arith.constant 96 : index
        %get3A_1038 = tpu.vector_load %arg10[%get3A_1036, %get3A_1037] {strides = array<i32>} : memref<256x128xbf16, #tpu.memory_space<vmem>>, vector<32xbf16>,
        %add3A_1039 = arith.addf %add3A_1007, %get3A_1038 : vector<32xbf16>
        %mul3A_1040 = arith.constant 32 : i32
        %mul3A_1041 = arith.muli %add3A_125, %mul3A_1040 : i32
        %add3A_1042 = arith.constant 11 : i32
        %add3A_1043 = arith.addi %mul3A_1041, %add3A_1042 : i32
        %get3A_1044 = arith.index_cast %add3A_1043 : i32 to index
        %get3A_1045 = arith.constant 96 : index
        %get3A_1046 = tpu.vector_load %arg10[%get3A_1044, %get3A_1045] {strides = array<i32>} : memref<256x128xbf16, #tpu.memory_space<vmem>>, vector<32xbf16>,
        %add3A_1047 = arith.addf %add3A_1015, %get3A_1046 : vector<32xbf16>
        %mul3A_1048 = arith.constant 32 : i32
        %mul3A_1049 = arith.muli %add3A_125, %mul3A_1048 : i32
        %add3A_1050 = arith.constant 12 : i32
        %add3A_1051 = arith.addi %mul3A_1049, %add3A_1050 : i32
        %get3A_1052 = arith.index_cast %add3A_1051 : i32 to index
        %get3A_1053 = arith.constant 96 : index
        %get3A_1054 = tpu.vector_load %arg10[%get3A_1052, %get3A_1053] {strides = array<i32>} : memref<256x128xbf16, #tpu.memory_space<vmem>>, vector<32xbf16>,
        %add3A_1055 = arith.addf %add3A_1023, %get3A_1054 : vector<32xbf16>
        %mul3A_1056 = arith.constant 32 : i32
        %mul3A_1057 = arith.muli %add3A_125, %mul3A_1056 : i32
        %add3A_1058 = arith.constant 13 : i32
        %add3A_1059 = arith.addi %mul3A_1057, %add3A_1058 : i32
        %get3A_1060 = arith.index_cast %add3A_1059 : i32 to index
        %get3A_1061 = arith.constant 96 : index
        %get3A_1062 = tpu.vector_load %arg10[%get3A_1060, %get3A_1061] {strides = array<i32>} : memref<256x128xbf16, #tpu.memory_space<vmem>>, vector<32xbf16>,
        %add3A_1063 = arith.addf %add3A_1031, %get3A_1062 : vector<32xbf16>
        %mul3A_1064 = arith.constant 32 : i32
        %mul3A_1065 = arith.muli %add3A_125, %mul3A_1064 : i32
        %add3A_1066 = arith.constant 14 : i32
        %add3A_1067 = arith.addi %mul3A_1065, %add3A_1066 : i32
        %get3A_1068 = arith.index_cast %add3A_1067 : i32 to index
        %get3A_1069 = arith.constant 96 : index
        %get3A_1070 = tpu.vector_load %arg10[%get3A_1068, %get3A_1069] {strides = array<i32>} : memref<256x128xbf16, #tpu.memory_space<vmem>>, vector<32xbf16>,
        %add3A_1071 = arith.addf %add3A_1039, %get3A_1070 : vector<32xbf16>
        %mul3A_1072 = arith.constant 32 : i32
        %mul3A_1073 = arith.muli %add3A_125, %mul3A_1072 : i32
        %add3A_1074 = arith.constant 15 : i32
        %add3A_1075 = arith.addi %mul3A_1073, %add3A_1074 : i32
        %get3A_1076 = arith.index_cast %add3A_1075 : i32 to index
        %get3A_1077 = arith.constant 96 : index
        %get3A_1078 = tpu.vector_load %arg10[%get3A_1076, %get3A_1077] {strides = array<i32>} : memref<256x128xbf16, #tpu.memory_space<vmem>>, vector<32xbf16>,
        %add3A_1079 = arith.addf %add3A_1047, %get3A_1078 : vector<32xbf16>
        %mul3A_1080 = arith.constant 32 : i32
        %mul3A_1081 = arith.muli %add3A_125, %mul3A_1080 : i32
        %add3A_1082 = arith.constant 16 : i32
        %add3A_1083 = arith.addi %mul3A_1081, %add3A_1082 : i32
        %get3A_1084 = arith.index_cast %add3A_1083 : i32 to index
        %get3A_1085 = arith.constant 96 : index
        %get3A_1086 = tpu.vector_load %arg10[%get3A_1084, %get3A_1085] {strides = array<i32>} : memref<256x128xbf16, #tpu.memory_space<vmem>>, vector<32xbf16>,
        %add3A_1087 = arith.addf %add3A_1055, %get3A_1086 : vector<32xbf16>
        %mul3A_1088 = arith.constant 32 : i32
        %mul3A_1089 = arith.muli %add3A_125, %mul3A_1088 : i32
        %add3A_1090 = arith.constant 17 : i32
        %add3A_1091 = arith.addi %mul3A_1089, %add3A_1090 : i32
        %get3A_1092 = arith.index_cast %add3A_1091 : i32 to index
        %get3A_1093 = arith.constant 96 : index
        %get3A_1094 = tpu.vector_load %arg10[%get3A_1092, %get3A_1093] {strides = array<i32>} : memref<256x128xbf16, #tpu.memory_space<vmem>>, vector<32xbf16>,
        %add3A_1095 = arith.addf %add3A_1063, %get3A_1094 : vector<32xbf16>
        %mul3A_1096 = arith.constant 32 : i32
        %mul3A_1097 = arith.muli %add3A_125, %mul3A_1096 : i32
        %add3A_1098 = arith.constant 18 : i32
        %add3A_1099 = arith.addi %mul3A_1097, %add3A_1098 : i32
        %get3A_1100 = arith.index_cast %add3A_1099 : i32 to index
        %get3A_1101 = arith.constant 96 : index
        %get3A_1102 = tpu.vector_load %arg10[%get3A_1100, %get3A_1101] {strides = array<i32>} : memref<256x128xbf16, #tpu.memory_space<vmem>>, vector<32xbf16>,
        %add3A_1103 = arith.addf %add3A_1071, %get3A_1102 : vector<32xbf16>
        %mul3A_1104 = arith.constant 32 : i32
        %mul3A_1105 = arith.muli %add3A_125, %mul3A_1104 : i32
        %add3A_1106 = arith.constant 19 : i32
        %add3A_1107 = arith.addi %mul3A_1105, %add3A_1106 : i32
        %get3A_1108 = arith.index_cast %add3A_1107 : i32 to index
        %get3A_1109 = arith.constant 96 : index
        %get3A_1110 = tpu.vector_load %arg10[%get3A_1108, %get3A_1109] {strides = array<i32>} : memref<256x128xbf16, #tpu.memory_space<vmem>>, vector<32xbf16>,
        %add3A_1111 = arith.addf %add3A_1079, %get3A_1110 : vector<32xbf16>
        %mul3A_1112 = arith.constant 32 : i32
        %mul3A_1113 = arith.muli %add3A_125, %mul3A_1112 : i32
        %add3A_1114 = arith.constant 20 : i32
        %add3A_1115 = arith.addi %mul3A_1113, %add3A_1114 : i32
        %get3A_1116 = arith.index_cast %add3A_1115 : i32 to index
        %get3A_1117 = arith.constant 96 : index
        %get3A_1118 = tpu.vector_load %arg10[%get3A_1116, %get3A_1117] {strides = array<i32>} : memref<256x128xbf16, #tpu.memory_space<vmem>>, vector<32xbf16>,
        %add3A_1119 = arith.addf %add3A_1087, %get3A_1118 : vector<32xbf16>
        %mul3A_1120 = arith.constant 32 : i32
        %mul3A_1121 = arith.muli %add3A_125, %mul3A_1120 : i32
        %add3A_1122 = arith.constant 21 : i32
        %add3A_1123 = arith.addi %mul3A_1121, %add3A_1122 : i32
        %get3A_1124 = arith.index_cast %add3A_1123 : i32 to index
        %get3A_1125 = arith.constant 96 : index
        %get3A_1126 = tpu.vector_load %arg10[%get3A_1124, %get3A_1125] {strides = array<i32>} : memref<256x128xbf16, #tpu.memory_space<vmem>>, vector<32xbf16>,
        %add3A_1127 = arith.addf %add3A_1095, %get3A_1126 : vector<32xbf16>
        %mul3A_1128 = arith.constant 32 : i32
        %mul3A_1129 = arith.muli %add3A_125, %mul3A_1128 : i32
        %add3A_1130 = arith.constant 22 : i32
        %add3A_1131 = arith.addi %mul3A_1129, %add3A_1130 : i32
        %get3A_1132 = arith.index_cast %add3A_1131 : i32 to index
        %get3A_1133 = arith.constant 96 : index
        %get3A_1134 = tpu.vector_load %arg10[%get3A_1132, %get3A_1133] {strides = array<i32>} : memref<256x128xbf16, #tpu.memory_space<vmem>>, vector<32xbf16>,
        %add3A_1135 = arith.addf %add3A_1103, %get3A_1134 : vector<32xbf16>
        %mul3A_1136 = arith.constant 32 : i32
        %mul3A_1137 = arith.muli %add3A_125, %mul3A_1136 : i32
        %add3A_1138 = arith.constant 23 : i32
        %add3A_1139 = arith.addi %mul3A_1137, %add3A_1138 : i32
        %get3A_1140 = arith.index_cast %add3A_1139 : i32 to index
        %get3A_1141 = arith.constant 96 : index
        %get3A_1142 = tpu.vector_load %arg10[%get3A_1140, %get3A_1141] {strides = array<i32>} : memref<256x128xbf16, #tpu.memory_space<vmem>>, vector<32xbf16>,
        %add3A_1143 = arith.addf %add3A_1111, %get3A_1142 : vector<32xbf16>
        %mul3A_1144 = arith.constant 32 : i32
        %mul3A_1145 = arith.muli %add3A_125, %mul3A_1144 : i32
        %add3A_1146 = arith.constant 24 : i32
        %add3A_1147 = arith.addi %mul3A_1145, %add3A_1146 : i32
        %get3A_1148 = arith.index_cast %add3A_1147 : i32 to index
        %get3A_1149 = arith.constant 96 : index
        %get3A_1150 = tpu.vector_load %arg10[%get3A_1148, %get3A_1149] {strides = array<i32>} : memref<256x128xbf16, #tpu.memory_space<vmem>>, vector<32xbf16>,
        %add3A_1151 = arith.addf %add3A_1119, %get3A_1150 : vector<32xbf16>
        %mul3A_1152 = arith.constant 32 : i32
        %mul3A_1153 = arith.muli %add3A_125, %mul3A_1152 : i32
        %add3A_1154 = arith.constant 25 : i32
        %add3A_1155 = arith.addi %mul3A_1153, %add3A_1154 : i32
        %get3A_1156 = arith.index_cast %add3A_1155 : i32 to index
        %get3A_1157 = arith.constant 96 : index
        %get3A_1158 = tpu.vector_load %arg10[%get3A_1156, %get3A_1157] {strides = array<i32>} : memref<256x128xbf16, #tpu.memory_space<vmem>>, vector<32xbf16>,
        %add3A_1159 = arith.addf %add3A_1127, %get3A_1158 : vector<32xbf16>
        %mul3A_1160 = arith.constant 32 : i32
        %mul3A_1161 = arith.muli %add3A_125, %mul3A_1160 : i32
        %add3A_1162 = arith.constant 26 : i32
        %add3A_1163 = arith.addi %mul3A_1161, %add3A_1162 : i32
        %get3A_1164 = arith.index_cast %add3A_1163 : i32 to index
        %get3A_1165 = arith.constant 96 : index
        %get3A_1166 = tpu.vector_load %arg10[%get3A_1164, %get3A_1165] {strides = array<i32>} : memref<256x128xbf16, #tpu.memory_space<vmem>>, vector<32xbf16>,
        %add3A_1167 = arith.addf %add3A_1135, %get3A_1166 : vector<32xbf16>
        %mul3A_1168 = arith.constant 32 : i32
        %mul3A_1169 = arith.muli %add3A_125, %mul3A_1168 : i32
        %add3A_1170 = arith.constant 27 : i32
        %add3A_1171 = arith.addi %mul3A_1169, %add3A_1170 : i32
        %get3A_1172 = arith.index_cast %add3A_1171 : i32 to index
        %get3A_1173 = arith.constant 96 : index
        %get3A_1174 = tpu.vector_load %arg10[%get3A_1172, %get3A_1173] {strides = array<i32>} : memref<256x128xbf16, #tpu.memory_space<vmem>>, vector<32xbf16>,
        %add3A_1175 = arith.addf %add3A_1143, %get3A_1174 : vector<32xbf16>
        %mul3A_1176 = arith.constant 32 : i32
        %mul3A_1177 = arith.muli %add3A_125, %mul3A_1176 : i32
        %add3A_1178 = arith.constant 28 : i32
        %add3A_1179 = arith.addi %mul3A_1177, %add3A_1178 : i32
        %get3A_1180 = arith.index_cast %add3A_1179 : i32 to index
        %get3A_1181 = arith.constant 96 : index
        %get3A_1182 = tpu.vector_load %arg10[%get3A_1180, %get3A_1181] {strides = array<i32>} : memref<256x128xbf16, #tpu.memory_space<vmem>>, vector<32xbf16>,
        %add3A_1183 = arith.addf %add3A_1151, %get3A_1182 : vector<32xbf16>
        %mul3A_1184 = arith.constant 32 : i32
        %mul3A_1185 = arith.muli %add3A_125, %mul3A_1184 : i32
        %add3A_1186 = arith.constant 29 : i32
        %add3A_1187 = arith.addi %mul3A_1185, %add3A_1186 : i32
        %get3A_1188 = arith.index_cast %add3A_1187 : i32 to index
        %get3A_1189 = arith.constant 96 : index
        %get3A_1190 = tpu.vector_load %arg10[%get3A_1188, %get3A_1189] {strides = array<i32>} : memref<256x128xbf16, #tpu.memory_space<vmem>>, vector<32xbf16>,
        %add3A_1191 = arith.addf %add3A_1159, %get3A_1190 : vector<32xbf16>
        %mul3A_1192 = arith.constant 32 : i32
        %mul3A_1193 = arith.muli %add3A_125, %mul3A_1192 : i32
        %add3A_1194 = arith.constant 30 : i32
        %add3A_1195 = arith.addi %mul3A_1193, %add3A_1194 : i32
        %get3A_1196 = arith.index_cast %add3A_1195 : i32 to index
        %get3A_1197 = arith.constant 96 : index
        %get3A_1198 = tpu.vector_load %arg10[%get3A_1196, %get3A_1197] {strides = array<i32>} : memref<256x128xbf16, #tpu.memory_space<vmem>>, vector<32xbf16>,
        %add3A_1199 = arith.addf %add3A_1167, %get3A_1198 : vector<32xbf16>
        %mul3A_1200 = arith.constant 32 : i32
        %mul3A_1201 = arith.muli %add3A_125, %mul3A_1200 : i32
        %add3A_1202 = arith.constant 31 : i32
        %add3A_1203 = arith.addi %mul3A_1201, %add3A_1202 : i32
        %get3A_1204 = arith.index_cast %add3A_1203 : i32 to index
        %get3A_1205 = arith.constant 96 : index
        %get3A_1206 = tpu.vector_load %arg10[%get3A_1204, %get3A_1205] {strides = array<i32>} : memref<256x128xbf16, #tpu.memory_space<vmem>>, vector<32xbf16>,
        %add3A_1207 = arith.addf %add3A_1175, %get3A_1206 : vector<32xbf16>
        %add3A_1208 = arith.addf %add3A_1183, %add3A_1191 : vector<32xbf16>
        %add3A_1209 = arith.addf %add3A_1199, %add3A_1207 : vector<32xbf16>
        %add3A_1210 = arith.addf %add3A_1208, %add3A_1209 : vector<32xbf16>
        %unpack3A_1211 = tpu.unpack_subelements %add3A_1210, 0 {pack_format = #tpu.pack_format<interleaved>} : vector<32xbf16> -> vector<16xf32>
        %unpack3A_1212 = tpu.unpack_subelements %add3A_1210, 1 {pack_format = #tpu.pack_format<interleaved>} : vector<32xbf16> -> vector<16xf32>
        %get3A_1213 = arith.index_cast %add3A_128 : i32 to index
        %get3A_1214 = arith.constant 96 : index
        %get3A_1215 = tpu.vector_load %arg9[%get3A_1213, %get3A_1214] {strides = array<i32>} : memref<128x128xf32, #tpu.memory_space<vmem>>, vector<16xf32>,
        %add3A_1216 = arith.addf %get3A_1215, %unpack3A_1211 : vector<16xf32>
        %max3A_1217 = arith.constant 0.000000e+00 : f32
        %max3A_1218 = vector.broadcast %max3A_1217 : f32 to vector<16xf32>
        %max3A_1219 = arith.maximumf %add3A_1216, %max3A_1218 : vector<16xf32>
        %swap3A_1220 = arith.index_cast %add3A_128 : i32 to index
        %swap3A_1221 = arith.constant 96 : index
        %swap3A_1222 = tpu.vector_load %arg14[%swap3A_1220, %swap3A_1221] {strides = array<i32>} : memref<128x128xf32, #tpu.memory_space<vmem>>, vector<16xf32>,
        tpu.vector_store %arg14[%swap3A_1220, %swap3A_1221], %max3A_1219 {strides = array<i32>} : memref<128x128xf32, #tpu.memory_space<vmem>>, vector<16xf32>,
        %get3A_1223 = arith.index_cast %add3A_128 : i32 to index
        %get3A_1224 = arith.constant 112 : index
        %get3A_1225 = tpu.vector_load %arg9[%get3A_1223, %get3A_1224] {strides = array<i32>} : memref<128x128xf32, #tpu.memory_space<vmem>>, vector<16xf32>,
        %add3A_1226 = arith.addf %get3A_1225, %unpack3A_1212 : vector<16xf32>
        %max3A_1227 = arith.constant 0.000000e+00 : f32
        %max3A_1228 = vector.broadcast %max3A_1227 : f32 to vector<16xf32>
        %max3A_1229 = arith.maximumf %add3A_1226, %max3A_1228 : vector<16xf32>
        %swap3A_1230 = arith.index_cast %add3A_128 : i32 to index
        %swap3A_1231 = arith.constant 112 : index
        %swap3A_1232 = tpu.vector_load %arg14[%swap3A_1230, %swap3A_1231] {strides = array<i32>} : memref<128x128xf32, #tpu.memory_space<vmem>>, vector<16xf32>,
        tpu.vector_store %arg14[%swap3A_1230, %swap3A_1231], %max3A_1229 {strides = array<i32>} : memref<128x128xf32, #tpu.memory_space<vmem>>, vector<16xf32>,
      }
      %scan3A_44 = arith.constant 8 : i32
      %add3A_45 = arith.constant 0 : i32
      %add3A_46 = arith.addi %add3A_32, %add3A_45 : i32
      %add3A_47 = arith.constant 4 : i32
      %add3A_48 = arith.addi %add3A_46, %add3A_47 : i32
      %sub3A = arith.constant 1 : i32
      %sub3A_49 = arith.subi %add3A_48, %sub3A : i32
      %lt3A = arith.constant 16 : i32
      %lt3A_50 = arith.cmpi slt, %sub3A_49, %lt3A : i32
      %convert_element_type3A = arith.extui %lt3A_50 : i1 to i32
      %cond3A = arith.constant 0 : i32
      %cond3A_51 = arith.cmpi ne, %convert_element_type3A, %cond3A : i32
      scf.if %cond3A_51 {
        %add3A_121 = arith.constant 0 : i32
        %add3A_122 = arith.addi %add3A_32, %add3A_121 : i32
        %add3A_123 = arith.constant 4 : i32
        %add3A_124 = arith.addi %add3A_122, %add3A_123 : i32
        %sub3A_125 = arith.constant 1 : i32
        %sub3A_126 = arith.subi %add3A_124, %sub3A_125 : i32
        %mul3A_127 = arith.constant 256 : i32
        %mul3A_128 = arith.muli %sub3A_126, %mul3A_127 : i32
        %dma_start3A_129 = tpu.memref_slice %arg8[%mul3A_128] : memref<4096xi32, #tpu.memory_space<vmem>> -> memref<256xi32, #tpu.memory_space<vmem>>
        %dma_start3A_130 = arith.constant 0 : i32
        %dma_start3A_131 = arith.constant 0 : i32
        %dma_start3A_132 = tpu.memref_slice %arg5[%dma_start3A_130, %dma_start3A_131] : memref<10000x128xbf16, #tpu.memory_space<hbm>> -> memref<10000x128xbf16, #tpu.memory_space<hbm>>
        tpu.enqueue_indirect_dma source(%dma_start3A_132 : memref<10000x128xbf16, #tpu.memory_space<hbm>>) target(%arg13 : memref<256x128xbf16, #tpu.memory_space<vmem>>) offsets(%dma_start3A_129 : memref<256xi32, #tpu.memory_space<vmem>>) semaphore(%arg18 : memref<!tpu.dma_semaphore, #tpu.memory_space<semaphore_mem>>)
      } else {
      }
      %dma_wait3A_52 = arith.constant 0 : i32
      %dma_wait3A_53 = tpu.memref_slice %arg8[%dma_wait3A_52] : memref<4096xi32, #tpu.memory_space<vmem>> -> memref<256xi32, #tpu.memory_space<vmem>>
      %dma_wait3A_54 = arith.constant 0 : i32
      %dma_wait3A_55 = arith.constant 0 : i32
      %dma_wait3A_56 = tpu.memref_slice %arg5[%dma_wait3A_54, %dma_wait3A_55] : memref<10000x128xbf16, #tpu.memory_space<hbm>> -> memref<10000x128xbf16, #tpu.memory_space<hbm>>
      tpu.wait_indirect_dma semaphore(%arg16 : memref<!tpu.dma_semaphore, #tpu.memory_space<semaphore_mem>>) src(%dma_wait3A_56 : memref<10000x128xbf16, #tpu.memory_space<hbm>>) dst(%arg11 : memref<256x128xbf16, #tpu.memory_space<vmem>>)
      %add3A_57 = arith.constant 1 : i32
      %add3A_58 = arith.addi %add3A_32, %add3A_57 : i32
      %scan3A_59 = arith.constant 0 : i32
      %scan3A_60 = arith.constant 8 : i32
      %scan3A_61 = arith.addi %scan3A_59, %scan3A_60 : i32
      %scan3A_62 = arith.constant 1 : i32
      scf.for %scan3A_121 = %scan3A_59 to %scan3A_61 step %scan3A_62  : i32 {
        %mul3A_122 = arith.constant 1 : i32
        %mul3A_123 = arith.muli %scan3A_121, %mul3A_122 : i32
        %add3A_124 = arith.constant 0 : i32
        %add3A_125 = arith.addi %add3A_124, %mul3A_123 : i32
        %mul3A_126 = arith.constant 8 : i32
        %mul3A_127 = arith.muli %add3A_58, %mul3A_126 : i32
        %add3A_128 = arith.addi %mul3A_127, %add3A_125 : i32
        %mul3A_129 = arith.constant 32 : i32
        %mul3A_130 = arith.muli %add3A_125, %mul3A_129 : i32
        %add3A_131 = arith.constant 0 : i32
        %add3A_132 = arith.addi %mul3A_130, %add3A_131 : i32
        %get3A = arith.index_cast %add3A_132 : i32 to index
        %get3A_133 = arith.constant 0 : index
        %get3A_134 = tpu.vector_load %arg11[%get3A, %get3A_133] {strides = array<i32>} : memref<256x128xbf16, #tpu.memory_space<vmem>>, vector<32xbf16>,
        %mul3A_135 = arith.constant 32 : i32
        %mul3A_136 = arith.muli %add3A_125, %mul3A_135 : i32
        %add3A_137 = arith.constant 1 : i32
        %add3A_138 = arith.addi %mul3A_136, %add3A_137 : i32
        %get3A_139 = arith.index_cast %add3A_138 : i32 to index
        %get3A_140 = arith.constant 0 : index
        %get3A_141 = tpu.vector_load %arg11[%get3A_139, %get3A_140] {strides = array<i32>} : memref<256x128xbf16, #tpu.memory_space<vmem>>, vector<32xbf16>,
        %mul3A_142 = arith.constant 32 : i32
        %mul3A_143 = arith.muli %add3A_125, %mul3A_142 : i32
        %add3A_144 = arith.constant 2 : i32
        %add3A_145 = arith.addi %mul3A_143, %add3A_144 : i32
        %get3A_146 = arith.index_cast %add3A_145 : i32 to index
        %get3A_147 = arith.constant 0 : index
        %get3A_148 = tpu.vector_load %arg11[%get3A_146, %get3A_147] {strides = array<i32>} : memref<256x128xbf16, #tpu.memory_space<vmem>>, vector<32xbf16>,
        %mul3A_149 = arith.constant 32 : i32
        %mul3A_150 = arith.muli %add3A_125, %mul3A_149 : i32
        %add3A_151 = arith.constant 3 : i32
        %add3A_152 = arith.addi %mul3A_150, %add3A_151 : i32
        %get3A_153 = arith.index_cast %add3A_152 : i32 to index
        %get3A_154 = arith.constant 0 : index
        %get3A_155 = tpu.vector_load %arg11[%get3A_153, %get3A_154] {strides = array<i32>} : memref<256x128xbf16, #tpu.memory_space<vmem>>, vector<32xbf16>,
        %mul3A_156 = arith.constant 32 : i32
        %mul3A_157 = arith.muli %add3A_125, %mul3A_156 : i32
        %add3A_158 = arith.constant 4 : i32
        %add3A_159 = arith.addi %mul3A_157, %add3A_158 : i32
        %get3A_160 = arith.index_cast %add3A_159 : i32 to index
        %get3A_161 = arith.constant 0 : index
        %get3A_162 = tpu.vector_load %arg11[%get3A_160, %get3A_161] {strides = array<i32>} : memref<256x128xbf16, #tpu.memory_space<vmem>>, vector<32xbf16>,
        %add3A_163 = arith.addf %get3A_134, %get3A_162 : vector<32xbf16>
        %mul3A_164 = arith.constant 32 : i32
        %mul3A_165 = arith.muli %add3A_125, %mul3A_164 : i32
        %add3A_166 = arith.constant 5 : i32
        %add3A_167 = arith.addi %mul3A_165, %add3A_166 : i32
        %get3A_168 = arith.index_cast %add3A_167 : i32 to index
        %get3A_169 = arith.constant 0 : index
        %get3A_170 = tpu.vector_load %arg11[%get3A_168, %get3A_169] {strides = array<i32>} : memref<256x128xbf16, #tpu.memory_space<vmem>>, vector<32xbf16>,
        %add3A_171 = arith.addf %get3A_141, %get3A_170 : vector<32xbf16>
        %mul3A_172 = arith.constant 32 : i32
        %mul3A_173 = arith.muli %add3A_125, %mul3A_172 : i32
        %add3A_174 = arith.constant 6 : i32
        %add3A_175 = arith.addi %mul3A_173, %add3A_174 : i32
        %get3A_176 = arith.index_cast %add3A_175 : i32 to index
        %get3A_177 = arith.constant 0 : index
        %get3A_178 = tpu.vector_load %arg11[%get3A_176, %get3A_177] {strides = array<i32>} : memref<256x128xbf16, #tpu.memory_space<vmem>>, vector<32xbf16>,
        %add3A_179 = arith.addf %get3A_148, %get3A_178 : vector<32xbf16>
        %mul3A_180 = arith.constant 32 : i32
        %mul3A_181 = arith.muli %add3A_125, %mul3A_180 : i32
        %add3A_182 = arith.constant 7 : i32
        %add3A_183 = arith.addi %mul3A_181, %add3A_182 : i32
        %get3A_184 = arith.index_cast %add3A_183 : i32 to index
        %get3A_185 = arith.constant 0 : index
        %get3A_186 = tpu.vector_load %arg11[%get3A_184, %get3A_185] {strides = array<i32>} : memref<256x128xbf16, #tpu.memory_space<vmem>>, vector<32xbf16>,
        %add3A_187 = arith.addf %get3A_155, %get3A_186 : vector<32xbf16>
        %mul3A_188 = arith.constant 32 : i32
        %mul3A_189 = arith.muli %add3A_125, %mul3A_188 : i32
        %add3A_190 = arith.constant 8 : i32
        %add3A_191 = arith.addi %mul3A_189, %add3A_190 : i32
        %get3A_192 = arith.index_cast %add3A_191 : i32 to index
        %get3A_193 = arith.constant 0 : index
        %get3A_194 = tpu.vector_load %arg11[%get3A_192, %get3A_193] {strides = array<i32>} : memref<256x128xbf16, #tpu.memory_space<vmem>>, vector<32xbf16>,
        %add3A_195 = arith.addf %add3A_163, %get3A_194 : vector<32xbf16>
        %mul3A_196 = arith.constant 32 : i32
        %mul3A_197 = arith.muli %add3A_125, %mul3A_196 : i32
        %add3A_198 = arith.constant 9 : i32
        %add3A_199 = arith.addi %mul3A_197, %add3A_198 : i32
        %get3A_200 = arith.index_cast %add3A_199 : i32 to index
        %get3A_201 = arith.constant 0 : index
        %get3A_202 = tpu.vector_load %arg11[%get3A_200, %get3A_201] {strides = array<i32>} : memref<256x128xbf16, #tpu.memory_space<vmem>>, vector<32xbf16>,
        %add3A_203 = arith.addf %add3A_171, %get3A_202 : vector<32xbf16>
        %mul3A_204 = arith.constant 32 : i32
        %mul3A_205 = arith.muli %add3A_125, %mul3A_204 : i32
        %add3A_206 = arith.constant 10 : i32
        %add3A_207 = arith.addi %mul3A_205, %add3A_206 : i32
        %get3A_208 = arith.index_cast %add3A_207 : i32 to index
        %get3A_209 = arith.constant 0 : index
        %get3A_210 = tpu.vector_load %arg11[%get3A_208, %get3A_209] {strides = array<i32>} : memref<256x128xbf16, #tpu.memory_space<vmem>>, vector<32xbf16>,
        %add3A_211 = arith.addf %add3A_179, %get3A_210 : vector<32xbf16>
        %mul3A_212 = arith.constant 32 : i32
        %mul3A_213 = arith.muli %add3A_125, %mul3A_212 : i32
        %add3A_214 = arith.constant 11 : i32
        %add3A_215 = arith.addi %mul3A_213, %add3A_214 : i32
        %get3A_216 = arith.index_cast %add3A_215 : i32 to index
        %get3A_217 = arith.constant 0 : index
        %get3A_218 = tpu.vector_load %arg11[%get3A_216, %get3A_217] {strides = array<i32>} : memref<256x128xbf16, #tpu.memory_space<vmem>>, vector<32xbf16>,
        %add3A_219 = arith.addf %add3A_187, %get3A_218 : vector<32xbf16>
        %mul3A_220 = arith.constant 32 : i32
        %mul3A_221 = arith.muli %add3A_125, %mul3A_220 : i32
        %add3A_222 = arith.constant 12 : i32
        %add3A_223 = arith.addi %mul3A_221, %add3A_222 : i32
        %get3A_224 = arith.index_cast %add3A_223 : i32 to index
        %get3A_225 = arith.constant 0 : index
        %get3A_226 = tpu.vector_load %arg11[%get3A_224, %get3A_225] {strides = array<i32>} : memref<256x128xbf16, #tpu.memory_space<vmem>>, vector<32xbf16>,
        %add3A_227 = arith.addf %add3A_195, %get3A_226 : vector<32xbf16>
        %mul3A_228 = arith.constant 32 : i32
        %mul3A_229 = arith.muli %add3A_125, %mul3A_228 : i32
        %add3A_230 = arith.constant 13 : i32
        %add3A_231 = arith.addi %mul3A_229, %add3A_230 : i32
        %get3A_232 = arith.index_cast %add3A_231 : i32 to index
        %get3A_233 = arith.constant 0 : index
        %get3A_234 = tpu.vector_load %arg11[%get3A_232, %get3A_233] {strides = array<i32>} : memref<256x128xbf16, #tpu.memory_space<vmem>>, vector<32xbf16>,
        %add3A_235 = arith.addf %add3A_203, %get3A_234 : vector<32xbf16>
        %mul3A_236 = arith.constant 32 : i32
        %mul3A_237 = arith.muli %add3A_125, %mul3A_236 : i32
        %add3A_238 = arith.constant 14 : i32
        %add3A_239 = arith.addi %mul3A_237, %add3A_238 : i32
        %get3A_240 = arith.index_cast %add3A_239 : i32 to index
        %get3A_241 = arith.constant 0 : index
        %get3A_242 = tpu.vector_load %arg11[%get3A_240, %get3A_241] {strides = array<i32>} : memref<256x128xbf16, #tpu.memory_space<vmem>>, vector<32xbf16>,
        %add3A_243 = arith.addf %add3A_211, %get3A_242 : vector<32xbf16>
        %mul3A_244 = arith.constant 32 : i32
        %mul3A_245 = arith.muli %add3A_125, %mul3A_244 : i32
        %add3A_246 = arith.constant 15 : i32
        %add3A_247 = arith.addi %mul3A_245, %add3A_246 : i32
        %get3A_248 = arith.index_cast %add3A_247 : i32 to index
        %get3A_249 = arith.constant 0 : index
        %get3A_250 = tpu.vector_load %arg11[%get3A_248, %get3A_249] {strides = array<i32>} : memref<256x128xbf16, #tpu.memory_space<vmem>>, vector<32xbf16>,
        %add3A_251 = arith.addf %add3A_219, %get3A_250 : vector<32xbf16>
        %mul3A_252 = arith.constant 32 : i32
        %mul3A_253 = arith.muli %add3A_125, %mul3A_252 : i32
        %add3A_254 = arith.constant 16 : i32
        %add3A_255 = arith.addi %mul3A_253, %add3A_254 : i32
        %get3A_256 = arith.index_cast %add3A_255 : i32 to index
        %get3A_257 = arith.constant 0 : index
        %get3A_258 = tpu.vector_load %arg11[%get3A_256, %get3A_257] {strides = array<i32>} : memref<256x128xbf16, #tpu.memory_space<vmem>>, vector<32xbf16>,
        %add3A_259 = arith.addf %add3A_227, %get3A_258 : vector<32xbf16>
        %mul3A_260 = arith.constant 32 : i32
        %mul3A_261 = arith.muli %add3A_125, %mul3A_260 : i32
        %add3A_262 = arith.constant 17 : i32
        %add3A_263 = arith.addi %mul3A_261, %add3A_262 : i32
        %get3A_264 = arith.index_cast %add3A_263 : i32 to index
        %get3A_265 = arith.constant 0 : index
        %get3A_266 = tpu.vector_load %arg11[%get3A_264, %get3A_265] {strides = array<i32>} : memref<256x128xbf16, #tpu.memory_space<vmem>>, vector<32xbf16>,
        %add3A_267 = arith.addf %add3A_235, %get3A_266 : vector<32xbf16>
        %mul3A_268 = arith.constant 32 : i32
        %mul3A_269 = arith.muli %add3A_125, %mul3A_268 : i32
        %add3A_270 = arith.constant 18 : i32
        %add3A_271 = arith.addi %mul3A_269, %add3A_270 : i32
        %get3A_272 = arith.index_cast %add3A_271 : i32 to index
        %get3A_273 = arith.constant 0 : index
        %get3A_274 = tpu.vector_load %arg11[%get3A_272, %get3A_273] {strides = array<i32>} : memref<256x128xbf16, #tpu.memory_space<vmem>>, vector<32xbf16>,
        %add3A_275 = arith.addf %add3A_243, %get3A_274 : vector<32xbf16>
        %mul3A_276 = arith.constant 32 : i32
        %mul3A_277 = arith.muli %add3A_125, %mul3A_276 : i32
        %add3A_278 = arith.constant 19 : i32
        %add3A_279 = arith.addi %mul3A_277, %add3A_278 : i32
        %get3A_280 = arith.index_cast %add3A_279 : i32 to index
        %get3A_281 = arith.constant 0 : index
        %get3A_282 = tpu.vector_load %arg11[%get3A_280, %get3A_281] {strides = array<i32>} : memref<256x128xbf16, #tpu.memory_space<vmem>>, vector<32xbf16>,
        %add3A_283 = arith.addf %add3A_251, %get3A_282 : vector<32xbf16>
        %mul3A_284 = arith.constant 32 : i32
        %mul3A_285 = arith.muli %add3A_125, %mul3A_284 : i32
        %add3A_286 = arith.constant 20 : i32
        %add3A_287 = arith.addi %mul3A_285, %add3A_286 : i32
        %get3A_288 = arith.index_cast %add3A_287 : i32 to index
        %get3A_289 = arith.constant 0 : index
        %get3A_290 = tpu.vector_load %arg11[%get3A_288, %get3A_289] {strides = array<i32>} : memref<256x128xbf16, #tpu.memory_space<vmem>>, vector<32xbf16>,
        %add3A_291 = arith.addf %add3A_259, %get3A_290 : vector<32xbf16>
        %mul3A_292 = arith.constant 32 : i32
        %mul3A_293 = arith.muli %add3A_125, %mul3A_292 : i32
        %add3A_294 = arith.constant 21 : i32
        %add3A_295 = arith.addi %mul3A_293, %add3A_294 : i32
        %get3A_296 = arith.index_cast %add3A_295 : i32 to index
        %get3A_297 = arith.constant 0 : index
        %get3A_298 = tpu.vector_load %arg11[%get3A_296, %get3A_297] {strides = array<i32>} : memref<256x128xbf16, #tpu.memory_space<vmem>>, vector<32xbf16>,
        %add3A_299 = arith.addf %add3A_267, %get3A_298 : vector<32xbf16>
        %mul3A_300 = arith.constant 32 : i32
        %mul3A_301 = arith.muli %add3A_125, %mul3A_300 : i32
        %add3A_302 = arith.constant 22 : i32
        %add3A_303 = arith.addi %mul3A_301, %add3A_302 : i32
        %get3A_304 = arith.index_cast %add3A_303 : i32 to index
        %get3A_305 = arith.constant 0 : index
        %get3A_306 = tpu.vector_load %arg11[%get3A_304, %get3A_305] {strides = array<i32>} : memref<256x128xbf16, #tpu.memory_space<vmem>>, vector<32xbf16>,
        %add3A_307 = arith.addf %add3A_275, %get3A_306 : vector<32xbf16>
        %mul3A_308 = arith.constant 32 : i32
        %mul3A_309 = arith.muli %add3A_125, %mul3A_308 : i32
        %add3A_310 = arith.constant 23 : i32
        %add3A_311 = arith.addi %mul3A_309, %add3A_310 : i32
        %get3A_312 = arith.index_cast %add3A_311 : i32 to index
        %get3A_313 = arith.constant 0 : index
        %get3A_314 = tpu.vector_load %arg11[%get3A_312, %get3A_313] {strides = array<i32>} : memref<256x128xbf16, #tpu.memory_space<vmem>>, vector<32xbf16>,
        %add3A_315 = arith.addf %add3A_283, %get3A_314 : vector<32xbf16>
        %mul3A_316 = arith.constant 32 : i32
        %mul3A_317 = arith.muli %add3A_125, %mul3A_316 : i32
        %add3A_318 = arith.constant 24 : i32
        %add3A_319 = arith.addi %mul3A_317, %add3A_318 : i32
        %get3A_320 = arith.index_cast %add3A_319 : i32 to index
        %get3A_321 = arith.constant 0 : index
        %get3A_322 = tpu.vector_load %arg11[%get3A_320, %get3A_321] {strides = array<i32>} : memref<256x128xbf16, #tpu.memory_space<vmem>>, vector<32xbf16>,
        %add3A_323 = arith.addf %add3A_291, %get3A_322 : vector<32xbf16>
        %mul3A_324 = arith.constant 32 : i32
        %mul3A_325 = arith.muli %add3A_125, %mul3A_324 : i32
        %add3A_326 = arith.constant 25 : i32
        %add3A_327 = arith.addi %mul3A_325, %add3A_326 : i32
        %get3A_328 = arith.index_cast %add3A_327 : i32 to index
        %get3A_329 = arith.constant 0 : index
        %get3A_330 = tpu.vector_load %arg11[%get3A_328, %get3A_329] {strides = array<i32>} : memref<256x128xbf16, #tpu.memory_space<vmem>>, vector<32xbf16>,
        %add3A_331 = arith.addf %add3A_299, %get3A_330 : vector<32xbf16>
        %mul3A_332 = arith.constant 32 : i32
        %mul3A_333 = arith.muli %add3A_125, %mul3A_332 : i32
        %add3A_334 = arith.constant 26 : i32
        %add3A_335 = arith.addi %mul3A_333, %add3A_334 : i32
        %get3A_336 = arith.index_cast %add3A_335 : i32 to index
        %get3A_337 = arith.constant 0 : index
        %get3A_338 = tpu.vector_load %arg11[%get3A_336, %get3A_337] {strides = array<i32>} : memref<256x128xbf16, #tpu.memory_space<vmem>>, vector<32xbf16>,
        %add3A_339 = arith.addf %add3A_307, %get3A_338 : vector<32xbf16>
        %mul3A_340 = arith.constant 32 : i32
        %mul3A_341 = arith.muli %add3A_125, %mul3A_340 : i32
        %add3A_342 = arith.constant 27 : i32
        %add3A_343 = arith.addi %mul3A_341, %add3A_342 : i32
        %get3A_344 = arith.index_cast %add3A_343 : i32 to index
        %get3A_345 = arith.constant 0 : index
        %get3A_346 = tpu.vector_load %arg11[%get3A_344, %get3A_345] {strides = array<i32>} : memref<256x128xbf16, #tpu.memory_space<vmem>>, vector<32xbf16>,
        %add3A_347 = arith.addf %add3A_315, %get3A_346 : vector<32xbf16>
        %mul3A_348 = arith.constant 32 : i32
        %mul3A_349 = arith.muli %add3A_125, %mul3A_348 : i32
        %add3A_350 = arith.constant 28 : i32
        %add3A_351 = arith.addi %mul3A_349, %add3A_350 : i32
        %get3A_352 = arith.index_cast %add3A_351 : i32 to index
        %get3A_353 = arith.constant 0 : index
        %get3A_354 = tpu.vector_load %arg11[%get3A_352, %get3A_353] {strides = array<i32>} : memref<256x128xbf16, #tpu.memory_space<vmem>>, vector<32xbf16>,
        %add3A_355 = arith.addf %add3A_323, %get3A_354 : vector<32xbf16>
        %mul3A_356 = arith.constant 32 : i32
        %mul3A_357 = arith.muli %add3A_125, %mul3A_356 : i32
        %add3A_358 = arith.constant 29 : i32
        %add3A_359 = arith.addi %mul3A_357, %add3A_358 : i32
        %get3A_360 = arith.index_cast %add3A_359 : i32 to index
        %get3A_361 = arith.constant 0 : index
        %get3A_362 = tpu.vector_load %arg11[%get3A_360, %get3A_361] {strides = array<i32>} : memref<256x128xbf16, #tpu.memory_space<vmem>>, vector<32xbf16>,
        %add3A_363 = arith.addf %add3A_331, %get3A_362 : vector<32xbf16>
        %mul3A_364 = arith.constant 32 : i32
        %mul3A_365 = arith.muli %add3A_125, %mul3A_364 : i32
        %add3A_366 = arith.constant 30 : i32
        %add3A_367 = arith.addi %mul3A_365, %add3A_366 : i32
        %get3A_368 = arith.index_cast %add3A_367 : i32 to index
        %get3A_369 = arith.constant 0 : index
        %get3A_370 = tpu.vector_load %arg11[%get3A_368, %get3A_369] {strides = array<i32>} : memref<256x128xbf16, #tpu.memory_space<vmem>>, vector<32xbf16>,
        %add3A_371 = arith.addf %add3A_339, %get3A_370 : vector<32xbf16>
        %mul3A_372 = arith.constant 32 : i32
        %mul3A_373 = arith.muli %add3A_125, %mul3A_372 : i32
        %add3A_374 = arith.constant 31 : i32
        %add3A_375 = arith.addi %mul3A_373, %add3A_374 : i32
        %get3A_376 = arith.index_cast %add3A_375 : i32 to index
        %get3A_377 = arith.constant 0 : index
        %get3A_378 = tpu.vector_load %arg11[%get3A_376, %get3A_377] {strides = array<i32>} : memref<256x128xbf16, #tpu.memory_space<vmem>>, vector<32xbf16>,
        %add3A_379 = arith.addf %add3A_347, %get3A_378 : vector<32xbf16>
        %add3A_380 = arith.addf %add3A_355, %add3A_363 : vector<32xbf16>
        %add3A_381 = arith.addf %add3A_371, %add3A_379 : vector<32xbf16>
        %add3A_382 = arith.addf %add3A_380, %add3A_381 : vector<32xbf16>
        %unpack3A = tpu.unpack_subelements %add3A_382, 0 {pack_format = #tpu.pack_format<interleaved>} : vector<32xbf16> -> vector<16xf32>
        %unpack3A_383 = tpu.unpack_subelements %add3A_382, 1 {pack_format = #tpu.pack_format<interleaved>} : vector<32xbf16> -> vector<16xf32>
        %get3A_384 = arith.index_cast %add3A_128 : i32 to index
        %get3A_385 = arith.constant 0 : index
        %get3A_386 = tpu.vector_load %arg9[%get3A_384, %get3A_385] {strides = array<i32>} : memref<128x128xf32, #tpu.memory_space<vmem>>, vector<16xf32>,
        %add3A_387 = arith.addf %get3A_386, %unpack3A : vector<16xf32>
        %max3A = arith.constant 0.000000e+00 : f32
        %max3A_388 = vector.broadcast %max3A : f32 to vector<16xf32>
        %max3A_389 = arith.maximumf %add3A_387, %max3A_388 : vector<16xf32>
        %swap3A = arith.index_cast %add3A_128 : i32 to index
        %swap3A_390 = arith.constant 0 : index
        %swap3A_391 = tpu.vector_load %arg14[%swap3A, %swap3A_390] {strides = array<i32>} : memref<128x128xf32, #tpu.memory_space<vmem>>, vector<16xf32>,
        tpu.vector_store %arg14[%swap3A, %swap3A_390], %max3A_389 {strides = array<i32>} : memref<128x128xf32, #tpu.memory_space<vmem>>, vector<16xf32>,
        %get3A_392 = arith.index_cast %add3A_128 : i32 to index
        %get3A_393 = arith.constant 16 : index
        %get3A_394 = tpu.vector_load %arg9[%get3A_392, %get3A_393] {strides = array<i32>} : memref<128x128xf32, #tpu.memory_space<vmem>>, vector<16xf32>,
        %add3A_395 = arith.addf %get3A_394, %unpack3A_383 : vector<16xf32>
        %max3A_396 = arith.constant 0.000000e+00 : f32
        %max3A_397 = vector.broadcast %max3A_396 : f32 to vector<16xf32>
        %max3A_398 = arith.maximumf %add3A_395, %max3A_397 : vector<16xf32>
        %swap3A_399 = arith.index_cast %add3A_128 : i32 to index
        %swap3A_400 = arith.constant 16 : index
        %swap3A_401 = tpu.vector_load %arg14[%swap3A_399, %swap3A_400] {strides = array<i32>} : memref<128x128xf32, #tpu.memory_space<vmem>>, vector<16xf32>,
        tpu.vector_store %arg14[%swap3A_399, %swap3A_400], %max3A_398 {strides = array<i32>} : memref<128x128xf32, #tpu.memory_space<vmem>>, vector<16xf32>,
        %mul3A_402 = arith.constant 32 : i32
        %mul3A_403 = arith.muli %add3A_125, %mul3A_402 : i32
        %add3A_404 = arith.constant 0 : i32
        %add3A_405 = arith.addi %mul3A_403, %add3A_404 : i32
        %get3A_406 = arith.index_cast %add3A_405 : i32 to index
        %get3A_407 = arith.constant 32 : index
        %get3A_408 = tpu.vector_load %arg11[%get3A_406, %get3A_407] {strides = array<i32>} : memref<256x128xbf16, #tpu.memory_space<vmem>>, vector<32xbf16>,
        %mul3A_409 = arith.constant 32 : i32
        %mul3A_410 = arith.muli %add3A_125, %mul3A_409 : i32
        %add3A_411 = arith.constant 1 : i32
        %add3A_412 = arith.addi %mul3A_410, %add3A_411 : i32
        %get3A_413 = arith.index_cast %add3A_412 : i32 to index
        %get3A_414 = arith.constant 32 : index
        %get3A_415 = tpu.vector_load %arg11[%get3A_413, %get3A_414] {strides = array<i32>} : memref<256x128xbf16, #tpu.memory_space<vmem>>, vector<32xbf16>,
        %mul3A_416 = arith.constant 32 : i32
        %mul3A_417 = arith.muli %add3A_125, %mul3A_416 : i32
        %add3A_418 = arith.constant 2 : i32
        %add3A_419 = arith.addi %mul3A_417, %add3A_418 : i32
        %get3A_420 = arith.index_cast %add3A_419 : i32 to index
        %get3A_421 = arith.constant 32 : index
        %get3A_422 = tpu.vector_load %arg11[%get3A_420, %get3A_421] {strides = array<i32>} : memref<256x128xbf16, #tpu.memory_space<vmem>>, vector<32xbf16>,
        %mul3A_423 = arith.constant 32 : i32
        %mul3A_424 = arith.muli %add3A_125, %mul3A_423 : i32
        %add3A_425 = arith.constant 3 : i32
        %add3A_426 = arith.addi %mul3A_424, %add3A_425 : i32
        %get3A_427 = arith.index_cast %add3A_426 : i32 to index
        %get3A_428 = arith.constant 32 : index
        %get3A_429 = tpu.vector_load %arg11[%get3A_427, %get3A_428] {strides = array<i32>} : memref<256x128xbf16, #tpu.memory_space<vmem>>, vector<32xbf16>,
        %mul3A_430 = arith.constant 32 : i32
        %mul3A_431 = arith.muli %add3A_125, %mul3A_430 : i32
        %add3A_432 = arith.constant 4 : i32
        %add3A_433 = arith.addi %mul3A_431, %add3A_432 : i32
        %get3A_434 = arith.index_cast %add3A_433 : i32 to index
        %get3A_435 = arith.constant 32 : index
        %get3A_436 = tpu.vector_load %arg11[%get3A_434, %get3A_435] {strides = array<i32>} : memref<256x128xbf16, #tpu.memory_space<vmem>>, vector<32xbf16>,
        %add3A_437 = arith.addf %get3A_408, %get3A_436 : vector<32xbf16>
        %mul3A_438 = arith.constant 32 : i32
        %mul3A_439 = arith.muli %add3A_125, %mul3A_438 : i32
        %add3A_440 = arith.constant 5 : i32
        %add3A_441 = arith.addi %mul3A_439, %add3A_440 : i32
        %get3A_442 = arith.index_cast %add3A_441 : i32 to index
        %get3A_443 = arith.constant 32 : index
        %get3A_444 = tpu.vector_load %arg11[%get3A_442, %get3A_443] {strides = array<i32>} : memref<256x128xbf16, #tpu.memory_space<vmem>>, vector<32xbf16>,
        %add3A_445 = arith.addf %get3A_415, %get3A_444 : vector<32xbf16>
        %mul3A_446 = arith.constant 32 : i32
        %mul3A_447 = arith.muli %add3A_125, %mul3A_446 : i32
        %add3A_448 = arith.constant 6 : i32
        %add3A_449 = arith.addi %mul3A_447, %add3A_448 : i32
        %get3A_450 = arith.index_cast %add3A_449 : i32 to index
        %get3A_451 = arith.constant 32 : index
        %get3A_452 = tpu.vector_load %arg11[%get3A_450, %get3A_451] {strides = array<i32>} : memref<256x128xbf16, #tpu.memory_space<vmem>>, vector<32xbf16>,
        %add3A_453 = arith.addf %get3A_422, %get3A_452 : vector<32xbf16>
        %mul3A_454 = arith.constant 32 : i32
        %mul3A_455 = arith.muli %add3A_125, %mul3A_454 : i32
        %add3A_456 = arith.constant 7 : i32
        %add3A_457 = arith.addi %mul3A_455, %add3A_456 : i32
        %get3A_458 = arith.index_cast %add3A_457 : i32 to index
        %get3A_459 = arith.constant 32 : index
        %get3A_460 = tpu.vector_load %arg11[%get3A_458, %get3A_459] {strides = array<i32>} : memref<256x128xbf16, #tpu.memory_space<vmem>>, vector<32xbf16>,
        %add3A_461 = arith.addf %get3A_429, %get3A_460 : vector<32xbf16>
        %mul3A_462 = arith.constant 32 : i32
        %mul3A_463 = arith.muli %add3A_125, %mul3A_462 : i32
        %add3A_464 = arith.constant 8 : i32
        %add3A_465 = arith.addi %mul3A_463, %add3A_464 : i32
        %get3A_466 = arith.index_cast %add3A_465 : i32 to index
        %get3A_467 = arith.constant 32 : index
        %get3A_468 = tpu.vector_load %arg11[%get3A_466, %get3A_467] {strides = array<i32>} : memref<256x128xbf16, #tpu.memory_space<vmem>>, vector<32xbf16>,
        %add3A_469 = arith.addf %add3A_437, %get3A_468 : vector<32xbf16>
        %mul3A_470 = arith.constant 32 : i32
        %mul3A_471 = arith.muli %add3A_125, %mul3A_470 : i32
        %add3A_472 = arith.constant 9 : i32
        %add3A_473 = arith.addi %mul3A_471, %add3A_472 : i32
        %get3A_474 = arith.index_cast %add3A_473 : i32 to index
        %get3A_475 = arith.constant 32 : index
        %get3A_476 = tpu.vector_load %arg11[%get3A_474, %get3A_475] {strides = array<i32>} : memref<256x128xbf16, #tpu.memory_space<vmem>>, vector<32xbf16>,
        %add3A_477 = arith.addf %add3A_445, %get3A_476 : vector<32xbf16>
        %mul3A_478 = arith.constant 32 : i32
        %mul3A_479 = arith.muli %add3A_125, %mul3A_478 : i32
        %add3A_480 = arith.constant 10 : i32
        %add3A_481 = arith.addi %mul3A_479, %add3A_480 : i32
        %get3A_482 = arith.index_cast %add3A_481 : i32 to index
        %get3A_483 = arith.constant 32 : index
        %get3A_484 = tpu.vector_load %arg11[%get3A_482, %get3A_483] {strides = array<i32>} : memref<256x128xbf16, #tpu.memory_space<vmem>>, vector<32xbf16>,
        %add3A_485 = arith.addf %add3A_453, %get3A_484 : vector<32xbf16>
        %mul3A_486 = arith.constant 32 : i32
        %mul3A_487 = arith.muli %add3A_125, %mul3A_486 : i32
        %add3A_488 = arith.constant 11 : i32
        %add3A_489 = arith.addi %mul3A_487, %add3A_488 : i32
        %get3A_490 = arith.index_cast %add3A_489 : i32 to index
        %get3A_491 = arith.constant 32 : index
        %get3A_492 = tpu.vector_load %arg11[%get3A_490, %get3A_491] {strides = array<i32>} : memref<256x128xbf16, #tpu.memory_space<vmem>>, vector<32xbf16>,
        %add3A_493 = arith.addf %add3A_461, %get3A_492 : vector<32xbf16>
        %mul3A_494 = arith.constant 32 : i32
        %mul3A_495 = arith.muli %add3A_125, %mul3A_494 : i32
        %add3A_496 = arith.constant 12 : i32
        %add3A_497 = arith.addi %mul3A_495, %add3A_496 : i32
        %get3A_498 = arith.index_cast %add3A_497 : i32 to index
        %get3A_499 = arith.constant 32 : index
        %get3A_500 = tpu.vector_load %arg11[%get3A_498, %get3A_499] {strides = array<i32>} : memref<256x128xbf16, #tpu.memory_space<vmem>>, vector<32xbf16>,
        %add3A_501 = arith.addf %add3A_469, %get3A_500 : vector<32xbf16>
        %mul3A_502 = arith.constant 32 : i32
        %mul3A_503 = arith.muli %add3A_125, %mul3A_502 : i32
        %add3A_504 = arith.constant 13 : i32
        %add3A_505 = arith.addi %mul3A_503, %add3A_504 : i32
        %get3A_506 = arith.index_cast %add3A_505 : i32 to index
        %get3A_507 = arith.constant 32 : index
        %get3A_508 = tpu.vector_load %arg11[%get3A_506, %get3A_507] {strides = array<i32>} : memref<256x128xbf16, #tpu.memory_space<vmem>>, vector<32xbf16>,
        %add3A_509 = arith.addf %add3A_477, %get3A_508 : vector<32xbf16>
        %mul3A_510 = arith.constant 32 : i32
        %mul3A_511 = arith.muli %add3A_125, %mul3A_510 : i32
        %add3A_512 = arith.constant 14 : i32
        %add3A_513 = arith.addi %mul3A_511, %add3A_512 : i32
        %get3A_514 = arith.index_cast %add3A_513 : i32 to index
        %get3A_515 = arith.constant 32 : index
        %get3A_516 = tpu.vector_load %arg11[%get3A_514, %get3A_515] {strides = array<i32>} : memref<256x128xbf16, #tpu.memory_space<vmem>>, vector<32xbf16>,
        %add3A_517 = arith.addf %add3A_485, %get3A_516 : vector<32xbf16>
        %mul3A_518 = arith.constant 32 : i32
        %mul3A_519 = arith.muli %add3A_125, %mul3A_518 : i32
        %add3A_520 = arith.constant 15 : i32
        %add3A_521 = arith.addi %mul3A_519, %add3A_520 : i32
        %get3A_522 = arith.index_cast %add3A_521 : i32 to index
        %get3A_523 = arith.constant 32 : index
        %get3A_524 = tpu.vector_load %arg11[%get3A_522, %get3A_523] {strides = array<i32>} : memref<256x128xbf16, #tpu.memory_space<vmem>>, vector<32xbf16>,
        %add3A_525 = arith.addf %add3A_493, %get3A_524 : vector<32xbf16>
        %mul3A_526 = arith.constant 32 : i32
        %mul3A_527 = arith.muli %add3A_125, %mul3A_526 : i32
        %add3A_528 = arith.constant 16 : i32
        %add3A_529 = arith.addi %mul3A_527, %add3A_528 : i32
        %get3A_530 = arith.index_cast %add3A_529 : i32 to index
        %get3A_531 = arith.constant 32 : index
        %get3A_532 = tpu.vector_load %arg11[%get3A_530, %get3A_531] {strides = array<i32>} : memref<256x128xbf16, #tpu.memory_space<vmem>>, vector<32xbf16>,
        %add3A_533 = arith.addf %add3A_501, %get3A_532 : vector<32xbf16>
        %mul3A_534 = arith.constant 32 : i32
        %mul3A_535 = arith.muli %add3A_125, %mul3A_534 : i32
        %add3A_536 = arith.constant 17 : i32
        %add3A_537 = arith.addi %mul3A_535, %add3A_536 : i32
        %get3A_538 = arith.index_cast %add3A_537 : i32 to index
        %get3A_539 = arith.constant 32 : index
        %get3A_540 = tpu.vector_load %arg11[%get3A_538, %get3A_539] {strides = array<i32>} : memref<256x128xbf16, #tpu.memory_space<vmem>>, vector<32xbf16>,
        %add3A_541 = arith.addf %add3A_509, %get3A_540 : vector<32xbf16>
        %mul3A_542 = arith.constant 32 : i32
        %mul3A_543 = arith.muli %add3A_125, %mul3A_542 : i32
        %add3A_544 = arith.constant 18 : i32
        %add3A_545 = arith.addi %mul3A_543, %add3A_544 : i32
        %get3A_546 = arith.index_cast %add3A_545 : i32 to index
        %get3A_547 = arith.constant 32 : index
        %get3A_548 = tpu.vector_load %arg11[%get3A_546, %get3A_547] {strides = array<i32>} : memref<256x128xbf16, #tpu.memory_space<vmem>>, vector<32xbf16>,
        %add3A_549 = arith.addf %add3A_517, %get3A_548 : vector<32xbf16>
        %mul3A_550 = arith.constant 32 : i32
        %mul3A_551 = arith.muli %add3A_125, %mul3A_550 : i32
        %add3A_552 = arith.constant 19 : i32
        %add3A_553 = arith.addi %mul3A_551, %add3A_552 : i32
        %get3A_554 = arith.index_cast %add3A_553 : i32 to index
        %get3A_555 = arith.constant 32 : index
        %get3A_556 = tpu.vector_load %arg11[%get3A_554, %get3A_555] {strides = array<i32>} : memref<256x128xbf16, #tpu.memory_space<vmem>>, vector<32xbf16>,
        %add3A_557 = arith.addf %add3A_525, %get3A_556 : vector<32xbf16>
        %mul3A_558 = arith.constant 32 : i32
        %mul3A_559 = arith.muli %add3A_125, %mul3A_558 : i32
        %add3A_560 = arith.constant 20 : i32
        %add3A_561 = arith.addi %mul3A_559, %add3A_560 : i32
        %get3A_562 = arith.index_cast %add3A_561 : i32 to index
        %get3A_563 = arith.constant 32 : index
        %get3A_564 = tpu.vector_load %arg11[%get3A_562, %get3A_563] {strides = array<i32>} : memref<256x128xbf16, #tpu.memory_space<vmem>>, vector<32xbf16>,
        %add3A_565 = arith.addf %add3A_533, %get3A_564 : vector<32xbf16>
        %mul3A_566 = arith.constant 32 : i32
        %mul3A_567 = arith.muli %add3A_125, %mul3A_566 : i32
        %add3A_568 = arith.constant 21 : i32
        %add3A_569 = arith.addi %mul3A_567, %add3A_568 : i32
        %get3A_570 = arith.index_cast %add3A_569 : i32 to index
        %get3A_571 = arith.constant 32 : index
        %get3A_572 = tpu.vector_load %arg11[%get3A_570, %get3A_571] {strides = array<i32>} : memref<256x128xbf16, #tpu.memory_space<vmem>>, vector<32xbf16>,
        %add3A_573 = arith.addf %add3A_541, %get3A_572 : vector<32xbf16>
        %mul3A_574 = arith.constant 32 : i32
        %mul3A_575 = arith.muli %add3A_125, %mul3A_574 : i32
        %add3A_576 = arith.constant 22 : i32
        %add3A_577 = arith.addi %mul3A_575, %add3A_576 : i32
        %get3A_578 = arith.index_cast %add3A_577 : i32 to index
        %get3A_579 = arith.constant 32 : index
        %get3A_580 = tpu.vector_load %arg11[%get3A_578, %get3A_579] {strides = array<i32>} : memref<256x128xbf16, #tpu.memory_space<vmem>>, vector<32xbf16>,
        %add3A_581 = arith.addf %add3A_549, %get3A_580 : vector<32xbf16>
        %mul3A_582 = arith.constant 32 : i32
        %mul3A_583 = arith.muli %add3A_125, %mul3A_582 : i32
        %add3A_584 = arith.constant 23 : i32
        %add3A_585 = arith.addi %mul3A_583, %add3A_584 : i32
        %get3A_586 = arith.index_cast %add3A_585 : i32 to index
        %get3A_587 = arith.constant 32 : index
        %get3A_588 = tpu.vector_load %arg11[%get3A_586, %get3A_587] {strides = array<i32>} : memref<256x128xbf16, #tpu.memory_space<vmem>>, vector<32xbf16>,
        %add3A_589 = arith.addf %add3A_557, %get3A_588 : vector<32xbf16>
        %mul3A_590 = arith.constant 32 : i32
        %mul3A_591 = arith.muli %add3A_125, %mul3A_590 : i32
        %add3A_592 = arith.constant 24 : i32
        %add3A_593 = arith.addi %mul3A_591, %add3A_592 : i32
        %get3A_594 = arith.index_cast %add3A_593 : i32 to index
        %get3A_595 = arith.constant 32 : index
        %get3A_596 = tpu.vector_load %arg11[%get3A_594, %get3A_595] {strides = array<i32>} : memref<256x128xbf16, #tpu.memory_space<vmem>>, vector<32xbf16>,
        %add3A_597 = arith.addf %add3A_565, %get3A_596 : vector<32xbf16>
        %mul3A_598 = arith.constant 32 : i32
        %mul3A_599 = arith.muli %add3A_125, %mul3A_598 : i32
        %add3A_600 = arith.constant 25 : i32
        %add3A_601 = arith.addi %mul3A_599, %add3A_600 : i32
        %get3A_602 = arith.index_cast %add3A_601 : i32 to index
        %get3A_603 = arith.constant 32 : index
        %get3A_604 = tpu.vector_load %arg11[%get3A_602, %get3A_603] {strides = array<i32>} : memref<256x128xbf16, #tpu.memory_space<vmem>>, vector<32xbf16>,
        %add3A_605 = arith.addf %add3A_573, %get3A_604 : vector<32xbf16>
        %mul3A_606 = arith.constant 32 : i32
        %mul3A_607 = arith.muli %add3A_125, %mul3A_606 : i32
        %add3A_608 = arith.constant 26 : i32
        %add3A_609 = arith.addi %mul3A_607, %add3A_608 : i32
        %get3A_610 = arith.index_cast %add3A_609 : i32 to index
        %get3A_611 = arith.constant 32 : index
        %get3A_612 = tpu.vector_load %arg11[%get3A_610, %get3A_611] {strides = array<i32>} : memref<256x128xbf16, #tpu.memory_space<vmem>>, vector<32xbf16>,
        %add3A_613 = arith.addf %add3A_581, %get3A_612 : vector<32xbf16>
        %mul3A_614 = arith.constant 32 : i32
        %mul3A_615 = arith.muli %add3A_125, %mul3A_614 : i32
        %add3A_616 = arith.constant 27 : i32
        %add3A_617 = arith.addi %mul3A_615, %add3A_616 : i32
        %get3A_618 = arith.index_cast %add3A_617 : i32 to index
        %get3A_619 = arith.constant 32 : index
        %get3A_620 = tpu.vector_load %arg11[%get3A_618, %get3A_619] {strides = array<i32>} : memref<256x128xbf16, #tpu.memory_space<vmem>>, vector<32xbf16>,
        %add3A_621 = arith.addf %add3A_589, %get3A_620 : vector<32xbf16>
        %mul3A_622 = arith.constant 32 : i32
        %mul3A_623 = arith.muli %add3A_125, %mul3A_622 : i32
        %add3A_624 = arith.constant 28 : i32
        %add3A_625 = arith.addi %mul3A_623, %add3A_624 : i32
        %get3A_626 = arith.index_cast %add3A_625 : i32 to index
        %get3A_627 = arith.constant 32 : index
        %get3A_628 = tpu.vector_load %arg11[%get3A_626, %get3A_627] {strides = array<i32>} : memref<256x128xbf16, #tpu.memory_space<vmem>>, vector<32xbf16>,
        %add3A_629 = arith.addf %add3A_597, %get3A_628 : vector<32xbf16>
        %mul3A_630 = arith.constant 32 : i32
        %mul3A_631 = arith.muli %add3A_125, %mul3A_630 : i32
        %add3A_632 = arith.constant 29 : i32
        %add3A_633 = arith.addi %mul3A_631, %add3A_632 : i32
        %get3A_634 = arith.index_cast %add3A_633 : i32 to index
        %get3A_635 = arith.constant 32 : index
        %get3A_636 = tpu.vector_load %arg11[%get3A_634, %get3A_635] {strides = array<i32>} : memref<256x128xbf16, #tpu.memory_space<vmem>>, vector<32xbf16>,
        %add3A_637 = arith.addf %add3A_605, %get3A_636 : vector<32xbf16>
        %mul3A_638 = arith.constant 32 : i32
        %mul3A_639 = arith.muli %add3A_125, %mul3A_638 : i32
        %add3A_640 = arith.constant 30 : i32
        %add3A_641 = arith.addi %mul3A_639, %add3A_640 : i32
        %get3A_642 = arith.index_cast %add3A_641 : i32 to index
        %get3A_643 = arith.constant 32 : index
        %get3A_644 = tpu.vector_load %arg11[%get3A_642, %get3A_643] {strides = array<i32>} : memref<256x128xbf16, #tpu.memory_space<vmem>>, vector<32xbf16>,
        %add3A_645 = arith.addf %add3A_613, %get3A_644 : vector<32xbf16>
        %mul3A_646 = arith.constant 32 : i32
        %mul3A_647 = arith.muli %add3A_125, %mul3A_646 : i32
        %add3A_648 = arith.constant 31 : i32
        %add3A_649 = arith.addi %mul3A_647, %add3A_648 : i32
        %get3A_650 = arith.index_cast %add3A_649 : i32 to index
        %get3A_651 = arith.constant 32 : index
        %get3A_652 = tpu.vector_load %arg11[%get3A_650, %get3A_651] {strides = array<i32>} : memref<256x128xbf16, #tpu.memory_space<vmem>>, vector<32xbf16>,
        %add3A_653 = arith.addf %add3A_621, %get3A_652 : vector<32xbf16>
        %add3A_654 = arith.addf %add3A_629, %add3A_637 : vector<32xbf16>
        %add3A_655 = arith.addf %add3A_645, %add3A_653 : vector<32xbf16>
        %add3A_656 = arith.addf %add3A_654, %add3A_655 : vector<32xbf16>
        %unpack3A_657 = tpu.unpack_subelements %add3A_656, 0 {pack_format = #tpu.pack_format<interleaved>} : vector<32xbf16> -> vector<16xf32>
        %unpack3A_658 = tpu.unpack_subelements %add3A_656, 1 {pack_format = #tpu.pack_format<interleaved>} : vector<32xbf16> -> vector<16xf32>
        %get3A_659 = arith.index_cast %add3A_128 : i32 to index
        %get3A_660 = arith.constant 32 : index
        %get3A_661 = tpu.vector_load %arg9[%get3A_659, %get3A_660] {strides = array<i32>} : memref<128x128xf32, #tpu.memory_space<vmem>>, vector<16xf32>,
        %add3A_662 = arith.addf %get3A_661, %unpack3A_657 : vector<16xf32>
        %max3A_663 = arith.constant 0.000000e+00 : f32
        %max3A_664 = vector.broadcast %max3A_663 : f32 to vector<16xf32>
        %max3A_665 = arith.maximumf %add3A_662, %max3A_664 : vector<16xf32>
        %swap3A_666 = arith.index_cast %add3A_128 : i32 to index
        %swap3A_667 = arith.constant 32 : index
        %swap3A_668 = tpu.vector_load %arg14[%swap3A_666, %swap3A_667] {strides = array<i32>} : memref<128x128xf32, #tpu.memory_space<vmem>>, vector<16xf32>,
        tpu.vector_store %arg14[%swap3A_666, %swap3A_667], %max3A_665 {strides = array<i32>} : memref<128x128xf32, #tpu.memory_space<vmem>>, vector<16xf32>,
        %get3A_669 = arith.index_cast %add3A_128 : i32 to index
        %get3A_670 = arith.constant 48 : index
        %get3A_671 = tpu.vector_load %arg9[%get3A_669, %get3A_670] {strides = array<i32>} : memref<128x128xf32, #tpu.memory_space<vmem>>, vector<16xf32>,
        %add3A_672 = arith.addf %get3A_671, %unpack3A_658 : vector<16xf32>
        %max3A_673 = arith.constant 0.000000e+00 : f32
        %max3A_674 = vector.broadcast %max3A_673 : f32 to vector<16xf32>
        %max3A_675 = arith.maximumf %add3A_672, %max3A_674 : vector<16xf32>
        %swap3A_676 = arith.index_cast %add3A_128 : i32 to index
        %swap3A_677 = arith.constant 48 : index
        %swap3A_678 = tpu.vector_load %arg14[%swap3A_676, %swap3A_677] {strides = array<i32>} : memref<128x128xf32, #tpu.memory_space<vmem>>, vector<16xf32>,
        tpu.vector_store %arg14[%swap3A_676, %swap3A_677], %max3A_675 {strides = array<i32>} : memref<128x128xf32, #tpu.memory_space<vmem>>, vector<16xf32>,
        %mul3A_679 = arith.constant 32 : i32
        %mul3A_680 = arith.muli %add3A_125, %mul3A_679 : i32
        %add3A_681 = arith.constant 0 : i32
        %add3A_682 = arith.addi %mul3A_680, %add3A_681 : i32
        %get3A_683 = arith.index_cast %add3A_682 : i32 to index
        %get3A_684 = arith.constant 64 : index
        %get3A_685 = tpu.vector_load %arg11[%get3A_683, %get3A_684] {strides = array<i32>} : memref<256x128xbf16, #tpu.memory_space<vmem>>, vector<32xbf16>,
        %mul3A_686 = arith.constant 32 : i32
        %mul3A_687 = arith.muli %add3A_125, %mul3A_686 : i32
        %add3A_688 = arith.constant 1 : i32
        %add3A_689 = arith.addi %mul3A_687, %add3A_688 : i32
        %get3A_690 = arith.index_cast %add3A_689 : i32 to index
        %get3A_691 = arith.constant 64 : index
        %get3A_692 = tpu.vector_load %arg11[%get3A_690, %get3A_691] {strides = array<i32>} : memref<256x128xbf16, #tpu.memory_space<vmem>>, vector<32xbf16>,
        %mul3A_693 = arith.constant 32 : i32
        %mul3A_694 = arith.muli %add3A_125, %mul3A_693 : i32
        %add3A_695 = arith.constant 2 : i32
        %add3A_696 = arith.addi %mul3A_694, %add3A_695 : i32
        %get3A_697 = arith.index_cast %add3A_696 : i32 to index
        %get3A_698 = arith.constant 64 : index
        %get3A_699 = tpu.vector_load %arg11[%get3A_697, %get3A_698] {strides = array<i32>} : memref<256x128xbf16, #tpu.memory_space<vmem>>, vector<32xbf16>,
        %mul3A_700 = arith.constant 32 : i32
        %mul3A_701 = arith.muli %add3A_125, %mul3A_700 : i32
        %add3A_702 = arith.constant 3 : i32
        %add3A_703 = arith.addi %mul3A_701, %add3A_702 : i32
        %get3A_704 = arith.index_cast %add3A_703 : i32 to index
        %get3A_705 = arith.constant 64 : index
        %get3A_706 = tpu.vector_load %arg11[%get3A_704, %get3A_705] {strides = array<i32>} : memref<256x128xbf16, #tpu.memory_space<vmem>>, vector<32xbf16>,
        %mul3A_707 = arith.constant 32 : i32
        %mul3A_708 = arith.muli %add3A_125, %mul3A_707 : i32
        %add3A_709 = arith.constant 4 : i32
        %add3A_710 = arith.addi %mul3A_708, %add3A_709 : i32
        %get3A_711 = arith.index_cast %add3A_710 : i32 to index
        %get3A_712 = arith.constant 64 : index
        %get3A_713 = tpu.vector_load %arg11[%get3A_711, %get3A_712] {strides = array<i32>} : memref<256x128xbf16, #tpu.memory_space<vmem>>, vector<32xbf16>,
        %add3A_714 = arith.addf %get3A_685, %get3A_713 : vector<32xbf16>
        %mul3A_715 = arith.constant 32 : i32
        %mul3A_716 = arith.muli %add3A_125, %mul3A_715 : i32
        %add3A_717 = arith.constant 5 : i32
        %add3A_718 = arith.addi %mul3A_716, %add3A_717 : i32
        %get3A_719 = arith.index_cast %add3A_718 : i32 to index
        %get3A_720 = arith.constant 64 : index
        %get3A_721 = tpu.vector_load %arg11[%get3A_719, %get3A_720] {strides = array<i32>} : memref<256x128xbf16, #tpu.memory_space<vmem>>, vector<32xbf16>,
        %add3A_722 = arith.addf %get3A_692, %get3A_721 : vector<32xbf16>
        %mul3A_723 = arith.constant 32 : i32
        %mul3A_724 = arith.muli %add3A_125, %mul3A_723 : i32
        %add3A_725 = arith.constant 6 : i32
        %add3A_726 = arith.addi %mul3A_724, %add3A_725 : i32
        %get3A_727 = arith.index_cast %add3A_726 : i32 to index
        %get3A_728 = arith.constant 64 : index
        %get3A_729 = tpu.vector_load %arg11[%get3A_727, %get3A_728] {strides = array<i32>} : memref<256x128xbf16, #tpu.memory_space<vmem>>, vector<32xbf16>,
        %add3A_730 = arith.addf %get3A_699, %get3A_729 : vector<32xbf16>
        %mul3A_731 = arith.constant 32 : i32
        %mul3A_732 = arith.muli %add3A_125, %mul3A_731 : i32
        %add3A_733 = arith.constant 7 : i32
        %add3A_734 = arith.addi %mul3A_732, %add3A_733 : i32
        %get3A_735 = arith.index_cast %add3A_734 : i32 to index
        %get3A_736 = arith.constant 64 : index
        %get3A_737 = tpu.vector_load %arg11[%get3A_735, %get3A_736] {strides = array<i32>} : memref<256x128xbf16, #tpu.memory_space<vmem>>, vector<32xbf16>,
        %add3A_738 = arith.addf %get3A_706, %get3A_737 : vector<32xbf16>
        %mul3A_739 = arith.constant 32 : i32
        %mul3A_740 = arith.muli %add3A_125, %mul3A_739 : i32
        %add3A_741 = arith.constant 8 : i32
        %add3A_742 = arith.addi %mul3A_740, %add3A_741 : i32
        %get3A_743 = arith.index_cast %add3A_742 : i32 to index
        %get3A_744 = arith.constant 64 : index
        %get3A_745 = tpu.vector_load %arg11[%get3A_743, %get3A_744] {strides = array<i32>} : memref<256x128xbf16, #tpu.memory_space<vmem>>, vector<32xbf16>,
        %add3A_746 = arith.addf %add3A_714, %get3A_745 : vector<32xbf16>
        %mul3A_747 = arith.constant 32 : i32
        %mul3A_748 = arith.muli %add3A_125, %mul3A_747 : i32
        %add3A_749 = arith.constant 9 : i32
        %add3A_750 = arith.addi %mul3A_748, %add3A_749 : i32
        %get3A_751 = arith.index_cast %add3A_750 : i32 to index
        %get3A_752 = arith.constant 64 : index
        %get3A_753 = tpu.vector_load %arg11[%get3A_751, %get3A_752] {strides = array<i32>} : memref<256x128xbf16, #tpu.memory_space<vmem>>, vector<32xbf16>,
        %add3A_754 = arith.addf %add3A_722, %get3A_753 : vector<32xbf16>
        %mul3A_755 = arith.constant 32 : i32
        %mul3A_756 = arith.muli %add3A_125, %mul3A_755 : i32
        %add3A_757 = arith.constant 10 : i32
        %add3A_758 = arith.addi %mul3A_756, %add3A_757 : i32
        %get3A_759 = arith.index_cast %add3A_758 : i32 to index
        %get3A_760 = arith.constant 64 : index
        %get3A_761 = tpu.vector_load %arg11[%get3A_759, %get3A_760] {strides = array<i32>} : memref<256x128xbf16, #tpu.memory_space<vmem>>, vector<32xbf16>,
        %add3A_762 = arith.addf %add3A_730, %get3A_761 : vector<32xbf16>
        %mul3A_763 = arith.constant 32 : i32
        %mul3A_764 = arith.muli %add3A_125, %mul3A_763 : i32
        %add3A_765 = arith.constant 11 : i32
        %add3A_766 = arith.addi %mul3A_764, %add3A_765 : i32
        %get3A_767 = arith.index_cast %add3A_766 : i32 to index
        %get3A_768 = arith.constant 64 : index
        %get3A_769 = tpu.vector_load %arg11[%get3A_767, %get3A_768] {strides = array<i32>} : memref<256x128xbf16, #tpu.memory_space<vmem>>, vector<32xbf16>,
        %add3A_770 = arith.addf %add3A_738, %get3A_769 : vector<32xbf16>
        %mul3A_771 = arith.constant 32 : i32
        %mul3A_772 = arith.muli %add3A_125, %mul3A_771 : i32
        %add3A_773 = arith.constant 12 : i32
        %add3A_774 = arith.addi %mul3A_772, %add3A_773 : i32
        %get3A_775 = arith.index_cast %add3A_774 : i32 to index
        %get3A_776 = arith.constant 64 : index
        %get3A_777 = tpu.vector_load %arg11[%get3A_775, %get3A_776] {strides = array<i32>} : memref<256x128xbf16, #tpu.memory_space<vmem>>, vector<32xbf16>,
        %add3A_778 = arith.addf %add3A_746, %get3A_777 : vector<32xbf16>
        %mul3A_779 = arith.constant 32 : i32
        %mul3A_780 = arith.muli %add3A_125, %mul3A_779 : i32
        %add3A_781 = arith.constant 13 : i32
        %add3A_782 = arith.addi %mul3A_780, %add3A_781 : i32
        %get3A_783 = arith.index_cast %add3A_782 : i32 to index
        %get3A_784 = arith.constant 64 : index
        %get3A_785 = tpu.vector_load %arg11[%get3A_783, %get3A_784] {strides = array<i32>} : memref<256x128xbf16, #tpu.memory_space<vmem>>, vector<32xbf16>,
        %add3A_786 = arith.addf %add3A_754, %get3A_785 : vector<32xbf16>
        %mul3A_787 = arith.constant 32 : i32
        %mul3A_788 = arith.muli %add3A_125, %mul3A_787 : i32
        %add3A_789 = arith.constant 14 : i32
        %add3A_790 = arith.addi %mul3A_788, %add3A_789 : i32
        %get3A_791 = arith.index_cast %add3A_790 : i32 to index
        %get3A_792 = arith.constant 64 : index
        %get3A_793 = tpu.vector_load %arg11[%get3A_791, %get3A_792] {strides = array<i32>} : memref<256x128xbf16, #tpu.memory_space<vmem>>, vector<32xbf16>,
        %add3A_794 = arith.addf %add3A_762, %get3A_793 : vector<32xbf16>
        %mul3A_795 = arith.constant 32 : i32
        %mul3A_796 = arith.muli %add3A_125, %mul3A_795 : i32
        %add3A_797 = arith.constant 15 : i32
        %add3A_798 = arith.addi %mul3A_796, %add3A_797 : i32
        %get3A_799 = arith.index_cast %add3A_798 : i32 to index
        %get3A_800 = arith.constant 64 : index
        %get3A_801 = tpu.vector_load %arg11[%get3A_799, %get3A_800] {strides = array<i32>} : memref<256x128xbf16, #tpu.memory_space<vmem>>, vector<32xbf16>,
        %add3A_802 = arith.addf %add3A_770, %get3A_801 : vector<32xbf16>
        %mul3A_803 = arith.constant 32 : i32
        %mul3A_804 = arith.muli %add3A_125, %mul3A_803 : i32
        %add3A_805 = arith.constant 16 : i32
        %add3A_806 = arith.addi %mul3A_804, %add3A_805 : i32
        %get3A_807 = arith.index_cast %add3A_806 : i32 to index
        %get3A_808 = arith.constant 64 : index
        %get3A_809 = tpu.vector_load %arg11[%get3A_807, %get3A_808] {strides = array<i32>} : memref<256x128xbf16, #tpu.memory_space<vmem>>, vector<32xbf16>,
        %add3A_810 = arith.addf %add3A_778, %get3A_809 : vector<32xbf16>
        %mul3A_811 = arith.constant 32 : i32
        %mul3A_812 = arith.muli %add3A_125, %mul3A_811 : i32
        %add3A_813 = arith.constant 17 : i32
        %add3A_814 = arith.addi %mul3A_812, %add3A_813 : i32
        %get3A_815 = arith.index_cast %add3A_814 : i32 to index
        %get3A_816 = arith.constant 64 : index
        %get3A_817 = tpu.vector_load %arg11[%get3A_815, %get3A_816] {strides = array<i32>} : memref<256x128xbf16, #tpu.memory_space<vmem>>, vector<32xbf16>,
        %add3A_818 = arith.addf %add3A_786, %get3A_817 : vector<32xbf16>
        %mul3A_819 = arith.constant 32 : i32
        %mul3A_820 = arith.muli %add3A_125, %mul3A_819 : i32
        %add3A_821 = arith.constant 18 : i32
        %add3A_822 = arith.addi %mul3A_820, %add3A_821 : i32
        %get3A_823 = arith.index_cast %add3A_822 : i32 to index
        %get3A_824 = arith.constant 64 : index
        %get3A_825 = tpu.vector_load %arg11[%get3A_823, %get3A_824] {strides = array<i32>} : memref<256x128xbf16, #tpu.memory_space<vmem>>, vector<32xbf16>,
        %add3A_826 = arith.addf %add3A_794, %get3A_825 : vector<32xbf16>
        %mul3A_827 = arith.constant 32 : i32
        %mul3A_828 = arith.muli %add3A_125, %mul3A_827 : i32
        %add3A_829 = arith.constant 19 : i32
        %add3A_830 = arith.addi %mul3A_828, %add3A_829 : i32
        %get3A_831 = arith.index_cast %add3A_830 : i32 to index
        %get3A_832 = arith.constant 64 : index
        %get3A_833 = tpu.vector_load %arg11[%get3A_831, %get3A_832] {strides = array<i32>} : memref<256x128xbf16, #tpu.memory_space<vmem>>, vector<32xbf16>,
        %add3A_834 = arith.addf %add3A_802, %get3A_833 : vector<32xbf16>
        %mul3A_835 = arith.constant 32 : i32
        %mul3A_836 = arith.muli %add3A_125, %mul3A_835 : i32
        %add3A_837 = arith.constant 20 : i32
        %add3A_838 = arith.addi %mul3A_836, %add3A_837 : i32
        %get3A_839 = arith.index_cast %add3A_838 : i32 to index
        %get3A_840 = arith.constant 64 : index
        %get3A_841 = tpu.vector_load %arg11[%get3A_839, %get3A_840] {strides = array<i32>} : memref<256x128xbf16, #tpu.memory_space<vmem>>, vector<32xbf16>,
        %add3A_842 = arith.addf %add3A_810, %get3A_841 : vector<32xbf16>
        %mul3A_843 = arith.constant 32 : i32
        %mul3A_844 = arith.muli %add3A_125, %mul3A_843 : i32
        %add3A_845 = arith.constant 21 : i32
        %add3A_846 = arith.addi %mul3A_844, %add3A_845 : i32
        %get3A_847 = arith.index_cast %add3A_846 : i32 to index
        %get3A_848 = arith.constant 64 : index
        %get3A_849 = tpu.vector_load %arg11[%get3A_847, %get3A_848] {strides = array<i32>} : memref<256x128xbf16, #tpu.memory_space<vmem>>, vector<32xbf16>,
        %add3A_850 = arith.addf %add3A_818, %get3A_849 : vector<32xbf16>
        %mul3A_851 = arith.constant 32 : i32
        %mul3A_852 = arith.muli %add3A_125, %mul3A_851 : i32
        %add3A_853 = arith.constant 22 : i32
        %add3A_854 = arith.addi %mul3A_852, %add3A_853 : i32
        %get3A_855 = arith.index_cast %add3A_854 : i32 to index
        %get3A_856 = arith.constant 64 : index
        %get3A_857 = tpu.vector_load %arg11[%get3A_855, %get3A_856] {strides = array<i32>} : memref<256x128xbf16, #tpu.memory_space<vmem>>, vector<32xbf16>,
        %add3A_858 = arith.addf %add3A_826, %get3A_857 : vector<32xbf16>
        %mul3A_859 = arith.constant 32 : i32
        %mul3A_860 = arith.muli %add3A_125, %mul3A_859 : i32
        %add3A_861 = arith.constant 23 : i32
        %add3A_862 = arith.addi %mul3A_860, %add3A_861 : i32
        %get3A_863 = arith.index_cast %add3A_862 : i32 to index
        %get3A_864 = arith.constant 64 : index
        %get3A_865 = tpu.vector_load %arg11[%get3A_863, %get3A_864] {strides = array<i32>} : memref<256x128xbf16, #tpu.memory_space<vmem>>, vector<32xbf16>,
        %add3A_866 = arith.addf %add3A_834, %get3A_865 : vector<32xbf16>
        %mul3A_867 = arith.constant 32 : i32
        %mul3A_868 = arith.muli %add3A_125, %mul3A_867 : i32
        %add3A_869 = arith.constant 24 : i32
        %add3A_870 = arith.addi %mul3A_868, %add3A_869 : i32
        %get3A_871 = arith.index_cast %add3A_870 : i32 to index
        %get3A_872 = arith.constant 64 : index
        %get3A_873 = tpu.vector_load %arg11[%get3A_871, %get3A_872] {strides = array<i32>} : memref<256x128xbf16, #tpu.memory_space<vmem>>, vector<32xbf16>,
        %add3A_874 = arith.addf %add3A_842, %get3A_873 : vector<32xbf16>
        %mul3A_875 = arith.constant 32 : i32
        %mul3A_876 = arith.muli %add3A_125, %mul3A_875 : i32
        %add3A_877 = arith.constant 25 : i32
        %add3A_878 = arith.addi %mul3A_876, %add3A_877 : i32
        %get3A_879 = arith.index_cast %add3A_878 : i32 to index
        %get3A_880 = arith.constant 64 : index
        %get3A_881 = tpu.vector_load %arg11[%get3A_879, %get3A_880] {strides = array<i32>} : memref<256x128xbf16, #tpu.memory_space<vmem>>, vector<32xbf16>,
        %add3A_882 = arith.addf %add3A_850, %get3A_881 : vector<32xbf16>
        %mul3A_883 = arith.constant 32 : i32
        %mul3A_884 = arith.muli %add3A_125, %mul3A_883 : i32
        %add3A_885 = arith.constant 26 : i32
        %add3A_886 = arith.addi %mul3A_884, %add3A_885 : i32
        %get3A_887 = arith.index_cast %add3A_886 : i32 to index
        %get3A_888 = arith.constant 64 : index
        %get3A_889 = tpu.vector_load %arg11[%get3A_887, %get3A_888] {strides = array<i32>} : memref<256x128xbf16, #tpu.memory_space<vmem>>, vector<32xbf16>,
        %add3A_890 = arith.addf %add3A_858, %get3A_889 : vector<32xbf16>
        %mul3A_891 = arith.constant 32 : i32
        %mul3A_892 = arith.muli %add3A_125, %mul3A_891 : i32
        %add3A_893 = arith.constant 27 : i32
        %add3A_894 = arith.addi %mul3A_892, %add3A_893 : i32
        %get3A_895 = arith.index_cast %add3A_894 : i32 to index
        %get3A_896 = arith.constant 64 : index
        %get3A_897 = tpu.vector_load %arg11[%get3A_895, %get3A_896] {strides = array<i32>} : memref<256x128xbf16, #tpu.memory_space<vmem>>, vector<32xbf16>,
        %add3A_898 = arith.addf %add3A_866, %get3A_897 : vector<32xbf16>
        %mul3A_899 = arith.constant 32 : i32
        %mul3A_900 = arith.muli %add3A_125, %mul3A_899 : i32
        %add3A_901 = arith.constant 28 : i32
        %add3A_902 = arith.addi %mul3A_900, %add3A_901 : i32
        %get3A_903 = arith.index_cast %add3A_902 : i32 to index
        %get3A_904 = arith.constant 64 : index
        %get3A_905 = tpu.vector_load %arg11[%get3A_903, %get3A_904] {strides = array<i32>} : memref<256x128xbf16, #tpu.memory_space<vmem>>, vector<32xbf16>,
        %add3A_906 = arith.addf %add3A_874, %get3A_905 : vector<32xbf16>
        %mul3A_907 = arith.constant 32 : i32
        %mul3A_908 = arith.muli %add3A_125, %mul3A_907 : i32
        %add3A_909 = arith.constant 29 : i32
        %add3A_910 = arith.addi %mul3A_908, %add3A_909 : i32
        %get3A_911 = arith.index_cast %add3A_910 : i32 to index
        %get3A_912 = arith.constant 64 : index
        %get3A_913 = tpu.vector_load %arg11[%get3A_911, %get3A_912] {strides = array<i32>} : memref<256x128xbf16, #tpu.memory_space<vmem>>, vector<32xbf16>,
        %add3A_914 = arith.addf %add3A_882, %get3A_913 : vector<32xbf16>
        %mul3A_915 = arith.constant 32 : i32
        %mul3A_916 = arith.muli %add3A_125, %mul3A_915 : i32
        %add3A_917 = arith.constant 30 : i32
        %add3A_918 = arith.addi %mul3A_916, %add3A_917 : i32
        %get3A_919 = arith.index_cast %add3A_918 : i32 to index
        %get3A_920 = arith.constant 64 : index
        %get3A_921 = tpu.vector_load %arg11[%get3A_919, %get3A_920] {strides = array<i32>} : memref<256x128xbf16, #tpu.memory_space<vmem>>, vector<32xbf16>,
        %add3A_922 = arith.addf %add3A_890, %get3A_921 : vector<32xbf16>
        %mul3A_923 = arith.constant 32 : i32
        %mul3A_924 = arith.muli %add3A_125, %mul3A_923 : i32
        %add3A_925 = arith.constant 31 : i32
        %add3A_926 = arith.addi %mul3A_924, %add3A_925 : i32
        %get3A_927 = arith.index_cast %add3A_926 : i32 to index
        %get3A_928 = arith.constant 64 : index
        %get3A_929 = tpu.vector_load %arg11[%get3A_927, %get3A_928] {strides = array<i32>} : memref<256x128xbf16, #tpu.memory_space<vmem>>, vector<32xbf16>,
        %add3A_930 = arith.addf %add3A_898, %get3A_929 : vector<32xbf16>
        %add3A_931 = arith.addf %add3A_906, %add3A_914 : vector<32xbf16>
        %add3A_932 = arith.addf %add3A_922, %add3A_930 : vector<32xbf16>
        %add3A_933 = arith.addf %add3A_931, %add3A_932 : vector<32xbf16>
        %unpack3A_934 = tpu.unpack_subelements %add3A_933, 0 {pack_format = #tpu.pack_format<interleaved>} : vector<32xbf16> -> vector<16xf32>
        %unpack3A_935 = tpu.unpack_subelements %add3A_933, 1 {pack_format = #tpu.pack_format<interleaved>} : vector<32xbf16> -> vector<16xf32>
        %get3A_936 = arith.index_cast %add3A_128 : i32 to index
        %get3A_937 = arith.constant 64 : index
        %get3A_938 = tpu.vector_load %arg9[%get3A_936, %get3A_937] {strides = array<i32>} : memref<128x128xf32, #tpu.memory_space<vmem>>, vector<16xf32>,
        %add3A_939 = arith.addf %get3A_938, %unpack3A_934 : vector<16xf32>
        %max3A_940 = arith.constant 0.000000e+00 : f32
        %max3A_941 = vector.broadcast %max3A_940 : f32 to vector<16xf32>
        %max3A_942 = arith.maximumf %add3A_939, %max3A_941 : vector<16xf32>
        %swap3A_943 = arith.index_cast %add3A_128 : i32 to index
        %swap3A_944 = arith.constant 64 : index
        %swap3A_945 = tpu.vector_load %arg14[%swap3A_943, %swap3A_944] {strides = array<i32>} : memref<128x128xf32, #tpu.memory_space<vmem>>, vector<16xf32>,
        tpu.vector_store %arg14[%swap3A_943, %swap3A_944], %max3A_942 {strides = array<i32>} : memref<128x128xf32, #tpu.memory_space<vmem>>, vector<16xf32>,
        %get3A_946 = arith.index_cast %add3A_128 : i32 to index
        %get3A_947 = arith.constant 80 : index
        %get3A_948 = tpu.vector_load %arg9[%get3A_946, %get3A_947] {strides = array<i32>} : memref<128x128xf32, #tpu.memory_space<vmem>>, vector<16xf32>,
        %add3A_949 = arith.addf %get3A_948, %unpack3A_935 : vector<16xf32>
        %max3A_950 = arith.constant 0.000000e+00 : f32
        %max3A_951 = vector.broadcast %max3A_950 : f32 to vector<16xf32>
        %max3A_952 = arith.maximumf %add3A_949, %max3A_951 : vector<16xf32>
        %swap3A_953 = arith.index_cast %add3A_128 : i32 to index
        %swap3A_954 = arith.constant 80 : index
        %swap3A_955 = tpu.vector_load %arg14[%swap3A_953, %swap3A_954] {strides = array<i32>} : memref<128x128xf32, #tpu.memory_space<vmem>>, vector<16xf32>,
        tpu.vector_store %arg14[%swap3A_953, %swap3A_954], %max3A_952 {strides = array<i32>} : memref<128x128xf32, #tpu.memory_space<vmem>>, vector<16xf32>,
        %mul3A_956 = arith.constant 32 : i32
        %mul3A_957 = arith.muli %add3A_125, %mul3A_956 : i32
        %add3A_958 = arith.constant 0 : i32
        %add3A_959 = arith.addi %mul3A_957, %add3A_958 : i32
        %get3A_960 = arith.index_cast %add3A_959 : i32 to index
        %get3A_961 = arith.constant 96 : index
        %get3A_962 = tpu.vector_load %arg11[%get3A_960, %get3A_961] {strides = array<i32>} : memref<256x128xbf16, #tpu.memory_space<vmem>>, vector<32xbf16>,
        %mul3A_963 = arith.constant 32 : i32
        %mul3A_964 = arith.muli %add3A_125, %mul3A_963 : i32
        %add3A_965 = arith.constant 1 : i32
        %add3A_966 = arith.addi %mul3A_964, %add3A_965 : i32
        %get3A_967 = arith.index_cast %add3A_966 : i32 to index
        %get3A_968 = arith.constant 96 : index
        %get3A_969 = tpu.vector_load %arg11[%get3A_967, %get3A_968] {strides = array<i32>} : memref<256x128xbf16, #tpu.memory_space<vmem>>, vector<32xbf16>,
        %mul3A_970 = arith.constant 32 : i32
        %mul3A_971 = arith.muli %add3A_125, %mul3A_970 : i32
        %add3A_972 = arith.constant 2 : i32
        %add3A_973 = arith.addi %mul3A_971, %add3A_972 : i32
        %get3A_974 = arith.index_cast %add3A_973 : i32 to index
        %get3A_975 = arith.constant 96 : index
        %get3A_976 = tpu.vector_load %arg11[%get3A_974, %get3A_975] {strides = array<i32>} : memref<256x128xbf16, #tpu.memory_space<vmem>>, vector<32xbf16>,
        %mul3A_977 = arith.constant 32 : i32
        %mul3A_978 = arith.muli %add3A_125, %mul3A_977 : i32
        %add3A_979 = arith.constant 3 : i32
        %add3A_980 = arith.addi %mul3A_978, %add3A_979 : i32
        %get3A_981 = arith.index_cast %add3A_980 : i32 to index
        %get3A_982 = arith.constant 96 : index
        %get3A_983 = tpu.vector_load %arg11[%get3A_981, %get3A_982] {strides = array<i32>} : memref<256x128xbf16, #tpu.memory_space<vmem>>, vector<32xbf16>,
        %mul3A_984 = arith.constant 32 : i32
        %mul3A_985 = arith.muli %add3A_125, %mul3A_984 : i32
        %add3A_986 = arith.constant 4 : i32
        %add3A_987 = arith.addi %mul3A_985, %add3A_986 : i32
        %get3A_988 = arith.index_cast %add3A_987 : i32 to index
        %get3A_989 = arith.constant 96 : index
        %get3A_990 = tpu.vector_load %arg11[%get3A_988, %get3A_989] {strides = array<i32>} : memref<256x128xbf16, #tpu.memory_space<vmem>>, vector<32xbf16>,
        %add3A_991 = arith.addf %get3A_962, %get3A_990 : vector<32xbf16>
        %mul3A_992 = arith.constant 32 : i32
        %mul3A_993 = arith.muli %add3A_125, %mul3A_992 : i32
        %add3A_994 = arith.constant 5 : i32
        %add3A_995 = arith.addi %mul3A_993, %add3A_994 : i32
        %get3A_996 = arith.index_cast %add3A_995 : i32 to index
        %get3A_997 = arith.constant 96 : index
        %get3A_998 = tpu.vector_load %arg11[%get3A_996, %get3A_997] {strides = array<i32>} : memref<256x128xbf16, #tpu.memory_space<vmem>>, vector<32xbf16>,
        %add3A_999 = arith.addf %get3A_969, %get3A_998 : vector<32xbf16>
        %mul3A_1000 = arith.constant 32 : i32
        %mul3A_1001 = arith.muli %add3A_125, %mul3A_1000 : i32
        %add3A_1002 = arith.constant 6 : i32
        %add3A_1003 = arith.addi %mul3A_1001, %add3A_1002 : i32
        %get3A_1004 = arith.index_cast %add3A_1003 : i32 to index
        %get3A_1005 = arith.constant 96 : index
        %get3A_1006 = tpu.vector_load %arg11[%get3A_1004, %get3A_1005] {strides = array<i32>} : memref<256x128xbf16, #tpu.memory_space<vmem>>, vector<32xbf16>,
        %add3A_1007 = arith.addf %get3A_976, %get3A_1006 : vector<32xbf16>
        %mul3A_1008 = arith.constant 32 : i32
        %mul3A_1009 = arith.muli %add3A_125, %mul3A_1008 : i32
        %add3A_1010 = arith.constant 7 : i32
        %add3A_1011 = arith.addi %mul3A_1009, %add3A_1010 : i32
        %get3A_1012 = arith.index_cast %add3A_1011 : i32 to index
        %get3A_1013 = arith.constant 96 : index
        %get3A_1014 = tpu.vector_load %arg11[%get3A_1012, %get3A_1013] {strides = array<i32>} : memref<256x128xbf16, #tpu.memory_space<vmem>>, vector<32xbf16>,
        %add3A_1015 = arith.addf %get3A_983, %get3A_1014 : vector<32xbf16>
        %mul3A_1016 = arith.constant 32 : i32
        %mul3A_1017 = arith.muli %add3A_125, %mul3A_1016 : i32
        %add3A_1018 = arith.constant 8 : i32
        %add3A_1019 = arith.addi %mul3A_1017, %add3A_1018 : i32
        %get3A_1020 = arith.index_cast %add3A_1019 : i32 to index
        %get3A_1021 = arith.constant 96 : index
        %get3A_1022 = tpu.vector_load %arg11[%get3A_1020, %get3A_1021] {strides = array<i32>} : memref<256x128xbf16, #tpu.memory_space<vmem>>, vector<32xbf16>,
        %add3A_1023 = arith.addf %add3A_991, %get3A_1022 : vector<32xbf16>
        %mul3A_1024 = arith.constant 32 : i32
        %mul3A_1025 = arith.muli %add3A_125, %mul3A_1024 : i32
        %add3A_1026 = arith.constant 9 : i32
        %add3A_1027 = arith.addi %mul3A_1025, %add3A_1026 : i32
        %get3A_1028 = arith.index_cast %add3A_1027 : i32 to index
        %get3A_1029 = arith.constant 96 : index
        %get3A_1030 = tpu.vector_load %arg11[%get3A_1028, %get3A_1029] {strides = array<i32>} : memref<256x128xbf16, #tpu.memory_space<vmem>>, vector<32xbf16>,
        %add3A_1031 = arith.addf %add3A_999, %get3A_1030 : vector<32xbf16>
        %mul3A_1032 = arith.constant 32 : i32
        %mul3A_1033 = arith.muli %add3A_125, %mul3A_1032 : i32
        %add3A_1034 = arith.constant 10 : i32
        %add3A_1035 = arith.addi %mul3A_1033, %add3A_1034 : i32
        %get3A_1036 = arith.index_cast %add3A_1035 : i32 to index
        %get3A_1037 = arith.constant 96 : index
        %get3A_1038 = tpu.vector_load %arg11[%get3A_1036, %get3A_1037] {strides = array<i32>} : memref<256x128xbf16, #tpu.memory_space<vmem>>, vector<32xbf16>,
        %add3A_1039 = arith.addf %add3A_1007, %get3A_1038 : vector<32xbf16>
        %mul3A_1040 = arith.constant 32 : i32
        %mul3A_1041 = arith.muli %add3A_125, %mul3A_1040 : i32
        %add3A_1042 = arith.constant 11 : i32
        %add3A_1043 = arith.addi %mul3A_1041, %add3A_1042 : i32
        %get3A_1044 = arith.index_cast %add3A_1043 : i32 to index
        %get3A_1045 = arith.constant 96 : index
        %get3A_1046 = tpu.vector_load %arg11[%get3A_1044, %get3A_1045] {strides = array<i32>} : memref<256x128xbf16, #tpu.memory_space<vmem>>, vector<32xbf16>,
        %add3A_1047 = arith.addf %add3A_1015, %get3A_1046 : vector<32xbf16>
        %mul3A_1048 = arith.constant 32 : i32
        %mul3A_1049 = arith.muli %add3A_125, %mul3A_1048 : i32
        %add3A_1050 = arith.constant 12 : i32
        %add3A_1051 = arith.addi %mul3A_1049, %add3A_1050 : i32
        %get3A_1052 = arith.index_cast %add3A_1051 : i32 to index
        %get3A_1053 = arith.constant 96 : index
        %get3A_1054 = tpu.vector_load %arg11[%get3A_1052, %get3A_1053] {strides = array<i32>} : memref<256x128xbf16, #tpu.memory_space<vmem>>, vector<32xbf16>,
        %add3A_1055 = arith.addf %add3A_1023, %get3A_1054 : vector<32xbf16>
        %mul3A_1056 = arith.constant 32 : i32
        %mul3A_1057 = arith.muli %add3A_125, %mul3A_1056 : i32
        %add3A_1058 = arith.constant 13 : i32
        %add3A_1059 = arith.addi %mul3A_1057, %add3A_1058 : i32
        %get3A_1060 = arith.index_cast %add3A_1059 : i32 to index
        %get3A_1061 = arith.constant 96 : index
        %get3A_1062 = tpu.vector_load %arg11[%get3A_1060, %get3A_1061] {strides = array<i32>} : memref<256x128xbf16, #tpu.memory_space<vmem>>, vector<32xbf16>,
        %add3A_1063 = arith.addf %add3A_1031, %get3A_1062 : vector<32xbf16>
        %mul3A_1064 = arith.constant 32 : i32
        %mul3A_1065 = arith.muli %add3A_125, %mul3A_1064 : i32
        %add3A_1066 = arith.constant 14 : i32
        %add3A_1067 = arith.addi %mul3A_1065, %add3A_1066 : i32
        %get3A_1068 = arith.index_cast %add3A_1067 : i32 to index
        %get3A_1069 = arith.constant 96 : index
        %get3A_1070 = tpu.vector_load %arg11[%get3A_1068, %get3A_1069] {strides = array<i32>} : memref<256x128xbf16, #tpu.memory_space<vmem>>, vector<32xbf16>,
        %add3A_1071 = arith.addf %add3A_1039, %get3A_1070 : vector<32xbf16>
        %mul3A_1072 = arith.constant 32 : i32
        %mul3A_1073 = arith.muli %add3A_125, %mul3A_1072 : i32
        %add3A_1074 = arith.constant 15 : i32
        %add3A_1075 = arith.addi %mul3A_1073, %add3A_1074 : i32
        %get3A_1076 = arith.index_cast %add3A_1075 : i32 to index
        %get3A_1077 = arith.constant 96 : index
        %get3A_1078 = tpu.vector_load %arg11[%get3A_1076, %get3A_1077] {strides = array<i32>} : memref<256x128xbf16, #tpu.memory_space<vmem>>, vector<32xbf16>,
        %add3A_1079 = arith.addf %add3A_1047, %get3A_1078 : vector<32xbf16>
        %mul3A_1080 = arith.constant 32 : i32
        %mul3A_1081 = arith.muli %add3A_125, %mul3A_1080 : i32
        %add3A_1082 = arith.constant 16 : i32
        %add3A_1083 = arith.addi %mul3A_1081, %add3A_1082 : i32
        %get3A_1084 = arith.index_cast %add3A_1083 : i32 to index
        %get3A_1085 = arith.constant 96 : index
        %get3A_1086 = tpu.vector_load %arg11[%get3A_1084, %get3A_1085] {strides = array<i32>} : memref<256x128xbf16, #tpu.memory_space<vmem>>, vector<32xbf16>,
        %add3A_1087 = arith.addf %add3A_1055, %get3A_1086 : vector<32xbf16>
        %mul3A_1088 = arith.constant 32 : i32
        %mul3A_1089 = arith.muli %add3A_125, %mul3A_1088 : i32
        %add3A_1090 = arith.constant 17 : i32
        %add3A_1091 = arith.addi %mul3A_1089, %add3A_1090 : i32
        %get3A_1092 = arith.index_cast %add3A_1091 : i32 to index
        %get3A_1093 = arith.constant 96 : index
        %get3A_1094 = tpu.vector_load %arg11[%get3A_1092, %get3A_1093] {strides = array<i32>} : memref<256x128xbf16, #tpu.memory_space<vmem>>, vector<32xbf16>,
        %add3A_1095 = arith.addf %add3A_1063, %get3A_1094 : vector<32xbf16>
        %mul3A_1096 = arith.constant 32 : i32
        %mul3A_1097 = arith.muli %add3A_125, %mul3A_1096 : i32
        %add3A_1098 = arith.constant 18 : i32
        %add3A_1099 = arith.addi %mul3A_1097, %add3A_1098 : i32
        %get3A_1100 = arith.index_cast %add3A_1099 : i32 to index
        %get3A_1101 = arith.constant 96 : index
        %get3A_1102 = tpu.vector_load %arg11[%get3A_1100, %get3A_1101] {strides = array<i32>} : memref<256x128xbf16, #tpu.memory_space<vmem>>, vector<32xbf16>,
        %add3A_1103 = arith.addf %add3A_1071, %get3A_1102 : vector<32xbf16>
        %mul3A_1104 = arith.constant 32 : i32
        %mul3A_1105 = arith.muli %add3A_125, %mul3A_1104 : i32
        %add3A_1106 = arith.constant 19 : i32
        %add3A_1107 = arith.addi %mul3A_1105, %add3A_1106 : i32
        %get3A_1108 = arith.index_cast %add3A_1107 : i32 to index
        %get3A_1109 = arith.constant 96 : index
        %get3A_1110 = tpu.vector_load %arg11[%get3A_1108, %get3A_1109] {strides = array<i32>} : memref<256x128xbf16, #tpu.memory_space<vmem>>, vector<32xbf16>,
        %add3A_1111 = arith.addf %add3A_1079, %get3A_1110 : vector<32xbf16>
        %mul3A_1112 = arith.constant 32 : i32
        %mul3A_1113 = arith.muli %add3A_125, %mul3A_1112 : i32
        %add3A_1114 = arith.constant 20 : i32
        %add3A_1115 = arith.addi %mul3A_1113, %add3A_1114 : i32
        %get3A_1116 = arith.index_cast %add3A_1115 : i32 to index
        %get3A_1117 = arith.constant 96 : index
        %get3A_1118 = tpu.vector_load %arg11[%get3A_1116, %get3A_1117] {strides = array<i32>} : memref<256x128xbf16, #tpu.memory_space<vmem>>, vector<32xbf16>,
        %add3A_1119 = arith.addf %add3A_1087, %get3A_1118 : vector<32xbf16>
        %mul3A_1120 = arith.constant 32 : i32
        %mul3A_1121 = arith.muli %add3A_125, %mul3A_1120 : i32
        %add3A_1122 = arith.constant 21 : i32
        %add3A_1123 = arith.addi %mul3A_1121, %add3A_1122 : i32
        %get3A_1124 = arith.index_cast %add3A_1123 : i32 to index
        %get3A_1125 = arith.constant 96 : index
        %get3A_1126 = tpu.vector_load %arg11[%get3A_1124, %get3A_1125] {strides = array<i32>} : memref<256x128xbf16, #tpu.memory_space<vmem>>, vector<32xbf16>,
        %add3A_1127 = arith.addf %add3A_1095, %get3A_1126 : vector<32xbf16>
        %mul3A_1128 = arith.constant 32 : i32
        %mul3A_1129 = arith.muli %add3A_125, %mul3A_1128 : i32
        %add3A_1130 = arith.constant 22 : i32
        %add3A_1131 = arith.addi %mul3A_1129, %add3A_1130 : i32
        %get3A_1132 = arith.index_cast %add3A_1131 : i32 to index
        %get3A_1133 = arith.constant 96 : index
        %get3A_1134 = tpu.vector_load %arg11[%get3A_1132, %get3A_1133] {strides = array<i32>} : memref<256x128xbf16, #tpu.memory_space<vmem>>, vector<32xbf16>,
        %add3A_1135 = arith.addf %add3A_1103, %get3A_1134 : vector<32xbf16>
        %mul3A_1136 = arith.constant 32 : i32
        %mul3A_1137 = arith.muli %add3A_125, %mul3A_1136 : i32
        %add3A_1138 = arith.constant 23 : i32
        %add3A_1139 = arith.addi %mul3A_1137, %add3A_1138 : i32
        %get3A_1140 = arith.index_cast %add3A_1139 : i32 to index
        %get3A_1141 = arith.constant 96 : index
        %get3A_1142 = tpu.vector_load %arg11[%get3A_1140, %get3A_1141] {strides = array<i32>} : memref<256x128xbf16, #tpu.memory_space<vmem>>, vector<32xbf16>,
        %add3A_1143 = arith.addf %add3A_1111, %get3A_1142 : vector<32xbf16>
        %mul3A_1144 = arith.constant 32 : i32
        %mul3A_1145 = arith.muli %add3A_125, %mul3A_1144 : i32
        %add3A_1146 = arith.constant 24 : i32
        %add3A_1147 = arith.addi %mul3A_1145, %add3A_1146 : i32
        %get3A_1148 = arith.index_cast %add3A_1147 : i32 to index
        %get3A_1149 = arith.constant 96 : index
        %get3A_1150 = tpu.vector_load %arg11[%get3A_1148, %get3A_1149] {strides = array<i32>} : memref<256x128xbf16, #tpu.memory_space<vmem>>, vector<32xbf16>,
        %add3A_1151 = arith.addf %add3A_1119, %get3A_1150 : vector<32xbf16>
        %mul3A_1152 = arith.constant 32 : i32
        %mul3A_1153 = arith.muli %add3A_125, %mul3A_1152 : i32
        %add3A_1154 = arith.constant 25 : i32
        %add3A_1155 = arith.addi %mul3A_1153, %add3A_1154 : i32
        %get3A_1156 = arith.index_cast %add3A_1155 : i32 to index
        %get3A_1157 = arith.constant 96 : index
        %get3A_1158 = tpu.vector_load %arg11[%get3A_1156, %get3A_1157] {strides = array<i32>} : memref<256x128xbf16, #tpu.memory_space<vmem>>, vector<32xbf16>,
        %add3A_1159 = arith.addf %add3A_1127, %get3A_1158 : vector<32xbf16>
        %mul3A_1160 = arith.constant 32 : i32
        %mul3A_1161 = arith.muli %add3A_125, %mul3A_1160 : i32
        %add3A_1162 = arith.constant 26 : i32
        %add3A_1163 = arith.addi %mul3A_1161, %add3A_1162 : i32
        %get3A_1164 = arith.index_cast %add3A_1163 : i32 to index
        %get3A_1165 = arith.constant 96 : index
        %get3A_1166 = tpu.vector_load %arg11[%get3A_1164, %get3A_1165] {strides = array<i32>} : memref<256x128xbf16, #tpu.memory_space<vmem>>, vector<32xbf16>,
        %add3A_1167 = arith.addf %add3A_1135, %get3A_1166 : vector<32xbf16>
        %mul3A_1168 = arith.constant 32 : i32
        %mul3A_1169 = arith.muli %add3A_125, %mul3A_1168 : i32
        %add3A_1170 = arith.constant 27 : i32
        %add3A_1171 = arith.addi %mul3A_1169, %add3A_1170 : i32
        %get3A_1172 = arith.index_cast %add3A_1171 : i32 to index
        %get3A_1173 = arith.constant 96 : index
        %get3A_1174 = tpu.vector_load %arg11[%get3A_1172, %get3A_1173] {strides = array<i32>} : memref<256x128xbf16, #tpu.memory_space<vmem>>, vector<32xbf16>,
        %add3A_1175 = arith.addf %add3A_1143, %get3A_1174 : vector<32xbf16>
        %mul3A_1176 = arith.constant 32 : i32
        %mul3A_1177 = arith.muli %add3A_125, %mul3A_1176 : i32
        %add3A_1178 = arith.constant 28 : i32
        %add3A_1179 = arith.addi %mul3A_1177, %add3A_1178 : i32
        %get3A_1180 = arith.index_cast %add3A_1179 : i32 to index
        %get3A_1181 = arith.constant 96 : index
        %get3A_1182 = tpu.vector_load %arg11[%get3A_1180, %get3A_1181] {strides = array<i32>} : memref<256x128xbf16, #tpu.memory_space<vmem>>, vector<32xbf16>,
        %add3A_1183 = arith.addf %add3A_1151, %get3A_1182 : vector<32xbf16>
        %mul3A_1184 = arith.constant 32 : i32
        %mul3A_1185 = arith.muli %add3A_125, %mul3A_1184 : i32
        %add3A_1186 = arith.constant 29 : i32
        %add3A_1187 = arith.addi %mul3A_1185, %add3A_1186 : i32
        %get3A_1188 = arith.index_cast %add3A_1187 : i32 to index
        %get3A_1189 = arith.constant 96 : index
        %get3A_1190 = tpu.vector_load %arg11[%get3A_1188, %get3A_1189] {strides = array<i32>} : memref<256x128xbf16, #tpu.memory_space<vmem>>, vector<32xbf16>,
        %add3A_1191 = arith.addf %add3A_1159, %get3A_1190 : vector<32xbf16>
        %mul3A_1192 = arith.constant 32 : i32
        %mul3A_1193 = arith.muli %add3A_125, %mul3A_1192 : i32
        %add3A_1194 = arith.constant 30 : i32
        %add3A_1195 = arith.addi %mul3A_1193, %add3A_1194 : i32
        %get3A_1196 = arith.index_cast %add3A_1195 : i32 to index
        %get3A_1197 = arith.constant 96 : index
        %get3A_1198 = tpu.vector_load %arg11[%get3A_1196, %get3A_1197] {strides = array<i32>} : memref<256x128xbf16, #tpu.memory_space<vmem>>, vector<32xbf16>,
        %add3A_1199 = arith.addf %add3A_1167, %get3A_1198 : vector<32xbf16>
        %mul3A_1200 = arith.constant 32 : i32
        %mul3A_1201 = arith.muli %add3A_125, %mul3A_1200 : i32
        %add3A_1202 = arith.constant 31 : i32
        %add3A_1203 = arith.addi %mul3A_1201, %add3A_1202 : i32
        %get3A_1204 = arith.index_cast %add3A_1203 : i32 to index
        %get3A_1205 = arith.constant 96 : index
        %get3A_1206 = tpu.vector_load %arg11[%get3A_1204, %get3A_1205] {strides = array<i32>} : memref<256x128xbf16, #tpu.memory_space<vmem>>, vector<32xbf16>,
        %add3A_1207 = arith.addf %add3A_1175, %get3A_1206 : vector<32xbf16>
        %add3A_1208 = arith.addf %add3A_1183, %add3A_1191 : vector<32xbf16>
        %add3A_1209 = arith.addf %add3A_1199, %add3A_1207 : vector<32xbf16>
        %add3A_1210 = arith.addf %add3A_1208, %add3A_1209 : vector<32xbf16>
        %unpack3A_1211 = tpu.unpack_subelements %add3A_1210, 0 {pack_format = #tpu.pack_format<interleaved>} : vector<32xbf16> -> vector<16xf32>
        %unpack3A_1212 = tpu.unpack_subelements %add3A_1210, 1 {pack_format = #tpu.pack_format<interleaved>} : vector<32xbf16> -> vector<16xf32>
        %get3A_1213 = arith.index_cast %add3A_128 : i32 to index
        %get3A_1214 = arith.constant 96 : index
        %get3A_1215 = tpu.vector_load %arg9[%get3A_1213, %get3A_1214] {strides = array<i32>} : memref<128x128xf32, #tpu.memory_space<vmem>>, vector<16xf32>,
        %add3A_1216 = arith.addf %get3A_1215, %unpack3A_1211 : vector<16xf32>
        %max3A_1217 = arith.constant 0.000000e+00 : f32
        %max3A_1218 = vector.broadcast %max3A_1217 : f32 to vector<16xf32>
        %max3A_1219 = arith.maximumf %add3A_1216, %max3A_1218 : vector<16xf32>
        %swap3A_1220 = arith.index_cast %add3A_128 : i32 to index
        %swap3A_1221 = arith.constant 96 : index
        %swap3A_1222 = tpu.vector_load %arg14[%swap3A_1220, %swap3A_1221] {strides = array<i32>} : memref<128x128xf32, #tpu.memory_space<vmem>>, vector<16xf32>,
        tpu.vector_store %arg14[%swap3A_1220, %swap3A_1221], %max3A_1219 {strides = array<i32>} : memref<128x128xf32, #tpu.memory_space<vmem>>, vector<16xf32>,
        %get3A_1223 = arith.index_cast %add3A_128 : i32 to index
        %get3A_1224 = arith.constant 112 : index
        %get3A_1225 = tpu.vector_load %arg9[%get3A_1223, %get3A_1224] {strides = array<i32>} : memref<128x128xf32, #tpu.memory_space<vmem>>, vector<16xf32>,
        %add3A_1226 = arith.addf %get3A_1225, %unpack3A_1212 : vector<16xf32>
        %max3A_1227 = arith.constant 0.000000e+00 : f32
        %max3A_1228 = vector.broadcast %max3A_1227 : f32 to vector<16xf32>
        %max3A_1229 = arith.maximumf %add3A_1226, %max3A_1228 : vector<16xf32>
        %swap3A_1230 = arith.index_cast %add3A_128 : i32 to index
        %swap3A_1231 = arith.constant 112 : index
        %swap3A_1232 = tpu.vector_load %arg14[%swap3A_1230, %swap3A_1231] {strides = array<i32>} : memref<128x128xf32, #tpu.memory_space<vmem>>, vector<16xf32>,
        tpu.vector_store %arg14[%swap3A_1230, %swap3A_1231], %max3A_1229 {strides = array<i32>} : memref<128x128xf32, #tpu.memory_space<vmem>>, vector<16xf32>,
      }
      %scan3A_63 = arith.constant 8 : i32
      %add3A_64 = arith.constant 1 : i32
      %add3A_65 = arith.addi %add3A_32, %add3A_64 : i32
      %add3A_66 = arith.constant 4 : i32
      %add3A_67 = arith.addi %add3A_65, %add3A_66 : i32
      %sub3A_68 = arith.constant 1 : i32
      %sub3A_69 = arith.subi %add3A_67, %sub3A_68 : i32
      %lt3A_70 = arith.constant 16 : i32
      %lt3A_71 = arith.cmpi slt, %sub3A_69, %lt3A_70 : i32
      %convert_element_type3A_72 = arith.extui %lt3A_71 : i1 to i32
      %cond3A_73 = arith.constant 0 : i32
      %cond3A_74 = arith.cmpi ne, %convert_element_type3A_72, %cond3A_73 : i32
      scf.if %cond3A_74 {
        %add3A_121 = arith.constant 1 : i32
        %add3A_122 = arith.addi %add3A_32, %add3A_121 : i32
        %add3A_123 = arith.constant 4 : i32
        %add3A_124 = arith.addi %add3A_122, %add3A_123 : i32
        %sub3A_125 = arith.constant 1 : i32
        %sub3A_126 = arith.subi %add3A_124, %sub3A_125 : i32
        %mul3A_127 = arith.constant 256 : i32
        %mul3A_128 = arith.muli %sub3A_126, %mul3A_127 : i32
        %dma_start3A_129 = tpu.memref_slice %arg8[%mul3A_128] : memref<4096xi32, #tpu.memory_space<vmem>> -> memref<256xi32, #tpu.memory_space<vmem>>
        %dma_start3A_130 = arith.constant 0 : i32
        %dma_start3A_131 = arith.constant 0 : i32
        %dma_start3A_132 = tpu.memref_slice %arg5[%dma_start3A_130, %dma_start3A_131] : memref<10000x128xbf16, #tpu.memory_space<hbm>> -> memref<10000x128xbf16, #tpu.memory_space<hbm>>
        tpu.enqueue_indirect_dma source(%dma_start3A_132 : memref<10000x128xbf16, #tpu.memory_space<hbm>>) target(%arg10 : memref<256x128xbf16, #tpu.memory_space<vmem>>) offsets(%dma_start3A_129 : memref<256xi32, #tpu.memory_space<vmem>>) semaphore(%arg15 : memref<!tpu.dma_semaphore, #tpu.memory_space<semaphore_mem>>)
      } else {
      }
      %dma_wait3A_75 = arith.constant 0 : i32
      %dma_wait3A_76 = tpu.memref_slice %arg8[%dma_wait3A_75] : memref<4096xi32, #tpu.memory_space<vmem>> -> memref<256xi32, #tpu.memory_space<vmem>>
      %dma_wait3A_77 = arith.constant 0 : i32
      %dma_wait3A_78 = arith.constant 0 : i32
      %dma_wait3A_79 = tpu.memref_slice %arg5[%dma_wait3A_77, %dma_wait3A_78] : memref<10000x128xbf16, #tpu.memory_space<hbm>> -> memref<10000x128xbf16, #tpu.memory_space<hbm>>
      tpu.wait_indirect_dma semaphore(%arg17 : memref<!tpu.dma_semaphore, #tpu.memory_space<semaphore_mem>>) src(%dma_wait3A_79 : memref<10000x128xbf16, #tpu.memory_space<hbm>>) dst(%arg12 : memref<256x128xbf16, #tpu.memory_space<vmem>>)
      %add3A_80 = arith.constant 2 : i32
      %add3A_81 = arith.addi %add3A_32, %add3A_80 : i32
      %scan3A_82 = arith.constant 0 : i32
      %scan3A_83 = arith.constant 8 : i32
      %scan3A_84 = arith.addi %scan3A_82, %scan3A_83 : i32
      %scan3A_85 = arith.constant 1 : i32
      scf.for %scan3A_121 = %scan3A_82 to %scan3A_84 step %scan3A_85  : i32 {
        %mul3A_122 = arith.constant 1 : i32
        %mul3A_123 = arith.muli %scan3A_121, %mul3A_122 : i32
        %add3A_124 = arith.constant 0 : i32
        %add3A_125 = arith.addi %add3A_124, %mul3A_123 : i32
        %mul3A_126 = arith.constant 8 : i32
        %mul3A_127 = arith.muli %add3A_81, %mul3A_126 : i32
        %add3A_128 = arith.addi %mul3A_127, %add3A_125 : i32
        %mul3A_129 = arith.constant 32 : i32
        %mul3A_130 = arith.muli %add3A_125, %mul3A_129 : i32
        %add3A_131 = arith.constant 0 : i32
        %add3A_132 = arith.addi %mul3A_130, %add3A_131 : i32
        %get3A = arith.index_cast %add3A_132 : i32 to index
        %get3A_133 = arith.constant 0 : index
        %get3A_134 = tpu.vector_load %arg12[%get3A, %get3A_133] {strides = array<i32>} : memref<256x128xbf16, #tpu.memory_space<vmem>>, vector<32xbf16>,
        %mul3A_135 = arith.constant 32 : i32
        %mul3A_136 = arith.muli %add3A_125, %mul3A_135 : i32
        %add3A_137 = arith.constant 1 : i32
        %add3A_138 = arith.addi %mul3A_136, %add3A_137 : i32
        %get3A_139 = arith.index_cast %add3A_138 : i32 to index
        %get3A_140 = arith.constant 0 : index
        %get3A_141 = tpu.vector_load %arg12[%get3A_139, %get3A_140] {strides = array<i32>} : memref<256x128xbf16, #tpu.memory_space<vmem>>, vector<32xbf16>,
        %mul3A_142 = arith.constant 32 : i32
        %mul3A_143 = arith.muli %add3A_125, %mul3A_142 : i32
        %add3A_144 = arith.constant 2 : i32
        %add3A_145 = arith.addi %mul3A_143, %add3A_144 : i32
        %get3A_146 = arith.index_cast %add3A_145 : i32 to index
        %get3A_147 = arith.constant 0 : index
        %get3A_148 = tpu.vector_load %arg12[%get3A_146, %get3A_147] {strides = array<i32>} : memref<256x128xbf16, #tpu.memory_space<vmem>>, vector<32xbf16>,
        %mul3A_149 = arith.constant 32 : i32
        %mul3A_150 = arith.muli %add3A_125, %mul3A_149 : i32
        %add3A_151 = arith.constant 3 : i32
        %add3A_152 = arith.addi %mul3A_150, %add3A_151 : i32
        %get3A_153 = arith.index_cast %add3A_152 : i32 to index
        %get3A_154 = arith.constant 0 : index
        %get3A_155 = tpu.vector_load %arg12[%get3A_153, %get3A_154] {strides = array<i32>} : memref<256x128xbf16, #tpu.memory_space<vmem>>, vector<32xbf16>,
        %mul3A_156 = arith.constant 32 : i32
        %mul3A_157 = arith.muli %add3A_125, %mul3A_156 : i32
        %add3A_158 = arith.constant 4 : i32
        %add3A_159 = arith.addi %mul3A_157, %add3A_158 : i32
        %get3A_160 = arith.index_cast %add3A_159 : i32 to index
        %get3A_161 = arith.constant 0 : index
        %get3A_162 = tpu.vector_load %arg12[%get3A_160, %get3A_161] {strides = array<i32>} : memref<256x128xbf16, #tpu.memory_space<vmem>>, vector<32xbf16>,
        %add3A_163 = arith.addf %get3A_134, %get3A_162 : vector<32xbf16>
        %mul3A_164 = arith.constant 32 : i32
        %mul3A_165 = arith.muli %add3A_125, %mul3A_164 : i32
        %add3A_166 = arith.constant 5 : i32
        %add3A_167 = arith.addi %mul3A_165, %add3A_166 : i32
        %get3A_168 = arith.index_cast %add3A_167 : i32 to index
        %get3A_169 = arith.constant 0 : index
        %get3A_170 = tpu.vector_load %arg12[%get3A_168, %get3A_169] {strides = array<i32>} : memref<256x128xbf16, #tpu.memory_space<vmem>>, vector<32xbf16>,
        %add3A_171 = arith.addf %get3A_141, %get3A_170 : vector<32xbf16>
        %mul3A_172 = arith.constant 32 : i32
        %mul3A_173 = arith.muli %add3A_125, %mul3A_172 : i32
        %add3A_174 = arith.constant 6 : i32
        %add3A_175 = arith.addi %mul3A_173, %add3A_174 : i32
        %get3A_176 = arith.index_cast %add3A_175 : i32 to index
        %get3A_177 = arith.constant 0 : index
        %get3A_178 = tpu.vector_load %arg12[%get3A_176, %get3A_177] {strides = array<i32>} : memref<256x128xbf16, #tpu.memory_space<vmem>>, vector<32xbf16>,
        %add3A_179 = arith.addf %get3A_148, %get3A_178 : vector<32xbf16>
        %mul3A_180 = arith.constant 32 : i32
        %mul3A_181 = arith.muli %add3A_125, %mul3A_180 : i32
        %add3A_182 = arith.constant 7 : i32
        %add3A_183 = arith.addi %mul3A_181, %add3A_182 : i32
        %get3A_184 = arith.index_cast %add3A_183 : i32 to index
        %get3A_185 = arith.constant 0 : index
        %get3A_186 = tpu.vector_load %arg12[%get3A_184, %get3A_185] {strides = array<i32>} : memref<256x128xbf16, #tpu.memory_space<vmem>>, vector<32xbf16>,
        %add3A_187 = arith.addf %get3A_155, %get3A_186 : vector<32xbf16>
        %mul3A_188 = arith.constant 32 : i32
        %mul3A_189 = arith.muli %add3A_125, %mul3A_188 : i32
        %add3A_190 = arith.constant 8 : i32
        %add3A_191 = arith.addi %mul3A_189, %add3A_190 : i32
        %get3A_192 = arith.index_cast %add3A_191 : i32 to index
        %get3A_193 = arith.constant 0 : index
        %get3A_194 = tpu.vector_load %arg12[%get3A_192, %get3A_193] {strides = array<i32>} : memref<256x128xbf16, #tpu.memory_space<vmem>>, vector<32xbf16>,
        %add3A_195 = arith.addf %add3A_163, %get3A_194 : vector<32xbf16>
        %mul3A_196 = arith.constant 32 : i32
        %mul3A_197 = arith.muli %add3A_125, %mul3A_196 : i32
        %add3A_198 = arith.constant 9 : i32
        %add3A_199 = arith.addi %mul3A_197, %add3A_198 : i32
        %get3A_200 = arith.index_cast %add3A_199 : i32 to index
        %get3A_201 = arith.constant 0 : index
        %get3A_202 = tpu.vector_load %arg12[%get3A_200, %get3A_201] {strides = array<i32>} : memref<256x128xbf16, #tpu.memory_space<vmem>>, vector<32xbf16>,
        %add3A_203 = arith.addf %add3A_171, %get3A_202 : vector<32xbf16>
        %mul3A_204 = arith.constant 32 : i32
        %mul3A_205 = arith.muli %add3A_125, %mul3A_204 : i32
        %add3A_206 = arith.constant 10 : i32
        %add3A_207 = arith.addi %mul3A_205, %add3A_206 : i32
        %get3A_208 = arith.index_cast %add3A_207 : i32 to index
        %get3A_209 = arith.constant 0 : index
        %get3A_210 = tpu.vector_load %arg12[%get3A_208, %get3A_209] {strides = array<i32>} : memref<256x128xbf16, #tpu.memory_space<vmem>>, vector<32xbf16>,
        %add3A_211 = arith.addf %add3A_179, %get3A_210 : vector<32xbf16>
        %mul3A_212 = arith.constant 32 : i32
        %mul3A_213 = arith.muli %add3A_125, %mul3A_212 : i32
        %add3A_214 = arith.constant 11 : i32
        %add3A_215 = arith.addi %mul3A_213, %add3A_214 : i32
        %get3A_216 = arith.index_cast %add3A_215 : i32 to index
        %get3A_217 = arith.constant 0 : index
        %get3A_218 = tpu.vector_load %arg12[%get3A_216, %get3A_217] {strides = array<i32>} : memref<256x128xbf16, #tpu.memory_space<vmem>>, vector<32xbf16>,
        %add3A_219 = arith.addf %add3A_187, %get3A_218 : vector<32xbf16>
        %mul3A_220 = arith.constant 32 : i32
        %mul3A_221 = arith.muli %add3A_125, %mul3A_220 : i32
        %add3A_222 = arith.constant 12 : i32
        %add3A_223 = arith.addi %mul3A_221, %add3A_222 : i32
        %get3A_224 = arith.index_cast %add3A_223 : i32 to index
        %get3A_225 = arith.constant 0 : index
        %get3A_226 = tpu.vector_load %arg12[%get3A_224, %get3A_225] {strides = array<i32>} : memref<256x128xbf16, #tpu.memory_space<vmem>>, vector<32xbf16>,
        %add3A_227 = arith.addf %add3A_195, %get3A_226 : vector<32xbf16>
        %mul3A_228 = arith.constant 32 : i32
        %mul3A_229 = arith.muli %add3A_125, %mul3A_228 : i32
        %add3A_230 = arith.constant 13 : i32
        %add3A_231 = arith.addi %mul3A_229, %add3A_230 : i32
        %get3A_232 = arith.index_cast %add3A_231 : i32 to index
        %get3A_233 = arith.constant 0 : index
        %get3A_234 = tpu.vector_load %arg12[%get3A_232, %get3A_233] {strides = array<i32>} : memref<256x128xbf16, #tpu.memory_space<vmem>>, vector<32xbf16>,
        %add3A_235 = arith.addf %add3A_203, %get3A_234 : vector<32xbf16>
        %mul3A_236 = arith.constant 32 : i32
        %mul3A_237 = arith.muli %add3A_125, %mul3A_236 : i32
        %add3A_238 = arith.constant 14 : i32
        %add3A_239 = arith.addi %mul3A_237, %add3A_238 : i32
        %get3A_240 = arith.index_cast %add3A_239 : i32 to index
        %get3A_241 = arith.constant 0 : index
        %get3A_242 = tpu.vector_load %arg12[%get3A_240, %get3A_241] {strides = array<i32>} : memref<256x128xbf16, #tpu.memory_space<vmem>>, vector<32xbf16>,
        %add3A_243 = arith.addf %add3A_211, %get3A_242 : vector<32xbf16>
        %mul3A_244 = arith.constant 32 : i32
        %mul3A_245 = arith.muli %add3A_125, %mul3A_244 : i32
        %add3A_246 = arith.constant 15 : i32
        %add3A_247 = arith.addi %mul3A_245, %add3A_246 : i32
        %get3A_248 = arith.index_cast %add3A_247 : i32 to index
        %get3A_249 = arith.constant 0 : index
        %get3A_250 = tpu.vector_load %arg12[%get3A_248, %get3A_249] {strides = array<i32>} : memref<256x128xbf16, #tpu.memory_space<vmem>>, vector<32xbf16>,
        %add3A_251 = arith.addf %add3A_219, %get3A_250 : vector<32xbf16>
        %mul3A_252 = arith.constant 32 : i32
        %mul3A_253 = arith.muli %add3A_125, %mul3A_252 : i32
        %add3A_254 = arith.constant 16 : i32
        %add3A_255 = arith.addi %mul3A_253, %add3A_254 : i32
        %get3A_256 = arith.index_cast %add3A_255 : i32 to index
        %get3A_257 = arith.constant 0 : index
        %get3A_258 = tpu.vector_load %arg12[%get3A_256, %get3A_257] {strides = array<i32>} : memref<256x128xbf16, #tpu.memory_space<vmem>>, vector<32xbf16>,
        %add3A_259 = arith.addf %add3A_227, %get3A_258 : vector<32xbf16>
        %mul3A_260 = arith.constant 32 : i32
        %mul3A_261 = arith.muli %add3A_125, %mul3A_260 : i32
        %add3A_262 = arith.constant 17 : i32
        %add3A_263 = arith.addi %mul3A_261, %add3A_262 : i32
        %get3A_264 = arith.index_cast %add3A_263 : i32 to index
        %get3A_265 = arith.constant 0 : index
        %get3A_266 = tpu.vector_load %arg12[%get3A_264, %get3A_265] {strides = array<i32>} : memref<256x128xbf16, #tpu.memory_space<vmem>>, vector<32xbf16>,
        %add3A_267 = arith.addf %add3A_235, %get3A_266 : vector<32xbf16>
        %mul3A_268 = arith.constant 32 : i32
        %mul3A_269 = arith.muli %add3A_125, %mul3A_268 : i32
        %add3A_270 = arith.constant 18 : i32
        %add3A_271 = arith.addi %mul3A_269, %add3A_270 : i32
        %get3A_272 = arith.index_cast %add3A_271 : i32 to index
        %get3A_273 = arith.constant 0 : index
        %get3A_274 = tpu.vector_load %arg12[%get3A_272, %get3A_273] {strides = array<i32>} : memref<256x128xbf16, #tpu.memory_space<vmem>>, vector<32xbf16>,
        %add3A_275 = arith.addf %add3A_243, %get3A_274 : vector<32xbf16>
        %mul3A_276 = arith.constant 32 : i32
        %mul3A_277 = arith.muli %add3A_125, %mul3A_276 : i32
        %add3A_278 = arith.constant 19 : i32
        %add3A_279 = arith.addi %mul3A_277, %add3A_278 : i32
        %get3A_280 = arith.index_cast %add3A_279 : i32 to index
        %get3A_281 = arith.constant 0 : index
        %get3A_282 = tpu.vector_load %arg12[%get3A_280, %get3A_281] {strides = array<i32>} : memref<256x128xbf16, #tpu.memory_space<vmem>>, vector<32xbf16>,
        %add3A_283 = arith.addf %add3A_251, %get3A_282 : vector<32xbf16>
        %mul3A_284 = arith.constant 32 : i32
        %mul3A_285 = arith.muli %add3A_125, %mul3A_284 : i32
        %add3A_286 = arith.constant 20 : i32
        %add3A_287 = arith.addi %mul3A_285, %add3A_286 : i32
        %get3A_288 = arith.index_cast %add3A_287 : i32 to index
        %get3A_289 = arith.constant 0 : index
        %get3A_290 = tpu.vector_load %arg12[%get3A_288, %get3A_289] {strides = array<i32>} : memref<256x128xbf16, #tpu.memory_space<vmem>>, vector<32xbf16>,
        %add3A_291 = arith.addf %add3A_259, %get3A_290 : vector<32xbf16>
        %mul3A_292 = arith.constant 32 : i32
        %mul3A_293 = arith.muli %add3A_125, %mul3A_292 : i32
        %add3A_294 = arith.constant 21 : i32
        %add3A_295 = arith.addi %mul3A_293, %add3A_294 : i32
        %get3A_296 = arith.index_cast %add3A_295 : i32 to index
        %get3A_297 = arith.constant 0 : index
        %get3A_298 = tpu.vector_load %arg12[%get3A_296, %get3A_297] {strides = array<i32>} : memref<256x128xbf16, #tpu.memory_space<vmem>>, vector<32xbf16>,
        %add3A_299 = arith.addf %add3A_267, %get3A_298 : vector<32xbf16>
        %mul3A_300 = arith.constant 32 : i32
        %mul3A_301 = arith.muli %add3A_125, %mul3A_300 : i32
        %add3A_302 = arith.constant 22 : i32
        %add3A_303 = arith.addi %mul3A_301, %add3A_302 : i32
        %get3A_304 = arith.index_cast %add3A_303 : i32 to index
        %get3A_305 = arith.constant 0 : index
        %get3A_306 = tpu.vector_load %arg12[%get3A_304, %get3A_305] {strides = array<i32>} : memref<256x128xbf16, #tpu.memory_space<vmem>>, vector<32xbf16>,
        %add3A_307 = arith.addf %add3A_275, %get3A_306 : vector<32xbf16>
        %mul3A_308 = arith.constant 32 : i32
        %mul3A_309 = arith.muli %add3A_125, %mul3A_308 : i32
        %add3A_310 = arith.constant 23 : i32
        %add3A_311 = arith.addi %mul3A_309, %add3A_310 : i32
        %get3A_312 = arith.index_cast %add3A_311 : i32 to index
        %get3A_313 = arith.constant 0 : index
        %get3A_314 = tpu.vector_load %arg12[%get3A_312, %get3A_313] {strides = array<i32>} : memref<256x128xbf16, #tpu.memory_space<vmem>>, vector<32xbf16>,
        %add3A_315 = arith.addf %add3A_283, %get3A_314 : vector<32xbf16>
        %mul3A_316 = arith.constant 32 : i32
        %mul3A_317 = arith.muli %add3A_125, %mul3A_316 : i32
        %add3A_318 = arith.constant 24 : i32
        %add3A_319 = arith.addi %mul3A_317, %add3A_318 : i32
        %get3A_320 = arith.index_cast %add3A_319 : i32 to index
        %get3A_321 = arith.constant 0 : index
        %get3A_322 = tpu.vector_load %arg12[%get3A_320, %get3A_321] {strides = array<i32>} : memref<256x128xbf16, #tpu.memory_space<vmem>>, vector<32xbf16>,
        %add3A_323 = arith.addf %add3A_291, %get3A_322 : vector<32xbf16>
        %mul3A_324 = arith.constant 32 : i32
        %mul3A_325 = arith.muli %add3A_125, %mul3A_324 : i32
        %add3A_326 = arith.constant 25 : i32
        %add3A_327 = arith.addi %mul3A_325, %add3A_326 : i32
        %get3A_328 = arith.index_cast %add3A_327 : i32 to index
        %get3A_329 = arith.constant 0 : index
        %get3A_330 = tpu.vector_load %arg12[%get3A_328, %get3A_329] {strides = array<i32>} : memref<256x128xbf16, #tpu.memory_space<vmem>>, vector<32xbf16>,
        %add3A_331 = arith.addf %add3A_299, %get3A_330 : vector<32xbf16>
        %mul3A_332 = arith.constant 32 : i32
        %mul3A_333 = arith.muli %add3A_125, %mul3A_332 : i32
        %add3A_334 = arith.constant 26 : i32
        %add3A_335 = arith.addi %mul3A_333, %add3A_334 : i32
        %get3A_336 = arith.index_cast %add3A_335 : i32 to index
        %get3A_337 = arith.constant 0 : index
        %get3A_338 = tpu.vector_load %arg12[%get3A_336, %get3A_337] {strides = array<i32>} : memref<256x128xbf16, #tpu.memory_space<vmem>>, vector<32xbf16>,
        %add3A_339 = arith.addf %add3A_307, %get3A_338 : vector<32xbf16>
        %mul3A_340 = arith.constant 32 : i32
        %mul3A_341 = arith.muli %add3A_125, %mul3A_340 : i32
        %add3A_342 = arith.constant 27 : i32
        %add3A_343 = arith.addi %mul3A_341, %add3A_342 : i32
        %get3A_344 = arith.index_cast %add3A_343 : i32 to index
        %get3A_345 = arith.constant 0 : index
        %get3A_346 = tpu.vector_load %arg12[%get3A_344, %get3A_345] {strides = array<i32>} : memref<256x128xbf16, #tpu.memory_space<vmem>>, vector<32xbf16>,
        %add3A_347 = arith.addf %add3A_315, %get3A_346 : vector<32xbf16>
        %mul3A_348 = arith.constant 32 : i32
        %mul3A_349 = arith.muli %add3A_125, %mul3A_348 : i32
        %add3A_350 = arith.constant 28 : i32
        %add3A_351 = arith.addi %mul3A_349, %add3A_350 : i32
        %get3A_352 = arith.index_cast %add3A_351 : i32 to index
        %get3A_353 = arith.constant 0 : index
        %get3A_354 = tpu.vector_load %arg12[%get3A_352, %get3A_353] {strides = array<i32>} : memref<256x128xbf16, #tpu.memory_space<vmem>>, vector<32xbf16>,
        %add3A_355 = arith.addf %add3A_323, %get3A_354 : vector<32xbf16>
        %mul3A_356 = arith.constant 32 : i32
        %mul3A_357 = arith.muli %add3A_125, %mul3A_356 : i32
        %add3A_358 = arith.constant 29 : i32
        %add3A_359 = arith.addi %mul3A_357, %add3A_358 : i32
        %get3A_360 = arith.index_cast %add3A_359 : i32 to index
        %get3A_361 = arith.constant 0 : index
        %get3A_362 = tpu.vector_load %arg12[%get3A_360, %get3A_361] {strides = array<i32>} : memref<256x128xbf16, #tpu.memory_space<vmem>>, vector<32xbf16>,
        %add3A_363 = arith.addf %add3A_331, %get3A_362 : vector<32xbf16>
        %mul3A_364 = arith.constant 32 : i32
        %mul3A_365 = arith.muli %add3A_125, %mul3A_364 : i32
        %add3A_366 = arith.constant 30 : i32
        %add3A_367 = arith.addi %mul3A_365, %add3A_366 : i32
        %get3A_368 = arith.index_cast %add3A_367 : i32 to index
        %get3A_369 = arith.constant 0 : index
        %get3A_370 = tpu.vector_load %arg12[%get3A_368, %get3A_369] {strides = array<i32>} : memref<256x128xbf16, #tpu.memory_space<vmem>>, vector<32xbf16>,
        %add3A_371 = arith.addf %add3A_339, %get3A_370 : vector<32xbf16>
        %mul3A_372 = arith.constant 32 : i32
        %mul3A_373 = arith.muli %add3A_125, %mul3A_372 : i32
        %add3A_374 = arith.constant 31 : i32
        %add3A_375 = arith.addi %mul3A_373, %add3A_374 : i32
        %get3A_376 = arith.index_cast %add3A_375 : i32 to index
        %get3A_377 = arith.constant 0 : index
        %get3A_378 = tpu.vector_load %arg12[%get3A_376, %get3A_377] {strides = array<i32>} : memref<256x128xbf16, #tpu.memory_space<vmem>>, vector<32xbf16>,
        %add3A_379 = arith.addf %add3A_347, %get3A_378 : vector<32xbf16>
        %add3A_380 = arith.addf %add3A_355, %add3A_363 : vector<32xbf16>
        %add3A_381 = arith.addf %add3A_371, %add3A_379 : vector<32xbf16>
        %add3A_382 = arith.addf %add3A_380, %add3A_381 : vector<32xbf16>
        %unpack3A = tpu.unpack_subelements %add3A_382, 0 {pack_format = #tpu.pack_format<interleaved>} : vector<32xbf16> -> vector<16xf32>
        %unpack3A_383 = tpu.unpack_subelements %add3A_382, 1 {pack_format = #tpu.pack_format<interleaved>} : vector<32xbf16> -> vector<16xf32>
        %get3A_384 = arith.index_cast %add3A_128 : i32 to index
        %get3A_385 = arith.constant 0 : index
        %get3A_386 = tpu.vector_load %arg9[%get3A_384, %get3A_385] {strides = array<i32>} : memref<128x128xf32, #tpu.memory_space<vmem>>, vector<16xf32>,
        %add3A_387 = arith.addf %get3A_386, %unpack3A : vector<16xf32>
        %max3A = arith.constant 0.000000e+00 : f32
        %max3A_388 = vector.broadcast %max3A : f32 to vector<16xf32>
        %max3A_389 = arith.maximumf %add3A_387, %max3A_388 : vector<16xf32>
        %swap3A = arith.index_cast %add3A_128 : i32 to index
        %swap3A_390 = arith.constant 0 : index
        %swap3A_391 = tpu.vector_load %arg14[%swap3A, %swap3A_390] {strides = array<i32>} : memref<128x128xf32, #tpu.memory_space<vmem>>, vector<16xf32>,
        tpu.vector_store %arg14[%swap3A, %swap3A_390], %max3A_389 {strides = array<i32>} : memref<128x128xf32, #tpu.memory_space<vmem>>, vector<16xf32>,
        %get3A_392 = arith.index_cast %add3A_128 : i32 to index
        %get3A_393 = arith.constant 16 : index
        %get3A_394 = tpu.vector_load %arg9[%get3A_392, %get3A_393] {strides = array<i32>} : memref<128x128xf32, #tpu.memory_space<vmem>>, vector<16xf32>,
        %add3A_395 = arith.addf %get3A_394, %unpack3A_383 : vector<16xf32>
        %max3A_396 = arith.constant 0.000000e+00 : f32
        %max3A_397 = vector.broadcast %max3A_396 : f32 to vector<16xf32>
        %max3A_398 = arith.maximumf %add3A_395, %max3A_397 : vector<16xf32>
        %swap3A_399 = arith.index_cast %add3A_128 : i32 to index
        %swap3A_400 = arith.constant 16 : index
        %swap3A_401 = tpu.vector_load %arg14[%swap3A_399, %swap3A_400] {strides = array<i32>} : memref<128x128xf32, #tpu.memory_space<vmem>>, vector<16xf32>,
        tpu.vector_store %arg14[%swap3A_399, %swap3A_400], %max3A_398 {strides = array<i32>} : memref<128x128xf32, #tpu.memory_space<vmem>>, vector<16xf32>,
        %mul3A_402 = arith.constant 32 : i32
        %mul3A_403 = arith.muli %add3A_125, %mul3A_402 : i32
        %add3A_404 = arith.constant 0 : i32
        %add3A_405 = arith.addi %mul3A_403, %add3A_404 : i32
        %get3A_406 = arith.index_cast %add3A_405 : i32 to index
        %get3A_407 = arith.constant 32 : index
        %get3A_408 = tpu.vector_load %arg12[%get3A_406, %get3A_407] {strides = array<i32>} : memref<256x128xbf16, #tpu.memory_space<vmem>>, vector<32xbf16>,
        %mul3A_409 = arith.constant 32 : i32
        %mul3A_410 = arith.muli %add3A_125, %mul3A_409 : i32
        %add3A_411 = arith.constant 1 : i32
        %add3A_412 = arith.addi %mul3A_410, %add3A_411 : i32
        %get3A_413 = arith.index_cast %add3A_412 : i32 to index
        %get3A_414 = arith.constant 32 : index
        %get3A_415 = tpu.vector_load %arg12[%get3A_413, %get3A_414] {strides = array<i32>} : memref<256x128xbf16, #tpu.memory_space<vmem>>, vector<32xbf16>,
        %mul3A_416 = arith.constant 32 : i32
        %mul3A_417 = arith.muli %add3A_125, %mul3A_416 : i32
        %add3A_418 = arith.constant 2 : i32
        %add3A_419 = arith.addi %mul3A_417, %add3A_418 : i32
        %get3A_420 = arith.index_cast %add3A_419 : i32 to index
        %get3A_421 = arith.constant 32 : index
        %get3A_422 = tpu.vector_load %arg12[%get3A_420, %get3A_421] {strides = array<i32>} : memref<256x128xbf16, #tpu.memory_space<vmem>>, vector<32xbf16>,
        %mul3A_423 = arith.constant 32 : i32
        %mul3A_424 = arith.muli %add3A_125, %mul3A_423 : i32
        %add3A_425 = arith.constant 3 : i32
        %add3A_426 = arith.addi %mul3A_424, %add3A_425 : i32
        %get3A_427 = arith.index_cast %add3A_426 : i32 to index
        %get3A_428 = arith.constant 32 : index
        %get3A_429 = tpu.vector_load %arg12[%get3A_427, %get3A_428] {strides = array<i32>} : memref<256x128xbf16, #tpu.memory_space<vmem>>, vector<32xbf16>,
        %mul3A_430 = arith.constant 32 : i32
        %mul3A_431 = arith.muli %add3A_125, %mul3A_430 : i32
        %add3A_432 = arith.constant 4 : i32
        %add3A_433 = arith.addi %mul3A_431, %add3A_432 : i32
        %get3A_434 = arith.index_cast %add3A_433 : i32 to index
        %get3A_435 = arith.constant 32 : index
        %get3A_436 = tpu.vector_load %arg12[%get3A_434, %get3A_435] {strides = array<i32>} : memref<256x128xbf16, #tpu.memory_space<vmem>>, vector<32xbf16>,
        %add3A_437 = arith.addf %get3A_408, %get3A_436 : vector<32xbf16>
        %mul3A_438 = arith.constant 32 : i32
        %mul3A_439 = arith.muli %add3A_125, %mul3A_438 : i32
        %add3A_440 = arith.constant 5 : i32
        %add3A_441 = arith.addi %mul3A_439, %add3A_440 : i32
        %get3A_442 = arith.index_cast %add3A_441 : i32 to index
        %get3A_443 = arith.constant 32 : index
        %get3A_444 = tpu.vector_load %arg12[%get3A_442, %get3A_443] {strides = array<i32>} : memref<256x128xbf16, #tpu.memory_space<vmem>>, vector<32xbf16>,
        %add3A_445 = arith.addf %get3A_415, %get3A_444 : vector<32xbf16>
        %mul3A_446 = arith.constant 32 : i32
        %mul3A_447 = arith.muli %add3A_125, %mul3A_446 : i32
        %add3A_448 = arith.constant 6 : i32
        %add3A_449 = arith.addi %mul3A_447, %add3A_448 : i32
        %get3A_450 = arith.index_cast %add3A_449 : i32 to index
        %get3A_451 = arith.constant 32 : index
        %get3A_452 = tpu.vector_load %arg12[%get3A_450, %get3A_451] {strides = array<i32>} : memref<256x128xbf16, #tpu.memory_space<vmem>>, vector<32xbf16>,
        %add3A_453 = arith.addf %get3A_422, %get3A_452 : vector<32xbf16>
        %mul3A_454 = arith.constant 32 : i32
        %mul3A_455 = arith.muli %add3A_125, %mul3A_454 : i32
        %add3A_456 = arith.constant 7 : i32
        %add3A_457 = arith.addi %mul3A_455, %add3A_456 : i32
        %get3A_458 = arith.index_cast %add3A_457 : i32 to index
        %get3A_459 = arith.constant 32 : index
        %get3A_460 = tpu.vector_load %arg12[%get3A_458, %get3A_459] {strides = array<i32>} : memref<256x128xbf16, #tpu.memory_space<vmem>>, vector<32xbf16>,
        %add3A_461 = arith.addf %get3A_429, %get3A_460 : vector<32xbf16>
        %mul3A_462 = arith.constant 32 : i32
        %mul3A_463 = arith.muli %add3A_125, %mul3A_462 : i32
        %add3A_464 = arith.constant 8 : i32
        %add3A_465 = arith.addi %mul3A_463, %add3A_464 : i32
        %get3A_466 = arith.index_cast %add3A_465 : i32 to index
        %get3A_467 = arith.constant 32 : index
        %get3A_468 = tpu.vector_load %arg12[%get3A_466, %get3A_467] {strides = array<i32>} : memref<256x128xbf16, #tpu.memory_space<vmem>>, vector<32xbf16>,
        %add3A_469 = arith.addf %add3A_437, %get3A_468 : vector<32xbf16>
        %mul3A_470 = arith.constant 32 : i32
        %mul3A_471 = arith.muli %add3A_125, %mul3A_470 : i32
        %add3A_472 = arith.constant 9 : i32
        %add3A_473 = arith.addi %mul3A_471, %add3A_472 : i32
        %get3A_474 = arith.index_cast %add3A_473 : i32 to index
        %get3A_475 = arith.constant 32 : index
        %get3A_476 = tpu.vector_load %arg12[%get3A_474, %get3A_475] {strides = array<i32>} : memref<256x128xbf16, #tpu.memory_space<vmem>>, vector<32xbf16>,
        %add3A_477 = arith.addf %add3A_445, %get3A_476 : vector<32xbf16>
        %mul3A_478 = arith.constant 32 : i32
        %mul3A_479 = arith.muli %add3A_125, %mul3A_478 : i32
        %add3A_480 = arith.constant 10 : i32
        %add3A_481 = arith.addi %mul3A_479, %add3A_480 : i32
        %get3A_482 = arith.index_cast %add3A_481 : i32 to index
        %get3A_483 = arith.constant 32 : index
        %get3A_484 = tpu.vector_load %arg12[%get3A_482, %get3A_483] {strides = array<i32>} : memref<256x128xbf16, #tpu.memory_space<vmem>>, vector<32xbf16>,
        %add3A_485 = arith.addf %add3A_453, %get3A_484 : vector<32xbf16>
        %mul3A_486 = arith.constant 32 : i32
        %mul3A_487 = arith.muli %add3A_125, %mul3A_486 : i32
        %add3A_488 = arith.constant 11 : i32
        %add3A_489 = arith.addi %mul3A_487, %add3A_488 : i32
        %get3A_490 = arith.index_cast %add3A_489 : i32 to index
        %get3A_491 = arith.constant 32 : index
        %get3A_492 = tpu.vector_load %arg12[%get3A_490, %get3A_491] {strides = array<i32>} : memref<256x128xbf16, #tpu.memory_space<vmem>>, vector<32xbf16>,
        %add3A_493 = arith.addf %add3A_461, %get3A_492 : vector<32xbf16>
        %mul3A_494 = arith.constant 32 : i32
        %mul3A_495 = arith.muli %add3A_125, %mul3A_494 : i32
        %add3A_496 = arith.constant 12 : i32
        %add3A_497 = arith.addi %mul3A_495, %add3A_496 : i32
        %get3A_498 = arith.index_cast %add3A_497 : i32 to index
        %get3A_499 = arith.constant 32 : index
        %get3A_500 = tpu.vector_load %arg12[%get3A_498, %get3A_499] {strides = array<i32>} : memref<256x128xbf16, #tpu.memory_space<vmem>>, vector<32xbf16>,
        %add3A_501 = arith.addf %add3A_469, %get3A_500 : vector<32xbf16>
        %mul3A_502 = arith.constant 32 : i32
        %mul3A_503 = arith.muli %add3A_125, %mul3A_502 : i32
        %add3A_504 = arith.constant 13 : i32
        %add3A_505 = arith.addi %mul3A_503, %add3A_504 : i32
        %get3A_506 = arith.index_cast %add3A_505 : i32 to index
        %get3A_507 = arith.constant 32 : index
        %get3A_508 = tpu.vector_load %arg12[%get3A_506, %get3A_507] {strides = array<i32>} : memref<256x128xbf16, #tpu.memory_space<vmem>>, vector<32xbf16>,
        %add3A_509 = arith.addf %add3A_477, %get3A_508 : vector<32xbf16>
        %mul3A_510 = arith.constant 32 : i32
        %mul3A_511 = arith.muli %add3A_125, %mul3A_510 : i32
        %add3A_512 = arith.constant 14 : i32
        %add3A_513 = arith.addi %mul3A_511, %add3A_512 : i32
        %get3A_514 = arith.index_cast %add3A_513 : i32 to index
        %get3A_515 = arith.constant 32 : index
        %get3A_516 = tpu.vector_load %arg12[%get3A_514, %get3A_515] {strides = array<i32>} : memref<256x128xbf16, #tpu.memory_space<vmem>>, vector<32xbf16>,
        %add3A_517 = arith.addf %add3A_485, %get3A_516 : vector<32xbf16>
        %mul3A_518 = arith.constant 32 : i32
        %mul3A_519 = arith.muli %add3A_125, %mul3A_518 : i32
        %add3A_520 = arith.constant 15 : i32
        %add3A_521 = arith.addi %mul3A_519, %add3A_520 : i32
        %get3A_522 = arith.index_cast %add3A_521 : i32 to index
        %get3A_523 = arith.constant 32 : index
        %get3A_524 = tpu.vector_load %arg12[%get3A_522, %get3A_523] {strides = array<i32>} : memref<256x128xbf16, #tpu.memory_space<vmem>>, vector<32xbf16>,
        %add3A_525 = arith.addf %add3A_493, %get3A_524 : vector<32xbf16>
        %mul3A_526 = arith.constant 32 : i32
        %mul3A_527 = arith.muli %add3A_125, %mul3A_526 : i32
        %add3A_528 = arith.constant 16 : i32
        %add3A_529 = arith.addi %mul3A_527, %add3A_528 : i32
        %get3A_530 = arith.index_cast %add3A_529 : i32 to index
        %get3A_531 = arith.constant 32 : index
        %get3A_532 = tpu.vector_load %arg12[%get3A_530, %get3A_531] {strides = array<i32>} : memref<256x128xbf16, #tpu.memory_space<vmem>>, vector<32xbf16>,
        %add3A_533 = arith.addf %add3A_501, %get3A_532 : vector<32xbf16>
        %mul3A_534 = arith.constant 32 : i32
        %mul3A_535 = arith.muli %add3A_125, %mul3A_534 : i32
        %add3A_536 = arith.constant 17 : i32
        %add3A_537 = arith.addi %mul3A_535, %add3A_536 : i32
        %get3A_538 = arith.index_cast %add3A_537 : i32 to index
        %get3A_539 = arith.constant 32 : index
        %get3A_540 = tpu.vector_load %arg12[%get3A_538, %get3A_539] {strides = array<i32>} : memref<256x128xbf16, #tpu.memory_space<vmem>>, vector<32xbf16>,
        %add3A_541 = arith.addf %add3A_509, %get3A_540 : vector<32xbf16>
        %mul3A_542 = arith.constant 32 : i32
        %mul3A_543 = arith.muli %add3A_125, %mul3A_542 : i32
        %add3A_544 = arith.constant 18 : i32
        %add3A_545 = arith.addi %mul3A_543, %add3A_544 : i32
        %get3A_546 = arith.index_cast %add3A_545 : i32 to index
        %get3A_547 = arith.constant 32 : index
        %get3A_548 = tpu.vector_load %arg12[%get3A_546, %get3A_547] {strides = array<i32>} : memref<256x128xbf16, #tpu.memory_space<vmem>>, vector<32xbf16>,
        %add3A_549 = arith.addf %add3A_517, %get3A_548 : vector<32xbf16>
        %mul3A_550 = arith.constant 32 : i32
        %mul3A_551 = arith.muli %add3A_125, %mul3A_550 : i32
        %add3A_552 = arith.constant 19 : i32
        %add3A_553 = arith.addi %mul3A_551, %add3A_552 : i32
        %get3A_554 = arith.index_cast %add3A_553 : i32 to index
        %get3A_555 = arith.constant 32 : index
        %get3A_556 = tpu.vector_load %arg12[%get3A_554, %get3A_555] {strides = array<i32>} : memref<256x128xbf16, #tpu.memory_space<vmem>>, vector<32xbf16>,
        %add3A_557 = arith.addf %add3A_525, %get3A_556 : vector<32xbf16>
        %mul3A_558 = arith.constant 32 : i32
        %mul3A_559 = arith.muli %add3A_125, %mul3A_558 : i32
        %add3A_560 = arith.constant 20 : i32
        %add3A_561 = arith.addi %mul3A_559, %add3A_560 : i32
        %get3A_562 = arith.index_cast %add3A_561 : i32 to index
        %get3A_563 = arith.constant 32 : index
        %get3A_564 = tpu.vector_load %arg12[%get3A_562, %get3A_563] {strides = array<i32>} : memref<256x128xbf16, #tpu.memory_space<vmem>>, vector<32xbf16>,
        %add3A_565 = arith.addf %add3A_533, %get3A_564 : vector<32xbf16>
        %mul3A_566 = arith.constant 32 : i32
        %mul3A_567 = arith.muli %add3A_125, %mul3A_566 : i32
        %add3A_568 = arith.constant 21 : i32
        %add3A_569 = arith.addi %mul3A_567, %add3A_568 : i32
        %get3A_570 = arith.index_cast %add3A_569 : i32 to index
        %get3A_571 = arith.constant 32 : index
        %get3A_572 = tpu.vector_load %arg12[%get3A_570, %get3A_571] {strides = array<i32>} : memref<256x128xbf16, #tpu.memory_space<vmem>>, vector<32xbf16>,
        %add3A_573 = arith.addf %add3A_541, %get3A_572 : vector<32xbf16>
        %mul3A_574 = arith.constant 32 : i32
        %mul3A_575 = arith.muli %add3A_125, %mul3A_574 : i32
        %add3A_576 = arith.constant 22 : i32
        %add3A_577 = arith.addi %mul3A_575, %add3A_576 : i32
        %get3A_578 = arith.index_cast %add3A_577 : i32 to index
        %get3A_579 = arith.constant 32 : index
        %get3A_580 = tpu.vector_load %arg12[%get3A_578, %get3A_579] {strides = array<i32>} : memref<256x128xbf16, #tpu.memory_space<vmem>>, vector<32xbf16>,
        %add3A_581 = arith.addf %add3A_549, %get3A_580 : vector<32xbf16>
        %mul3A_582 = arith.constant 32 : i32
        %mul3A_583 = arith.muli %add3A_125, %mul3A_582 : i32
        %add3A_584 = arith.constant 23 : i32
        %add3A_585 = arith.addi %mul3A_583, %add3A_584 : i32
        %get3A_586 = arith.index_cast %add3A_585 : i32 to index
        %get3A_587 = arith.constant 32 : index
        %get3A_588 = tpu.vector_load %arg12[%get3A_586, %get3A_587] {strides = array<i32>} : memref<256x128xbf16, #tpu.memory_space<vmem>>, vector<32xbf16>,
        %add3A_589 = arith.addf %add3A_557, %get3A_588 : vector<32xbf16>
        %mul3A_590 = arith.constant 32 : i32
        %mul3A_591 = arith.muli %add3A_125, %mul3A_590 : i32
        %add3A_592 = arith.constant 24 : i32
        %add3A_593 = arith.addi %mul3A_591, %add3A_592 : i32
        %get3A_594 = arith.index_cast %add3A_593 : i32 to index
        %get3A_595 = arith.constant 32 : index
        %get3A_596 = tpu.vector_load %arg12[%get3A_594, %get3A_595] {strides = array<i32>} : memref<256x128xbf16, #tpu.memory_space<vmem>>, vector<32xbf16>,
        %add3A_597 = arith.addf %add3A_565, %get3A_596 : vector<32xbf16>
        %mul3A_598 = arith.constant 32 : i32
        %mul3A_599 = arith.muli %add3A_125, %mul3A_598 : i32
        %add3A_600 = arith.constant 25 : i32
        %add3A_601 = arith.addi %mul3A_599, %add3A_600 : i32
        %get3A_602 = arith.index_cast %add3A_601 : i32 to index
        %get3A_603 = arith.constant 32 : index
        %get3A_604 = tpu.vector_load %arg12[%get3A_602, %get3A_603] {strides = array<i32>} : memref<256x128xbf16, #tpu.memory_space<vmem>>, vector<32xbf16>,
        %add3A_605 = arith.addf %add3A_573, %get3A_604 : vector<32xbf16>
        %mul3A_606 = arith.constant 32 : i32
        %mul3A_607 = arith.muli %add3A_125, %mul3A_606 : i32
        %add3A_608 = arith.constant 26 : i32
        %add3A_609 = arith.addi %mul3A_607, %add3A_608 : i32
        %get3A_610 = arith.index_cast %add3A_609 : i32 to index
        %get3A_611 = arith.constant 32 : index
        %get3A_612 = tpu.vector_load %arg12[%get3A_610, %get3A_611] {strides = array<i32>} : memref<256x128xbf16, #tpu.memory_space<vmem>>, vector<32xbf16>,
        %add3A_613 = arith.addf %add3A_581, %get3A_612 : vector<32xbf16>
        %mul3A_614 = arith.constant 32 : i32
        %mul3A_615 = arith.muli %add3A_125, %mul3A_614 : i32
        %add3A_616 = arith.constant 27 : i32
        %add3A_617 = arith.addi %mul3A_615, %add3A_616 : i32
        %get3A_618 = arith.index_cast %add3A_617 : i32 to index
        %get3A_619 = arith.constant 32 : index
        %get3A_620 = tpu.vector_load %arg12[%get3A_618, %get3A_619] {strides = array<i32>} : memref<256x128xbf16, #tpu.memory_space<vmem>>, vector<32xbf16>,
        %add3A_621 = arith.addf %add3A_589, %get3A_620 : vector<32xbf16>
        %mul3A_622 = arith.constant 32 : i32
        %mul3A_623 = arith.muli %add3A_125, %mul3A_622 : i32
        %add3A_624 = arith.constant 28 : i32
        %add3A_625 = arith.addi %mul3A_623, %add3A_624 : i32
        %get3A_626 = arith.index_cast %add3A_625 : i32 to index
        %get3A_627 = arith.constant 32 : index
        %get3A_628 = tpu.vector_load %arg12[%get3A_626, %get3A_627] {strides = array<i32>} : memref<256x128xbf16, #tpu.memory_space<vmem>>, vector<32xbf16>,
        %add3A_629 = arith.addf %add3A_597, %get3A_628 : vector<32xbf16>
        %mul3A_630 = arith.constant 32 : i32
        %mul3A_631 = arith.muli %add3A_125, %mul3A_630 : i32
        %add3A_632 = arith.constant 29 : i32
        %add3A_633 = arith.addi %mul3A_631, %add3A_632 : i32
        %get3A_634 = arith.index_cast %add3A_633 : i32 to index
        %get3A_635 = arith.constant 32 : index
        %get3A_636 = tpu.vector_load %arg12[%get3A_634, %get3A_635] {strides = array<i32>} : memref<256x128xbf16, #tpu.memory_space<vmem>>, vector<32xbf16>,
        %add3A_637 = arith.addf %add3A_605, %get3A_636 : vector<32xbf16>
        %mul3A_638 = arith.constant 32 : i32
        %mul3A_639 = arith.muli %add3A_125, %mul3A_638 : i32
        %add3A_640 = arith.constant 30 : i32
        %add3A_641 = arith.addi %mul3A_639, %add3A_640 : i32
        %get3A_642 = arith.index_cast %add3A_641 : i32 to index
        %get3A_643 = arith.constant 32 : index
        %get3A_644 = tpu.vector_load %arg12[%get3A_642, %get3A_643] {strides = array<i32>} : memref<256x128xbf16, #tpu.memory_space<vmem>>, vector<32xbf16>,
        %add3A_645 = arith.addf %add3A_613, %get3A_644 : vector<32xbf16>
        %mul3A_646 = arith.constant 32 : i32
        %mul3A_647 = arith.muli %add3A_125, %mul3A_646 : i32
        %add3A_648 = arith.constant 31 : i32
        %add3A_649 = arith.addi %mul3A_647, %add3A_648 : i32
        %get3A_650 = arith.index_cast %add3A_649 : i32 to index
        %get3A_651 = arith.constant 32 : index
        %get3A_652 = tpu.vector_load %arg12[%get3A_650, %get3A_651] {strides = array<i32>} : memref<256x128xbf16, #tpu.memory_space<vmem>>, vector<32xbf16>,
        %add3A_653 = arith.addf %add3A_621, %get3A_652 : vector<32xbf16>
        %add3A_654 = arith.addf %add3A_629, %add3A_637 : vector<32xbf16>
        %add3A_655 = arith.addf %add3A_645, %add3A_653 : vector<32xbf16>
        %add3A_656 = arith.addf %add3A_654, %add3A_655 : vector<32xbf16>
        %unpack3A_657 = tpu.unpack_subelements %add3A_656, 0 {pack_format = #tpu.pack_format<interleaved>} : vector<32xbf16> -> vector<16xf32>
        %unpack3A_658 = tpu.unpack_subelements %add3A_656, 1 {pack_format = #tpu.pack_format<interleaved>} : vector<32xbf16> -> vector<16xf32>
        %get3A_659 = arith.index_cast %add3A_128 : i32 to index
        %get3A_660 = arith.constant 32 : index
        %get3A_661 = tpu.vector_load %arg9[%get3A_659, %get3A_660] {strides = array<i32>} : memref<128x128xf32, #tpu.memory_space<vmem>>, vector<16xf32>,
        %add3A_662 = arith.addf %get3A_661, %unpack3A_657 : vector<16xf32>
        %max3A_663 = arith.constant 0.000000e+00 : f32
        %max3A_664 = vector.broadcast %max3A_663 : f32 to vector<16xf32>
        %max3A_665 = arith.maximumf %add3A_662, %max3A_664 : vector<16xf32>
        %swap3A_666 = arith.index_cast %add3A_128 : i32 to index
        %swap3A_667 = arith.constant 32 : index
        %swap3A_668 = tpu.vector_load %arg14[%swap3A_666, %swap3A_667] {strides = array<i32>} : memref<128x128xf32, #tpu.memory_space<vmem>>, vector<16xf32>,
        tpu.vector_store %arg14[%swap3A_666, %swap3A_667], %max3A_665 {strides = array<i32>} : memref<128x128xf32, #tpu.memory_space<vmem>>, vector<16xf32>,
        %get3A_669 = arith.index_cast %add3A_128 : i32 to index
        %get3A_670 = arith.constant 48 : index
        %get3A_671 = tpu.vector_load %arg9[%get3A_669, %get3A_670] {strides = array<i32>} : memref<128x128xf32, #tpu.memory_space<vmem>>, vector<16xf32>,
        %add3A_672 = arith.addf %get3A_671, %unpack3A_658 : vector<16xf32>
        %max3A_673 = arith.constant 0.000000e+00 : f32
        %max3A_674 = vector.broadcast %max3A_673 : f32 to vector<16xf32>
        %max3A_675 = arith.maximumf %add3A_672, %max3A_674 : vector<16xf32>
        %swap3A_676 = arith.index_cast %add3A_128 : i32 to index
        %swap3A_677 = arith.constant 48 : index
        %swap3A_678 = tpu.vector_load %arg14[%swap3A_676, %swap3A_677] {strides = array<i32>} : memref<128x128xf32, #tpu.memory_space<vmem>>, vector<16xf32>,
        tpu.vector_store %arg14[%swap3A_676, %swap3A_677], %max3A_675 {strides = array<i32>} : memref<128x128xf32, #tpu.memory_space<vmem>>, vector<16xf32>,
        %mul3A_679 = arith.constant 32 : i32
        %mul3A_680 = arith.muli %add3A_125, %mul3A_679 : i32
        %add3A_681 = arith.constant 0 : i32
        %add3A_682 = arith.addi %mul3A_680, %add3A_681 : i32
        %get3A_683 = arith.index_cast %add3A_682 : i32 to index
        %get3A_684 = arith.constant 64 : index
        %get3A_685 = tpu.vector_load %arg12[%get3A_683, %get3A_684] {strides = array<i32>} : memref<256x128xbf16, #tpu.memory_space<vmem>>, vector<32xbf16>,
        %mul3A_686 = arith.constant 32 : i32
        %mul3A_687 = arith.muli %add3A_125, %mul3A_686 : i32
        %add3A_688 = arith.constant 1 : i32
        %add3A_689 = arith.addi %mul3A_687, %add3A_688 : i32
        %get3A_690 = arith.index_cast %add3A_689 : i32 to index
        %get3A_691 = arith.constant 64 : index
        %get3A_692 = tpu.vector_load %arg12[%get3A_690, %get3A_691] {strides = array<i32>} : memref<256x128xbf16, #tpu.memory_space<vmem>>, vector<32xbf16>,
        %mul3A_693 = arith.constant 32 : i32
        %mul3A_694 = arith.muli %add3A_125, %mul3A_693 : i32
        %add3A_695 = arith.constant 2 : i32
        %add3A_696 = arith.addi %mul3A_694, %add3A_695 : i32
        %get3A_697 = arith.index_cast %add3A_696 : i32 to index
        %get3A_698 = arith.constant 64 : index
        %get3A_699 = tpu.vector_load %arg12[%get3A_697, %get3A_698] {strides = array<i32>} : memref<256x128xbf16, #tpu.memory_space<vmem>>, vector<32xbf16>,
        %mul3A_700 = arith.constant 32 : i32
        %mul3A_701 = arith.muli %add3A_125, %mul3A_700 : i32
        %add3A_702 = arith.constant 3 : i32
        %add3A_703 = arith.addi %mul3A_701, %add3A_702 : i32
        %get3A_704 = arith.index_cast %add3A_703 : i32 to index
        %get3A_705 = arith.constant 64 : index
        %get3A_706 = tpu.vector_load %arg12[%get3A_704, %get3A_705] {strides = array<i32>} : memref<256x128xbf16, #tpu.memory_space<vmem>>, vector<32xbf16>,
        %mul3A_707 = arith.constant 32 : i32
        %mul3A_708 = arith.muli %add3A_125, %mul3A_707 : i32
        %add3A_709 = arith.constant 4 : i32
        %add3A_710 = arith.addi %mul3A_708, %add3A_709 : i32
        %get3A_711 = arith.index_cast %add3A_710 : i32 to index
        %get3A_712 = arith.constant 64 : index
        %get3A_713 = tpu.vector_load %arg12[%get3A_711, %get3A_712] {strides = array<i32>} : memref<256x128xbf16, #tpu.memory_space<vmem>>, vector<32xbf16>,
        %add3A_714 = arith.addf %get3A_685, %get3A_713 : vector<32xbf16>
        %mul3A_715 = arith.constant 32 : i32
        %mul3A_716 = arith.muli %add3A_125, %mul3A_715 : i32
        %add3A_717 = arith.constant 5 : i32
        %add3A_718 = arith.addi %mul3A_716, %add3A_717 : i32
        %get3A_719 = arith.index_cast %add3A_718 : i32 to index
        %get3A_720 = arith.constant 64 : index
        %get3A_721 = tpu.vector_load %arg12[%get3A_719, %get3A_720] {strides = array<i32>} : memref<256x128xbf16, #tpu.memory_space<vmem>>, vector<32xbf16>,
        %add3A_722 = arith.addf %get3A_692, %get3A_721 : vector<32xbf16>
        %mul3A_723 = arith.constant 32 : i32
        %mul3A_724 = arith.muli %add3A_125, %mul3A_723 : i32
        %add3A_725 = arith.constant 6 : i32
        %add3A_726 = arith.addi %mul3A_724, %add3A_725 : i32
        %get3A_727 = arith.index_cast %add3A_726 : i32 to index
        %get3A_728 = arith.constant 64 : index
        %get3A_729 = tpu.vector_load %arg12[%get3A_727, %get3A_728] {strides = array<i32>} : memref<256x128xbf16, #tpu.memory_space<vmem>>, vector<32xbf16>,
        %add3A_730 = arith.addf %get3A_699, %get3A_729 : vector<32xbf16>
        %mul3A_731 = arith.constant 32 : i32
        %mul3A_732 = arith.muli %add3A_125, %mul3A_731 : i32
        %add3A_733 = arith.constant 7 : i32
        %add3A_734 = arith.addi %mul3A_732, %add3A_733 : i32
        %get3A_735 = arith.index_cast %add3A_734 : i32 to index
        %get3A_736 = arith.constant 64 : index
        %get3A_737 = tpu.vector_load %arg12[%get3A_735, %get3A_736] {strides = array<i32>} : memref<256x128xbf16, #tpu.memory_space<vmem>>, vector<32xbf16>,
        %add3A_738 = arith.addf %get3A_706, %get3A_737 : vector<32xbf16>
        %mul3A_739 = arith.constant 32 : i32
        %mul3A_740 = arith.muli %add3A_125, %mul3A_739 : i32
        %add3A_741 = arith.constant 8 : i32
        %add3A_742 = arith.addi %mul3A_740, %add3A_741 : i32
        %get3A_743 = arith.index_cast %add3A_742 : i32 to index
        %get3A_744 = arith.constant 64 : index
        %get3A_745 = tpu.vector_load %arg12[%get3A_743, %get3A_744] {strides = array<i32>} : memref<256x128xbf16, #tpu.memory_space<vmem>>, vector<32xbf16>,
        %add3A_746 = arith.addf %add3A_714, %get3A_745 : vector<32xbf16>
        %mul3A_747 = arith.constant 32 : i32
        %mul3A_748 = arith.muli %add3A_125, %mul3A_747 : i32
        %add3A_749 = arith.constant 9 : i32
        %add3A_750 = arith.addi %mul3A_748, %add3A_749 : i32
        %get3A_751 = arith.index_cast %add3A_750 : i32 to index
        %get3A_752 = arith.constant 64 : index
        %get3A_753 = tpu.vector_load %arg12[%get3A_751, %get3A_752] {strides = array<i32>} : memref<256x128xbf16, #tpu.memory_space<vmem>>, vector<32xbf16>,
        %add3A_754 = arith.addf %add3A_722, %get3A_753 : vector<32xbf16>
        %mul3A_755 = arith.constant 32 : i32
        %mul3A_756 = arith.muli %add3A_125, %mul3A_755 : i32
        %add3A_757 = arith.constant 10 : i32
        %add3A_758 = arith.addi %mul3A_756, %add3A_757 : i32
        %get3A_759 = arith.index_cast %add3A_758 : i32 to index
        %get3A_760 = arith.constant 64 : index
        %get3A_761 = tpu.vector_load %arg12[%get3A_759, %get3A_760] {strides = array<i32>} : memref<256x128xbf16, #tpu.memory_space<vmem>>, vector<32xbf16>,
        %add3A_762 = arith.addf %add3A_730, %get3A_761 : vector<32xbf16>
        %mul3A_763 = arith.constant 32 : i32
        %mul3A_764 = arith.muli %add3A_125, %mul3A_763 : i32
        %add3A_765 = arith.constant 11 : i32
        %add3A_766 = arith.addi %mul3A_764, %add3A_765 : i32
        %get3A_767 = arith.index_cast %add3A_766 : i32 to index
        %get3A_768 = arith.constant 64 : index
        %get3A_769 = tpu.vector_load %arg12[%get3A_767, %get3A_768] {strides = array<i32>} : memref<256x128xbf16, #tpu.memory_space<vmem>>, vector<32xbf16>,
        %add3A_770 = arith.addf %add3A_738, %get3A_769 : vector<32xbf16>
        %mul3A_771 = arith.constant 32 : i32
        %mul3A_772 = arith.muli %add3A_125, %mul3A_771 : i32
        %add3A_773 = arith.constant 12 : i32
        %add3A_774 = arith.addi %mul3A_772, %add3A_773 : i32
        %get3A_775 = arith.index_cast %add3A_774 : i32 to index
        %get3A_776 = arith.constant 64 : index
        %get3A_777 = tpu.vector_load %arg12[%get3A_775, %get3A_776] {strides = array<i32>} : memref<256x128xbf16, #tpu.memory_space<vmem>>, vector<32xbf16>,
        %add3A_778 = arith.addf %add3A_746, %get3A_777 : vector<32xbf16>
        %mul3A_779 = arith.constant 32 : i32
        %mul3A_780 = arith.muli %add3A_125, %mul3A_779 : i32
        %add3A_781 = arith.constant 13 : i32
        %add3A_782 = arith.addi %mul3A_780, %add3A_781 : i32
        %get3A_783 = arith.index_cast %add3A_782 : i32 to index
        %get3A_784 = arith.constant 64 : index
        %get3A_785 = tpu.vector_load %arg12[%get3A_783, %get3A_784] {strides = array<i32>} : memref<256x128xbf16, #tpu.memory_space<vmem>>, vector<32xbf16>,
        %add3A_786 = arith.addf %add3A_754, %get3A_785 : vector<32xbf16>
        %mul3A_787 = arith.constant 32 : i32
        %mul3A_788 = arith.muli %add3A_125, %mul3A_787 : i32
        %add3A_789 = arith.constant 14 : i32
        %add3A_790 = arith.addi %mul3A_788, %add3A_789 : i32
        %get3A_791 = arith.index_cast %add3A_790 : i32 to index
        %get3A_792 = arith.constant 64 : index
        %get3A_793 = tpu.vector_load %arg12[%get3A_791, %get3A_792] {strides = array<i32>} : memref<256x128xbf16, #tpu.memory_space<vmem>>, vector<32xbf16>,
        %add3A_794 = arith.addf %add3A_762, %get3A_793 : vector<32xbf16>
        %mul3A_795 = arith.constant 32 : i32
        %mul3A_796 = arith.muli %add3A_125, %mul3A_795 : i32
        %add3A_797 = arith.constant 15 : i32
        %add3A_798 = arith.addi %mul3A_796, %add3A_797 : i32
        %get3A_799 = arith.index_cast %add3A_798 : i32 to index
        %get3A_800 = arith.constant 64 : index
        %get3A_801 = tpu.vector_load %arg12[%get3A_799, %get3A_800] {strides = array<i32>} : memref<256x128xbf16, #tpu.memory_space<vmem>>, vector<32xbf16>,
        %add3A_802 = arith.addf %add3A_770, %get3A_801 : vector<32xbf16>
        %mul3A_803 = arith.constant 32 : i32
        %mul3A_804 = arith.muli %add3A_125, %mul3A_803 : i32
        %add3A_805 = arith.constant 16 : i32
        %add3A_806 = arith.addi %mul3A_804, %add3A_805 : i32
        %get3A_807 = arith.index_cast %add3A_806 : i32 to index
        %get3A_808 = arith.constant 64 : index
        %get3A_809 = tpu.vector_load %arg12[%get3A_807, %get3A_808] {strides = array<i32>} : memref<256x128xbf16, #tpu.memory_space<vmem>>, vector<32xbf16>,
        %add3A_810 = arith.addf %add3A_778, %get3A_809 : vector<32xbf16>
        %mul3A_811 = arith.constant 32 : i32
        %mul3A_812 = arith.muli %add3A_125, %mul3A_811 : i32
        %add3A_813 = arith.constant 17 : i32
        %add3A_814 = arith.addi %mul3A_812, %add3A_813 : i32
        %get3A_815 = arith.index_cast %add3A_814 : i32 to index
        %get3A_816 = arith.constant 64 : index
        %get3A_817 = tpu.vector_load %arg12[%get3A_815, %get3A_816] {strides = array<i32>} : memref<256x128xbf16, #tpu.memory_space<vmem>>, vector<32xbf16>,
        %add3A_818 = arith.addf %add3A_786, %get3A_817 : vector<32xbf16>
        %mul3A_819 = arith.constant 32 : i32
        %mul3A_820 = arith.muli %add3A_125, %mul3A_819 : i32
        %add3A_821 = arith.constant 18 : i32
        %add3A_822 = arith.addi %mul3A_820, %add3A_821 : i32
        %get3A_823 = arith.index_cast %add3A_822 : i32 to index
        %get3A_824 = arith.constant 64 : index
        %get3A_825 = tpu.vector_load %arg12[%get3A_823, %get3A_824] {strides = array<i32>} : memref<256x128xbf16, #tpu.memory_space<vmem>>, vector<32xbf16>,
        %add3A_826 = arith.addf %add3A_794, %get3A_825 : vector<32xbf16>
        %mul3A_827 = arith.constant 32 : i32
        %mul3A_828 = arith.muli %add3A_125, %mul3A_827 : i32
        %add3A_829 = arith.constant 19 : i32
        %add3A_830 = arith.addi %mul3A_828, %add3A_829 : i32
        %get3A_831 = arith.index_cast %add3A_830 : i32 to index
        %get3A_832 = arith.constant 64 : index
        %get3A_833 = tpu.vector_load %arg12[%get3A_831, %get3A_832] {strides = array<i32>} : memref<256x128xbf16, #tpu.memory_space<vmem>>, vector<32xbf16>,
        %add3A_834 = arith.addf %add3A_802, %get3A_833 : vector<32xbf16>
        %mul3A_835 = arith.constant 32 : i32
        %mul3A_836 = arith.muli %add3A_125, %mul3A_835 : i32
        %add3A_837 = arith.constant 20 : i32
        %add3A_838 = arith.addi %mul3A_836, %add3A_837 : i32
        %get3A_839 = arith.index_cast %add3A_838 : i32 to index
        %get3A_840 = arith.constant 64 : index
        %get3A_841 = tpu.vector_load %arg12[%get3A_839, %get3A_840] {strides = array<i32>} : memref<256x128xbf16, #tpu.memory_space<vmem>>, vector<32xbf16>,
        %add3A_842 = arith.addf %add3A_810, %get3A_841 : vector<32xbf16>
        %mul3A_843 = arith.constant 32 : i32
        %mul3A_844 = arith.muli %add3A_125, %mul3A_843 : i32
        %add3A_845 = arith.constant 21 : i32
        %add3A_846 = arith.addi %mul3A_844, %add3A_845 : i32
        %get3A_847 = arith.index_cast %add3A_846 : i32 to index
        %get3A_848 = arith.constant 64 : index
        %get3A_849 = tpu.vector_load %arg12[%get3A_847, %get3A_848] {strides = array<i32>} : memref<256x128xbf16, #tpu.memory_space<vmem>>, vector<32xbf16>,
        %add3A_850 = arith.addf %add3A_818, %get3A_849 : vector<32xbf16>
        %mul3A_851 = arith.constant 32 : i32
        %mul3A_852 = arith.muli %add3A_125, %mul3A_851 : i32
        %add3A_853 = arith.constant 22 : i32
        %add3A_854 = arith.addi %mul3A_852, %add3A_853 : i32
        %get3A_855 = arith.index_cast %add3A_854 : i32 to index
        %get3A_856 = arith.constant 64 : index
        %get3A_857 = tpu.vector_load %arg12[%get3A_855, %get3A_856] {strides = array<i32>} : memref<256x128xbf16, #tpu.memory_space<vmem>>, vector<32xbf16>,
        %add3A_858 = arith.addf %add3A_826, %get3A_857 : vector<32xbf16>
        %mul3A_859 = arith.constant 32 : i32
        %mul3A_860 = arith.muli %add3A_125, %mul3A_859 : i32
        %add3A_861 = arith.constant 23 : i32
        %add3A_862 = arith.addi %mul3A_860, %add3A_861 : i32
        %get3A_863 = arith.index_cast %add3A_862 : i32 to index
        %get3A_864 = arith.constant 64 : index
        %get3A_865 = tpu.vector_load %arg12[%get3A_863, %get3A_864] {strides = array<i32>} : memref<256x128xbf16, #tpu.memory_space<vmem>>, vector<32xbf16>,
        %add3A_866 = arith.addf %add3A_834, %get3A_865 : vector<32xbf16>
        %mul3A_867 = arith.constant 32 : i32
        %mul3A_868 = arith.muli %add3A_125, %mul3A_867 : i32
        %add3A_869 = arith.constant 24 : i32
        %add3A_870 = arith.addi %mul3A_868, %add3A_869 : i32
        %get3A_871 = arith.index_cast %add3A_870 : i32 to index
        %get3A_872 = arith.constant 64 : index
        %get3A_873 = tpu.vector_load %arg12[%get3A_871, %get3A_872] {strides = array<i32>} : memref<256x128xbf16, #tpu.memory_space<vmem>>, vector<32xbf16>,
        %add3A_874 = arith.addf %add3A_842, %get3A_873 : vector<32xbf16>
        %mul3A_875 = arith.constant 32 : i32
        %mul3A_876 = arith.muli %add3A_125, %mul3A_875 : i32
        %add3A_877 = arith.constant 25 : i32
        %add3A_878 = arith.addi %mul3A_876, %add3A_877 : i32
        %get3A_879 = arith.index_cast %add3A_878 : i32 to index
        %get3A_880 = arith.constant 64 : index
        %get3A_881 = tpu.vector_load %arg12[%get3A_879, %get3A_880] {strides = array<i32>} : memref<256x128xbf16, #tpu.memory_space<vmem>>, vector<32xbf16>,
        %add3A_882 = arith.addf %add3A_850, %get3A_881 : vector<32xbf16>
        %mul3A_883 = arith.constant 32 : i32
        %mul3A_884 = arith.muli %add3A_125, %mul3A_883 : i32
        %add3A_885 = arith.constant 26 : i32
        %add3A_886 = arith.addi %mul3A_884, %add3A_885 : i32
        %get3A_887 = arith.index_cast %add3A_886 : i32 to index
        %get3A_888 = arith.constant 64 : index
        %get3A_889 = tpu.vector_load %arg12[%get3A_887, %get3A_888] {strides = array<i32>} : memref<256x128xbf16, #tpu.memory_space<vmem>>, vector<32xbf16>,
        %add3A_890 = arith.addf %add3A_858, %get3A_889 : vector<32xbf16>
        %mul3A_891 = arith.constant 32 : i32
        %mul3A_892 = arith.muli %add3A_125, %mul3A_891 : i32
        %add3A_893 = arith.constant 27 : i32
        %add3A_894 = arith.addi %mul3A_892, %add3A_893 : i32
        %get3A_895 = arith.index_cast %add3A_894 : i32 to index
        %get3A_896 = arith.constant 64 : index
        %get3A_897 = tpu.vector_load %arg12[%get3A_895, %get3A_896] {strides = array<i32>} : memref<256x128xbf16, #tpu.memory_space<vmem>>, vector<32xbf16>,
        %add3A_898 = arith.addf %add3A_866, %get3A_897 : vector<32xbf16>
        %mul3A_899 = arith.constant 32 : i32
        %mul3A_900 = arith.muli %add3A_125, %mul3A_899 : i32
        %add3A_901 = arith.constant 28 : i32
        %add3A_902 = arith.addi %mul3A_900, %add3A_901 : i32
        %get3A_903 = arith.index_cast %add3A_902 : i32 to index
        %get3A_904 = arith.constant 64 : index
        %get3A_905 = tpu.vector_load %arg12[%get3A_903, %get3A_904] {strides = array<i32>} : memref<256x128xbf16, #tpu.memory_space<vmem>>, vector<32xbf16>,
        %add3A_906 = arith.addf %add3A_874, %get3A_905 : vector<32xbf16>
        %mul3A_907 = arith.constant 32 : i32
        %mul3A_908 = arith.muli %add3A_125, %mul3A_907 : i32
        %add3A_909 = arith.constant 29 : i32
        %add3A_910 = arith.addi %mul3A_908, %add3A_909 : i32
        %get3A_911 = arith.index_cast %add3A_910 : i32 to index
        %get3A_912 = arith.constant 64 : index
        %get3A_913 = tpu.vector_load %arg12[%get3A_911, %get3A_912] {strides = array<i32>} : memref<256x128xbf16, #tpu.memory_space<vmem>>, vector<32xbf16>,
        %add3A_914 = arith.addf %add3A_882, %get3A_913 : vector<32xbf16>
        %mul3A_915 = arith.constant 32 : i32
        %mul3A_916 = arith.muli %add3A_125, %mul3A_915 : i32
        %add3A_917 = arith.constant 30 : i32
        %add3A_918 = arith.addi %mul3A_916, %add3A_917 : i32
        %get3A_919 = arith.index_cast %add3A_918 : i32 to index
        %get3A_920 = arith.constant 64 : index
        %get3A_921 = tpu.vector_load %arg12[%get3A_919, %get3A_920] {strides = array<i32>} : memref<256x128xbf16, #tpu.memory_space<vmem>>, vector<32xbf16>,
        %add3A_922 = arith.addf %add3A_890, %get3A_921 : vector<32xbf16>
        %mul3A_923 = arith.constant 32 : i32
        %mul3A_924 = arith.muli %add3A_125, %mul3A_923 : i32
        %add3A_925 = arith.constant 31 : i32
        %add3A_926 = arith.addi %mul3A_924, %add3A_925 : i32
        %get3A_927 = arith.index_cast %add3A_926 : i32 to index
        %get3A_928 = arith.constant 64 : index
        %get3A_929 = tpu.vector_load %arg12[%get3A_927, %get3A_928] {strides = array<i32>} : memref<256x128xbf16, #tpu.memory_space<vmem>>, vector<32xbf16>,
        %add3A_930 = arith.addf %add3A_898, %get3A_929 : vector<32xbf16>
        %add3A_931 = arith.addf %add3A_906, %add3A_914 : vector<32xbf16>
        %add3A_932 = arith.addf %add3A_922, %add3A_930 : vector<32xbf16>
        %add3A_933 = arith.addf %add3A_931, %add3A_932 : vector<32xbf16>
        %unpack3A_934 = tpu.unpack_subelements %add3A_933, 0 {pack_format = #tpu.pack_format<interleaved>} : vector<32xbf16> -> vector<16xf32>
        %unpack3A_935 = tpu.unpack_subelements %add3A_933, 1 {pack_format = #tpu.pack_format<interleaved>} : vector<32xbf16> -> vector<16xf32>
        %get3A_936 = arith.index_cast %add3A_128 : i32 to index
        %get3A_937 = arith.constant 64 : index
        %get3A_938 = tpu.vector_load %arg9[%get3A_936, %get3A_937] {strides = array<i32>} : memref<128x128xf32, #tpu.memory_space<vmem>>, vector<16xf32>,
        %add3A_939 = arith.addf %get3A_938, %unpack3A_934 : vector<16xf32>
        %max3A_940 = arith.constant 0.000000e+00 : f32
        %max3A_941 = vector.broadcast %max3A_940 : f32 to vector<16xf32>
        %max3A_942 = arith.maximumf %add3A_939, %max3A_941 : vector<16xf32>
        %swap3A_943 = arith.index_cast %add3A_128 : i32 to index
        %swap3A_944 = arith.constant 64 : index
        %swap3A_945 = tpu.vector_load %arg14[%swap3A_943, %swap3A_944] {strides = array<i32>} : memref<128x128xf32, #tpu.memory_space<vmem>>, vector<16xf32>,
        tpu.vector_store %arg14[%swap3A_943, %swap3A_944], %max3A_942 {strides = array<i32>} : memref<128x128xf32, #tpu.memory_space<vmem>>, vector<16xf32>,
        %get3A_946 = arith.index_cast %add3A_128 : i32 to index
        %get3A_947 = arith.constant 80 : index
        %get3A_948 = tpu.vector_load %arg9[%get3A_946, %get3A_947] {strides = array<i32>} : memref<128x128xf32, #tpu.memory_space<vmem>>, vector<16xf32>,
        %add3A_949 = arith.addf %get3A_948, %unpack3A_935 : vector<16xf32>
        %max3A_950 = arith.constant 0.000000e+00 : f32
        %max3A_951 = vector.broadcast %max3A_950 : f32 to vector<16xf32>
        %max3A_952 = arith.maximumf %add3A_949, %max3A_951 : vector<16xf32>
        %swap3A_953 = arith.index_cast %add3A_128 : i32 to index
        %swap3A_954 = arith.constant 80 : index
        %swap3A_955 = tpu.vector_load %arg14[%swap3A_953, %swap3A_954] {strides = array<i32>} : memref<128x128xf32, #tpu.memory_space<vmem>>, vector<16xf32>,
        tpu.vector_store %arg14[%swap3A_953, %swap3A_954], %max3A_952 {strides = array<i32>} : memref<128x128xf32, #tpu.memory_space<vmem>>, vector<16xf32>,
        %mul3A_956 = arith.constant 32 : i32
        %mul3A_957 = arith.muli %add3A_125, %mul3A_956 : i32
        %add3A_958 = arith.constant 0 : i32
        %add3A_959 = arith.addi %mul3A_957, %add3A_958 : i32
        %get3A_960 = arith.index_cast %add3A_959 : i32 to index
        %get3A_961 = arith.constant 96 : index
        %get3A_962 = tpu.vector_load %arg12[%get3A_960, %get3A_961] {strides = array<i32>} : memref<256x128xbf16, #tpu.memory_space<vmem>>, vector<32xbf16>,
        %mul3A_963 = arith.constant 32 : i32
        %mul3A_964 = arith.muli %add3A_125, %mul3A_963 : i32
        %add3A_965 = arith.constant 1 : i32
        %add3A_966 = arith.addi %mul3A_964, %add3A_965 : i32
        %get3A_967 = arith.index_cast %add3A_966 : i32 to index
        %get3A_968 = arith.constant 96 : index
        %get3A_969 = tpu.vector_load %arg12[%get3A_967, %get3A_968] {strides = array<i32>} : memref<256x128xbf16, #tpu.memory_space<vmem>>, vector<32xbf16>,
        %mul3A_970 = arith.constant 32 : i32
        %mul3A_971 = arith.muli %add3A_125, %mul3A_970 : i32
        %add3A_972 = arith.constant 2 : i32
        %add3A_973 = arith.addi %mul3A_971, %add3A_972 : i32
        %get3A_974 = arith.index_cast %add3A_973 : i32 to index
        %get3A_975 = arith.constant 96 : index
        %get3A_976 = tpu.vector_load %arg12[%get3A_974, %get3A_975] {strides = array<i32>} : memref<256x128xbf16, #tpu.memory_space<vmem>>, vector<32xbf16>,
        %mul3A_977 = arith.constant 32 : i32
        %mul3A_978 = arith.muli %add3A_125, %mul3A_977 : i32
        %add3A_979 = arith.constant 3 : i32
        %add3A_980 = arith.addi %mul3A_978, %add3A_979 : i32
        %get3A_981 = arith.index_cast %add3A_980 : i32 to index
        %get3A_982 = arith.constant 96 : index
        %get3A_983 = tpu.vector_load %arg12[%get3A_981, %get3A_982] {strides = array<i32>} : memref<256x128xbf16, #tpu.memory_space<vmem>>, vector<32xbf16>,
        %mul3A_984 = arith.constant 32 : i32
        %mul3A_985 = arith.muli %add3A_125, %mul3A_984 : i32
        %add3A_986 = arith.constant 4 : i32
        %add3A_987 = arith.addi %mul3A_985, %add3A_986 : i32
        %get3A_988 = arith.index_cast %add3A_987 : i32 to index
        %get3A_989 = arith.constant 96 : index
        %get3A_990 = tpu.vector_load %arg12[%get3A_988, %get3A_989] {strides = array<i32>} : memref<256x128xbf16, #tpu.memory_space<vmem>>, vector<32xbf16>,
        %add3A_991 = arith.addf %get3A_962, %get3A_990 : vector<32xbf16>
        %mul3A_992 = arith.constant 32 : i32
        %mul3A_993 = arith.muli %add3A_125, %mul3A_992 : i32
        %add3A_994 = arith.constant 5 : i32
        %add3A_995 = arith.addi %mul3A_993, %add3A_994 : i32
        %get3A_996 = arith.index_cast %add3A_995 : i32 to index
        %get3A_997 = arith.constant 96 : index
        %get3A_998 = tpu.vector_load %arg12[%get3A_996, %get3A_997] {strides = array<i32>} : memref<256x128xbf16, #tpu.memory_space<vmem>>, vector<32xbf16>,
        %add3A_999 = arith.addf %get3A_969, %get3A_998 : vector<32xbf16>
        %mul3A_1000 = arith.constant 32 : i32
        %mul3A_1001 = arith.muli %add3A_125, %mul3A_1000 : i32
        %add3A_1002 = arith.constant 6 : i32
        %add3A_1003 = arith.addi %mul3A_1001, %add3A_1002 : i32
        %get3A_1004 = arith.index_cast %add3A_1003 : i32 to index
        %get3A_1005 = arith.constant 96 : index
        %get3A_1006 = tpu.vector_load %arg12[%get3A_1004, %get3A_1005] {strides = array<i32>} : memref<256x128xbf16, #tpu.memory_space<vmem>>, vector<32xbf16>,
        %add3A_1007 = arith.addf %get3A_976, %get3A_1006 : vector<32xbf16>
        %mul3A_1008 = arith.constant 32 : i32
        %mul3A_1009 = arith.muli %add3A_125, %mul3A_1008 : i32
        %add3A_1010 = arith.constant 7 : i32
        %add3A_1011 = arith.addi %mul3A_1009, %add3A_1010 : i32
        %get3A_1012 = arith.index_cast %add3A_1011 : i32 to index
        %get3A_1013 = arith.constant 96 : index
        %get3A_1014 = tpu.vector_load %arg12[%get3A_1012, %get3A_1013] {strides = array<i32>} : memref<256x128xbf16, #tpu.memory_space<vmem>>, vector<32xbf16>,
        %add3A_1015 = arith.addf %get3A_983, %get3A_1014 : vector<32xbf16>
        %mul3A_1016 = arith.constant 32 : i32
        %mul3A_1017 = arith.muli %add3A_125, %mul3A_1016 : i32
        %add3A_1018 = arith.constant 8 : i32
        %add3A_1019 = arith.addi %mul3A_1017, %add3A_1018 : i32
        %get3A_1020 = arith.index_cast %add3A_1019 : i32 to index
        %get3A_1021 = arith.constant 96 : index
        %get3A_1022 = tpu.vector_load %arg12[%get3A_1020, %get3A_1021] {strides = array<i32>} : memref<256x128xbf16, #tpu.memory_space<vmem>>, vector<32xbf16>,
        %add3A_1023 = arith.addf %add3A_991, %get3A_1022 : vector<32xbf16>
        %mul3A_1024 = arith.constant 32 : i32
        %mul3A_1025 = arith.muli %add3A_125, %mul3A_1024 : i32
        %add3A_1026 = arith.constant 9 : i32
        %add3A_1027 = arith.addi %mul3A_1025, %add3A_1026 : i32
        %get3A_1028 = arith.index_cast %add3A_1027 : i32 to index
        %get3A_1029 = arith.constant 96 : index
        %get3A_1030 = tpu.vector_load %arg12[%get3A_1028, %get3A_1029] {strides = array<i32>} : memref<256x128xbf16, #tpu.memory_space<vmem>>, vector<32xbf16>,
        %add3A_1031 = arith.addf %add3A_999, %get3A_1030 : vector<32xbf16>
        %mul3A_1032 = arith.constant 32 : i32
        %mul3A_1033 = arith.muli %add3A_125, %mul3A_1032 : i32
        %add3A_1034 = arith.constant 10 : i32
        %add3A_1035 = arith.addi %mul3A_1033, %add3A_1034 : i32
        %get3A_1036 = arith.index_cast %add3A_1035 : i32 to index
        %get3A_1037 = arith.constant 96 : index
        %get3A_1038 = tpu.vector_load %arg12[%get3A_1036, %get3A_1037] {strides = array<i32>} : memref<256x128xbf16, #tpu.memory_space<vmem>>, vector<32xbf16>,
        %add3A_1039 = arith.addf %add3A_1007, %get3A_1038 : vector<32xbf16>
        %mul3A_1040 = arith.constant 32 : i32
        %mul3A_1041 = arith.muli %add3A_125, %mul3A_1040 : i32
        %add3A_1042 = arith.constant 11 : i32
        %add3A_1043 = arith.addi %mul3A_1041, %add3A_1042 : i32
        %get3A_1044 = arith.index_cast %add3A_1043 : i32 to index
        %get3A_1045 = arith.constant 96 : index
        %get3A_1046 = tpu.vector_load %arg12[%get3A_1044, %get3A_1045] {strides = array<i32>} : memref<256x128xbf16, #tpu.memory_space<vmem>>, vector<32xbf16>,
        %add3A_1047 = arith.addf %add3A_1015, %get3A_1046 : vector<32xbf16>
        %mul3A_1048 = arith.constant 32 : i32
        %mul3A_1049 = arith.muli %add3A_125, %mul3A_1048 : i32
        %add3A_1050 = arith.constant 12 : i32
        %add3A_1051 = arith.addi %mul3A_1049, %add3A_1050 : i32
        %get3A_1052 = arith.index_cast %add3A_1051 : i32 to index
        %get3A_1053 = arith.constant 96 : index
        %get3A_1054 = tpu.vector_load %arg12[%get3A_1052, %get3A_1053] {strides = array<i32>} : memref<256x128xbf16, #tpu.memory_space<vmem>>, vector<32xbf16>,
        %add3A_1055 = arith.addf %add3A_1023, %get3A_1054 : vector<32xbf16>
        %mul3A_1056 = arith.constant 32 : i32
        %mul3A_1057 = arith.muli %add3A_125, %mul3A_1056 : i32
        %add3A_1058 = arith.constant 13 : i32
        %add3A_1059 = arith.addi %mul3A_1057, %add3A_1058 : i32
        %get3A_1060 = arith.index_cast %add3A_1059 : i32 to index
        %get3A_1061 = arith.constant 96 : index
        %get3A_1062 = tpu.vector_load %arg12[%get3A_1060, %get3A_1061] {strides = array<i32>} : memref<256x128xbf16, #tpu.memory_space<vmem>>, vector<32xbf16>,
        %add3A_1063 = arith.addf %add3A_1031, %get3A_1062 : vector<32xbf16>
        %mul3A_1064 = arith.constant 32 : i32
        %mul3A_1065 = arith.muli %add3A_125, %mul3A_1064 : i32
        %add3A_1066 = arith.constant 14 : i32
        %add3A_1067 = arith.addi %mul3A_1065, %add3A_1066 : i32
        %get3A_1068 = arith.index_cast %add3A_1067 : i32 to index
        %get3A_1069 = arith.constant 96 : index
        %get3A_1070 = tpu.vector_load %arg12[%get3A_1068, %get3A_1069] {strides = array<i32>} : memref<256x128xbf16, #tpu.memory_space<vmem>>, vector<32xbf16>,
        %add3A_1071 = arith.addf %add3A_1039, %get3A_1070 : vector<32xbf16>
        %mul3A_1072 = arith.constant 32 : i32
        %mul3A_1073 = arith.muli %add3A_125, %mul3A_1072 : i32
        %add3A_1074 = arith.constant 15 : i32
        %add3A_1075 = arith.addi %mul3A_1073, %add3A_1074 : i32
        %get3A_1076 = arith.index_cast %add3A_1075 : i32 to index
        %get3A_1077 = arith.constant 96 : index
        %get3A_1078 = tpu.vector_load %arg12[%get3A_1076, %get3A_1077] {strides = array<i32>} : memref<256x128xbf16, #tpu.memory_space<vmem>>, vector<32xbf16>,
        %add3A_1079 = arith.addf %add3A_1047, %get3A_1078 : vector<32xbf16>
        %mul3A_1080 = arith.constant 32 : i32
        %mul3A_1081 = arith.muli %add3A_125, %mul3A_1080 : i32
        %add3A_1082 = arith.constant 16 : i32
        %add3A_1083 = arith.addi %mul3A_1081, %add3A_1082 : i32
        %get3A_1084 = arith.index_cast %add3A_1083 : i32 to index
        %get3A_1085 = arith.constant 96 : index
        %get3A_1086 = tpu.vector_load %arg12[%get3A_1084, %get3A_1085] {strides = array<i32>} : memref<256x128xbf16, #tpu.memory_space<vmem>>, vector<32xbf16>,
        %add3A_1087 = arith.addf %add3A_1055, %get3A_1086 : vector<32xbf16>
        %mul3A_1088 = arith.constant 32 : i32
        %mul3A_1089 = arith.muli %add3A_125, %mul3A_1088 : i32
        %add3A_1090 = arith.constant 17 : i32
        %add3A_1091 = arith.addi %mul3A_1089, %add3A_1090 : i32
        %get3A_1092 = arith.index_cast %add3A_1091 : i32 to index
        %get3A_1093 = arith.constant 96 : index
        %get3A_1094 = tpu.vector_load %arg12[%get3A_1092, %get3A_1093] {strides = array<i32>} : memref<256x128xbf16, #tpu.memory_space<vmem>>, vector<32xbf16>,
        %add3A_1095 = arith.addf %add3A_1063, %get3A_1094 : vector<32xbf16>
        %mul3A_1096 = arith.constant 32 : i32
        %mul3A_1097 = arith.muli %add3A_125, %mul3A_1096 : i32
        %add3A_1098 = arith.constant 18 : i32
        %add3A_1099 = arith.addi %mul3A_1097, %add3A_1098 : i32
        %get3A_1100 = arith.index_cast %add3A_1099 : i32 to index
        %get3A_1101 = arith.constant 96 : index
        %get3A_1102 = tpu.vector_load %arg12[%get3A_1100, %get3A_1101] {strides = array<i32>} : memref<256x128xbf16, #tpu.memory_space<vmem>>, vector<32xbf16>,
        %add3A_1103 = arith.addf %add3A_1071, %get3A_1102 : vector<32xbf16>
        %mul3A_1104 = arith.constant 32 : i32
        %mul3A_1105 = arith.muli %add3A_125, %mul3A_1104 : i32
        %add3A_1106 = arith.constant 19 : i32
        %add3A_1107 = arith.addi %mul3A_1105, %add3A_1106 : i32
        %get3A_1108 = arith.index_cast %add3A_1107 : i32 to index
        %get3A_1109 = arith.constant 96 : index
        %get3A_1110 = tpu.vector_load %arg12[%get3A_1108, %get3A_1109] {strides = array<i32>} : memref<256x128xbf16, #tpu.memory_space<vmem>>, vector<32xbf16>,
        %add3A_1111 = arith.addf %add3A_1079, %get3A_1110 : vector<32xbf16>
        %mul3A_1112 = arith.constant 32 : i32
        %mul3A_1113 = arith.muli %add3A_125, %mul3A_1112 : i32
        %add3A_1114 = arith.constant 20 : i32
        %add3A_1115 = arith.addi %mul3A_1113, %add3A_1114 : i32
        %get3A_1116 = arith.index_cast %add3A_1115 : i32 to index
        %get3A_1117 = arith.constant 96 : index
        %get3A_1118 = tpu.vector_load %arg12[%get3A_1116, %get3A_1117] {strides = array<i32>} : memref<256x128xbf16, #tpu.memory_space<vmem>>, vector<32xbf16>,
        %add3A_1119 = arith.addf %add3A_1087, %get3A_1118 : vector<32xbf16>
        %mul3A_1120 = arith.constant 32 : i32
        %mul3A_1121 = arith.muli %add3A_125, %mul3A_1120 : i32
        %add3A_1122 = arith.constant 21 : i32
        %add3A_1123 = arith.addi %mul3A_1121, %add3A_1122 : i32
        %get3A_1124 = arith.index_cast %add3A_1123 : i32 to index
        %get3A_1125 = arith.constant 96 : index
        %get3A_1126 = tpu.vector_load %arg12[%get3A_1124, %get3A_1125] {strides = array<i32>} : memref<256x128xbf16, #tpu.memory_space<vmem>>, vector<32xbf16>,
        %add3A_1127 = arith.addf %add3A_1095, %get3A_1126 : vector<32xbf16>
        %mul3A_1128 = arith.constant 32 : i32
        %mul3A_1129 = arith.muli %add3A_125, %mul3A_1128 : i32
        %add3A_1130 = arith.constant 22 : i32
        %add3A_1131 = arith.addi %mul3A_1129, %add3A_1130 : i32
        %get3A_1132 = arith.index_cast %add3A_1131 : i32 to index
        %get3A_1133 = arith.constant 96 : index
        %get3A_1134 = tpu.vector_load %arg12[%get3A_1132, %get3A_1133] {strides = array<i32>} : memref<256x128xbf16, #tpu.memory_space<vmem>>, vector<32xbf16>,
        %add3A_1135 = arith.addf %add3A_1103, %get3A_1134 : vector<32xbf16>
        %mul3A_1136 = arith.constant 32 : i32
        %mul3A_1137 = arith.muli %add3A_125, %mul3A_1136 : i32
        %add3A_1138 = arith.constant 23 : i32
        %add3A_1139 = arith.addi %mul3A_1137, %add3A_1138 : i32
        %get3A_1140 = arith.index_cast %add3A_1139 : i32 to index
        %get3A_1141 = arith.constant 96 : index
        %get3A_1142 = tpu.vector_load %arg12[%get3A_1140, %get3A_1141] {strides = array<i32>} : memref<256x128xbf16, #tpu.memory_space<vmem>>, vector<32xbf16>,
        %add3A_1143 = arith.addf %add3A_1111, %get3A_1142 : vector<32xbf16>
        %mul3A_1144 = arith.constant 32 : i32
        %mul3A_1145 = arith.muli %add3A_125, %mul3A_1144 : i32
        %add3A_1146 = arith.constant 24 : i32
        %add3A_1147 = arith.addi %mul3A_1145, %add3A_1146 : i32
        %get3A_1148 = arith.index_cast %add3A_1147 : i32 to index
        %get3A_1149 = arith.constant 96 : index
        %get3A_1150 = tpu.vector_load %arg12[%get3A_1148, %get3A_1149] {strides = array<i32>} : memref<256x128xbf16, #tpu.memory_space<vmem>>, vector<32xbf16>,
        %add3A_1151 = arith.addf %add3A_1119, %get3A_1150 : vector<32xbf16>
        %mul3A_1152 = arith.constant 32 : i32
        %mul3A_1153 = arith.muli %add3A_125, %mul3A_1152 : i32
        %add3A_1154 = arith.constant 25 : i32
        %add3A_1155 = arith.addi %mul3A_1153, %add3A_1154 : i32
        %get3A_1156 = arith.index_cast %add3A_1155 : i32 to index
        %get3A_1157 = arith.constant 96 : index
        %get3A_1158 = tpu.vector_load %arg12[%get3A_1156, %get3A_1157] {strides = array<i32>} : memref<256x128xbf16, #tpu.memory_space<vmem>>, vector<32xbf16>,
        %add3A_1159 = arith.addf %add3A_1127, %get3A_1158 : vector<32xbf16>
        %mul3A_1160 = arith.constant 32 : i32
        %mul3A_1161 = arith.muli %add3A_125, %mul3A_1160 : i32
        %add3A_1162 = arith.constant 26 : i32
        %add3A_1163 = arith.addi %mul3A_1161, %add3A_1162 : i32
        %get3A_1164 = arith.index_cast %add3A_1163 : i32 to index
        %get3A_1165 = arith.constant 96 : index
        %get3A_1166 = tpu.vector_load %arg12[%get3A_1164, %get3A_1165] {strides = array<i32>} : memref<256x128xbf16, #tpu.memory_space<vmem>>, vector<32xbf16>,
        %add3A_1167 = arith.addf %add3A_1135, %get3A_1166 : vector<32xbf16>
        %mul3A_1168 = arith.constant 32 : i32
        %mul3A_1169 = arith.muli %add3A_125, %mul3A_1168 : i32
        %add3A_1170 = arith.constant 27 : i32
        %add3A_1171 = arith.addi %mul3A_1169, %add3A_1170 : i32
        %get3A_1172 = arith.index_cast %add3A_1171 : i32 to index
        %get3A_1173 = arith.constant 96 : index
        %get3A_1174 = tpu.vector_load %arg12[%get3A_1172, %get3A_1173] {strides = array<i32>} : memref<256x128xbf16, #tpu.memory_space<vmem>>, vector<32xbf16>,
        %add3A_1175 = arith.addf %add3A_1143, %get3A_1174 : vector<32xbf16>
        %mul3A_1176 = arith.constant 32 : i32
        %mul3A_1177 = arith.muli %add3A_125, %mul3A_1176 : i32
        %add3A_1178 = arith.constant 28 : i32
        %add3A_1179 = arith.addi %mul3A_1177, %add3A_1178 : i32
        %get3A_1180 = arith.index_cast %add3A_1179 : i32 to index
        %get3A_1181 = arith.constant 96 : index
        %get3A_1182 = tpu.vector_load %arg12[%get3A_1180, %get3A_1181] {strides = array<i32>} : memref<256x128xbf16, #tpu.memory_space<vmem>>, vector<32xbf16>,
        %add3A_1183 = arith.addf %add3A_1151, %get3A_1182 : vector<32xbf16>
        %mul3A_1184 = arith.constant 32 : i32
        %mul3A_1185 = arith.muli %add3A_125, %mul3A_1184 : i32
        %add3A_1186 = arith.constant 29 : i32
        %add3A_1187 = arith.addi %mul3A_1185, %add3A_1186 : i32
        %get3A_1188 = arith.index_cast %add3A_1187 : i32 to index
        %get3A_1189 = arith.constant 96 : index
        %get3A_1190 = tpu.vector_load %arg12[%get3A_1188, %get3A_1189] {strides = array<i32>} : memref<256x128xbf16, #tpu.memory_space<vmem>>, vector<32xbf16>,
        %add3A_1191 = arith.addf %add3A_1159, %get3A_1190 : vector<32xbf16>
        %mul3A_1192 = arith.constant 32 : i32
        %mul3A_1193 = arith.muli %add3A_125, %mul3A_1192 : i32
        %add3A_1194 = arith.constant 30 : i32
        %add3A_1195 = arith.addi %mul3A_1193, %add3A_1194 : i32
        %get3A_1196 = arith.index_cast %add3A_1195 : i32 to index
        %get3A_1197 = arith.constant 96 : index
        %get3A_1198 = tpu.vector_load %arg12[%get3A_1196, %get3A_1197] {strides = array<i32>} : memref<256x128xbf16, #tpu.memory_space<vmem>>, vector<32xbf16>,
        %add3A_1199 = arith.addf %add3A_1167, %get3A_1198 : vector<32xbf16>
        %mul3A_1200 = arith.constant 32 : i32
        %mul3A_1201 = arith.muli %add3A_125, %mul3A_1200 : i32
        %add3A_1202 = arith.constant 31 : i32
        %add3A_1203 = arith.addi %mul3A_1201, %add3A_1202 : i32
        %get3A_1204 = arith.index_cast %add3A_1203 : i32 to index
        %get3A_1205 = arith.constant 96 : index
        %get3A_1206 = tpu.vector_load %arg12[%get3A_1204, %get3A_1205] {strides = array<i32>} : memref<256x128xbf16, #tpu.memory_space<vmem>>, vector<32xbf16>,
        %add3A_1207 = arith.addf %add3A_1175, %get3A_1206 : vector<32xbf16>
        %add3A_1208 = arith.addf %add3A_1183, %add3A_1191 : vector<32xbf16>
        %add3A_1209 = arith.addf %add3A_1199, %add3A_1207 : vector<32xbf16>
        %add3A_1210 = arith.addf %add3A_1208, %add3A_1209 : vector<32xbf16>
        %unpack3A_1211 = tpu.unpack_subelements %add3A_1210, 0 {pack_format = #tpu.pack_format<interleaved>} : vector<32xbf16> -> vector<16xf32>
        %unpack3A_1212 = tpu.unpack_subelements %add3A_1210, 1 {pack_format = #tpu.pack_format<interleaved>} : vector<32xbf16> -> vector<16xf32>
        %get3A_1213 = arith.index_cast %add3A_128 : i32 to index
        %get3A_1214 = arith.constant 96 : index
        %get3A_1215 = tpu.vector_load %arg9[%get3A_1213, %get3A_1214] {strides = array<i32>} : memref<128x128xf32, #tpu.memory_space<vmem>>, vector<16xf32>,
        %add3A_1216 = arith.addf %get3A_1215, %unpack3A_1211 : vector<16xf32>
        %max3A_1217 = arith.constant 0.000000e+00 : f32
        %max3A_1218 = vector.broadcast %max3A_1217 : f32 to vector<16xf32>
        %max3A_1219 = arith.maximumf %add3A_1216, %max3A_1218 : vector<16xf32>
        %swap3A_1220 = arith.index_cast %add3A_128 : i32 to index
        %swap3A_1221 = arith.constant 96 : index
        %swap3A_1222 = tpu.vector_load %arg14[%swap3A_1220, %swap3A_1221] {strides = array<i32>} : memref<128x128xf32, #tpu.memory_space<vmem>>, vector<16xf32>,
        tpu.vector_store %arg14[%swap3A_1220, %swap3A_1221], %max3A_1219 {strides = array<i32>} : memref<128x128xf32, #tpu.memory_space<vmem>>, vector<16xf32>,
        %get3A_1223 = arith.index_cast %add3A_128 : i32 to index
        %get3A_1224 = arith.constant 112 : index
        %get3A_1225 = tpu.vector_load %arg9[%get3A_1223, %get3A_1224] {strides = array<i32>} : memref<128x128xf32, #tpu.memory_space<vmem>>, vector<16xf32>,
        %add3A_1226 = arith.addf %get3A_1225, %unpack3A_1212 : vector<16xf32>
        %max3A_1227 = arith.constant 0.000000e+00 : f32
        %max3A_1228 = vector.broadcast %max3A_1227 : f32 to vector<16xf32>
        %max3A_1229 = arith.maximumf %add3A_1226, %max3A_1228 : vector<16xf32>
        %swap3A_1230 = arith.index_cast %add3A_128 : i32 to index
        %swap3A_1231 = arith.constant 112 : index
        %swap3A_1232 = tpu.vector_load %arg14[%swap3A_1230, %swap3A_1231] {strides = array<i32>} : memref<128x128xf32, #tpu.memory_space<vmem>>, vector<16xf32>,
        tpu.vector_store %arg14[%swap3A_1230, %swap3A_1231], %max3A_1229 {strides = array<i32>} : memref<128x128xf32, #tpu.memory_space<vmem>>, vector<16xf32>,
      }
      %scan3A_86 = arith.constant 8 : i32
      %add3A_87 = arith.constant 2 : i32
      %add3A_88 = arith.addi %add3A_32, %add3A_87 : i32
      %add3A_89 = arith.constant 4 : i32
      %add3A_90 = arith.addi %add3A_88, %add3A_89 : i32
      %sub3A_91 = arith.constant 1 : i32
      %sub3A_92 = arith.subi %add3A_90, %sub3A_91 : i32
      %lt3A_93 = arith.constant 16 : i32
      %lt3A_94 = arith.cmpi slt, %sub3A_92, %lt3A_93 : i32
      %convert_element_type3A_95 = arith.extui %lt3A_94 : i1 to i32
      %cond3A_96 = arith.constant 0 : i32
      %cond3A_97 = arith.cmpi ne, %convert_element_type3A_95, %cond3A_96 : i32
      scf.if %cond3A_97 {
        %add3A_121 = arith.constant 2 : i32
        %add3A_122 = arith.addi %add3A_32, %add3A_121 : i32
        %add3A_123 = arith.constant 4 : i32
        %add3A_124 = arith.addi %add3A_122, %add3A_123 : i32
        %sub3A_125 = arith.constant 1 : i32
        %sub3A_126 = arith.subi %add3A_124, %sub3A_125 : i32
        %mul3A_127 = arith.constant 256 : i32
        %mul3A_128 = arith.muli %sub3A_126, %mul3A_127 : i32
        %dma_start3A_129 = tpu.memref_slice %arg8[%mul3A_128] : memref<4096xi32, #tpu.memory_space<vmem>> -> memref<256xi32, #tpu.memory_space<vmem>>
        %dma_start3A_130 = arith.constant 0 : i32
        %dma_start3A_131 = arith.constant 0 : i32
        %dma_start3A_132 = tpu.memref_slice %arg5[%dma_start3A_130, %dma_start3A_131] : memref<10000x128xbf16, #tpu.memory_space<hbm>> -> memref<10000x128xbf16, #tpu.memory_space<hbm>>
        tpu.enqueue_indirect_dma source(%dma_start3A_132 : memref<10000x128xbf16, #tpu.memory_space<hbm>>) target(%arg11 : memref<256x128xbf16, #tpu.memory_space<vmem>>) offsets(%dma_start3A_129 : memref<256xi32, #tpu.memory_space<vmem>>) semaphore(%arg16 : memref<!tpu.dma_semaphore, #tpu.memory_space<semaphore_mem>>)
      } else {
      }
      %dma_wait3A_98 = arith.constant 0 : i32
      %dma_wait3A_99 = tpu.memref_slice %arg8[%dma_wait3A_98] : memref<4096xi32, #tpu.memory_space<vmem>> -> memref<256xi32, #tpu.memory_space<vmem>>
      %dma_wait3A_100 = arith.constant 0 : i32
      %dma_wait3A_101 = arith.constant 0 : i32
      %dma_wait3A_102 = tpu.memref_slice %arg5[%dma_wait3A_100, %dma_wait3A_101] : memref<10000x128xbf16, #tpu.memory_space<hbm>> -> memref<10000x128xbf16, #tpu.memory_space<hbm>>
      tpu.wait_indirect_dma semaphore(%arg18 : memref<!tpu.dma_semaphore, #tpu.memory_space<semaphore_mem>>) src(%dma_wait3A_102 : memref<10000x128xbf16, #tpu.memory_space<hbm>>) dst(%arg13 : memref<256x128xbf16, #tpu.memory_space<vmem>>)
      %add3A_103 = arith.constant 3 : i32
      %add3A_104 = arith.addi %add3A_32, %add3A_103 : i32
      %scan3A_105 = arith.constant 0 : i32
      %scan3A_106 = arith.constant 8 : i32
      %scan3A_107 = arith.addi %scan3A_105, %scan3A_106 : i32
      %scan3A_108 = arith.constant 1 : i32
      scf.for %scan3A_121 = %scan3A_105 to %scan3A_107 step %scan3A_108  : i32 {
        %mul3A_122 = arith.constant 1 : i32
        %mul3A_123 = arith.muli %scan3A_121, %mul3A_122 : i32
        %add3A_124 = arith.constant 0 : i32
        %add3A_125 = arith.addi %add3A_124, %mul3A_123 : i32
        %mul3A_126 = arith.constant 8 : i32
        %mul3A_127 = arith.muli %add3A_104, %mul3A_126 : i32
        %add3A_128 = arith.addi %mul3A_127, %add3A_125 : i32
        %mul3A_129 = arith.constant 32 : i32
        %mul3A_130 = arith.muli %add3A_125, %mul3A_129 : i32
        %add3A_131 = arith.constant 0 : i32
        %add3A_132 = arith.addi %mul3A_130, %add3A_131 : i32
        %get3A = arith.index_cast %add3A_132 : i32 to index
        %get3A_133 = arith.constant 0 : index
        %get3A_134 = tpu.vector_load %arg13[%get3A, %get3A_133] {strides = array<i32>} : memref<256x128xbf16, #tpu.memory_space<vmem>>, vector<32xbf16>,
        %mul3A_135 = arith.constant 32 : i32
        %mul3A_136 = arith.muli %add3A_125, %mul3A_135 : i32
        %add3A_137 = arith.constant 1 : i32
        %add3A_138 = arith.addi %mul3A_136, %add3A_137 : i32
        %get3A_139 = arith.index_cast %add3A_138 : i32 to index
        %get3A_140 = arith.constant 0 : index
        %get3A_141 = tpu.vector_load %arg13[%get3A_139, %get3A_140] {strides = array<i32>} : memref<256x128xbf16, #tpu.memory_space<vmem>>, vector<32xbf16>,
        %mul3A_142 = arith.constant 32 : i32
        %mul3A_143 = arith.muli %add3A_125, %mul3A_142 : i32
        %add3A_144 = arith.constant 2 : i32
        %add3A_145 = arith.addi %mul3A_143, %add3A_144 : i32
        %get3A_146 = arith.index_cast %add3A_145 : i32 to index
        %get3A_147 = arith.constant 0 : index
        %get3A_148 = tpu.vector_load %arg13[%get3A_146, %get3A_147] {strides = array<i32>} : memref<256x128xbf16, #tpu.memory_space<vmem>>, vector<32xbf16>,
        %mul3A_149 = arith.constant 32 : i32
        %mul3A_150 = arith.muli %add3A_125, %mul3A_149 : i32
        %add3A_151 = arith.constant 3 : i32
        %add3A_152 = arith.addi %mul3A_150, %add3A_151 : i32
        %get3A_153 = arith.index_cast %add3A_152 : i32 to index
        %get3A_154 = arith.constant 0 : index
        %get3A_155 = tpu.vector_load %arg13[%get3A_153, %get3A_154] {strides = array<i32>} : memref<256x128xbf16, #tpu.memory_space<vmem>>, vector<32xbf16>,
        %mul3A_156 = arith.constant 32 : i32
        %mul3A_157 = arith.muli %add3A_125, %mul3A_156 : i32
        %add3A_158 = arith.constant 4 : i32
        %add3A_159 = arith.addi %mul3A_157, %add3A_158 : i32
        %get3A_160 = arith.index_cast %add3A_159 : i32 to index
        %get3A_161 = arith.constant 0 : index
        %get3A_162 = tpu.vector_load %arg13[%get3A_160, %get3A_161] {strides = array<i32>} : memref<256x128xbf16, #tpu.memory_space<vmem>>, vector<32xbf16>,
        %add3A_163 = arith.addf %get3A_134, %get3A_162 : vector<32xbf16>
        %mul3A_164 = arith.constant 32 : i32
        %mul3A_165 = arith.muli %add3A_125, %mul3A_164 : i32
        %add3A_166 = arith.constant 5 : i32
        %add3A_167 = arith.addi %mul3A_165, %add3A_166 : i32
        %get3A_168 = arith.index_cast %add3A_167 : i32 to index
        %get3A_169 = arith.constant 0 : index
        %get3A_170 = tpu.vector_load %arg13[%get3A_168, %get3A_169] {strides = array<i32>} : memref<256x128xbf16, #tpu.memory_space<vmem>>, vector<32xbf16>,
        %add3A_171 = arith.addf %get3A_141, %get3A_170 : vector<32xbf16>
        %mul3A_172 = arith.constant 32 : i32
        %mul3A_173 = arith.muli %add3A_125, %mul3A_172 : i32
        %add3A_174 = arith.constant 6 : i32
        %add3A_175 = arith.addi %mul3A_173, %add3A_174 : i32
        %get3A_176 = arith.index_cast %add3A_175 : i32 to index
        %get3A_177 = arith.constant 0 : index
        %get3A_178 = tpu.vector_load %arg13[%get3A_176, %get3A_177] {strides = array<i32>} : memref<256x128xbf16, #tpu.memory_space<vmem>>, vector<32xbf16>,
        %add3A_179 = arith.addf %get3A_148, %get3A_178 : vector<32xbf16>
        %mul3A_180 = arith.constant 32 : i32
        %mul3A_181 = arith.muli %add3A_125, %mul3A_180 : i32
        %add3A_182 = arith.constant 7 : i32
        %add3A_183 = arith.addi %mul3A_181, %add3A_182 : i32
        %get3A_184 = arith.index_cast %add3A_183 : i32 to index
        %get3A_185 = arith.constant 0 : index
        %get3A_186 = tpu.vector_load %arg13[%get3A_184, %get3A_185] {strides = array<i32>} : memref<256x128xbf16, #tpu.memory_space<vmem>>, vector<32xbf16>,
        %add3A_187 = arith.addf %get3A_155, %get3A_186 : vector<32xbf16>
        %mul3A_188 = arith.constant 32 : i32
        %mul3A_189 = arith.muli %add3A_125, %mul3A_188 : i32
        %add3A_190 = arith.constant 8 : i32
        %add3A_191 = arith.addi %mul3A_189, %add3A_190 : i32
        %get3A_192 = arith.index_cast %add3A_191 : i32 to index
        %get3A_193 = arith.constant 0 : index
        %get3A_194 = tpu.vector_load %arg13[%get3A_192, %get3A_193] {strides = array<i32>} : memref<256x128xbf16, #tpu.memory_space<vmem>>, vector<32xbf16>,
        %add3A_195 = arith.addf %add3A_163, %get3A_194 : vector<32xbf16>
        %mul3A_196 = arith.constant 32 : i32
        %mul3A_197 = arith.muli %add3A_125, %mul3A_196 : i32
        %add3A_198 = arith.constant 9 : i32
        %add3A_199 = arith.addi %mul3A_197, %add3A_198 : i32
        %get3A_200 = arith.index_cast %add3A_199 : i32 to index
        %get3A_201 = arith.constant 0 : index
        %get3A_202 = tpu.vector_load %arg13[%get3A_200, %get3A_201] {strides = array<i32>} : memref<256x128xbf16, #tpu.memory_space<vmem>>, vector<32xbf16>,
        %add3A_203 = arith.addf %add3A_171, %get3A_202 : vector<32xbf16>
        %mul3A_204 = arith.constant 32 : i32
        %mul3A_205 = arith.muli %add3A_125, %mul3A_204 : i32
        %add3A_206 = arith.constant 10 : i32
        %add3A_207 = arith.addi %mul3A_205, %add3A_206 : i32
        %get3A_208 = arith.index_cast %add3A_207 : i32 to index
        %get3A_209 = arith.constant 0 : index
        %get3A_210 = tpu.vector_load %arg13[%get3A_208, %get3A_209] {strides = array<i32>} : memref<256x128xbf16, #tpu.memory_space<vmem>>, vector<32xbf16>,
        %add3A_211 = arith.addf %add3A_179, %get3A_210 : vector<32xbf16>
        %mul3A_212 = arith.constant 32 : i32
        %mul3A_213 = arith.muli %add3A_125, %mul3A_212 : i32
        %add3A_214 = arith.constant 11 : i32
        %add3A_215 = arith.addi %mul3A_213, %add3A_214 : i32
        %get3A_216 = arith.index_cast %add3A_215 : i32 to index
        %get3A_217 = arith.constant 0 : index
        %get3A_218 = tpu.vector_load %arg13[%get3A_216, %get3A_217] {strides = array<i32>} : memref<256x128xbf16, #tpu.memory_space<vmem>>, vector<32xbf16>,
        %add3A_219 = arith.addf %add3A_187, %get3A_218 : vector<32xbf16>
        %mul3A_220 = arith.constant 32 : i32
        %mul3A_221 = arith.muli %add3A_125, %mul3A_220 : i32
        %add3A_222 = arith.constant 12 : i32
        %add3A_223 = arith.addi %mul3A_221, %add3A_222 : i32
        %get3A_224 = arith.index_cast %add3A_223 : i32 to index
        %get3A_225 = arith.constant 0 : index
        %get3A_226 = tpu.vector_load %arg13[%get3A_224, %get3A_225] {strides = array<i32>} : memref<256x128xbf16, #tpu.memory_space<vmem>>, vector<32xbf16>,
        %add3A_227 = arith.addf %add3A_195, %get3A_226 : vector<32xbf16>
        %mul3A_228 = arith.constant 32 : i32
        %mul3A_229 = arith.muli %add3A_125, %mul3A_228 : i32
        %add3A_230 = arith.constant 13 : i32
        %add3A_231 = arith.addi %mul3A_229, %add3A_230 : i32
        %get3A_232 = arith.index_cast %add3A_231 : i32 to index
        %get3A_233 = arith.constant 0 : index
        %get3A_234 = tpu.vector_load %arg13[%get3A_232, %get3A_233] {strides = array<i32>} : memref<256x128xbf16, #tpu.memory_space<vmem>>, vector<32xbf16>,
        %add3A_235 = arith.addf %add3A_203, %get3A_234 : vector<32xbf16>
        %mul3A_236 = arith.constant 32 : i32
        %mul3A_237 = arith.muli %add3A_125, %mul3A_236 : i32
        %add3A_238 = arith.constant 14 : i32
        %add3A_239 = arith.addi %mul3A_237, %add3A_238 : i32
        %get3A_240 = arith.index_cast %add3A_239 : i32 to index
        %get3A_241 = arith.constant 0 : index
        %get3A_242 = tpu.vector_load %arg13[%get3A_240, %get3A_241] {strides = array<i32>} : memref<256x128xbf16, #tpu.memory_space<vmem>>, vector<32xbf16>,
        %add3A_243 = arith.addf %add3A_211, %get3A_242 : vector<32xbf16>
        %mul3A_244 = arith.constant 32 : i32
        %mul3A_245 = arith.muli %add3A_125, %mul3A_244 : i32
        %add3A_246 = arith.constant 15 : i32
        %add3A_247 = arith.addi %mul3A_245, %add3A_246 : i32
        %get3A_248 = arith.index_cast %add3A_247 : i32 to index
        %get3A_249 = arith.constant 0 : index
        %get3A_250 = tpu.vector_load %arg13[%get3A_248, %get3A_249] {strides = array<i32>} : memref<256x128xbf16, #tpu.memory_space<vmem>>, vector<32xbf16>,
        %add3A_251 = arith.addf %add3A_219, %get3A_250 : vector<32xbf16>
        %mul3A_252 = arith.constant 32 : i32
        %mul3A_253 = arith.muli %add3A_125, %mul3A_252 : i32
        %add3A_254 = arith.constant 16 : i32
        %add3A_255 = arith.addi %mul3A_253, %add3A_254 : i32
        %get3A_256 = arith.index_cast %add3A_255 : i32 to index
        %get3A_257 = arith.constant 0 : index
        %get3A_258 = tpu.vector_load %arg13[%get3A_256, %get3A_257] {strides = array<i32>} : memref<256x128xbf16, #tpu.memory_space<vmem>>, vector<32xbf16>,
        %add3A_259 = arith.addf %add3A_227, %get3A_258 : vector<32xbf16>
        %mul3A_260 = arith.constant 32 : i32
        %mul3A_261 = arith.muli %add3A_125, %mul3A_260 : i32
        %add3A_262 = arith.constant 17 : i32
        %add3A_263 = arith.addi %mul3A_261, %add3A_262 : i32
        %get3A_264 = arith.index_cast %add3A_263 : i32 to index
        %get3A_265 = arith.constant 0 : index
        %get3A_266 = tpu.vector_load %arg13[%get3A_264, %get3A_265] {strides = array<i32>} : memref<256x128xbf16, #tpu.memory_space<vmem>>, vector<32xbf16>,
        %add3A_267 = arith.addf %add3A_235, %get3A_266 : vector<32xbf16>
        %mul3A_268 = arith.constant 32 : i32
        %mul3A_269 = arith.muli %add3A_125, %mul3A_268 : i32
        %add3A_270 = arith.constant 18 : i32
        %add3A_271 = arith.addi %mul3A_269, %add3A_270 : i32
        %get3A_272 = arith.index_cast %add3A_271 : i32 to index
        %get3A_273 = arith.constant 0 : index
        %get3A_274 = tpu.vector_load %arg13[%get3A_272, %get3A_273] {strides = array<i32>} : memref<256x128xbf16, #tpu.memory_space<vmem>>, vector<32xbf16>,
        %add3A_275 = arith.addf %add3A_243, %get3A_274 : vector<32xbf16>
        %mul3A_276 = arith.constant 32 : i32
        %mul3A_277 = arith.muli %add3A_125, %mul3A_276 : i32
        %add3A_278 = arith.constant 19 : i32
        %add3A_279 = arith.addi %mul3A_277, %add3A_278 : i32
        %get3A_280 = arith.index_cast %add3A_279 : i32 to index
        %get3A_281 = arith.constant 0 : index
        %get3A_282 = tpu.vector_load %arg13[%get3A_280, %get3A_281] {strides = array<i32>} : memref<256x128xbf16, #tpu.memory_space<vmem>>, vector<32xbf16>,
        %add3A_283 = arith.addf %add3A_251, %get3A_282 : vector<32xbf16>
        %mul3A_284 = arith.constant 32 : i32
        %mul3A_285 = arith.muli %add3A_125, %mul3A_284 : i32
        %add3A_286 = arith.constant 20 : i32
        %add3A_287 = arith.addi %mul3A_285, %add3A_286 : i32
        %get3A_288 = arith.index_cast %add3A_287 : i32 to index
        %get3A_289 = arith.constant 0 : index
        %get3A_290 = tpu.vector_load %arg13[%get3A_288, %get3A_289] {strides = array<i32>} : memref<256x128xbf16, #tpu.memory_space<vmem>>, vector<32xbf16>,
        %add3A_291 = arith.addf %add3A_259, %get3A_290 : vector<32xbf16>
        %mul3A_292 = arith.constant 32 : i32
        %mul3A_293 = arith.muli %add3A_125, %mul3A_292 : i32
        %add3A_294 = arith.constant 21 : i32
        %add3A_295 = arith.addi %mul3A_293, %add3A_294 : i32
        %get3A_296 = arith.index_cast %add3A_295 : i32 to index
        %get3A_297 = arith.constant 0 : index
        %get3A_298 = tpu.vector_load %arg13[%get3A_296, %get3A_297] {strides = array<i32>} : memref<256x128xbf16, #tpu.memory_space<vmem>>, vector<32xbf16>,
        %add3A_299 = arith.addf %add3A_267, %get3A_298 : vector<32xbf16>
        %mul3A_300 = arith.constant 32 : i32
        %mul3A_301 = arith.muli %add3A_125, %mul3A_300 : i32
        %add3A_302 = arith.constant 22 : i32
        %add3A_303 = arith.addi %mul3A_301, %add3A_302 : i32
        %get3A_304 = arith.index_cast %add3A_303 : i32 to index
        %get3A_305 = arith.constant 0 : index
        %get3A_306 = tpu.vector_load %arg13[%get3A_304, %get3A_305] {strides = array<i32>} : memref<256x128xbf16, #tpu.memory_space<vmem>>, vector<32xbf16>,
        %add3A_307 = arith.addf %add3A_275, %get3A_306 : vector<32xbf16>
        %mul3A_308 = arith.constant 32 : i32
        %mul3A_309 = arith.muli %add3A_125, %mul3A_308 : i32
        %add3A_310 = arith.constant 23 : i32
        %add3A_311 = arith.addi %mul3A_309, %add3A_310 : i32
        %get3A_312 = arith.index_cast %add3A_311 : i32 to index
        %get3A_313 = arith.constant 0 : index
        %get3A_314 = tpu.vector_load %arg13[%get3A_312, %get3A_313] {strides = array<i32>} : memref<256x128xbf16, #tpu.memory_space<vmem>>, vector<32xbf16>,
        %add3A_315 = arith.addf %add3A_283, %get3A_314 : vector<32xbf16>
        %mul3A_316 = arith.constant 32 : i32
        %mul3A_317 = arith.muli %add3A_125, %mul3A_316 : i32
        %add3A_318 = arith.constant 24 : i32
        %add3A_319 = arith.addi %mul3A_317, %add3A_318 : i32
        %get3A_320 = arith.index_cast %add3A_319 : i32 to index
        %get3A_321 = arith.constant 0 : index
        %get3A_322 = tpu.vector_load %arg13[%get3A_320, %get3A_321] {strides = array<i32>} : memref<256x128xbf16, #tpu.memory_space<vmem>>, vector<32xbf16>,
        %add3A_323 = arith.addf %add3A_291, %get3A_322 : vector<32xbf16>
        %mul3A_324 = arith.constant 32 : i32
        %mul3A_325 = arith.muli %add3A_125, %mul3A_324 : i32
        %add3A_326 = arith.constant 25 : i32
        %add3A_327 = arith.addi %mul3A_325, %add3A_326 : i32
        %get3A_328 = arith.index_cast %add3A_327 : i32 to index
        %get3A_329 = arith.constant 0 : index
        %get3A_330 = tpu.vector_load %arg13[%get3A_328, %get3A_329] {strides = array<i32>} : memref<256x128xbf16, #tpu.memory_space<vmem>>, vector<32xbf16>,
        %add3A_331 = arith.addf %add3A_299, %get3A_330 : vector<32xbf16>
        %mul3A_332 = arith.constant 32 : i32
        %mul3A_333 = arith.muli %add3A_125, %mul3A_332 : i32
        %add3A_334 = arith.constant 26 : i32
        %add3A_335 = arith.addi %mul3A_333, %add3A_334 : i32
        %get3A_336 = arith.index_cast %add3A_335 : i32 to index
        %get3A_337 = arith.constant 0 : index
        %get3A_338 = tpu.vector_load %arg13[%get3A_336, %get3A_337] {strides = array<i32>} : memref<256x128xbf16, #tpu.memory_space<vmem>>, vector<32xbf16>,
        %add3A_339 = arith.addf %add3A_307, %get3A_338 : vector<32xbf16>
        %mul3A_340 = arith.constant 32 : i32
        %mul3A_341 = arith.muli %add3A_125, %mul3A_340 : i32
        %add3A_342 = arith.constant 27 : i32
        %add3A_343 = arith.addi %mul3A_341, %add3A_342 : i32
        %get3A_344 = arith.index_cast %add3A_343 : i32 to index
        %get3A_345 = arith.constant 0 : index
        %get3A_346 = tpu.vector_load %arg13[%get3A_344, %get3A_345] {strides = array<i32>} : memref<256x128xbf16, #tpu.memory_space<vmem>>, vector<32xbf16>,
        %add3A_347 = arith.addf %add3A_315, %get3A_346 : vector<32xbf16>
        %mul3A_348 = arith.constant 32 : i32
        %mul3A_349 = arith.muli %add3A_125, %mul3A_348 : i32
        %add3A_350 = arith.constant 28 : i32
        %add3A_351 = arith.addi %mul3A_349, %add3A_350 : i32
        %get3A_352 = arith.index_cast %add3A_351 : i32 to index
        %get3A_353 = arith.constant 0 : index
        %get3A_354 = tpu.vector_load %arg13[%get3A_352, %get3A_353] {strides = array<i32>} : memref<256x128xbf16, #tpu.memory_space<vmem>>, vector<32xbf16>,
        %add3A_355 = arith.addf %add3A_323, %get3A_354 : vector<32xbf16>
        %mul3A_356 = arith.constant 32 : i32
        %mul3A_357 = arith.muli %add3A_125, %mul3A_356 : i32
        %add3A_358 = arith.constant 29 : i32
        %add3A_359 = arith.addi %mul3A_357, %add3A_358 : i32
        %get3A_360 = arith.index_cast %add3A_359 : i32 to index
        %get3A_361 = arith.constant 0 : index
        %get3A_362 = tpu.vector_load %arg13[%get3A_360, %get3A_361] {strides = array<i32>} : memref<256x128xbf16, #tpu.memory_space<vmem>>, vector<32xbf16>,
        %add3A_363 = arith.addf %add3A_331, %get3A_362 : vector<32xbf16>
        %mul3A_364 = arith.constant 32 : i32
        %mul3A_365 = arith.muli %add3A_125, %mul3A_364 : i32
        %add3A_366 = arith.constant 30 : i32
        %add3A_367 = arith.addi %mul3A_365, %add3A_366 : i32
        %get3A_368 = arith.index_cast %add3A_367 : i32 to index
        %get3A_369 = arith.constant 0 : index
        %get3A_370 = tpu.vector_load %arg13[%get3A_368, %get3A_369] {strides = array<i32>} : memref<256x128xbf16, #tpu.memory_space<vmem>>, vector<32xbf16>,
        %add3A_371 = arith.addf %add3A_339, %get3A_370 : vector<32xbf16>
        %mul3A_372 = arith.constant 32 : i32
        %mul3A_373 = arith.muli %add3A_125, %mul3A_372 : i32
        %add3A_374 = arith.constant 31 : i32
        %add3A_375 = arith.addi %mul3A_373, %add3A_374 : i32
        %get3A_376 = arith.index_cast %add3A_375 : i32 to index
        %get3A_377 = arith.constant 0 : index
        %get3A_378 = tpu.vector_load %arg13[%get3A_376, %get3A_377] {strides = array<i32>} : memref<256x128xbf16, #tpu.memory_space<vmem>>, vector<32xbf16>,
        %add3A_379 = arith.addf %add3A_347, %get3A_378 : vector<32xbf16>
        %add3A_380 = arith.addf %add3A_355, %add3A_363 : vector<32xbf16>
        %add3A_381 = arith.addf %add3A_371, %add3A_379 : vector<32xbf16>
        %add3A_382 = arith.addf %add3A_380, %add3A_381 : vector<32xbf16>
        %unpack3A = tpu.unpack_subelements %add3A_382, 0 {pack_format = #tpu.pack_format<interleaved>} : vector<32xbf16> -> vector<16xf32>
        %unpack3A_383 = tpu.unpack_subelements %add3A_382, 1 {pack_format = #tpu.pack_format<interleaved>} : vector<32xbf16> -> vector<16xf32>
        %get3A_384 = arith.index_cast %add3A_128 : i32 to index
        %get3A_385 = arith.constant 0 : index
        %get3A_386 = tpu.vector_load %arg9[%get3A_384, %get3A_385] {strides = array<i32>} : memref<128x128xf32, #tpu.memory_space<vmem>>, vector<16xf32>,
        %add3A_387 = arith.addf %get3A_386, %unpack3A : vector<16xf32>
        %max3A = arith.constant 0.000000e+00 : f32
        %max3A_388 = vector.broadcast %max3A : f32 to vector<16xf32>
        %max3A_389 = arith.maximumf %add3A_387, %max3A_388 : vector<16xf32>
        %swap3A = arith.index_cast %add3A_128 : i32 to index
        %swap3A_390 = arith.constant 0 : index
        %swap3A_391 = tpu.vector_load %arg14[%swap3A, %swap3A_390] {strides = array<i32>} : memref<128x128xf32, #tpu.memory_space<vmem>>, vector<16xf32>,
        tpu.vector_store %arg14[%swap3A, %swap3A_390], %max3A_389 {strides = array<i32>} : memref<128x128xf32, #tpu.memory_space<vmem>>, vector<16xf32>,
        %get3A_392 = arith.index_cast %add3A_128 : i32 to index
        %get3A_393 = arith.constant 16 : index
        %get3A_394 = tpu.vector_load %arg9[%get3A_392, %get3A_393] {strides = array<i32>} : memref<128x128xf32, #tpu.memory_space<vmem>>, vector<16xf32>,
        %add3A_395 = arith.addf %get3A_394, %unpack3A_383 : vector<16xf32>
        %max3A_396 = arith.constant 0.000000e+00 : f32
        %max3A_397 = vector.broadcast %max3A_396 : f32 to vector<16xf32>
        %max3A_398 = arith.maximumf %add3A_395, %max3A_397 : vector<16xf32>
        %swap3A_399 = arith.index_cast %add3A_128 : i32 to index
        %swap3A_400 = arith.constant 16 : index
        %swap3A_401 = tpu.vector_load %arg14[%swap3A_399, %swap3A_400] {strides = array<i32>} : memref<128x128xf32, #tpu.memory_space<vmem>>, vector<16xf32>,
        tpu.vector_store %arg14[%swap3A_399, %swap3A_400], %max3A_398 {strides = array<i32>} : memref<128x128xf32, #tpu.memory_space<vmem>>, vector<16xf32>,
        %mul3A_402 = arith.constant 32 : i32
        %mul3A_403 = arith.muli %add3A_125, %mul3A_402 : i32
        %add3A_404 = arith.constant 0 : i32
        %add3A_405 = arith.addi %mul3A_403, %add3A_404 : i32
        %get3A_406 = arith.index_cast %add3A_405 : i32 to index
        %get3A_407 = arith.constant 32 : index
        %get3A_408 = tpu.vector_load %arg13[%get3A_406, %get3A_407] {strides = array<i32>} : memref<256x128xbf16, #tpu.memory_space<vmem>>, vector<32xbf16>,
        %mul3A_409 = arith.constant 32 : i32
        %mul3A_410 = arith.muli %add3A_125, %mul3A_409 : i32
        %add3A_411 = arith.constant 1 : i32
        %add3A_412 = arith.addi %mul3A_410, %add3A_411 : i32
        %get3A_413 = arith.index_cast %add3A_412 : i32 to index
        %get3A_414 = arith.constant 32 : index
        %get3A_415 = tpu.vector_load %arg13[%get3A_413, %get3A_414] {strides = array<i32>} : memref<256x128xbf16, #tpu.memory_space<vmem>>, vector<32xbf16>,
        %mul3A_416 = arith.constant 32 : i32
        %mul3A_417 = arith.muli %add3A_125, %mul3A_416 : i32
        %add3A_418 = arith.constant 2 : i32
        %add3A_419 = arith.addi %mul3A_417, %add3A_418 : i32
        %get3A_420 = arith.index_cast %add3A_419 : i32 to index
        %get3A_421 = arith.constant 32 : index
        %get3A_422 = tpu.vector_load %arg13[%get3A_420, %get3A_421] {strides = array<i32>} : memref<256x128xbf16, #tpu.memory_space<vmem>>, vector<32xbf16>,
        %mul3A_423 = arith.constant 32 : i32
        %mul3A_424 = arith.muli %add3A_125, %mul3A_423 : i32
        %add3A_425 = arith.constant 3 : i32
        %add3A_426 = arith.addi %mul3A_424, %add3A_425 : i32
        %get3A_427 = arith.index_cast %add3A_426 : i32 to index
        %get3A_428 = arith.constant 32 : index
        %get3A_429 = tpu.vector_load %arg13[%get3A_427, %get3A_428] {strides = array<i32>} : memref<256x128xbf16, #tpu.memory_space<vmem>>, vector<32xbf16>,
        %mul3A_430 = arith.constant 32 : i32
        %mul3A_431 = arith.muli %add3A_125, %mul3A_430 : i32
        %add3A_432 = arith.constant 4 : i32
        %add3A_433 = arith.addi %mul3A_431, %add3A_432 : i32
        %get3A_434 = arith.index_cast %add3A_433 : i32 to index
        %get3A_435 = arith.constant 32 : index
        %get3A_436 = tpu.vector_load %arg13[%get3A_434, %get3A_435] {strides = array<i32>} : memref<256x128xbf16, #tpu.memory_space<vmem>>, vector<32xbf16>,
        %add3A_437 = arith.addf %get3A_408, %get3A_436 : vector<32xbf16>
        %mul3A_438 = arith.constant 32 : i32
        %mul3A_439 = arith.muli %add3A_125, %mul3A_438 : i32
        %add3A_440 = arith.constant 5 : i32
        %add3A_441 = arith.addi %mul3A_439, %add3A_440 : i32
        %get3A_442 = arith.index_cast %add3A_441 : i32 to index
        %get3A_443 = arith.constant 32 : index
        %get3A_444 = tpu.vector_load %arg13[%get3A_442, %get3A_443] {strides = array<i32>} : memref<256x128xbf16, #tpu.memory_space<vmem>>, vector<32xbf16>,
        %add3A_445 = arith.addf %get3A_415, %get3A_444 : vector<32xbf16>
        %mul3A_446 = arith.constant 32 : i32
        %mul3A_447 = arith.muli %add3A_125, %mul3A_446 : i32
        %add3A_448 = arith.constant 6 : i32
        %add3A_449 = arith.addi %mul3A_447, %add3A_448 : i32
        %get3A_450 = arith.index_cast %add3A_449 : i32 to index
        %get3A_451 = arith.constant 32 : index
        %get3A_452 = tpu.vector_load %arg13[%get3A_450, %get3A_451] {strides = array<i32>} : memref<256x128xbf16, #tpu.memory_space<vmem>>, vector<32xbf16>,
        %add3A_453 = arith.addf %get3A_422, %get3A_452 : vector<32xbf16>
        %mul3A_454 = arith.constant 32 : i32
        %mul3A_455 = arith.muli %add3A_125, %mul3A_454 : i32
        %add3A_456 = arith.constant 7 : i32
        %add3A_457 = arith.addi %mul3A_455, %add3A_456 : i32
        %get3A_458 = arith.index_cast %add3A_457 : i32 to index
        %get3A_459 = arith.constant 32 : index
        %get3A_460 = tpu.vector_load %arg13[%get3A_458, %get3A_459] {strides = array<i32>} : memref<256x128xbf16, #tpu.memory_space<vmem>>, vector<32xbf16>,
        %add3A_461 = arith.addf %get3A_429, %get3A_460 : vector<32xbf16>
        %mul3A_462 = arith.constant 32 : i32
        %mul3A_463 = arith.muli %add3A_125, %mul3A_462 : i32
        %add3A_464 = arith.constant 8 : i32
        %add3A_465 = arith.addi %mul3A_463, %add3A_464 : i32
        %get3A_466 = arith.index_cast %add3A_465 : i32 to index
        %get3A_467 = arith.constant 32 : index
        %get3A_468 = tpu.vector_load %arg13[%get3A_466, %get3A_467] {strides = array<i32>} : memref<256x128xbf16, #tpu.memory_space<vmem>>, vector<32xbf16>,
        %add3A_469 = arith.addf %add3A_437, %get3A_468 : vector<32xbf16>
        %mul3A_470 = arith.constant 32 : i32
        %mul3A_471 = arith.muli %add3A_125, %mul3A_470 : i32
        %add3A_472 = arith.constant 9 : i32
        %add3A_473 = arith.addi %mul3A_471, %add3A_472 : i32
        %get3A_474 = arith.index_cast %add3A_473 : i32 to index
        %get3A_475 = arith.constant 32 : index
        %get3A_476 = tpu.vector_load %arg13[%get3A_474, %get3A_475] {strides = array<i32>} : memref<256x128xbf16, #tpu.memory_space<vmem>>, vector<32xbf16>,
        %add3A_477 = arith.addf %add3A_445, %get3A_476 : vector<32xbf16>
        %mul3A_478 = arith.constant 32 : i32
        %mul3A_479 = arith.muli %add3A_125, %mul3A_478 : i32
        %add3A_480 = arith.constant 10 : i32
        %add3A_481 = arith.addi %mul3A_479, %add3A_480 : i32
        %get3A_482 = arith.index_cast %add3A_481 : i32 to index
        %get3A_483 = arith.constant 32 : index
        %get3A_484 = tpu.vector_load %arg13[%get3A_482, %get3A_483] {strides = array<i32>} : memref<256x128xbf16, #tpu.memory_space<vmem>>, vector<32xbf16>,
        %add3A_485 = arith.addf %add3A_453, %get3A_484 : vector<32xbf16>
        %mul3A_486 = arith.constant 32 : i32
        %mul3A_487 = arith.muli %add3A_125, %mul3A_486 : i32
        %add3A_488 = arith.constant 11 : i32
        %add3A_489 = arith.addi %mul3A_487, %add3A_488 : i32
        %get3A_490 = arith.index_cast %add3A_489 : i32 to index
        %get3A_491 = arith.constant 32 : index
        %get3A_492 = tpu.vector_load %arg13[%get3A_490, %get3A_491] {strides = array<i32>} : memref<256x128xbf16, #tpu.memory_space<vmem>>, vector<32xbf16>,
        %add3A_493 = arith.addf %add3A_461, %get3A_492 : vector<32xbf16>
        %mul3A_494 = arith.constant 32 : i32
        %mul3A_495 = arith.muli %add3A_125, %mul3A_494 : i32
        %add3A_496 = arith.constant 12 : i32
        %add3A_497 = arith.addi %mul3A_495, %add3A_496 : i32
        %get3A_498 = arith.index_cast %add3A_497 : i32 to index
        %get3A_499 = arith.constant 32 : index
        %get3A_500 = tpu.vector_load %arg13[%get3A_498, %get3A_499] {strides = array<i32>} : memref<256x128xbf16, #tpu.memory_space<vmem>>, vector<32xbf16>,
        %add3A_501 = arith.addf %add3A_469, %get3A_500 : vector<32xbf16>
        %mul3A_502 = arith.constant 32 : i32
        %mul3A_503 = arith.muli %add3A_125, %mul3A_502 : i32
        %add3A_504 = arith.constant 13 : i32
        %add3A_505 = arith.addi %mul3A_503, %add3A_504 : i32
        %get3A_506 = arith.index_cast %add3A_505 : i32 to index
        %get3A_507 = arith.constant 32 : index
        %get3A_508 = tpu.vector_load %arg13[%get3A_506, %get3A_507] {strides = array<i32>} : memref<256x128xbf16, #tpu.memory_space<vmem>>, vector<32xbf16>,
        %add3A_509 = arith.addf %add3A_477, %get3A_508 : vector<32xbf16>
        %mul3A_510 = arith.constant 32 : i32
        %mul3A_511 = arith.muli %add3A_125, %mul3A_510 : i32
        %add3A_512 = arith.constant 14 : i32
        %add3A_513 = arith.addi %mul3A_511, %add3A_512 : i32
        %get3A_514 = arith.index_cast %add3A_513 : i32 to index
        %get3A_515 = arith.constant 32 : index
        %get3A_516 = tpu.vector_load %arg13[%get3A_514, %get3A_515] {strides = array<i32>} : memref<256x128xbf16, #tpu.memory_space<vmem>>, vector<32xbf16>,
        %add3A_517 = arith.addf %add3A_485, %get3A_516 : vector<32xbf16>
        %mul3A_518 = arith.constant 32 : i32
        %mul3A_519 = arith.muli %add3A_125, %mul3A_518 : i32
        %add3A_520 = arith.constant 15 : i32
        %add3A_521 = arith.addi %mul3A_519, %add3A_520 : i32
        %get3A_522 = arith.index_cast %add3A_521 : i32 to index
        %get3A_523 = arith.constant 32 : index
        %get3A_524 = tpu.vector_load %arg13[%get3A_522, %get3A_523] {strides = array<i32>} : memref<256x128xbf16, #tpu.memory_space<vmem>>, vector<32xbf16>,
        %add3A_525 = arith.addf %add3A_493, %get3A_524 : vector<32xbf16>
        %mul3A_526 = arith.constant 32 : i32
        %mul3A_527 = arith.muli %add3A_125, %mul3A_526 : i32
        %add3A_528 = arith.constant 16 : i32
        %add3A_529 = arith.addi %mul3A_527, %add3A_528 : i32
        %get3A_530 = arith.index_cast %add3A_529 : i32 to index
        %get3A_531 = arith.constant 32 : index
        %get3A_532 = tpu.vector_load %arg13[%get3A_530, %get3A_531] {strides = array<i32>} : memref<256x128xbf16, #tpu.memory_space<vmem>>, vector<32xbf16>,
        %add3A_533 = arith.addf %add3A_501, %get3A_532 : vector<32xbf16>
        %mul3A_534 = arith.constant 32 : i32
        %mul3A_535 = arith.muli %add3A_125, %mul3A_534 : i32
        %add3A_536 = arith.constant 17 : i32
        %add3A_537 = arith.addi %mul3A_535, %add3A_536 : i32
        %get3A_538 = arith.index_cast %add3A_537 : i32 to index
        %get3A_539 = arith.constant 32 : index
        %get3A_540 = tpu.vector_load %arg13[%get3A_538, %get3A_539] {strides = array<i32>} : memref<256x128xbf16, #tpu.memory_space<vmem>>, vector<32xbf16>,
        %add3A_541 = arith.addf %add3A_509, %get3A_540 : vector<32xbf16>
        %mul3A_542 = arith.constant 32 : i32
        %mul3A_543 = arith.muli %add3A_125, %mul3A_542 : i32
        %add3A_544 = arith.constant 18 : i32
        %add3A_545 = arith.addi %mul3A_543, %add3A_544 : i32
        %get3A_546 = arith.index_cast %add3A_545 : i32 to index
        %get3A_547 = arith.constant 32 : index
        %get3A_548 = tpu.vector_load %arg13[%get3A_546, %get3A_547] {strides = array<i32>} : memref<256x128xbf16, #tpu.memory_space<vmem>>, vector<32xbf16>,
        %add3A_549 = arith.addf %add3A_517, %get3A_548 : vector<32xbf16>
        %mul3A_550 = arith.constant 32 : i32
        %mul3A_551 = arith.muli %add3A_125, %mul3A_550 : i32
        %add3A_552 = arith.constant 19 : i32
        %add3A_553 = arith.addi %mul3A_551, %add3A_552 : i32
        %get3A_554 = arith.index_cast %add3A_553 : i32 to index
        %get3A_555 = arith.constant 32 : index
        %get3A_556 = tpu.vector_load %arg13[%get3A_554, %get3A_555] {strides = array<i32>} : memref<256x128xbf16, #tpu.memory_space<vmem>>, vector<32xbf16>,
        %add3A_557 = arith.addf %add3A_525, %get3A_556 : vector<32xbf16>
        %mul3A_558 = arith.constant 32 : i32
        %mul3A_559 = arith.muli %add3A_125, %mul3A_558 : i32
        %add3A_560 = arith.constant 20 : i32
        %add3A_561 = arith.addi %mul3A_559, %add3A_560 : i32
        %get3A_562 = arith.index_cast %add3A_561 : i32 to index
        %get3A_563 = arith.constant 32 : index
        %get3A_564 = tpu.vector_load %arg13[%get3A_562, %get3A_563] {strides = array<i32>} : memref<256x128xbf16, #tpu.memory_space<vmem>>, vector<32xbf16>,
        %add3A_565 = arith.addf %add3A_533, %get3A_564 : vector<32xbf16>
        %mul3A_566 = arith.constant 32 : i32
        %mul3A_567 = arith.muli %add3A_125, %mul3A_566 : i32
        %add3A_568 = arith.constant 21 : i32
        %add3A_569 = arith.addi %mul3A_567, %add3A_568 : i32
        %get3A_570 = arith.index_cast %add3A_569 : i32 to index
        %get3A_571 = arith.constant 32 : index
        %get3A_572 = tpu.vector_load %arg13[%get3A_570, %get3A_571] {strides = array<i32>} : memref<256x128xbf16, #tpu.memory_space<vmem>>, vector<32xbf16>,
        %add3A_573 = arith.addf %add3A_541, %get3A_572 : vector<32xbf16>
        %mul3A_574 = arith.constant 32 : i32
        %mul3A_575 = arith.muli %add3A_125, %mul3A_574 : i32
        %add3A_576 = arith.constant 22 : i32
        %add3A_577 = arith.addi %mul3A_575, %add3A_576 : i32
        %get3A_578 = arith.index_cast %add3A_577 : i32 to index
        %get3A_579 = arith.constant 32 : index
        %get3A_580 = tpu.vector_load %arg13[%get3A_578, %get3A_579] {strides = array<i32>} : memref<256x128xbf16, #tpu.memory_space<vmem>>, vector<32xbf16>,
        %add3A_581 = arith.addf %add3A_549, %get3A_580 : vector<32xbf16>
        %mul3A_582 = arith.constant 32 : i32
        %mul3A_583 = arith.muli %add3A_125, %mul3A_582 : i32
        %add3A_584 = arith.constant 23 : i32
        %add3A_585 = arith.addi %mul3A_583, %add3A_584 : i32
        %get3A_586 = arith.index_cast %add3A_585 : i32 to index
        %get3A_587 = arith.constant 32 : index
        %get3A_588 = tpu.vector_load %arg13[%get3A_586, %get3A_587] {strides = array<i32>} : memref<256x128xbf16, #tpu.memory_space<vmem>>, vector<32xbf16>,
        %add3A_589 = arith.addf %add3A_557, %get3A_588 : vector<32xbf16>
        %mul3A_590 = arith.constant 32 : i32
        %mul3A_591 = arith.muli %add3A_125, %mul3A_590 : i32
        %add3A_592 = arith.constant 24 : i32
        %add3A_593 = arith.addi %mul3A_591, %add3A_592 : i32
        %get3A_594 = arith.index_cast %add3A_593 : i32 to index
        %get3A_595 = arith.constant 32 : index
        %get3A_596 = tpu.vector_load %arg13[%get3A_594, %get3A_595] {strides = array<i32>} : memref<256x128xbf16, #tpu.memory_space<vmem>>, vector<32xbf16>,
        %add3A_597 = arith.addf %add3A_565, %get3A_596 : vector<32xbf16>
        %mul3A_598 = arith.constant 32 : i32
        %mul3A_599 = arith.muli %add3A_125, %mul3A_598 : i32
        %add3A_600 = arith.constant 25 : i32
        %add3A_601 = arith.addi %mul3A_599, %add3A_600 : i32
        %get3A_602 = arith.index_cast %add3A_601 : i32 to index
        %get3A_603 = arith.constant 32 : index
        %get3A_604 = tpu.vector_load %arg13[%get3A_602, %get3A_603] {strides = array<i32>} : memref<256x128xbf16, #tpu.memory_space<vmem>>, vector<32xbf16>,
        %add3A_605 = arith.addf %add3A_573, %get3A_604 : vector<32xbf16>
        %mul3A_606 = arith.constant 32 : i32
        %mul3A_607 = arith.muli %add3A_125, %mul3A_606 : i32
        %add3A_608 = arith.constant 26 : i32
        %add3A_609 = arith.addi %mul3A_607, %add3A_608 : i32
        %get3A_610 = arith.index_cast %add3A_609 : i32 to index
        %get3A_611 = arith.constant 32 : index
        %get3A_612 = tpu.vector_load %arg13[%get3A_610, %get3A_611] {strides = array<i32>} : memref<256x128xbf16, #tpu.memory_space<vmem>>, vector<32xbf16>,
        %add3A_613 = arith.addf %add3A_581, %get3A_612 : vector<32xbf16>
        %mul3A_614 = arith.constant 32 : i32
        %mul3A_615 = arith.muli %add3A_125, %mul3A_614 : i32
        %add3A_616 = arith.constant 27 : i32
        %add3A_617 = arith.addi %mul3A_615, %add3A_616 : i32
        %get3A_618 = arith.index_cast %add3A_617 : i32 to index
        %get3A_619 = arith.constant 32 : index
        %get3A_620 = tpu.vector_load %arg13[%get3A_618, %get3A_619] {strides = array<i32>} : memref<256x128xbf16, #tpu.memory_space<vmem>>, vector<32xbf16>,
        %add3A_621 = arith.addf %add3A_589, %get3A_620 : vector<32xbf16>
        %mul3A_622 = arith.constant 32 : i32
        %mul3A_623 = arith.muli %add3A_125, %mul3A_622 : i32
        %add3A_624 = arith.constant 28 : i32
        %add3A_625 = arith.addi %mul3A_623, %add3A_624 : i32
        %get3A_626 = arith.index_cast %add3A_625 : i32 to index
        %get3A_627 = arith.constant 32 : index
        %get3A_628 = tpu.vector_load %arg13[%get3A_626, %get3A_627] {strides = array<i32>} : memref<256x128xbf16, #tpu.memory_space<vmem>>, vector<32xbf16>,
        %add3A_629 = arith.addf %add3A_597, %get3A_628 : vector<32xbf16>
        %mul3A_630 = arith.constant 32 : i32
        %mul3A_631 = arith.muli %add3A_125, %mul3A_630 : i32
        %add3A_632 = arith.constant 29 : i32
        %add3A_633 = arith.addi %mul3A_631, %add3A_632 : i32
        %get3A_634 = arith.index_cast %add3A_633 : i32 to index
        %get3A_635 = arith.constant 32 : index
        %get3A_636 = tpu.vector_load %arg13[%get3A_634, %get3A_635] {strides = array<i32>} : memref<256x128xbf16, #tpu.memory_space<vmem>>, vector<32xbf16>,
        %add3A_637 = arith.addf %add3A_605, %get3A_636 : vector<32xbf16>
        %mul3A_638 = arith.constant 32 : i32
        %mul3A_639 = arith.muli %add3A_125, %mul3A_638 : i32
        %add3A_640 = arith.constant 30 : i32
        %add3A_641 = arith.addi %mul3A_639, %add3A_640 : i32
        %get3A_642 = arith.index_cast %add3A_641 : i32 to index
        %get3A_643 = arith.constant 32 : index
        %get3A_644 = tpu.vector_load %arg13[%get3A_642, %get3A_643] {strides = array<i32>} : memref<256x128xbf16, #tpu.memory_space<vmem>>, vector<32xbf16>,
        %add3A_645 = arith.addf %add3A_613, %get3A_644 : vector<32xbf16>
        %mul3A_646 = arith.constant 32 : i32
        %mul3A_647 = arith.muli %add3A_125, %mul3A_646 : i32
        %add3A_648 = arith.constant 31 : i32
        %add3A_649 = arith.addi %mul3A_647, %add3A_648 : i32
        %get3A_650 = arith.index_cast %add3A_649 : i32 to index
        %get3A_651 = arith.constant 32 : index
        %get3A_652 = tpu.vector_load %arg13[%get3A_650, %get3A_651] {strides = array<i32>} : memref<256x128xbf16, #tpu.memory_space<vmem>>, vector<32xbf16>,
        %add3A_653 = arith.addf %add3A_621, %get3A_652 : vector<32xbf16>
        %add3A_654 = arith.addf %add3A_629, %add3A_637 : vector<32xbf16>
        %add3A_655 = arith.addf %add3A_645, %add3A_653 : vector<32xbf16>
        %add3A_656 = arith.addf %add3A_654, %add3A_655 : vector<32xbf16>
        %unpack3A_657 = tpu.unpack_subelements %add3A_656, 0 {pack_format = #tpu.pack_format<interleaved>} : vector<32xbf16> -> vector<16xf32>
        %unpack3A_658 = tpu.unpack_subelements %add3A_656, 1 {pack_format = #tpu.pack_format<interleaved>} : vector<32xbf16> -> vector<16xf32>
        %get3A_659 = arith.index_cast %add3A_128 : i32 to index
        %get3A_660 = arith.constant 32 : index
        %get3A_661 = tpu.vector_load %arg9[%get3A_659, %get3A_660] {strides = array<i32>} : memref<128x128xf32, #tpu.memory_space<vmem>>, vector<16xf32>,
        %add3A_662 = arith.addf %get3A_661, %unpack3A_657 : vector<16xf32>
        %max3A_663 = arith.constant 0.000000e+00 : f32
        %max3A_664 = vector.broadcast %max3A_663 : f32 to vector<16xf32>
        %max3A_665 = arith.maximumf %add3A_662, %max3A_664 : vector<16xf32>
        %swap3A_666 = arith.index_cast %add3A_128 : i32 to index
        %swap3A_667 = arith.constant 32 : index
        %swap3A_668 = tpu.vector_load %arg14[%swap3A_666, %swap3A_667] {strides = array<i32>} : memref<128x128xf32, #tpu.memory_space<vmem>>, vector<16xf32>,
        tpu.vector_store %arg14[%swap3A_666, %swap3A_667], %max3A_665 {strides = array<i32>} : memref<128x128xf32, #tpu.memory_space<vmem>>, vector<16xf32>,
        %get3A_669 = arith.index_cast %add3A_128 : i32 to index
        %get3A_670 = arith.constant 48 : index
        %get3A_671 = tpu.vector_load %arg9[%get3A_669, %get3A_670] {strides = array<i32>} : memref<128x128xf32, #tpu.memory_space<vmem>>, vector<16xf32>,
        %add3A_672 = arith.addf %get3A_671, %unpack3A_658 : vector<16xf32>
        %max3A_673 = arith.constant 0.000000e+00 : f32
        %max3A_674 = vector.broadcast %max3A_673 : f32 to vector<16xf32>
        %max3A_675 = arith.maximumf %add3A_672, %max3A_674 : vector<16xf32>
        %swap3A_676 = arith.index_cast %add3A_128 : i32 to index
        %swap3A_677 = arith.constant 48 : index
        %swap3A_678 = tpu.vector_load %arg14[%swap3A_676, %swap3A_677] {strides = array<i32>} : memref<128x128xf32, #tpu.memory_space<vmem>>, vector<16xf32>,
        tpu.vector_store %arg14[%swap3A_676, %swap3A_677], %max3A_675 {strides = array<i32>} : memref<128x128xf32, #tpu.memory_space<vmem>>, vector<16xf32>,
        %mul3A_679 = arith.constant 32 : i32
        %mul3A_680 = arith.muli %add3A_125, %mul3A_679 : i32
        %add3A_681 = arith.constant 0 : i32
        %add3A_682 = arith.addi %mul3A_680, %add3A_681 : i32
        %get3A_683 = arith.index_cast %add3A_682 : i32 to index
        %get3A_684 = arith.constant 64 : index
        %get3A_685 = tpu.vector_load %arg13[%get3A_683, %get3A_684] {strides = array<i32>} : memref<256x128xbf16, #tpu.memory_space<vmem>>, vector<32xbf16>,
        %mul3A_686 = arith.constant 32 : i32
        %mul3A_687 = arith.muli %add3A_125, %mul3A_686 : i32
        %add3A_688 = arith.constant 1 : i32
        %add3A_689 = arith.addi %mul3A_687, %add3A_688 : i32
        %get3A_690 = arith.index_cast %add3A_689 : i32 to index
        %get3A_691 = arith.constant 64 : index
        %get3A_692 = tpu.vector_load %arg13[%get3A_690, %get3A_691] {strides = array<i32>} : memref<256x128xbf16, #tpu.memory_space<vmem>>, vector<32xbf16>,
        %mul3A_693 = arith.constant 32 : i32
        %mul3A_694 = arith.muli %add3A_125, %mul3A_693 : i32
        %add3A_695 = arith.constant 2 : i32
        %add3A_696 = arith.addi %mul3A_694, %add3A_695 : i32
        %get3A_697 = arith.index_cast %add3A_696 : i32 to index
        %get3A_698 = arith.constant 64 : index
        %get3A_699 = tpu.vector_load %arg13[%get3A_697, %get3A_698] {strides = array<i32>} : memref<256x128xbf16, #tpu.memory_space<vmem>>, vector<32xbf16>,
        %mul3A_700 = arith.constant 32 : i32
        %mul3A_701 = arith.muli %add3A_125, %mul3A_700 : i32
        %add3A_702 = arith.constant 3 : i32
        %add3A_703 = arith.addi %mul3A_701, %add3A_702 : i32
        %get3A_704 = arith.index_cast %add3A_703 : i32 to index
        %get3A_705 = arith.constant 64 : index
        %get3A_706 = tpu.vector_load %arg13[%get3A_704, %get3A_705] {strides = array<i32>} : memref<256x128xbf16, #tpu.memory_space<vmem>>, vector<32xbf16>,
        %mul3A_707 = arith.constant 32 : i32
        %mul3A_708 = arith.muli %add3A_125, %mul3A_707 : i32
        %add3A_709 = arith.constant 4 : i32
        %add3A_710 = arith.addi %mul3A_708, %add3A_709 : i32
        %get3A_711 = arith.index_cast %add3A_710 : i32 to index
        %get3A_712 = arith.constant 64 : index
        %get3A_713 = tpu.vector_load %arg13[%get3A_711, %get3A_712] {strides = array<i32>} : memref<256x128xbf16, #tpu.memory_space<vmem>>, vector<32xbf16>,
        %add3A_714 = arith.addf %get3A_685, %get3A_713 : vector<32xbf16>
        %mul3A_715 = arith.constant 32 : i32
        %mul3A_716 = arith.muli %add3A_125, %mul3A_715 : i32
        %add3A_717 = arith.constant 5 : i32
        %add3A_718 = arith.addi %mul3A_716, %add3A_717 : i32
        %get3A_719 = arith.index_cast %add3A_718 : i32 to index
        %get3A_720 = arith.constant 64 : index
        %get3A_721 = tpu.vector_load %arg13[%get3A_719, %get3A_720] {strides = array<i32>} : memref<256x128xbf16, #tpu.memory_space<vmem>>, vector<32xbf16>,
        %add3A_722 = arith.addf %get3A_692, %get3A_721 : vector<32xbf16>
        %mul3A_723 = arith.constant 32 : i32
        %mul3A_724 = arith.muli %add3A_125, %mul3A_723 : i32
        %add3A_725 = arith.constant 6 : i32
        %add3A_726 = arith.addi %mul3A_724, %add3A_725 : i32
        %get3A_727 = arith.index_cast %add3A_726 : i32 to index
        %get3A_728 = arith.constant 64 : index
        %get3A_729 = tpu.vector_load %arg13[%get3A_727, %get3A_728] {strides = array<i32>} : memref<256x128xbf16, #tpu.memory_space<vmem>>, vector<32xbf16>,
        %add3A_730 = arith.addf %get3A_699, %get3A_729 : vector<32xbf16>
        %mul3A_731 = arith.constant 32 : i32
        %mul3A_732 = arith.muli %add3A_125, %mul3A_731 : i32
        %add3A_733 = arith.constant 7 : i32
        %add3A_734 = arith.addi %mul3A_732, %add3A_733 : i32
        %get3A_735 = arith.index_cast %add3A_734 : i32 to index
        %get3A_736 = arith.constant 64 : index
        %get3A_737 = tpu.vector_load %arg13[%get3A_735, %get3A_736] {strides = array<i32>} : memref<256x128xbf16, #tpu.memory_space<vmem>>, vector<32xbf16>,
        %add3A_738 = arith.addf %get3A_706, %get3A_737 : vector<32xbf16>
        %mul3A_739 = arith.constant 32 : i32
        %mul3A_740 = arith.muli %add3A_125, %mul3A_739 : i32
        %add3A_741 = arith.constant 8 : i32
        %add3A_742 = arith.addi %mul3A_740, %add3A_741 : i32
        %get3A_743 = arith.index_cast %add3A_742 : i32 to index
        %get3A_744 = arith.constant 64 : index
        %get3A_745 = tpu.vector_load %arg13[%get3A_743, %get3A_744] {strides = array<i32>} : memref<256x128xbf16, #tpu.memory_space<vmem>>, vector<32xbf16>,
        %add3A_746 = arith.addf %add3A_714, %get3A_745 : vector<32xbf16>
        %mul3A_747 = arith.constant 32 : i32
        %mul3A_748 = arith.muli %add3A_125, %mul3A_747 : i32
        %add3A_749 = arith.constant 9 : i32
        %add3A_750 = arith.addi %mul3A_748, %add3A_749 : i32
        %get3A_751 = arith.index_cast %add3A_750 : i32 to index
        %get3A_752 = arith.constant 64 : index
        %get3A_753 = tpu.vector_load %arg13[%get3A_751, %get3A_752] {strides = array<i32>} : memref<256x128xbf16, #tpu.memory_space<vmem>>, vector<32xbf16>,
        %add3A_754 = arith.addf %add3A_722, %get3A_753 : vector<32xbf16>
        %mul3A_755 = arith.constant 32 : i32
        %mul3A_756 = arith.muli %add3A_125, %mul3A_755 : i32
        %add3A_757 = arith.constant 10 : i32
        %add3A_758 = arith.addi %mul3A_756, %add3A_757 : i32
        %get3A_759 = arith.index_cast %add3A_758 : i32 to index
        %get3A_760 = arith.constant 64 : index
        %get3A_761 = tpu.vector_load %arg13[%get3A_759, %get3A_760] {strides = array<i32>} : memref<256x128xbf16, #tpu.memory_space<vmem>>, vector<32xbf16>,
        %add3A_762 = arith.addf %add3A_730, %get3A_761 : vector<32xbf16>
        %mul3A_763 = arith.constant 32 : i32
        %mul3A_764 = arith.muli %add3A_125, %mul3A_763 : i32
        %add3A_765 = arith.constant 11 : i32
        %add3A_766 = arith.addi %mul3A_764, %add3A_765 : i32
        %get3A_767 = arith.index_cast %add3A_766 : i32 to index
        %get3A_768 = arith.constant 64 : index
        %get3A_769 = tpu.vector_load %arg13[%get3A_767, %get3A_768] {strides = array<i32>} : memref<256x128xbf16, #tpu.memory_space<vmem>>, vector<32xbf16>,
        %add3A_770 = arith.addf %add3A_738, %get3A_769 : vector<32xbf16>
        %mul3A_771 = arith.constant 32 : i32
        %mul3A_772 = arith.muli %add3A_125, %mul3A_771 : i32
        %add3A_773 = arith.constant 12 : i32
        %add3A_774 = arith.addi %mul3A_772, %add3A_773 : i32
        %get3A_775 = arith.index_cast %add3A_774 : i32 to index
        %get3A_776 = arith.constant 64 : index
        %get3A_777 = tpu.vector_load %arg13[%get3A_775, %get3A_776] {strides = array<i32>} : memref<256x128xbf16, #tpu.memory_space<vmem>>, vector<32xbf16>,
        %add3A_778 = arith.addf %add3A_746, %get3A_777 : vector<32xbf16>
        %mul3A_779 = arith.constant 32 : i32
        %mul3A_780 = arith.muli %add3A_125, %mul3A_779 : i32
        %add3A_781 = arith.constant 13 : i32
        %add3A_782 = arith.addi %mul3A_780, %add3A_781 : i32
        %get3A_783 = arith.index_cast %add3A_782 : i32 to index
        %get3A_784 = arith.constant 64 : index
        %get3A_785 = tpu.vector_load %arg13[%get3A_783, %get3A_784] {strides = array<i32>} : memref<256x128xbf16, #tpu.memory_space<vmem>>, vector<32xbf16>,
        %add3A_786 = arith.addf %add3A_754, %get3A_785 : vector<32xbf16>
        %mul3A_787 = arith.constant 32 : i32
        %mul3A_788 = arith.muli %add3A_125, %mul3A_787 : i32
        %add3A_789 = arith.constant 14 : i32
        %add3A_790 = arith.addi %mul3A_788, %add3A_789 : i32
        %get3A_791 = arith.index_cast %add3A_790 : i32 to index
        %get3A_792 = arith.constant 64 : index
        %get3A_793 = tpu.vector_load %arg13[%get3A_791, %get3A_792] {strides = array<i32>} : memref<256x128xbf16, #tpu.memory_space<vmem>>, vector<32xbf16>,
        %add3A_794 = arith.addf %add3A_762, %get3A_793 : vector<32xbf16>
        %mul3A_795 = arith.constant 32 : i32
        %mul3A_796 = arith.muli %add3A_125, %mul3A_795 : i32
        %add3A_797 = arith.constant 15 : i32
        %add3A_798 = arith.addi %mul3A_796, %add3A_797 : i32
        %get3A_799 = arith.index_cast %add3A_798 : i32 to index
        %get3A_800 = arith.constant 64 : index
        %get3A_801 = tpu.vector_load %arg13[%get3A_799, %get3A_800] {strides = array<i32>} : memref<256x128xbf16, #tpu.memory_space<vmem>>, vector<32xbf16>,
        %add3A_802 = arith.addf %add3A_770, %get3A_801 : vector<32xbf16>
        %mul3A_803 = arith.constant 32 : i32
        %mul3A_804 = arith.muli %add3A_125, %mul3A_803 : i32
        %add3A_805 = arith.constant 16 : i32
        %add3A_806 = arith.addi %mul3A_804, %add3A_805 : i32
        %get3A_807 = arith.index_cast %add3A_806 : i32 to index
        %get3A_808 = arith.constant 64 : index
        %get3A_809 = tpu.vector_load %arg13[%get3A_807, %get3A_808] {strides = array<i32>} : memref<256x128xbf16, #tpu.memory_space<vmem>>, vector<32xbf16>,
        %add3A_810 = arith.addf %add3A_778, %get3A_809 : vector<32xbf16>
        %mul3A_811 = arith.constant 32 : i32
        %mul3A_812 = arith.muli %add3A_125, %mul3A_811 : i32
        %add3A_813 = arith.constant 17 : i32
        %add3A_814 = arith.addi %mul3A_812, %add3A_813 : i32
        %get3A_815 = arith.index_cast %add3A_814 : i32 to index
        %get3A_816 = arith.constant 64 : index
        %get3A_817 = tpu.vector_load %arg13[%get3A_815, %get3A_816] {strides = array<i32>} : memref<256x128xbf16, #tpu.memory_space<vmem>>, vector<32xbf16>,
        %add3A_818 = arith.addf %add3A_786, %get3A_817 : vector<32xbf16>
        %mul3A_819 = arith.constant 32 : i32
        %mul3A_820 = arith.muli %add3A_125, %mul3A_819 : i32
        %add3A_821 = arith.constant 18 : i32
        %add3A_822 = arith.addi %mul3A_820, %add3A_821 : i32
        %get3A_823 = arith.index_cast %add3A_822 : i32 to index
        %get3A_824 = arith.constant 64 : index
        %get3A_825 = tpu.vector_load %arg13[%get3A_823, %get3A_824] {strides = array<i32>} : memref<256x128xbf16, #tpu.memory_space<vmem>>, vector<32xbf16>,
        %add3A_826 = arith.addf %add3A_794, %get3A_825 : vector<32xbf16>
        %mul3A_827 = arith.constant 32 : i32
        %mul3A_828 = arith.muli %add3A_125, %mul3A_827 : i32
        %add3A_829 = arith.constant 19 : i32
        %add3A_830 = arith.addi %mul3A_828, %add3A_829 : i32
        %get3A_831 = arith.index_cast %add3A_830 : i32 to index
        %get3A_832 = arith.constant 64 : index
        %get3A_833 = tpu.vector_load %arg13[%get3A_831, %get3A_832] {strides = array<i32>} : memref<256x128xbf16, #tpu.memory_space<vmem>>, vector<32xbf16>,
        %add3A_834 = arith.addf %add3A_802, %get3A_833 : vector<32xbf16>
        %mul3A_835 = arith.constant 32 : i32
        %mul3A_836 = arith.muli %add3A_125, %mul3A_835 : i32
        %add3A_837 = arith.constant 20 : i32
        %add3A_838 = arith.addi %mul3A_836, %add3A_837 : i32
        %get3A_839 = arith.index_cast %add3A_838 : i32 to index
        %get3A_840 = arith.constant 64 : index
        %get3A_841 = tpu.vector_load %arg13[%get3A_839, %get3A_840] {strides = array<i32>} : memref<256x128xbf16, #tpu.memory_space<vmem>>, vector<32xbf16>,
        %add3A_842 = arith.addf %add3A_810, %get3A_841 : vector<32xbf16>
        %mul3A_843 = arith.constant 32 : i32
        %mul3A_844 = arith.muli %add3A_125, %mul3A_843 : i32
        %add3A_845 = arith.constant 21 : i32
        %add3A_846 = arith.addi %mul3A_844, %add3A_845 : i32
        %get3A_847 = arith.index_cast %add3A_846 : i32 to index
        %get3A_848 = arith.constant 64 : index
        %get3A_849 = tpu.vector_load %arg13[%get3A_847, %get3A_848] {strides = array<i32>} : memref<256x128xbf16, #tpu.memory_space<vmem>>, vector<32xbf16>,
        %add3A_850 = arith.addf %add3A_818, %get3A_849 : vector<32xbf16>
        %mul3A_851 = arith.constant 32 : i32
        %mul3A_852 = arith.muli %add3A_125, %mul3A_851 : i32
        %add3A_853 = arith.constant 22 : i32
        %add3A_854 = arith.addi %mul3A_852, %add3A_853 : i32
        %get3A_855 = arith.index_cast %add3A_854 : i32 to index
        %get3A_856 = arith.constant 64 : index
        %get3A_857 = tpu.vector_load %arg13[%get3A_855, %get3A_856] {strides = array<i32>} : memref<256x128xbf16, #tpu.memory_space<vmem>>, vector<32xbf16>,
        %add3A_858 = arith.addf %add3A_826, %get3A_857 : vector<32xbf16>
        %mul3A_859 = arith.constant 32 : i32
        %mul3A_860 = arith.muli %add3A_125, %mul3A_859 : i32
        %add3A_861 = arith.constant 23 : i32
        %add3A_862 = arith.addi %mul3A_860, %add3A_861 : i32
        %get3A_863 = arith.index_cast %add3A_862 : i32 to index
        %get3A_864 = arith.constant 64 : index
        %get3A_865 = tpu.vector_load %arg13[%get3A_863, %get3A_864] {strides = array<i32>} : memref<256x128xbf16, #tpu.memory_space<vmem>>, vector<32xbf16>,
        %add3A_866 = arith.addf %add3A_834, %get3A_865 : vector<32xbf16>
        %mul3A_867 = arith.constant 32 : i32
        %mul3A_868 = arith.muli %add3A_125, %mul3A_867 : i32
        %add3A_869 = arith.constant 24 : i32
        %add3A_870 = arith.addi %mul3A_868, %add3A_869 : i32
        %get3A_871 = arith.index_cast %add3A_870 : i32 to index
        %get3A_872 = arith.constant 64 : index
        %get3A_873 = tpu.vector_load %arg13[%get3A_871, %get3A_872] {strides = array<i32>} : memref<256x128xbf16, #tpu.memory_space<vmem>>, vector<32xbf16>,
        %add3A_874 = arith.addf %add3A_842, %get3A_873 : vector<32xbf16>
        %mul3A_875 = arith.constant 32 : i32
        %mul3A_876 = arith.muli %add3A_125, %mul3A_875 : i32
        %add3A_877 = arith.constant 25 : i32
        %add3A_878 = arith.addi %mul3A_876, %add3A_877 : i32
        %get3A_879 = arith.index_cast %add3A_878 : i32 to index
        %get3A_880 = arith.constant 64 : index
        %get3A_881 = tpu.vector_load %arg13[%get3A_879, %get3A_880] {strides = array<i32>} : memref<256x128xbf16, #tpu.memory_space<vmem>>, vector<32xbf16>,
        %add3A_882 = arith.addf %add3A_850, %get3A_881 : vector<32xbf16>
        %mul3A_883 = arith.constant 32 : i32
        %mul3A_884 = arith.muli %add3A_125, %mul3A_883 : i32
        %add3A_885 = arith.constant 26 : i32
        %add3A_886 = arith.addi %mul3A_884, %add3A_885 : i32
        %get3A_887 = arith.index_cast %add3A_886 : i32 to index
        %get3A_888 = arith.constant 64 : index
        %get3A_889 = tpu.vector_load %arg13[%get3A_887, %get3A_888] {strides = array<i32>} : memref<256x128xbf16, #tpu.memory_space<vmem>>, vector<32xbf16>,
        %add3A_890 = arith.addf %add3A_858, %get3A_889 : vector<32xbf16>
        %mul3A_891 = arith.constant 32 : i32
        %mul3A_892 = arith.muli %add3A_125, %mul3A_891 : i32
        %add3A_893 = arith.constant 27 : i32
        %add3A_894 = arith.addi %mul3A_892, %add3A_893 : i32
        %get3A_895 = arith.index_cast %add3A_894 : i32 to index
        %get3A_896 = arith.constant 64 : index
        %get3A_897 = tpu.vector_load %arg13[%get3A_895, %get3A_896] {strides = array<i32>} : memref<256x128xbf16, #tpu.memory_space<vmem>>, vector<32xbf16>,
        %add3A_898 = arith.addf %add3A_866, %get3A_897 : vector<32xbf16>
        %mul3A_899 = arith.constant 32 : i32
        %mul3A_900 = arith.muli %add3A_125, %mul3A_899 : i32
        %add3A_901 = arith.constant 28 : i32
        %add3A_902 = arith.addi %mul3A_900, %add3A_901 : i32
        %get3A_903 = arith.index_cast %add3A_902 : i32 to index
        %get3A_904 = arith.constant 64 : index
        %get3A_905 = tpu.vector_load %arg13[%get3A_903, %get3A_904] {strides = array<i32>} : memref<256x128xbf16, #tpu.memory_space<vmem>>, vector<32xbf16>,
        %add3A_906 = arith.addf %add3A_874, %get3A_905 : vector<32xbf16>
        %mul3A_907 = arith.constant 32 : i32
        %mul3A_908 = arith.muli %add3A_125, %mul3A_907 : i32
        %add3A_909 = arith.constant 29 : i32
        %add3A_910 = arith.addi %mul3A_908, %add3A_909 : i32
        %get3A_911 = arith.index_cast %add3A_910 : i32 to index
        %get3A_912 = arith.constant 64 : index
        %get3A_913 = tpu.vector_load %arg13[%get3A_911, %get3A_912] {strides = array<i32>} : memref<256x128xbf16, #tpu.memory_space<vmem>>, vector<32xbf16>,
        %add3A_914 = arith.addf %add3A_882, %get3A_913 : vector<32xbf16>
        %mul3A_915 = arith.constant 32 : i32
        %mul3A_916 = arith.muli %add3A_125, %mul3A_915 : i32
        %add3A_917 = arith.constant 30 : i32
        %add3A_918 = arith.addi %mul3A_916, %add3A_917 : i32
        %get3A_919 = arith.index_cast %add3A_918 : i32 to index
        %get3A_920 = arith.constant 64 : index
        %get3A_921 = tpu.vector_load %arg13[%get3A_919, %get3A_920] {strides = array<i32>} : memref<256x128xbf16, #tpu.memory_space<vmem>>, vector<32xbf16>,
        %add3A_922 = arith.addf %add3A_890, %get3A_921 : vector<32xbf16>
        %mul3A_923 = arith.constant 32 : i32
        %mul3A_924 = arith.muli %add3A_125, %mul3A_923 : i32
        %add3A_925 = arith.constant 31 : i32
        %add3A_926 = arith.addi %mul3A_924, %add3A_925 : i32
        %get3A_927 = arith.index_cast %add3A_926 : i32 to index
        %get3A_928 = arith.constant 64 : index
        %get3A_929 = tpu.vector_load %arg13[%get3A_927, %get3A_928] {strides = array<i32>} : memref<256x128xbf16, #tpu.memory_space<vmem>>, vector<32xbf16>,
        %add3A_930 = arith.addf %add3A_898, %get3A_929 : vector<32xbf16>
        %add3A_931 = arith.addf %add3A_906, %add3A_914 : vector<32xbf16>
        %add3A_932 = arith.addf %add3A_922, %add3A_930 : vector<32xbf16>
        %add3A_933 = arith.addf %add3A_931, %add3A_932 : vector<32xbf16>
        %unpack3A_934 = tpu.unpack_subelements %add3A_933, 0 {pack_format = #tpu.pack_format<interleaved>} : vector<32xbf16> -> vector<16xf32>
        %unpack3A_935 = tpu.unpack_subelements %add3A_933, 1 {pack_format = #tpu.pack_format<interleaved>} : vector<32xbf16> -> vector<16xf32>
        %get3A_936 = arith.index_cast %add3A_128 : i32 to index
        %get3A_937 = arith.constant 64 : index
        %get3A_938 = tpu.vector_load %arg9[%get3A_936, %get3A_937] {strides = array<i32>} : memref<128x128xf32, #tpu.memory_space<vmem>>, vector<16xf32>,
        %add3A_939 = arith.addf %get3A_938, %unpack3A_934 : vector<16xf32>
        %max3A_940 = arith.constant 0.000000e+00 : f32
        %max3A_941 = vector.broadcast %max3A_940 : f32 to vector<16xf32>
        %max3A_942 = arith.maximumf %add3A_939, %max3A_941 : vector<16xf32>
        %swap3A_943 = arith.index_cast %add3A_128 : i32 to index
        %swap3A_944 = arith.constant 64 : index
        %swap3A_945 = tpu.vector_load %arg14[%swap3A_943, %swap3A_944] {strides = array<i32>} : memref<128x128xf32, #tpu.memory_space<vmem>>, vector<16xf32>,
        tpu.vector_store %arg14[%swap3A_943, %swap3A_944], %max3A_942 {strides = array<i32>} : memref<128x128xf32, #tpu.memory_space<vmem>>, vector<16xf32>,
        %get3A_946 = arith.index_cast %add3A_128 : i32 to index
        %get3A_947 = arith.constant 80 : index
        %get3A_948 = tpu.vector_load %arg9[%get3A_946, %get3A_947] {strides = array<i32>} : memref<128x128xf32, #tpu.memory_space<vmem>>, vector<16xf32>,
        %add3A_949 = arith.addf %get3A_948, %unpack3A_935 : vector<16xf32>
        %max3A_950 = arith.constant 0.000000e+00 : f32
        %max3A_951 = vector.broadcast %max3A_950 : f32 to vector<16xf32>
        %max3A_952 = arith.maximumf %add3A_949, %max3A_951 : vector<16xf32>
        %swap3A_953 = arith.index_cast %add3A_128 : i32 to index
        %swap3A_954 = arith.constant 80 : index
        %swap3A_955 = tpu.vector_load %arg14[%swap3A_953, %swap3A_954] {strides = array<i32>} : memref<128x128xf32, #tpu.memory_space<vmem>>, vector<16xf32>,
        tpu.vector_store %arg14[%swap3A_953, %swap3A_954], %max3A_952 {strides = array<i32>} : memref<128x128xf32, #tpu.memory_space<vmem>>, vector<16xf32>,
        %mul3A_956 = arith.constant 32 : i32
        %mul3A_957 = arith.muli %add3A_125, %mul3A_956 : i32
        %add3A_958 = arith.constant 0 : i32
        %add3A_959 = arith.addi %mul3A_957, %add3A_958 : i32
        %get3A_960 = arith.index_cast %add3A_959 : i32 to index
        %get3A_961 = arith.constant 96 : index
        %get3A_962 = tpu.vector_load %arg13[%get3A_960, %get3A_961] {strides = array<i32>} : memref<256x128xbf16, #tpu.memory_space<vmem>>, vector<32xbf16>,
        %mul3A_963 = arith.constant 32 : i32
        %mul3A_964 = arith.muli %add3A_125, %mul3A_963 : i32
        %add3A_965 = arith.constant 1 : i32
        %add3A_966 = arith.addi %mul3A_964, %add3A_965 : i32
        %get3A_967 = arith.index_cast %add3A_966 : i32 to index
        %get3A_968 = arith.constant 96 : index
        %get3A_969 = tpu.vector_load %arg13[%get3A_967, %get3A_968] {strides = array<i32>} : memref<256x128xbf16, #tpu.memory_space<vmem>>, vector<32xbf16>,
        %mul3A_970 = arith.constant 32 : i32
        %mul3A_971 = arith.muli %add3A_125, %mul3A_970 : i32
        %add3A_972 = arith.constant 2 : i32
        %add3A_973 = arith.addi %mul3A_971, %add3A_972 : i32
        %get3A_974 = arith.index_cast %add3A_973 : i32 to index
        %get3A_975 = arith.constant 96 : index
        %get3A_976 = tpu.vector_load %arg13[%get3A_974, %get3A_975] {strides = array<i32>} : memref<256x128xbf16, #tpu.memory_space<vmem>>, vector<32xbf16>,
        %mul3A_977 = arith.constant 32 : i32
        %mul3A_978 = arith.muli %add3A_125, %mul3A_977 : i32
        %add3A_979 = arith.constant 3 : i32
        %add3A_980 = arith.addi %mul3A_978, %add3A_979 : i32
        %get3A_981 = arith.index_cast %add3A_980 : i32 to index
        %get3A_982 = arith.constant 96 : index
        %get3A_983 = tpu.vector_load %arg13[%get3A_981, %get3A_982] {strides = array<i32>} : memref<256x128xbf16, #tpu.memory_space<vmem>>, vector<32xbf16>,
        %mul3A_984 = arith.constant 32 : i32
        %mul3A_985 = arith.muli %add3A_125, %mul3A_984 : i32
        %add3A_986 = arith.constant 4 : i32
        %add3A_987 = arith.addi %mul3A_985, %add3A_986 : i32
        %get3A_988 = arith.index_cast %add3A_987 : i32 to index
        %get3A_989 = arith.constant 96 : index
        %get3A_990 = tpu.vector_load %arg13[%get3A_988, %get3A_989] {strides = array<i32>} : memref<256x128xbf16, #tpu.memory_space<vmem>>, vector<32xbf16>,
        %add3A_991 = arith.addf %get3A_962, %get3A_990 : vector<32xbf16>
        %mul3A_992 = arith.constant 32 : i32
        %mul3A_993 = arith.muli %add3A_125, %mul3A_992 : i32
        %add3A_994 = arith.constant 5 : i32
        %add3A_995 = arith.addi %mul3A_993, %add3A_994 : i32
        %get3A_996 = arith.index_cast %add3A_995 : i32 to index
        %get3A_997 = arith.constant 96 : index
        %get3A_998 = tpu.vector_load %arg13[%get3A_996, %get3A_997] {strides = array<i32>} : memref<256x128xbf16, #tpu.memory_space<vmem>>, vector<32xbf16>,
        %add3A_999 = arith.addf %get3A_969, %get3A_998 : vector<32xbf16>
        %mul3A_1000 = arith.constant 32 : i32
        %mul3A_1001 = arith.muli %add3A_125, %mul3A_1000 : i32
        %add3A_1002 = arith.constant 6 : i32
        %add3A_1003 = arith.addi %mul3A_1001, %add3A_1002 : i32
        %get3A_1004 = arith.index_cast %add3A_1003 : i32 to index
        %get3A_1005 = arith.constant 96 : index
        %get3A_1006 = tpu.vector_load %arg13[%get3A_1004, %get3A_1005] {strides = array<i32>} : memref<256x128xbf16, #tpu.memory_space<vmem>>, vector<32xbf16>,
        %add3A_1007 = arith.addf %get3A_976, %get3A_1006 : vector<32xbf16>
        %mul3A_1008 = arith.constant 32 : i32
        %mul3A_1009 = arith.muli %add3A_125, %mul3A_1008 : i32
        %add3A_1010 = arith.constant 7 : i32
        %add3A_1011 = arith.addi %mul3A_1009, %add3A_1010 : i32
        %get3A_1012 = arith.index_cast %add3A_1011 : i32 to index
        %get3A_1013 = arith.constant 96 : index
        %get3A_1014 = tpu.vector_load %arg13[%get3A_1012, %get3A_1013] {strides = array<i32>} : memref<256x128xbf16, #tpu.memory_space<vmem>>, vector<32xbf16>,
        %add3A_1015 = arith.addf %get3A_983, %get3A_1014 : vector<32xbf16>
        %mul3A_1016 = arith.constant 32 : i32
        %mul3A_1017 = arith.muli %add3A_125, %mul3A_1016 : i32
        %add3A_1018 = arith.constant 8 : i32
        %add3A_1019 = arith.addi %mul3A_1017, %add3A_1018 : i32
        %get3A_1020 = arith.index_cast %add3A_1019 : i32 to index
        %get3A_1021 = arith.constant 96 : index
        %get3A_1022 = tpu.vector_load %arg13[%get3A_1020, %get3A_1021] {strides = array<i32>} : memref<256x128xbf16, #tpu.memory_space<vmem>>, vector<32xbf16>,
        %add3A_1023 = arith.addf %add3A_991, %get3A_1022 : vector<32xbf16>
        %mul3A_1024 = arith.constant 32 : i32
        %mul3A_1025 = arith.muli %add3A_125, %mul3A_1024 : i32
        %add3A_1026 = arith.constant 9 : i32
        %add3A_1027 = arith.addi %mul3A_1025, %add3A_1026 : i32
        %get3A_1028 = arith.index_cast %add3A_1027 : i32 to index
        %get3A_1029 = arith.constant 96 : index
        %get3A_1030 = tpu.vector_load %arg13[%get3A_1028, %get3A_1029] {strides = array<i32>} : memref<256x128xbf16, #tpu.memory_space<vmem>>, vector<32xbf16>,
        %add3A_1031 = arith.addf %add3A_999, %get3A_1030 : vector<32xbf16>
        %mul3A_1032 = arith.constant 32 : i32
        %mul3A_1033 = arith.muli %add3A_125, %mul3A_1032 : i32
        %add3A_1034 = arith.constant 10 : i32
        %add3A_1035 = arith.addi %mul3A_1033, %add3A_1034 : i32
        %get3A_1036 = arith.index_cast %add3A_1035 : i32 to index
        %get3A_1037 = arith.constant 96 : index
        %get3A_1038 = tpu.vector_load %arg13[%get3A_1036, %get3A_1037] {strides = array<i32>} : memref<256x128xbf16, #tpu.memory_space<vmem>>, vector<32xbf16>,
        %add3A_1039 = arith.addf %add3A_1007, %get3A_1038 : vector<32xbf16>
        %mul3A_1040 = arith.constant 32 : i32
        %mul3A_1041 = arith.muli %add3A_125, %mul3A_1040 : i32
        %add3A_1042 = arith.constant 11 : i32
        %add3A_1043 = arith.addi %mul3A_1041, %add3A_1042 : i32
        %get3A_1044 = arith.index_cast %add3A_1043 : i32 to index
        %get3A_1045 = arith.constant 96 : index
        %get3A_1046 = tpu.vector_load %arg13[%get3A_1044, %get3A_1045] {strides = array<i32>} : memref<256x128xbf16, #tpu.memory_space<vmem>>, vector<32xbf16>,
        %add3A_1047 = arith.addf %add3A_1015, %get3A_1046 : vector<32xbf16>
        %mul3A_1048 = arith.constant 32 : i32
        %mul3A_1049 = arith.muli %add3A_125, %mul3A_1048 : i32
        %add3A_1050 = arith.constant 12 : i32
        %add3A_1051 = arith.addi %mul3A_1049, %add3A_1050 : i32
        %get3A_1052 = arith.index_cast %add3A_1051 : i32 to index
        %get3A_1053 = arith.constant 96 : index
        %get3A_1054 = tpu.vector_load %arg13[%get3A_1052, %get3A_1053] {strides = array<i32>} : memref<256x128xbf16, #tpu.memory_space<vmem>>, vector<32xbf16>,
        %add3A_1055 = arith.addf %add3A_1023, %get3A_1054 : vector<32xbf16>
        %mul3A_1056 = arith.constant 32 : i32
        %mul3A_1057 = arith.muli %add3A_125, %mul3A_1056 : i32
        %add3A_1058 = arith.constant 13 : i32
        %add3A_1059 = arith.addi %mul3A_1057, %add3A_1058 : i32
        %get3A_1060 = arith.index_cast %add3A_1059 : i32 to index
        %get3A_1061 = arith.constant 96 : index
        %get3A_1062 = tpu.vector_load %arg13[%get3A_1060, %get3A_1061] {strides = array<i32>} : memref<256x128xbf16, #tpu.memory_space<vmem>>, vector<32xbf16>,
        %add3A_1063 = arith.addf %add3A_1031, %get3A_1062 : vector<32xbf16>
        %mul3A_1064 = arith.constant 32 : i32
        %mul3A_1065 = arith.muli %add3A_125, %mul3A_1064 : i32
        %add3A_1066 = arith.constant 14 : i32
        %add3A_1067 = arith.addi %mul3A_1065, %add3A_1066 : i32
        %get3A_1068 = arith.index_cast %add3A_1067 : i32 to index
        %get3A_1069 = arith.constant 96 : index
        %get3A_1070 = tpu.vector_load %arg13[%get3A_1068, %get3A_1069] {strides = array<i32>} : memref<256x128xbf16, #tpu.memory_space<vmem>>, vector<32xbf16>,
        %add3A_1071 = arith.addf %add3A_1039, %get3A_1070 : vector<32xbf16>
        %mul3A_1072 = arith.constant 32 : i32
        %mul3A_1073 = arith.muli %add3A_125, %mul3A_1072 : i32
        %add3A_1074 = arith.constant 15 : i32
        %add3A_1075 = arith.addi %mul3A_1073, %add3A_1074 : i32
        %get3A_1076 = arith.index_cast %add3A_1075 : i32 to index
        %get3A_1077 = arith.constant 96 : index
        %get3A_1078 = tpu.vector_load %arg13[%get3A_1076, %get3A_1077] {strides = array<i32>} : memref<256x128xbf16, #tpu.memory_space<vmem>>, vector<32xbf16>,
        %add3A_1079 = arith.addf %add3A_1047, %get3A_1078 : vector<32xbf16>
        %mul3A_1080 = arith.constant 32 : i32
        %mul3A_1081 = arith.muli %add3A_125, %mul3A_1080 : i32
        %add3A_1082 = arith.constant 16 : i32
        %add3A_1083 = arith.addi %mul3A_1081, %add3A_1082 : i32
        %get3A_1084 = arith.index_cast %add3A_1083 : i32 to index
        %get3A_1085 = arith.constant 96 : index
        %get3A_1086 = tpu.vector_load %arg13[%get3A_1084, %get3A_1085] {strides = array<i32>} : memref<256x128xbf16, #tpu.memory_space<vmem>>, vector<32xbf16>,
        %add3A_1087 = arith.addf %add3A_1055, %get3A_1086 : vector<32xbf16>
        %mul3A_1088 = arith.constant 32 : i32
        %mul3A_1089 = arith.muli %add3A_125, %mul3A_1088 : i32
        %add3A_1090 = arith.constant 17 : i32
        %add3A_1091 = arith.addi %mul3A_1089, %add3A_1090 : i32
        %get3A_1092 = arith.index_cast %add3A_1091 : i32 to index
        %get3A_1093 = arith.constant 96 : index
        %get3A_1094 = tpu.vector_load %arg13[%get3A_1092, %get3A_1093] {strides = array<i32>} : memref<256x128xbf16, #tpu.memory_space<vmem>>, vector<32xbf16>,
        %add3A_1095 = arith.addf %add3A_1063, %get3A_1094 : vector<32xbf16>
        %mul3A_1096 = arith.constant 32 : i32
        %mul3A_1097 = arith.muli %add3A_125, %mul3A_1096 : i32
        %add3A_1098 = arith.constant 18 : i32
        %add3A_1099 = arith.addi %mul3A_1097, %add3A_1098 : i32
        %get3A_1100 = arith.index_cast %add3A_1099 : i32 to index
        %get3A_1101 = arith.constant 96 : index
        %get3A_1102 = tpu.vector_load %arg13[%get3A_1100, %get3A_1101] {strides = array<i32>} : memref<256x128xbf16, #tpu.memory_space<vmem>>, vector<32xbf16>,
        %add3A_1103 = arith.addf %add3A_1071, %get3A_1102 : vector<32xbf16>
        %mul3A_1104 = arith.constant 32 : i32
        %mul3A_1105 = arith.muli %add3A_125, %mul3A_1104 : i32
        %add3A_1106 = arith.constant 19 : i32
        %add3A_1107 = arith.addi %mul3A_1105, %add3A_1106 : i32
        %get3A_1108 = arith.index_cast %add3A_1107 : i32 to index
        %get3A_1109 = arith.constant 96 : index
        %get3A_1110 = tpu.vector_load %arg13[%get3A_1108, %get3A_1109] {strides = array<i32>} : memref<256x128xbf16, #tpu.memory_space<vmem>>, vector<32xbf16>,
        %add3A_1111 = arith.addf %add3A_1079, %get3A_1110 : vector<32xbf16>
        %mul3A_1112 = arith.constant 32 : i32
        %mul3A_1113 = arith.muli %add3A_125, %mul3A_1112 : i32
        %add3A_1114 = arith.constant 20 : i32
        %add3A_1115 = arith.addi %mul3A_1113, %add3A_1114 : i32
        %get3A_1116 = arith.index_cast %add3A_1115 : i32 to index
        %get3A_1117 = arith.constant 96 : index
        %get3A_1118 = tpu.vector_load %arg13[%get3A_1116, %get3A_1117] {strides = array<i32>} : memref<256x128xbf16, #tpu.memory_space<vmem>>, vector<32xbf16>,
        %add3A_1119 = arith.addf %add3A_1087, %get3A_1118 : vector<32xbf16>
        %mul3A_1120 = arith.constant 32 : i32
        %mul3A_1121 = arith.muli %add3A_125, %mul3A_1120 : i32
        %add3A_1122 = arith.constant 21 : i32
        %add3A_1123 = arith.addi %mul3A_1121, %add3A_1122 : i32
        %get3A_1124 = arith.index_cast %add3A_1123 : i32 to index
        %get3A_1125 = arith.constant 96 : index
        %get3A_1126 = tpu.vector_load %arg13[%get3A_1124, %get3A_1125] {strides = array<i32>} : memref<256x128xbf16, #tpu.memory_space<vmem>>, vector<32xbf16>,
        %add3A_1127 = arith.addf %add3A_1095, %get3A_1126 : vector<32xbf16>
        %mul3A_1128 = arith.constant 32 : i32
        %mul3A_1129 = arith.muli %add3A_125, %mul3A_1128 : i32
        %add3A_1130 = arith.constant 22 : i32
        %add3A_1131 = arith.addi %mul3A_1129, %add3A_1130 : i32
        %get3A_1132 = arith.index_cast %add3A_1131 : i32 to index
        %get3A_1133 = arith.constant 96 : index
        %get3A_1134 = tpu.vector_load %arg13[%get3A_1132, %get3A_1133] {strides = array<i32>} : memref<256x128xbf16, #tpu.memory_space<vmem>>, vector<32xbf16>,
        %add3A_1135 = arith.addf %add3A_1103, %get3A_1134 : vector<32xbf16>
        %mul3A_1136 = arith.constant 32 : i32
        %mul3A_1137 = arith.muli %add3A_125, %mul3A_1136 : i32
        %add3A_1138 = arith.constant 23 : i32
        %add3A_1139 = arith.addi %mul3A_1137, %add3A_1138 : i32
        %get3A_1140 = arith.index_cast %add3A_1139 : i32 to index
        %get3A_1141 = arith.constant 96 : index
        %get3A_1142 = tpu.vector_load %arg13[%get3A_1140, %get3A_1141] {strides = array<i32>} : memref<256x128xbf16, #tpu.memory_space<vmem>>, vector<32xbf16>,
        %add3A_1143 = arith.addf %add3A_1111, %get3A_1142 : vector<32xbf16>
        %mul3A_1144 = arith.constant 32 : i32
        %mul3A_1145 = arith.muli %add3A_125, %mul3A_1144 : i32
        %add3A_1146 = arith.constant 24 : i32
        %add3A_1147 = arith.addi %mul3A_1145, %add3A_1146 : i32
        %get3A_1148 = arith.index_cast %add3A_1147 : i32 to index
        %get3A_1149 = arith.constant 96 : index
        %get3A_1150 = tpu.vector_load %arg13[%get3A_1148, %get3A_1149] {strides = array<i32>} : memref<256x128xbf16, #tpu.memory_space<vmem>>, vector<32xbf16>,
        %add3A_1151 = arith.addf %add3A_1119, %get3A_1150 : vector<32xbf16>
        %mul3A_1152 = arith.constant 32 : i32
        %mul3A_1153 = arith.muli %add3A_125, %mul3A_1152 : i32
        %add3A_1154 = arith.constant 25 : i32
        %add3A_1155 = arith.addi %mul3A_1153, %add3A_1154 : i32
        %get3A_1156 = arith.index_cast %add3A_1155 : i32 to index
        %get3A_1157 = arith.constant 96 : index
        %get3A_1158 = tpu.vector_load %arg13[%get3A_1156, %get3A_1157] {strides = array<i32>} : memref<256x128xbf16, #tpu.memory_space<vmem>>, vector<32xbf16>,
        %add3A_1159 = arith.addf %add3A_1127, %get3A_1158 : vector<32xbf16>
        %mul3A_1160 = arith.constant 32 : i32
        %mul3A_1161 = arith.muli %add3A_125, %mul3A_1160 : i32
        %add3A_1162 = arith.constant 26 : i32
        %add3A_1163 = arith.addi %mul3A_1161, %add3A_1162 : i32
        %get3A_1164 = arith.index_cast %add3A_1163 : i32 to index
        %get3A_1165 = arith.constant 96 : index
        %get3A_1166 = tpu.vector_load %arg13[%get3A_1164, %get3A_1165] {strides = array<i32>} : memref<256x128xbf16, #tpu.memory_space<vmem>>, vector<32xbf16>,
        %add3A_1167 = arith.addf %add3A_1135, %get3A_1166 : vector<32xbf16>
        %mul3A_1168 = arith.constant 32 : i32
        %mul3A_1169 = arith.muli %add3A_125, %mul3A_1168 : i32
        %add3A_1170 = arith.constant 27 : i32
        %add3A_1171 = arith.addi %mul3A_1169, %add3A_1170 : i32
        %get3A_1172 = arith.index_cast %add3A_1171 : i32 to index
        %get3A_1173 = arith.constant 96 : index
        %get3A_1174 = tpu.vector_load %arg13[%get3A_1172, %get3A_1173] {strides = array<i32>} : memref<256x128xbf16, #tpu.memory_space<vmem>>, vector<32xbf16>,
        %add3A_1175 = arith.addf %add3A_1143, %get3A_1174 : vector<32xbf16>
        %mul3A_1176 = arith.constant 32 : i32
        %mul3A_1177 = arith.muli %add3A_125, %mul3A_1176 : i32
        %add3A_1178 = arith.constant 28 : i32
        %add3A_1179 = arith.addi %mul3A_1177, %add3A_1178 : i32
        %get3A_1180 = arith.index_cast %add3A_1179 : i32 to index
        %get3A_1181 = arith.constant 96 : index
        %get3A_1182 = tpu.vector_load %arg13[%get3A_1180, %get3A_1181] {strides = array<i32>} : memref<256x128xbf16, #tpu.memory_space<vmem>>, vector<32xbf16>,
        %add3A_1183 = arith.addf %add3A_1151, %get3A_1182 : vector<32xbf16>
        %mul3A_1184 = arith.constant 32 : i32
        %mul3A_1185 = arith.muli %add3A_125, %mul3A_1184 : i32
        %add3A_1186 = arith.constant 29 : i32
        %add3A_1187 = arith.addi %mul3A_1185, %add3A_1186 : i32
        %get3A_1188 = arith.index_cast %add3A_1187 : i32 to index
        %get3A_1189 = arith.constant 96 : index
        %get3A_1190 = tpu.vector_load %arg13[%get3A_1188, %get3A_1189] {strides = array<i32>} : memref<256x128xbf16, #tpu.memory_space<vmem>>, vector<32xbf16>,
        %add3A_1191 = arith.addf %add3A_1159, %get3A_1190 : vector<32xbf16>
        %mul3A_1192 = arith.constant 32 : i32
        %mul3A_1193 = arith.muli %add3A_125, %mul3A_1192 : i32
        %add3A_1194 = arith.constant 30 : i32
        %add3A_1195 = arith.addi %mul3A_1193, %add3A_1194 : i32
        %get3A_1196 = arith.index_cast %add3A_1195 : i32 to index
        %get3A_1197 = arith.constant 96 : index
        %get3A_1198 = tpu.vector_load %arg13[%get3A_1196, %get3A_1197] {strides = array<i32>} : memref<256x128xbf16, #tpu.memory_space<vmem>>, vector<32xbf16>,
        %add3A_1199 = arith.addf %add3A_1167, %get3A_1198 : vector<32xbf16>
        %mul3A_1200 = arith.constant 32 : i32
        %mul3A_1201 = arith.muli %add3A_125, %mul3A_1200 : i32
        %add3A_1202 = arith.constant 31 : i32
        %add3A_1203 = arith.addi %mul3A_1201, %add3A_1202 : i32
        %get3A_1204 = arith.index_cast %add3A_1203 : i32 to index
        %get3A_1205 = arith.constant 96 : index
        %get3A_1206 = tpu.vector_load %arg13[%get3A_1204, %get3A_1205] {strides = array<i32>} : memref<256x128xbf16, #tpu.memory_space<vmem>>, vector<32xbf16>,
        %add3A_1207 = arith.addf %add3A_1175, %get3A_1206 : vector<32xbf16>
        %add3A_1208 = arith.addf %add3A_1183, %add3A_1191 : vector<32xbf16>
        %add3A_1209 = arith.addf %add3A_1199, %add3A_1207 : vector<32xbf16>
        %add3A_1210 = arith.addf %add3A_1208, %add3A_1209 : vector<32xbf16>
        %unpack3A_1211 = tpu.unpack_subelements %add3A_1210, 0 {pack_format = #tpu.pack_format<interleaved>} : vector<32xbf16> -> vector<16xf32>
        %unpack3A_1212 = tpu.unpack_subelements %add3A_1210, 1 {pack_format = #tpu.pack_format<interleaved>} : vector<32xbf16> -> vector<16xf32>
        %get3A_1213 = arith.index_cast %add3A_128 : i32 to index
        %get3A_1214 = arith.constant 96 : index
        %get3A_1215 = tpu.vector_load %arg9[%get3A_1213, %get3A_1214] {strides = array<i32>} : memref<128x128xf32, #tpu.memory_space<vmem>>, vector<16xf32>,
        %add3A_1216 = arith.addf %get3A_1215, %unpack3A_1211 : vector<16xf32>
        %max3A_1217 = arith.constant 0.000000e+00 : f32
        %max3A_1218 = vector.broadcast %max3A_1217 : f32 to vector<16xf32>
        %max3A_1219 = arith.maximumf %add3A_1216, %max3A_1218 : vector<16xf32>
        %swap3A_1220 = arith.index_cast %add3A_128 : i32 to index
        %swap3A_1221 = arith.constant 96 : index
        %swap3A_1222 = tpu.vector_load %arg14[%swap3A_1220, %swap3A_1221] {strides = array<i32>} : memref<128x128xf32, #tpu.memory_space<vmem>>, vector<16xf32>,
        tpu.vector_store %arg14[%swap3A_1220, %swap3A_1221], %max3A_1219 {strides = array<i32>} : memref<128x128xf32, #tpu.memory_space<vmem>>, vector<16xf32>,
        %get3A_1223 = arith.index_cast %add3A_128 : i32 to index
        %get3A_1224 = arith.constant 112 : index
        %get3A_1225 = tpu.vector_load %arg9[%get3A_1223, %get3A_1224] {strides = array<i32>} : memref<128x128xf32, #tpu.memory_space<vmem>>, vector<16xf32>,
        %add3A_1226 = arith.addf %get3A_1225, %unpack3A_1212 : vector<16xf32>
        %max3A_1227 = arith.constant 0.000000e+00 : f32
        %max3A_1228 = vector.broadcast %max3A_1227 : f32 to vector<16xf32>
        %max3A_1229 = arith.maximumf %add3A_1226, %max3A_1228 : vector<16xf32>
        %swap3A_1230 = arith.index_cast %add3A_128 : i32 to index
        %swap3A_1231 = arith.constant 112 : index
        %swap3A_1232 = tpu.vector_load %arg14[%swap3A_1230, %swap3A_1231] {strides = array<i32>} : memref<128x128xf32, #tpu.memory_space<vmem>>, vector<16xf32>,
        tpu.vector_store %arg14[%swap3A_1230, %swap3A_1231], %max3A_1229 {strides = array<i32>} : memref<128x128xf32, #tpu.memory_space<vmem>>, vector<16xf32>,
      }
      %scan3A_109 = arith.constant 8 : i32
      %add3A_110 = arith.constant 3 : i32
      %add3A_111 = arith.addi %add3A_32, %add3A_110 : i32
      %add3A_112 = arith.constant 4 : i32
      %add3A_113 = arith.addi %add3A_111, %add3A_112 : i32
      %sub3A_114 = arith.constant 1 : i32
      %sub3A_115 = arith.subi %add3A_113, %sub3A_114 : i32
      %lt3A_116 = arith.constant 16 : i32
      %lt3A_117 = arith.cmpi slt, %sub3A_115, %lt3A_116 : i32
      %convert_element_type3A_118 = arith.extui %lt3A_117 : i1 to i32
      %cond3A_119 = arith.constant 0 : i32
      %cond3A_120 = arith.cmpi ne, %convert_element_type3A_118, %cond3A_119 : i32
      scf.if %cond3A_120 {
        %add3A_121 = arith.constant 3 : i32
        %add3A_122 = arith.addi %add3A_32, %add3A_121 : i32
        %add3A_123 = arith.constant 4 : i32
        %add3A_124 = arith.addi %add3A_122, %add3A_123 : i32
        %sub3A_125 = arith.constant 1 : i32
        %sub3A_126 = arith.subi %add3A_124, %sub3A_125 : i32
        %mul3A_127 = arith.constant 256 : i32
        %mul3A_128 = arith.muli %sub3A_126, %mul3A_127 : i32
        %dma_start3A_129 = tpu.memref_slice %arg8[%mul3A_128] : memref<4096xi32, #tpu.memory_space<vmem>> -> memref<256xi32, #tpu.memory_space<vmem>>
        %dma_start3A_130 = arith.constant 0 : i32
        %dma_start3A_131 = arith.constant 0 : i32
        %dma_start3A_132 = tpu.memref_slice %arg5[%dma_start3A_130, %dma_start3A_131] : memref<10000x128xbf16, #tpu.memory_space<hbm>> -> memref<10000x128xbf16, #tpu.memory_space<hbm>>
        tpu.enqueue_indirect_dma source(%dma_start3A_132 : memref<10000x128xbf16, #tpu.memory_space<hbm>>) target(%arg12 : memref<256x128xbf16, #tpu.memory_space<vmem>>) offsets(%dma_start3A_129 : memref<256xi32, #tpu.memory_space<vmem>>) semaphore(%arg17 : memref<!tpu.dma_semaphore, #tpu.memory_space<semaphore_mem>>)
      } else {
      }
    }
    %scan3A_27 = arith.constant 4 : i32
    "tpu.region"() ({
      %run_scoped3A = tpu.sem_alloc : memref<!tpu.dma_semaphore, #tpu.memory_space<semaphore_mem>>
      %dma_start3A_28 = arith.constant 0 : i32
      %dma_start3A_29 = tpu.memref_slice %arg6[%mul3A_2, %dma_start3A_28] : memref<4096x128xf32, #tpu.memory_space<hbm>> -> memref<128x128xf32, #tpu.memory_space<hbm>>
      %dma_start3A_30 = arith.constant 0 : i32
      %dma_start3A_31 = tpu.memref_slice %arg6[%mul3A_2, %dma_start3A_30] : memref<4096x128xf32, #tpu.memory_space<hbm>> -> memref<128x128xf32, #tpu.memory_space<hbm>>
      tpu.enqueue_dma source(%arg14 : memref<128x128xf32, #tpu.memory_space<vmem>>) target(%dma_start3A_31 : memref<128x128xf32, #tpu.memory_space<hbm>>) target_semaphore(%run_scoped3A : memref<!tpu.dma_semaphore, #tpu.memory_space<semaphore_mem>>)
      %dma_wait3A_32 = arith.constant 0 : i32
      %dma_wait3A_33 = tpu.memref_slice %arg6[%mul3A_2, %dma_wait3A_32] : memref<4096x128xf32, #tpu.memory_space<hbm>> -> memref<128x128xf32, #tpu.memory_space<hbm>>
      %dma_wait3A_34 = arith.constant 0 : i32
      %dma_wait3A_35 = tpu.memref_slice %arg6[%mul3A_2, %dma_wait3A_34] : memref<4096x128xf32, #tpu.memory_space<hbm>> -> memref<128x128xf32, #tpu.memory_space<hbm>>
      tpu.wait_dma2 semaphore(%run_scoped3A : memref<!tpu.dma_semaphore, #tpu.memory_space<semaphore_mem>>) src(%arg14 : memref<128x128xf32, #tpu.memory_space<vmem>>) dst(%dma_wait3A_35 : memref<128x128xf32, #tpu.memory_space<hbm>>)
      tpu.yield
    }) : () -> ()
    return
  }
}

#map = affine_map<(d0, d1) -> (0)>
#map1 = affine_map<(d0, d1) -> (0, 0)>
module attributes {stable_mosaic.version = 14 : i64} {
  func.func @k(%arg0: i32, %arg1: i32, %arg2: memref<4096xi32, #tpu.memory_space<hbm>>, %arg3: memref<10000x32xi32, #tpu.memory_space<hbm>>, %arg4: memref<131072xi32, #tpu.memory_space<hbm>>, %arg5: memref<128xi32, #tpu.memory_space<vmem>>, %arg6: memref<128x32xi32, #tpu.memory_space<vmem>>, %arg7: memref<4096xi32, #tpu.memory_space<vmem>>, %arg8: memref<!tpu.dma_semaphore, #tpu.memory_space<semaphore_mem>>) attributes {dimension_semantics = [#tpu.dimension_semantics<core_parallel>, #tpu.dimension_semantics<subcore_parallel>], iteration_bounds = array<i64: 2, 16>, scalar_prefetch = 0 : i64, scratch_operands = 4 : i64, tpu.core_type = #tpu.core_type<sc_vector_subcore>, window_params = [{transform_indices = #map}, {transform_indices = #map1}, {transform_indices = #map}]} {
    %mul3A = arith.constant 2 : i32
    %mul3A_0 = arith.muli %arg1, %mul3A : i32
    %add3A = arith.addi %mul3A_0, %arg0 : i32
    %mul3A_1 = arith.constant 128 : i32
    %mul3A_2 = arith.muli %add3A, %mul3A_1 : i32
    "tpu.region"() ({
      %run_scoped3A = tpu.sem_alloc : memref<!tpu.dma_semaphore, #tpu.memory_space<semaphore_mem>>
      %dma_start3A_13 = tpu.memref_slice %arg2[%mul3A_2] : memref<4096xi32, #tpu.memory_space<hbm>> -> memref<128xi32, #tpu.memory_space<hbm>>
      %dma_start3A_14 = tpu.memref_slice %arg2[%mul3A_2] : memref<4096xi32, #tpu.memory_space<hbm>> -> memref<128xi32, #tpu.memory_space<hbm>>
      tpu.enqueue_dma source(%dma_start3A_14 : memref<128xi32, #tpu.memory_space<hbm>>) target(%arg5 : memref<128xi32, #tpu.memory_space<vmem>>) target_semaphore(%run_scoped3A : memref<!tpu.dma_semaphore, #tpu.memory_space<semaphore_mem>>)
      %dma_wait3A_15 = tpu.memref_slice %arg2[%mul3A_2] : memref<4096xi32, #tpu.memory_space<hbm>> -> memref<128xi32, #tpu.memory_space<hbm>>
      %dma_wait3A_16 = tpu.memref_slice %arg2[%mul3A_2] : memref<4096xi32, #tpu.memory_space<hbm>> -> memref<128xi32, #tpu.memory_space<hbm>>
      tpu.wait_dma2 semaphore(%run_scoped3A : memref<!tpu.dma_semaphore, #tpu.memory_space<semaphore_mem>>) src(%dma_wait3A_16 : memref<128xi32, #tpu.memory_space<hbm>>) dst(%arg5 : memref<128xi32, #tpu.memory_space<vmem>>)
      tpu.yield
    }) : () -> ()
    %dma_start3A = arith.constant 0 : i32
    %dma_start3A_3 = arith.constant 0 : i32
    %dma_start3A_4 = tpu.memref_slice %arg3[%dma_start3A, %dma_start3A_3] : memref<10000x32xi32, #tpu.memory_space<hbm>> -> memref<10000x32xi32, #tpu.memory_space<hbm>>
    tpu.enqueue_indirect_dma source(%dma_start3A_4 : memref<10000x32xi32, #tpu.memory_space<hbm>>) target(%arg6 : memref<128x32xi32, #tpu.memory_space<vmem>>) offsets(%arg5 : memref<128xi32, #tpu.memory_space<vmem>>) semaphore(%arg8 : memref<!tpu.dma_semaphore, #tpu.memory_space<semaphore_mem>>)
    %dma_wait3A = arith.constant 0 : i32
    %dma_wait3A_5 = arith.constant 0 : i32
    %dma_wait3A_6 = tpu.memref_slice %arg3[%dma_wait3A, %dma_wait3A_5] : memref<10000x32xi32, #tpu.memory_space<hbm>> -> memref<10000x32xi32, #tpu.memory_space<hbm>>
    tpu.wait_indirect_dma semaphore(%arg8 : memref<!tpu.dma_semaphore, #tpu.memory_space<semaphore_mem>>) src(%dma_wait3A_6 : memref<10000x32xi32, #tpu.memory_space<hbm>>) dst(%arg6 : memref<128x32xi32, #tpu.memory_space<vmem>>)
    %scan3A = arith.constant 0 : i32
    %scan3A_7 = arith.constant 128 : i32
    %scan3A_8 = arith.addi %scan3A, %scan3A_7 : i32
    %scan3A_9 = arith.constant 1 : i32
    scf.for %scan3A_13 = %scan3A to %scan3A_8 step %scan3A_9  : i32 {
      %mul3A_14 = arith.constant 1 : i32
      %mul3A_15 = arith.muli %scan3A_13, %mul3A_14 : i32
      %add3A_16 = arith.constant 0 : i32
      %add3A_17 = arith.addi %add3A_16, %mul3A_15 : i32
      %get3A = arith.index_cast %add3A_17 : i32 to index
      %get3A_18 = arith.constant 0 : index
      %get3A_19 = tpu.vector_load %arg6[%get3A, %get3A_18] {strides = array<i32>} : memref<128x32xi32, #tpu.memory_space<vmem>>, vector<16xi32>,
      %mul3A_20 = arith.constant 32 : i32
      %mul3A_21 = arith.muli %add3A_17, %mul3A_20 : i32
      %add3A_22 = arith.constant 0 : i32
      %add3A_23 = arith.addi %mul3A_21, %add3A_22 : i32
      %swap3A = arith.index_cast %add3A_23 : i32 to index
      %swap3A_24 = tpu.vector_load %arg7[%swap3A] {strides = array<i32>} : memref<4096xi32, #tpu.memory_space<vmem>>, vector<16xi32>,
      tpu.vector_store %arg7[%swap3A], %get3A_19 {strides = array<i32>} : memref<4096xi32, #tpu.memory_space<vmem>>, vector<16xi32>,
      %get3A_25 = arith.index_cast %add3A_17 : i32 to index
      %get3A_26 = arith.constant 16 : index
      %get3A_27 = tpu.vector_load %arg6[%get3A_25, %get3A_26] {strides = array<i32>} : memref<128x32xi32, #tpu.memory_space<vmem>>, vector<16xi32>,
      %mul3A_28 = arith.constant 32 : i32
      %mul3A_29 = arith.muli %add3A_17, %mul3A_28 : i32
      %add3A_30 = arith.constant 16 : i32
      %add3A_31 = arith.addi %mul3A_29, %add3A_30 : i32
      %swap3A_32 = arith.index_cast %add3A_31 : i32 to index
      %swap3A_33 = tpu.vector_load %arg7[%swap3A_32] {strides = array<i32>} : memref<4096xi32, #tpu.memory_space<vmem>>, vector<16xi32>,
      tpu.vector_store %arg7[%swap3A_32], %get3A_27 {strides = array<i32>} : memref<4096xi32, #tpu.memory_space<vmem>>, vector<16xi32>,
    }
    %scan3A_10 = arith.constant 128 : i32
    %mul3A_11 = arith.constant 32 : i32
    %mul3A_12 = arith.muli %mul3A_2, %mul3A_11 : i32
    "tpu.region"() ({
      %run_scoped3A = tpu.sem_alloc : memref<!tpu.dma_semaphore, #tpu.memory_space<semaphore_mem>>
      %dma_start3A_13 = tpu.memref_slice %arg4[%mul3A_12] : memref<131072xi32, #tpu.memory_space<hbm>> -> memref<4096xi32, #tpu.memory_space<hbm>>
      %dma_start3A_14 = tpu.memref_slice %arg4[%mul3A_12] : memref<131072xi32, #tpu.memory_space<hbm>> -> memref<4096xi32, #tpu.memory_space<hbm>>
      tpu.enqueue_dma source(%arg7 : memref<4096xi32, #tpu.memory_space<vmem>>) target(%dma_start3A_14 : memref<4096xi32, #tpu.memory_space<hbm>>) target_semaphore(%run_scoped3A : memref<!tpu.dma_semaphore, #tpu.memory_space<semaphore_mem>>)
      %dma_wait3A_15 = tpu.memref_slice %arg4[%mul3A_12] : memref<131072xi32, #tpu.memory_space<hbm>> -> memref<4096xi32, #tpu.memory_space<hbm>>
      %dma_wait3A_16 = tpu.memref_slice %arg4[%mul3A_12] : memref<131072xi32, #tpu.memory_space<hbm>> -> memref<4096xi32, #tpu.memory_space<hbm>>
      tpu.wait_dma2 semaphore(%run_scoped3A : memref<!tpu.dma_semaphore, #tpu.memory_space<semaphore_mem>>) src(%arg7 : memref<4096xi32, #tpu.memory_space<vmem>>) dst(%dma_wait3A_16 : memref<4096xi32, #tpu.memory_space<hbm>>)
      tpu.yield
    }) : () -> ()
    return
  }
}

module attributes {stable_mosaic.version = 14 : i64} {
  func.func @body(%arg0: i32, %arg1: memref<2000x128xf32, #tpu.memory_space<vmem>>, %arg2: memref<2000x128xf32, #tpu.memory_space<vmem>>, %arg3: memref<128x128xf32, #tpu.memory_space<vmem>>, %arg4: memref<128x128xf32, #tpu.memory_space<vmem>>, %arg5: memref<128x128xf32, #tpu.memory_space<vmem>>, %arg6: memref<1x128xf32, #tpu.memory_space<vmem>>, %arg7: memref<2000x128xf32, #tpu.memory_space<vmem>>, %arg8: memref<2000x128xbf16, #tpu.memory_space<vmem>>) attributes {dimension_semantics = [#tpu.dimension_semantics<arbitrary>], iteration_bounds = array<i64: 5>, scalar_prefetch = 0 : i64, scratch_operands = 0 : i64, tpu.core_type = #tpu.core_type<tc>, window_params = [{transform_indices = @transform_0, window_bounds = array<i64: 2000, 128>}, {transform_indices = @transform_1, window_bounds = array<i64: 2000, 128>}, {pipeline_mode = #tpu.pipeline_mode<synchronous>, transform_indices = @transform_2, window_bounds = array<i64: 128, 128>}, {pipeline_mode = #tpu.pipeline_mode<synchronous>, transform_indices = @transform_3, window_bounds = array<i64: 128, 128>}, {pipeline_mode = #tpu.pipeline_mode<synchronous>, transform_indices = @transform_4, window_bounds = array<i64: 128, 128>}, {pipeline_mode = #tpu.pipeline_mode<synchronous>, transform_indices = @transform_5, window_bounds = array<i64: 1, 128>}, {transform_indices = @transform_6, window_bounds = array<i64: 2000, 128>}, {transform_indices = @transform_7, window_bounds = array<i64: 2000, 128>}]} {
    %get3A = arith.constant 0 : index
    %get3A_0 = arith.constant 0 : index
    %get3A_1 = vector.load %arg1[%get3A, %get3A_0] : memref<2000x128xf32, #tpu.memory_space<vmem>>, vector<2000x128xf32>
    %get3A_2 = arith.constant 0 : index
    %get3A_3 = arith.constant 0 : index
    %get3A_4 = vector.load %arg3[%get3A_2, %get3A_3] : memref<128x128xf32, #tpu.memory_space<vmem>>, vector<128x128xf32>
    %dot_general3A = arith.constant dense<0.000000e+00> : vector<2000x128xf32>
    %dot_general3A_5 = tpu.matmul %get3A_1, %get3A_4, %dot_general3A {dimension_numbers = #tpu.dot_dimension_numbers<[1], [0], [0], [1], [0, 0, 1, 1], [], []>, transpose_lhs_hint = false} : vector<2000x128xf32>, vector<128x128xf32>, vector<2000x128xf32> -> vector<2000x128xf32>
    %get3A_6 = arith.constant 0 : index
    %get3A_7 = arith.constant 0 : index
    %get3A_8 = vector.load %arg2[%get3A_6, %get3A_7] : memref<2000x128xf32, #tpu.memory_space<vmem>>, vector<2000x128xf32>
    %get3A_9 = arith.constant 0 : index
    %get3A_10 = arith.constant 0 : index
    %get3A_11 = vector.load %arg5[%get3A_9, %get3A_10] : memref<128x128xf32, #tpu.memory_space<vmem>>, vector<128x128xf32>
    %dot_general3A_12 = arith.constant dense<0.000000e+00> : vector<2000x128xf32>
    %dot_general3A_13 = tpu.matmul %get3A_8, %get3A_11, %dot_general3A_12 {dimension_numbers = #tpu.dot_dimension_numbers<[1], [0], [0], [1], [0, 0, 1, 1], [], []>, transpose_lhs_hint = false} : vector<2000x128xf32>, vector<128x128xf32>, vector<2000x128xf32> -> vector<2000x128xf32>
    %add3A = arith.addf %dot_general3A_5, %dot_general3A_13 : vector<2000x128xf32>
    %get3A_14 = arith.constant 0 : index
    %get3A_15 = arith.constant 0 : index
    %get3A_16 = vector.load %arg6[%get3A_14, %get3A_15] : memref<1x128xf32, #tpu.memory_space<vmem>>, vector<1x128xf32>
    %add3A_17 = vector.broadcast %get3A_16 : vector<1x128xf32> to vector<2000x128xf32>
    %add3A_18 = arith.addf %add3A, %add3A_17 : vector<2000x128xf32>
    %swap3A = arith.constant 0 : index
    %swap3A_19 = arith.constant 0 : index
    %swap3A_20 = vector.load %arg7[%swap3A, %swap3A_19] : memref<2000x128xf32, #tpu.memory_space<vmem>>, vector<2000x128xf32>
    tpu.vector_store %arg7[%swap3A, %swap3A_19], %add3A_18 {strides = array<i32>} : memref<2000x128xf32, #tpu.memory_space<vmem>>, vector<2000x128xf32>,
    %get3A_21 = arith.constant 0 : index
    %get3A_22 = arith.constant 0 : index
    %get3A_23 = vector.load %arg4[%get3A_21, %get3A_22] : memref<128x128xf32, #tpu.memory_space<vmem>>, vector<128x128xf32>
    %dot_general3A_24 = arith.constant dense<0.000000e+00> : vector<2000x128xf32>
    %dot_general3A_25 = tpu.matmul %get3A_1, %get3A_23, %dot_general3A_24 {dimension_numbers = #tpu.dot_dimension_numbers<[1], [0], [0], [1], [0, 0, 1, 1], [], []>, transpose_lhs_hint = false} : vector<2000x128xf32>, vector<128x128xf32>, vector<2000x128xf32> -> vector<2000x128xf32>
    %mul3A = arith.constant 3.125000e-02 : f32
    %mul3A_26 = vector.broadcast %mul3A : f32 to vector<2000x128xf32>
    %mul3A_27 = arith.mulf %dot_general3A_25, %mul3A_26 : vector<2000x128xf32>
    %convert_element_type3A = arith.truncf %mul3A_27 : vector<2000x128xf32> to vector<2000x128xbf16>
    %swap3A_28 = arith.constant 0 : index
    %swap3A_29 = arith.constant 0 : index
    %swap3A_30 = vector.load %arg8[%swap3A_28, %swap3A_29] : memref<2000x128xbf16, #tpu.memory_space<vmem>>, vector<2000x128xbf16>
    tpu.vector_store %arg8[%swap3A_28, %swap3A_29], %convert_element_type3A {strides = array<i32>} : memref<2000x128xbf16, #tpu.memory_space<vmem>>, vector<2000x128xbf16>,
    return
  }
  func.func @transform_0(%arg0: i32) -> (i32, i32) {
    %c0_i32 = arith.constant 0 : i32
    %c0_i32_0 = arith.constant 0 : i32
    return %arg0, %c0_i32 : i32, i32
  }
  func.func @transform_1(%arg0: i32) -> (i32, i32) {
    %c0_i32 = arith.constant 0 : i32
    %c0_i32_0 = arith.constant 0 : i32
    return %arg0, %c0_i32 : i32, i32
  }
  func.func @transform_2(%arg0: i32) -> (i32, i32) {
    %c0_i32 = arith.constant 0 : i32
    %c0_i32_0 = arith.constant 0 : i32
    %c0_i32_1 = arith.constant 0 : i32
    return %c0_i32, %c0_i32_0 : i32, i32
  }
  func.func @transform_3(%arg0: i32) -> (i32, i32) {
    %c0_i32 = arith.constant 0 : i32
    %c0_i32_0 = arith.constant 0 : i32
    %c0_i32_1 = arith.constant 0 : i32
    return %c0_i32, %c0_i32_0 : i32, i32
  }
  func.func @transform_4(%arg0: i32) -> (i32, i32) {
    %c0_i32 = arith.constant 0 : i32
    %c0_i32_0 = arith.constant 0 : i32
    %c0_i32_1 = arith.constant 0 : i32
    return %c0_i32, %c0_i32_0 : i32, i32
  }
  func.func @transform_5(%arg0: i32) -> (i32, i32) {
    %c0_i32 = arith.constant 0 : i32
    %c0_i32_0 = arith.constant 0 : i32
    %c0_i32_1 = arith.constant 0 : i32
    return %c0_i32, %c0_i32_0 : i32, i32
  }
  func.func @transform_6(%arg0: i32) -> (i32, i32) {
    %c0_i32 = arith.constant 0 : i32
    %c0_i32_0 = arith.constant 0 : i32
    return %arg0, %c0_i32 : i32, i32
  }
  func.func @transform_7(%arg0: i32) -> (i32, i32) {
    %c0_i32 = arith.constant 0 : i32
    %c0_i32_0 = arith.constant 0 : i32
    return %arg0, %c0_i32 : i32, i32
  }
}

</mosaic_0001>

<sc_bundles>
// kernel: kernel.5.cloned.1.call-start
scs
__scs_entry_jumppad:
0x0: {  	(pc) =	sbr.rel $0x88, $3  }
0x1: {  	(tag) =	ssettag $0x0;
	lr =	simm.s32 $0x1  }
0x2: {  	[smem:$0x3F9B] =	sst lr;
	_ =	strace $0xD0000000  }
0x3: {  	_ = 	snop  }
0x4: {  	_ = 	snop  }
0x5: {  	_ = 	snop  }
0x6: {  	_ = 	snop  }
0x7: {  	_ = 	snop  }
__scs_overlays_trampoline_lowered:
0x8: {  	[smem:$0x3FAA] =	sst s0  }
0x9: {  	[smem:$0x3FAB] =	sst s1  }
0xa: {  	[smem:$0x3FAC] =	sst s2  }
0xb: {  	[smem:$0x3FAD] =	sst s3  }
0xc: {  	[smem:$0x3FAE] =	sst s4  }
0xd: {  	[smem:$0x3FAF] =	sst s5  }
0xe: {  	[smem:$0x3FB0] =	sst s6  }
0xf: {  	[smem:$0x3FB1] =	sst s7  }
0x10: {  	[smem:$0x3FB2] =	sst s8  }
0x11: {  	[smem:$0x3FB3] =	sst s9;
	s0 =	simm.s32 @!p0 $0x0  }
0x12: {  	s1 =	sld [smem:$0x3F99];
	s0 =	simm.s32 @p0 $0x1  }
0x13: {  	[smem:$0x3FB4] =	sst s0;
	s0 =	simm.s32 @!p1 $0x0  }
0x14: {  	s2 =	sld [smem:$0x3F98];
	s0 =	simm.s32 @p1 $0x1  }
0x15: {  	[smem:$0x3FB5] =	sst s0;
	s0 =	simm.s32 @!p2 $0x0  }
0x16: {  	s3 =	sld [smem:$0x3FDB];
	s0 =	simm.s32 @p2 $0x1  }
0x17: {  	s4 =	simm.s32 $0x1BF5;
	[smem:$0x3FB7] =	sst s0  }
0x18: {  	s0 =	sld [smem:$0x3F9A];
	_ =	swait.ge [sflag:s4], $0x0  }
0x19: {  	s7 =	sld [smem:$0x3F9B]  }
0x1a: {  	s8 =	sadd.s32 $0xFFFFE003, lr  }
0x1b: {  	s9 =	sadd.s32 $0xFFFFFEF7, lr;
	s5 =	simm.s32 $0xFFFFFFFF;
	p2 =	slt.u32 s8, $0xFFFFF086  }
0x1c: {  	p1 =	slt.u32 s9, $0xF7A;
	s5 =	simm.s32 @!p2 $0x0  }
0x1d: {  	s5 =	simm.s32 @p1 $0x1;
	p0 =	seq.s32 s7, s2  }
0x1e: {  	s7 =	smul.u32 @!p0 $0xF7A, s2;
	p2 =	seq.s32 @!p0 s5, $0x0  }
0x1f: {  	s9 =	smul.u32 $0xF7A, s1;
	s8 =	simm.s32 @!p0 $0x1BF5;
	p2 =	por !p2, p0  }
0x20: {  	[sflag:s8] =	ssyncset.s32 @!p0 $0xFFFFF086;
	s6 =	sadd.s32 @!p0 s3, s7;
	s7 =	simm.s32 @!p0 $0x108  }
0x21: {  	s3 =	sadd.s32 s3, s9;
	s6 =	sadd.s32 @!p0 $0x88, s6;
	s7 =	simm.s32 @p2 $0x1082  }
0x22: {  	[simem:s7], [sflag:s8] =	dma.local @!p0 [hbm:s6], $0xF7A  }
0x23: {  	s9 =	sor.u32 $0xD0000000, s2;
	s6 =	simm.s32 $0x108;
	_ =	swait.ge @!p0 [sflag:s8], $0x0  }
0x24: {  	s3 =	sadd.s32 $0x88, s3;
	s6 =	simm.s32 @!p1 $0x1082;
	[sflag:s4] =	ssyncset.s32 $0xFFFFF086  }
0x25: {  	[simem:s6], [sflag:s4] =	dma.local [hbm:s3], $0xF7A  }
0x26: {  	[smem:$0x3F9B] =	sst s1;
	(tag) =	ssettag s2;
	_ =	strace s9  }
0x27: {  	s1 =	sld [smem:$0x3FAB]  }
0x28: {  	s2 =	sld [smem:$0x3FAC]  }
0x29: {  	s4 =	sld [smem:$0x3FAE]  }
0x2a: {  	p0 =	seq.s32 s5, $0x0;
	s5 =	sld [smem:$0x3FAF]  }
0x2b: {  	s6 =	sld [smem:$0x3FB0]  }
0x2c: {  	s7 =	sld [smem:$0x3FB1]  }
0x2d: {  	s3 =	simm.s32 $0x108;
	s8 =	sld [smem:$0x3FB2]  }
0x2e: {  	s3 =	simm.s32 @!p0 $0x1082;
	s9 =	sld [smem:$0x3FB3]  }
0x2f: {  	lr =	sadd.s32 s0, s3;
	s0 =	sld [smem:$0x3FAA]  }
0x30: {  	s3 =	sld [smem:$0x3FAD]  }
0x31: {  	[smem:$0x3FB6] =	sst s10  }
0x32: {  	s10 =	sld [smem:$0x3FB4];
	_ =	sdelay $0x3  }
0x33: {  	p0 =	seq.s32 s10, $0x1;
	s10 =	sld [smem:$0x3FB6];
	_ =	sdelay $0x3  }
0x34: {  	[smem:$0x3FB6] =	sst s10  }
0x35: {  	s10 =	sld [smem:$0x3FB5];
	_ =	sdelay $0x3  }
0x36: {  	p1 =	seq.s32 s10, $0x1;
	s10 =	sld [smem:$0x3FB6];
	_ =	sdelay $0x3  }
0x37: {  	[smem:$0x3FB6] =	sst s10  }
0x38: {  	s10 =	sld [smem:$0x3FB7]  }
0x39: {  	_ = 	snop;
	(pc) =	sbr.ind lr, $3  }
0x3a: {  	_ = 	snop  }
0x3b: {  	_ = 	snop  }
0x3c: {  	p2 =	seq.s32 s10, $0x1;
	s10 =	sld [smem:$0x3FB6]  }
0x3d: {  	_ =	shalt  }
0x3e: {  	_ =	shalt  }
0x3f: {  	_ =	shalt  }
0x40: {  	_ =	shalt  }
0x41: {  	_ =	shalt  }
0x42: {  	_ =	shalt  }
0x43: {  	_ =	shalt  }
0x44: {  	_ =	shalt  }
0x45: {  	_ =	shalt  }
0x46: {  	_ =	shalt  }
0x47: {  	_ =	shalt  }
0x48: {  	_ =	shalt  }
0x49: {  	_ =	shalt  }
0x4a: {  	_ =	shalt  }
0x4b: {  	_ =	shalt  }
0x4c: {  	_ =	shalt  }
0x4d: {  	_ =	shalt  }
0x4e: {  	_ =	shalt  }
0x4f: {  	_ =	shalt  }
0x50: {  	_ =	shalt  }
0x51: {  	_ =	shalt  }
0x52: {  	_ =	shalt  }
0x53: {  	_ =	shalt  }
0x54: {  	_ =	shalt  }
0x55: {  	_ =	shalt  }
0x56: {  	_ =	shalt  }
0x57: {  	_ =	shalt  }
0x58: {  	_ =	shalt  }
0x59: {  	_ =	shalt  }
0x5a: {  	_ =	shalt  }
0x5b: {  	_ =	shalt  }
0x5c: {  	_ =	shalt  }
0x5d: {  	_ =	shalt  }
0x5e: {  	_ =	shalt  }
0x5f: {  	_ =	shalt  }
0x60: {  	_ =	shalt  }
0x61: {  	_ =	shalt  }
0x62: {  	_ =	shalt  }
0x63: {  	_ =	shalt  }
0x64: {  	_ =	shalt  }
0x65: {  	_ =	shalt  }
0x66: {  	_ =	shalt  }
0x67: {  	_ =	shalt  }
0x68: {  	_ =	shalt  }
0x69: {  	_ =	shalt  }
0x6a: {  	_ =	shalt  }
0x6b: {  	_ =	shalt  }
0x6c: {  	_ =	shalt  }
0x6d: {  	_ =	shalt  }
0x6e: {  	_ =	shalt  }
0x6f: {  	_ =	shalt  }
0x70: {  	_ =	shalt  }
0x71: {  	_ =	shalt  }
0x72: {  	_ =	shalt  }
0x73: {  	_ =	shalt  }
0x74: {  	_ =	shalt  }
0x75: {  	_ =	shalt  }
0x76: {  	_ =	shalt  }
0x77: {  	_ =	shalt  }
0x78: {  	_ =	shalt  }
0x79: {  	_ =	shalt  }
0x7a: {  	_ =	shalt  }
0x7b: {  	_ =	shalt  }
0x7c: {  	_ =	shalt  }
0x7d: {  	_ =	shalt  }
0x7e: {  	_ =	shalt  }
0x7f: {  	_ =	shalt  }
0x80: {  	_ =	shalt  }
0x81: {  	_ =	shalt  }
0x82: {  	_ =	shalt  }
0x83: {  	_ =	shalt  }
0x84: {  	_ =	shalt  }
0x85: {  	_ =	shalt  }
0x86: {  	_ =	shalt  }
0x87: {  	_ =	shalt  }
.Lfunc_end0:
.L_simem_size_0:
called_computation_lowered:
.L_overlay_start_0:
0x88: {  	s2 =	sld [smem:$0x3FD9]  }
0x89: {  	s3 =	sld [smem:$0x3FFE];
	_ =	sdelay $0x1  }
0x8a: {  	s1 =	srdreg.scid  }
0x8b: {  	s0 =	sand.u32 $0x1, s1  }
0x8c: {  	s17 =	sshll.u32 s0, $0xA;
	s2 =	sadd.s32 s3, s2  }
0x8d: {  	s2 =	sadd.s32 s2, s17  }
0x8e: {  	[smem:$0x3FC2] =	sst s2  }
0x8f: {  	_ = 	snop  }
0x90: {  	s2 =	sld [smem:$0x3FC9]  }
0x91: {  	s18 =	sld [smem:$0x3FD0];
	(tm) =	ssettm $0x1  }
0x92: {  	s4 =	sld [smem:$0x3FFB];
	_ =	sdelay $0x3  }
0x93: {  	_ =	strace s4  }
0x94: {  	s4 =	sld [smem:$0x3FFC];
	_ =	sdelay $0x3  }
0x95: {  	_ =	strace s4  }
0x96: {  	s4 =	sld [smem:$0x3FFD];
	_ =	sdelay $0x3  }
0x97: {  	_ =	strace s4  }
0x98: {  	_ =	strace $0x8FFFFFFF  }
0x99: {  	s19 =	sld [smem:$0x3FDB];
	_ =	sdelay $0x1  }
0x9a: {  	s5 =	simm.s32 $_scs_section_size  }
0x9b: {  	s6 =	simm.s32 $_size__tile_overlayer_lowered;
	s7 =	simm.s32 $_tile_overlayer_lowered  }
0x9c: {  	s22 =	simm.s32 $0x1BFF;
	s21 =	sshll.u32 s7, $0x1;
	s4 =	sadd.s32 s5, s19  }
0x9d: {  	s8 =	simm.s32 $0x0;
	s20 =	sshll.u32 s6, $0x1;
	s6 =	sadd.s32 s21, s4  }
0x9e: {  	[timem:s8], [sflag:s22] =	dma.local [hbm:s6], s20  }
0x9f: {  	_ =	swait.ge [sflag:s22], s20  }
0xa0: {  	s5 =	ssub.s32 $0x0, s20;
	[sflag:s22] =	ssyncset.done $0x0  }
0xa1: {  	[sflag:s22] =	ssyncadd.s32 s5;
	_ =	sdelay $0x1  }
0xa2: {  	s23 =	simm.s32 $0x1B8B  }
0xa3: {  	_ =	swait.ge [sflag:s23], $0x1  }
0xa4: {  	[sflag:s23] =	ssyncset.done $0x0  }
0xa5: {  	s25 =	simm.s32 $0x1B8E;
	s24 =	sld [smem:$0x3FFE];
	[sflag:s23] =	ssyncadd.s32 $0xFFFFFFFF  }
0xa6: {  	s26 =	simm.s32 $execute0_lowered;
	[smem:$0x3FD2] =	sst s25  }
0xa7: {  	s6 =	sshll.u32 s26, $0x1;
	_ =	strace $0x80000046;
	[dreg:$0x1] =	wrdreg $0xFFFFFFFF  }
0xa8: {  	s28 =	simm.s32 $_size_execute0_lowered;
	s4 =	sadd.s32 s4, s6;
	[dreg:$0x0] =	wrdreg $0x0  }
0xa9: {  	s6 =	sshll.u32 s28, $0x1;
	[dreg:$0x2] =	wrdreg s4  }
0xaa: {  	[dreg:$0x3] =	wrdreg s6  }
0xab: {  	[dreg:$0x4] =	wrdreg $0xC0  }
0xac: {  	_ =	task [dreg:s8], $0x5FFFF  }
0xad: {  	[dreg:$0x1] =	wrdreg $0xFFFFFFFF  }
0xae: {  	[dreg:$0x0] =	wrdreg $0x60  }
0xaf: {  	[dreg:$0x2] =	wrdreg s2  }
0xb0: {  	[dreg:$0x3] =	wrdreg s18  }
0xb1: {  	[dreg:$0x4] =	wrdreg s24  }
0xb2: {  	[dreg:$0x5] =	wrdreg $0x9  }
0xb3: {  	_ =	task.clear_ibuf [dreg:s8], $0x6FFFF;
	_ =	strace $0x90000046  }
0xb4: {  	s29 =	simm.s32 $0x9;
	_ =	strace $0x80000048  }
0xb5: {  	_ =	swait.ge [sflag:s29], $0x1  }
0xb6: {  	[sflag:s29] =	ssyncadd.s32 $0xFFFFFFFF  }
0xb7: {  	_ =	strace $0x90000048  }
0xb8: {  	_ =	sfence  }
0xb9: {  	s30 =	sld [smem:$0x0];
	_ =	sdelay $0x2  }
0xba: {  	s31 =	sshll.u32 s1, $0xD;
	s1 =	sshrl.u32 s1, $0x2  }
0xbb: {  	s3 =	sand.u32 $0x4000, s31;
	s1 =	sadd.s32 s1, s30  }
0xbc: {  	s0 =	sor.u32 s3, s0;
	s1 =	sshll.u32 s1, $0x11  }
0xbd: {  	s0 =	sor.u32 s1, s0  }
0xbe: {  	s0 =	sadd.s32 $0x8F2B, s0  }
0xbf: {  	[sflag:s0] =	ssyncadd.remote.s32 $0x1  }
0xc0: {  	_ =	sfence.sel $0xFFFF  }
0xc1: {  	[dreg:$0x0] =	wrdreg $0xFFFFFFFF;
	(pc) =	sbr.abs _section_cstart, $3  }
0xc2: {  	[dreg:$0x1] =	wrdreg $0xFFFFFFFF  }
0xc3: {  	_ =	task.clear_ibuf [dreg:s8], $0x2FFFF;
	_ =	strace $0x9FFFFFFF  }
0xc4: {  	(tm) =	ssettm $0x7FFFFFFF  }
0xc5: {  	_ =	shalt  }
tec
execute0_lowered:
.L_overlay_start_1:
0x0: {  	(tag) =	ssettag $0x1  }
0x1: {  	s4 =	rddreg [dreg:$0x0]  }
0x2: {  	s2 =	rddreg [dreg:$0x1]  }
0x3: {  	s5 =	rddreg [dreg:$0x2]  }
0x4: {  	s0 =	rddreg [dreg:$0x3];
	s6 =	srdreg.scid  }
0x5: {  	s1 =	stileid.u32;
	s3 =	simm.s32 $0x0;
	s9 =	simm.s32 $0x1  }
0x6: {  	s10 =	simm.s32 $0x1080;
	s6 =	sand.u32 $0x1, s6;
	s7 =	sshll.u32 s1, $0x1  }
0x7: {  	s11 =	simm.s32 $0x0;
	[smem:$0x7FF] =	sst s3;
	s7 =	sor.u32 s6, s7  }
0x8: {  	_ =	strace $0x80000047;
	s6 =	ssub.s32 $0x2, s6;
	s8 =	sshll.u32 s7, $0x9  }
0x9: {  	s31 =	sshrl.u32 s6, $0x1;
	s7 =	sshll.u32 s7, $0x4;
	s5 =	sadd.s32 s8, s5  }
0xa: {  	s6 =	ssub.s32 s6, s31;
	s4 =	sadd.s32 s4, s7;
	s7 =	simm.s32 $0x2  }
0xb: {  	s8 =	simm.s32 $0x80;
	s5 =	sadd.s32 $0x2400, s5;
	s6 =	smax.u32 s6, $0x1  }
.LBB2_1:
0xc: {  	[tilespmem:s3], [sflag:$0x2] =	stream.linear.gather [hbm4b:s4+s3], $0x80, $0x38;
	[tilespmem:$0x2080] =	vst v63  }
0xd: {  	_ =	swait.ge [sflag:s7], $0x80  }
0xe: {  	[sflag:s7] =	ssyncset.done $0x0  }
0xf: {  	[sflag:s7] =	ssyncadd.s32 $0xFFFFFF80  }
0x10: {  	[tilespmem:s8], [sflag:$0x1] =	stream.indirect.gather [hbm4b:s2+s8], $0x20, s3, s8, $0xb8;
	[tilespmem:$0x2080] =	vst v63  }
0x11: {  	_ =	swait.ge [sflag:s9], $0x1000  }
0x12: {  	[sflag:s9] =	ssyncset.done $0x0  }
0x13: {  	s12 =	simm.s32 $0x0;
	[sflag:s9] =	ssyncadd.s32 $0xFFFFF000  }
0x14: {  	v0 =	vld [tilespmem:s12+$0x90]  }
0x15: {  	s13 =	simm.s32 $0x80;
	v1 =	vld [tilespmem:s12+$0x80]  }
.LBB2_2:
0x16: {  	p0 =	sne.s32 s13, $0x3F80  }
.Ltmp0:
0x17: {  	_ = 	snop;
	(pc) =	sbr.rel @p0 .LBB2_2-.Ltmp0, $4  }
0x18: {  	_ = 	snop  }
0x19: {  	s14 =	sshra.s32 s13, $0x2;
	s13 =	sadd.s32 $0x80, s13;
	[tilespmem:s12+$0x1090] =	vst v0  }
0x1a: {  	v0 =	vld [tilespmem:s14+$0x90];
	[tilespmem:s12+$0x1080] =	vst v1;
	s12 =	smov.u32 s14  }
0x1b: {  	v1 =	vld [tilespmem:s12+$0x80]  }
0x1c: {  	_ =	sdelay $0x1  }
0x1d: {  	s11 =	sadd.s32 $0x1, s11  }
0x1e: {  	p0 =	sne.s32 s11, s6;
	[tilespmem:s12+$0x1090] =	vst v0  }
.Ltmp1:
0x1f: {  	[tilespmem:s12+$0x1080] =	vst v1;
	(pc) =	sbr.rel @p0 .LBB2_1-.Ltmp1, $4  }
0x20: {  	[hbm4b:s5+s3] =	stream.linear.scatter [tilespmem:s10], [sflag:$0x2], $0x1000, $0x38;
	[tilespmem:$0x2080] =	vst v63  }
0x21: {  	_ =	swait.ge [sflag:s7], $0x1000  }
0x22: {  	[sflag:s7] =	ssyncset.done $0x0  }
0x23: {  	[sflag:s7] =	ssyncadd.s32 $0xFFFFF000  }
0x24: {  	_ =	sfence.sel $0x180000  }
0x25: {  	[bflag:$0x0] =	sbarrier.arrive $0xFFFF  }
0x26: {  	p0 =	sne.s32 s1, $0x0;
	_ =	strace $0x90000047  }
0x27: {  	s0 =	sadd.s32 @!p0 $0x100000, s0;
	[bflag:$0x2] =	sbarrier.arrive $0xFFFF  }
0x28: {  	[sflag:s0] =	ssyncadd.tile.s32 @!p0 $0x1;
	_ =	shalt  }
.Lfunc_end2:
_tile_overlayer_lowered:
.L_overlay_start_2:
0x29: {  	(tag) =	ssettag $0x2  }
0x2a: {  	s0 =	rddreg [dreg:$0x0];
	s2 =	stileid.u32  }
0x2b: {  	s1 =	rddreg [dreg:$0x1];
	p0 =	sne.s32 s2, $0x0  }
0x2c: {  	s3 =	rddreg [dreg:$0x2];
	[bflag:$0x3] =	sbarrier.arrive $0xFFFF;
	s2 =	simm.s32 @!p0 $0x1C02  }
0x2d: {  	[timem:s3], [sflag:s2] =	dma.local @!p0 [hbm:s0], s1  }
0x2e: {  	s0 =	simm.s32 @!p0 $0x2  }
0x2f: {  	_ =	swait.ge @!p0 [sflag:s0], s1  }
0x30: {  	s1 =	ssub.s32 @!p0 $0x0, s1;
	[sflag:s0] =	ssyncset.done @!p0 $0x0  }
0x31: {  	[sflag:s0] =	ssyncadd.s32 @!p0 s1  }
0x32: {  	[bflag:$0x3] =	sbarrier.arrive $0xFFFF  }
0x33: {  	_ =	shalt  }

// kernel: kernel.8.cloned.1.call-start
scs
__scs_entry_jumppad:
0x0: {  	(pc) =	sbr.rel $0x88, $3  }
0x1: {  	(tag) =	ssettag $0x0;
	lr =	simm.s32 $0x1  }
0x2: {  	[smem:$0x3F9B] =	sst lr;
	_ =	strace $0xD0000000  }
0x3: {  	_ = 	snop  }
0x4: {  	_ = 	snop  }
0x5: {  	_ = 	snop  }
0x6: {  	_ = 	snop  }
0x7: {  	_ = 	snop  }
__scs_overlays_trampoline_lowered:
0x8: {  	[smem:$0x3FAA] =	sst s0  }
0x9: {  	[smem:$0x3FAB] =	sst s1  }
0xa: {  	[smem:$0x3FAC] =	sst s2  }
0xb: {  	[smem:$0x3FAD] =	sst s3  }
0xc: {  	[smem:$0x3FAE] =	sst s4  }
0xd: {  	[smem:$0x3FAF] =	sst s5  }
0xe: {  	[smem:$0x3FB0] =	sst s6  }
0xf: {  	[smem:$0x3FB1] =	sst s7  }
0x10: {  	[smem:$0x3FB2] =	sst s8  }
0x11: {  	[smem:$0x3FB3] =	sst s9;
	s0 =	simm.s32 @!p0 $0x0  }
0x12: {  	s1 =	sld [smem:$0x3F99];
	s0 =	simm.s32 @p0 $0x1  }
0x13: {  	[smem:$0x3FB4] =	sst s0;
	s0 =	simm.s32 @!p1 $0x0  }
0x14: {  	s2 =	sld [smem:$0x3F98];
	s0 =	simm.s32 @p1 $0x1  }
0x15: {  	[smem:$0x3FB5] =	sst s0;
	s0 =	simm.s32 @!p2 $0x0  }
0x16: {  	s3 =	sld [smem:$0x3FDB];
	s0 =	simm.s32 @p2 $0x1  }
0x17: {  	s4 =	simm.s32 $0x1BF5;
	[smem:$0x3FB7] =	sst s0  }
0x18: {  	s0 =	sld [smem:$0x3F9A];
	_ =	swait.ge [sflag:s4], $0x0  }
0x19: {  	s7 =	sld [smem:$0x3F9B]  }
0x1a: {  	s8 =	sadd.s32 $0xFFFFE003, lr  }
0x1b: {  	s9 =	sadd.s32 $0xFFFFFEF7, lr;
	s5 =	simm.s32 $0xFFFFFFFF;
	p2 =	slt.u32 s8, $0xFFFFF086  }
0x1c: {  	p1 =	slt.u32 s9, $0xF7A;
	s5 =	simm.s32 @!p2 $0x0  }
0x1d: {  	s5 =	simm.s32 @p1 $0x1;
	p0 =	seq.s32 s7, s2  }
0x1e: {  	s7 =	smul.u32 @!p0 $0xF7A, s2;
	p2 =	seq.s32 @!p0 s5, $0x0  }
0x1f: {  	s9 =	smul.u32 $0xF7A, s1;
	s8 =	simm.s32 @!p0 $0x1BF5;
	p2 =	por !p2, p0  }
0x20: {  	[sflag:s8] =	ssyncset.s32 @!p0 $0xFFFFF086;
	s6 =	sadd.s32 @!p0 s3, s7;
	s7 =	simm.s32 @!p0 $0x108  }
0x21: {  	s3 =	sadd.s32 s3, s9;
	s6 =	sadd.s32 @!p0 $0x88, s6;
	s7 =	simm.s32 @p2 $0x1082  }
0x22: {  	[simem:s7], [sflag:s8] =	dma.local @!p0 [hbm:s6], $0xF7A  }
0x23: {  	s9 =	sor.u32 $0xD0000000, s2;
	s6 =	simm.s32 $0x108;
	_ =	swait.ge @!p0 [sflag:s8], $0x0  }
0x24: {  	s3 =	sadd.s32 $0x88, s3;
	s6 =	simm.s32 @!p1 $0x1082;
	[sflag:s4] =	ssyncset.s32 $0xFFFFF086  }
0x25: {  	[simem:s6], [sflag:s4] =	dma.local [hbm:s3], $0xF7A  }
0x26: {  	[smem:$0x3F9B] =	sst s1;
	(tag) =	ssettag s2;
	_ =	strace s9  }
0x27: {  	s1 =	sld [smem:$0x3FAB]  }
0x28: {  	s2 =	sld [smem:$0x3FAC]  }
0x29: {  	s4 =	sld [smem:$0x3FAE]  }
0x2a: {  	p0 =	seq.s32 s5, $0x0;
	s5 =	sld [smem:$0x3FAF]  }
0x2b: {  	s6 =	sld [smem:$0x3FB0]  }
0x2c: {  	s7 =	sld [smem:$0x3FB1]  }
0x2d: {  	s3 =	simm.s32 $0x108;
	s8 =	sld [smem:$0x3FB2]  }
0x2e: {  	s3 =	simm.s32 @!p0 $0x1082;
	s9 =	sld [smem:$0x3FB3]  }
0x2f: {  	lr =	sadd.s32 s0, s3;
	s0 =	sld [smem:$0x3FAA]  }
0x30: {  	s3 =	sld [smem:$0x3FAD]  }
0x31: {  	[smem:$0x3FB6] =	sst s10  }
0x32: {  	s10 =	sld [smem:$0x3FB4];
	_ =	sdelay $0x3  }
0x33: {  	p0 =	seq.s32 s10, $0x1;
	s10 =	sld [smem:$0x3FB6];
	_ =	sdelay $0x3  }
0x34: {  	[smem:$0x3FB6] =	sst s10  }
0x35: {  	s10 =	sld [smem:$0x3FB5];
	_ =	sdelay $0x3  }
0x36: {  	p1 =	seq.s32 s10, $0x1;
	s10 =	sld [smem:$0x3FB6];
	_ =	sdelay $0x3  }
0x37: {  	[smem:$0x3FB6] =	sst s10  }
0x38: {  	s10 =	sld [smem:$0x3FB7]  }
0x39: {  	_ = 	snop;
	(pc) =	sbr.ind lr, $3  }
0x3a: {  	_ = 	snop  }
0x3b: {  	_ = 	snop  }
0x3c: {  	p2 =	seq.s32 s10, $0x1;
	s10 =	sld [smem:$0x3FB6]  }
0x3d: {  	_ =	shalt  }
0x3e: {  	_ =	shalt  }
0x3f: {  	_ =	shalt  }
0x40: {  	_ =	shalt  }
0x41: {  	_ =	shalt  }
0x42: {  	_ =	shalt  }
0x43: {  	_ =	shalt  }
0x44: {  	_ =	shalt  }
0x45: {  	_ =	shalt  }
0x46: {  	_ =	shalt  }
0x47: {  	_ =	shalt  }
0x48: {  	_ =	shalt  }
0x49: {  	_ =	shalt  }
0x4a: {  	_ =	shalt  }
0x4b: {  	_ =	shalt  }
0x4c: {  	_ =	shalt  }
0x4d: {  	_ =	shalt  }
0x4e: {  	_ =	shalt  }
0x4f: {  	_ =	shalt  }
0x50: {  	_ =	shalt  }
0x51: {  	_ =	shalt  }
0x52: {  	_ =	shalt  }
0x53: {  	_ =	shalt  }
0x54: {  	_ =	shalt  }
0x55: {  	_ =	shalt  }
0x56: {  	_ =	shalt  }
0x57: {  	_ =	shalt  }
0x58: {  	_ =	shalt  }
0x59: {  	_ =	shalt  }
0x5a: {  	_ =	shalt  }
0x5b: {  	_ =	shalt  }
0x5c: {  	_ =	shalt  }
0x5d: {  	_ =	shalt  }
0x5e: {  	_ =	shalt  }
0x5f: {  	_ =	shalt  }
0x60: {  	_ =	shalt  }
0x61: {  	_ =	shalt  }
0x62: {  	_ =	shalt  }
0x63: {  	_ =	shalt  }
0x64: {  	_ =	shalt  }
0x65: {  	_ =	shalt  }
0x66: {  	_ =	shalt  }
0x67: {  	_ =	shalt  }
0x68: {  	_ =	shalt  }
0x69: {  	_ =	shalt  }
0x6a: {  	_ =	shalt  }
0x6b: {  	_ =	shalt  }
0x6c: {  	_ =	shalt  }
0x6d: {  	_ =	shalt  }
0x6e: {  	_ =	shalt  }
0x6f: {  	_ =	shalt  }
0x70: {  	_ =	shalt  }
0x71: {  	_ =	shalt  }
0x72: {  	_ =	shalt  }
0x73: {  	_ =	shalt  }
0x74: {  	_ =	shalt  }
0x75: {  	_ =	shalt  }
0x76: {  	_ =	shalt  }
0x77: {  	_ =	shalt  }
0x78: {  	_ =	shalt  }
0x79: {  	_ =	shalt  }
0x7a: {  	_ =	shalt  }
0x7b: {  	_ =	shalt  }
0x7c: {  	_ =	shalt  }
0x7d: {  	_ =	shalt  }
0x7e: {  	_ =	shalt  }
0x7f: {  	_ =	shalt  }
0x80: {  	_ =	shalt  }
0x81: {  	_ =	shalt  }
0x82: {  	_ =	shalt  }
0x83: {  	_ =	shalt  }
0x84: {  	_ =	shalt  }
0x85: {  	_ =	shalt  }
0x86: {  	_ =	shalt  }
0x87: {  	_ =	shalt  }
.Lfunc_end0:
.L_simem_size_0:
called_computation.1_lowered:
.L_overlay_start_0:
0x88: {  	s2 =	sld [smem:$0x3FD9]  }
0x89: {  	s3 =	sld [smem:$0x3FFE];
	_ =	sdelay $0x1  }
0x8a: {  	s1 =	srdreg.scid  }
0x8b: {  	s0 =	sand.u32 $0x1, s1  }
0x8c: {  	s17 =	sshll.u32 s0, $0xA;
	s2 =	sadd.s32 s3, s2  }
0x8d: {  	s2 =	sadd.s32 s2, s17  }
0x8e: {  	[smem:$0x3FC2] =	sst s2  }
0x8f: {  	_ = 	snop  }
0x90: {  	s2 =	sld [smem:$0x3FC9]  }
0x91: {  	s18 =	sld [smem:$0x3FD0];
	(tm) =	ssettm $0x1  }
0x92: {  	s4 =	sld [smem:$0x3FFB];
	_ =	sdelay $0x3  }
0x93: {  	_ =	strace s4  }
0x94: {  	s4 =	sld [smem:$0x3FFC];
	_ =	sdelay $0x3  }
0x95: {  	_ =	strace s4  }
0x96: {  	s4 =	sld [smem:$0x3FFD];
	_ =	sdelay $0x3  }
0x97: {  	_ =	strace s4  }
0x98: {  	_ =	strace $0x8FFFFFFF  }
0x99: {  	s19 =	sld [smem:$0x3FDB];
	_ =	sdelay $0x1  }
0x9a: {  	s5 =	simm.s32 $_scs_section_size  }
0x9b: {  	s6 =	simm.s32 $_size__tile_overlayer_lowered;
	s7 =	simm.s32 $_tile_overlayer_lowered  }
0x9c: {  	s22 =	simm.s32 $0x1BFF;
	s21 =	sshll.u32 s7, $0x1;
	s4 =	sadd.s32 s5, s19  }
0x9d: {  	s8 =	simm.s32 $0x0;
	s20 =	sshll.u32 s6, $0x1;
	s6 =	sadd.s32 s21, s4  }
0x9e: {  	[timem:s8], [sflag:s22] =	dma.local [hbm:s6], s20  }
0x9f: {  	_ =	swait.ge [sflag:s22], s20  }
0xa0: {  	s5 =	ssub.s32 $0x0, s20;
	[sflag:s22] =	ssyncset.done $0x0  }
0xa1: {  	[sflag:s22] =	ssyncadd.s32 s5;
	_ =	sdelay $0x1  }
0xa2: {  	s23 =	simm.s32 $0x1B8B  }
0xa3: {  	_ =	swait.ge [sflag:s23], $0x1  }
0xa4: {  	[sflag:s23] =	ssyncset.done $0x0  }
0xa5: {  	s25 =	simm.s32 $0x1B8E;
	s24 =	sld [smem:$0x3FFE];
	[sflag:s23] =	ssyncadd.s32 $0xFFFFFFFF  }
0xa6: {  	s26 =	simm.s32 $execute0_lowered;
	[smem:$0x3FD2] =	sst s25  }
0xa7: {  	s6 =	sshll.u32 s26, $0x1;
	_ =	strace $0x80000049;
	[dreg:$0x1] =	wrdreg $0xFFFFFFFF  }
0xa8: {  	s28 =	simm.s32 $_size_execute0_lowered;
	s4 =	sadd.s32 s4, s6;
	[dreg:$0x0] =	wrdreg $0x0  }
0xa9: {  	s6 =	sshll.u32 s28, $0x1;
	[dreg:$0x2] =	wrdreg s4  }
0xaa: {  	[dreg:$0x3] =	wrdreg s6  }
0xab: {  	[dreg:$0x4] =	wrdreg $0xC0  }
0xac: {  	_ =	task [dreg:s8], $0x5FFFF  }
0xad: {  	[dreg:$0x1] =	wrdreg $0xFFFFFFFF  }
0xae: {  	[dreg:$0x0] =	wrdreg $0x60  }
0xaf: {  	[dreg:$0x2] =	wrdreg s2  }
0xb0: {  	[dreg:$0x3] =	wrdreg s24  }
0xb1: {  	[dreg:$0x4] =	wrdreg s18  }
0xb2: {  	[dreg:$0x5] =	wrdreg $0x9  }
0xb3: {  	_ =	task.clear_ibuf [dreg:s8], $0x6FFFF;
	_ =	strace $0x90000049  }
0xb4: {  	s29 =	simm.s32 $0x9;
	_ =	strace $0x8000004B  }
0xb5: {  	_ =	swait.ge [sflag:s29], $0x1  }
0xb6: {  	[sflag:s29] =	ssyncadd.s32 $0xFFFFFFFF  }
0xb7: {  	_ =	strace $0x9000004B  }
0xb8: {  	_ =	sfence  }
0xb9: {  	s30 =	sld [smem:$0x0];
	_ =	sdelay $0x2  }
0xba: {  	s31 =	sshll.u32 s1, $0xD;
	s1 =	sshrl.u32 s1, $0x2  }
0xbb: {  	s3 =	sand.u32 $0x4000, s31;
	s1 =	sadd.s32 s1, s30  }
0xbc: {  	s0 =	sor.u32 s3, s0;
	s1 =	sshll.u32 s1, $0x11  }
0xbd: {  	s0 =	sor.u32 s1, s0  }
0xbe: {  	s0 =	sadd.s32 $0x8F2B, s0  }
0xbf: {  	[sflag:s0] =	ssyncadd.remote.s32 $0x1  }
0xc0: {  	_ =	sfence.sel $0xFFFF  }
0xc1: {  	[dreg:$0x0] =	wrdreg $0xFFFFFFFF;
	(pc) =	sbr.abs _section_cstart, $3  }
0xc2: {  	[dreg:$0x1] =	wrdreg $0xFFFFFFFF  }
0xc3: {  	_ =	task.clear_ibuf [dreg:s8], $0x2FFFF;
	_ =	strace $0x9FFFFFFF  }
0xc4: {  	(tm) =	ssettm $0x7FFFFFFF  }
0xc5: {  	_ =	shalt  }
tec
execute0_lowered:
.L_overlay_start_1:
0x0: {  	(tag) =	ssettag $0x1  }
0x1: {  	s0 =	rddreg [dreg:$0x0]  }
0x2: {  	s1 =	rddreg [dreg:$0x1]  }
0x3: {  	s2 =	srdreg.scid;
	s5 =	stileid.u32  }
0x4: {  	s3 =	rddreg [dreg:$0x2];
	s9 =	simm.s32 $0x6;
	s10 =	simm.s32 $0x80  }
0x5: {  	s12 =	simm.s32 $0x100;
	s17 =	simm.s32 $0xD080;
	s18 =	simm.s32 $0x5  }
0x6: {  	s19 =	simm.s32 $0x1;
	s20 =	simm.s32 $0x11080;
	s21 =	simm.s32 $0x2  }
0x7: {  	s22 =	simm.s32 $0x3;
	s23 =	simm.s32 $0x4;
	s25 =	simm.s32 $0x0  }
0x8: {  	s4 =	sand.u32 $0x1, s2;
	s5 =	sshll.u32 s5, $0x1;
	s2 =	simm.s32 $0x0  }
0x9: {  	s29 =	sadd.s32 $0x6400, s1;
	s5 =	sor.u32 s4, s5;
	[smem:$0x7FF] =	sst s2  }
.Ltmp0:
0xa: {  	s7 =	ssub.s32 $0x2, s4;
	s4 =	sadd.s32 $0x2D600, s1;
	(pc) =	sbr.rel .LBB2_1-.Ltmp0, $4  }
0xb: {  	s6 =	sshll.u32 s5, $0x9;
	_ =	strace $0x8000004A;
	[dreg:$0x4] =	wrdreg s29  }
0xc: {  	s30 =	sshrl.u32 s7, $0x1;
	s31 =	sshll.u32 s5, $0x4;
	s8 =	sshll.u32 s5, $0xB  }
0xd: {  	s6 =	sadd.s32 s6, s1;
	s1 =	ssub.s32 s7, s30;
	s5 =	sadd.s32 s0, s31  }
0xe: {  	s7 =	sadd.s32 s3, s8;
	s6 =	sadd.s32 $0x2400, s6;
	s8 =	smax.u32 s1, $0x1  }
.LBB2_12:
0xf: {  	s25 =	sadd.s32 $0x1, s25  }
0x10: {  	p0 =	sne.s32 s25, s8  }
.Ltmp1:
0x11: {  	s0 =	simm.s32 $0x15080;
	(pc) =	sbr.rel @!p0 .LBB2_13-.Ltmp1, $4  }
0x12: {  	[hbm4b:s7+s2] =	stream.linear.scatter [tilespmem:s0], [sflag:$0x6], $0x4000, $0x38;
	[tilespmem:$0x19080] =	vst v63  }
0x13: {  	_ =	swait.ge [sflag:s9], $0x4000  }
0x14: {  	[sflag:s9] =	ssyncset.done $0x0  }
0x15: {  	[sflag:s9] =	ssyncadd.s32 $0xFFFFC000  }
.LBB2_1:
0x16: {  	[tilespmem:s2], [sflag:$0x6] =	stream.linear.gather [hbm4b:s5+s2], $0x80, $0x38;
	[tilespmem:$0x19080] =	vst v63  }
0x17: {  	_ =	swait.ge [sflag:s9], $0x80  }
0x18: {  	[sflag:s9] =	ssyncset.done $0x0  }
0x19: {  	s1 =	simm.s32 $0x1080;
	s0 =	rddreg [dreg:$0x4];
	[sflag:s9] =	ssyncadd.s32 $0xFFFFFF80  }
0x1a: {  	[tilespmem:s1], [sflag:$0x5] =	stream.indirect.gather [hbm4b:s0+s10], $0x80, s2, s10, $0xb8;
	[tilespmem:$0x19080] =	vst v63  }
0x1b: {  	_ = 	snop  }
0x1c: {  	[tilespmem:s10], [sflag:$0x6] =	stream.linear.gather [hbm4b:s6+s2], $0x1000, $0x38;
	[tilespmem:$0x19080] =	vst v63  }
0x1d: {  	_ =	swait.ge [sflag:s9], $0x1000  }
0x1e: {  	[sflag:s9] =	ssyncset.done $0x0  }
0x1f: {  	s15 =	simm.s32 $0x5080;
	[sflag:s9] =	ssyncadd.s32 $0xFFFFF000  }
0x20: {  	[tilespmem:s15], [sflag:$0x1] =	stream.indirect.gather [hbm4b:s4+s12], $0x40, s10, s12, $0xb8;
	[tilespmem:$0x19080] =	vst v63  }
0x21: {  	s16 =	simm.s32 $0x180;
	s24 =	simm.s32 $0x9080;
	s26 =	simm.s32 $0x280  }
0x22: {  	[tilespmem:s24], [sflag:$0x2] =	stream.indirect.gather [hbm4b:s4+s12], $0x40, s16, s12, $0xb8;
	[tilespmem:$0x19080] =	vst v63  }
0x23: {  	s28 =	simm.s32 $0x10C0;
	s29 =	simm.s32 $0x154F0;
	s30 =	simm.s32 $0x14F0  }
0x24: {  	[tilespmem:s17], [sflag:$0x3] =	stream.indirect.gather [hbm4b:s4+s12], $0x40, s26, s12, $0xb8;
	[tilespmem:$0x19080] =	vst v63  }
0x25: {  	s31 =	simm.s32 $0x158F0;
	s11 =	simm.s32 $0x15C80;
	_ =	swait.ge [sflag:s18], $0x4000  }
0x26: {  	s13 =	simm.s32 $0x0;
	s1 =	simm.s32 $0x18F0;
	[sflag:s18] =	ssyncset.done $0x0  }
0x27: {  	s0 =	simm.s32 $0x1C80;
	s26 =	simm.s32 $0x150C0;
	[sflag:s18] =	ssyncadd.s32 $0xFFFFC000  }
.LBB2_2:
0x28: {  	_ =	swait.ge [sflag:s19], $0x4000  }
0x29: {  	s14 =	sshll.u32 s13, $0xC;
	[sflag:s19] =	ssyncset.done $0x0  }
0x2a: {  	s15 =	simm.s32 $0x0;
	s16 =	simm.s32 $0x5480;
	v0 =	vmov s28;
	v1 =	vmov s26;
	[sflag:s19] =	ssyncadd.s32 $0xFFFFC000  }
.LBB2_3:
0x2b: {  	v2 =	vld [tilespmem:s16+$0xFFFFFC00]  }
0x2c: {  	v3 =	vld [tilespmem:s16+$0xFFFFFC40]  }
0x2d: {  	v4 =	vld [tilespmem:s16+$0xFFFFFC80]  }
0x2e: {  	v5 =	vld [tilespmem:s16+$0xFFFFFCC0]  }
0x2f: {  	v6 =	vld [tilespmem:s16+$0xFFFFFD00]  }
0x30: {  	v7 =	vld [tilespmem:s16+$0xFFFFFD40]  }
0x31: {  	v8 =	vld [tilespmem:s16+$0xFFFFFD80]  }
0x32: {  	v9 =	vld [tilespmem:s16+$0xFFFFFDC0]  }
0x33: {  	v10 =	vld [tilespmem:s16+$0xFFFFFE00]  }
0x34: {  	v11 =	vld [tilespmem:s16+$0xFFFFFE40]  }
0x35: {  	v12 =	vld [tilespmem:s16+$0xFFFFFE80]  }
0x36: {  	v13 =	vld [tilespmem:s16+$0xFFFFFEC0]  }
0x37: {  	v14 =	vld [tilespmem:s16+$0xFFFFFF00]  }
0x38: {  	v15 =	vld [tilespmem:s16+$0xFFFFFF40]  }
0x39: {  	v16 =	vld [tilespmem:s16+$0xFFFFFF80]  }
0x3a: {  	v17 =	vld [tilespmem:s16+$0xFFFFFFC0]  }
0x3b: {  	v18 =	vld [tilespmem:s16+$0x0]  }
0x3c: {  	v19 =	vld [tilespmem:s16+$0x40]  }
0x3d: {  	v20 =	vld [tilespmem:s16+$0x80]  }
0x3e: {  	v21 =	vld [tilespmem:s16+$0xC0]  }
0x3f: {  	v22 =	vld [tilespmem:s16+$0x100]  }
0x40: {  	v23 =	vld [tilespmem:s16+$0x140]  }
0x41: {  	v24 =	vld [tilespmem:s16+$0x180]  }
0x42: {  	v36 =	vld [tilespmem:s16+$0x1C0];
	v2 =	vadd.bf16 v6, v2;
	v3 =	vadd.bf16 v7, v3  }
0x43: {  	v37 =	vld [tilespmem:s16+$0x200];
	v4 =	vadd.bf16 v8, v4;
	v5 =	vadd.bf16 v9, v5  }
0x44: {  	v38 =	vld [tilespmem:s16+$0x240];
	v2 =	vadd.bf16 v10, v2;
	v3 =	vadd.bf16 v11, v3  }
0x45: {  	v39 =	vld [tilespmem:s16+$0x280];
	v4 =	vadd.bf16 v12, v4;
	v5 =	vadd.bf16 v13, v5  }
0x46: {  	v40 =	vld [tilespmem:s16+$0x2C0];
	v2 =	vadd.bf16 v14, v2;
	v3 =	vadd.bf16 v15, v3  }
0x47: {  	v41 =	vld [tilespmem:s16+$0x300];
	v4 =	vadd.bf16 v16, v4;
	v5 =	vadd.bf16 v17, v5  }
0x48: {  	v42 =	vld [tilespmem:s16+$0x340];
	v2 =	vadd.bf16 v18, v2;
	v3 =	vadd.bf16 v19, v3  }
0x49: {  	v43 =	vld [tilespmem:s16+$0x380];
	v4 =	vadd.bf16 v20, v4;
	v5 =	vadd.bf16 v21, v5  }
0x4a: {  	v44 =	vld [tilespmem:s16+$0x3C0];
	v2 =	vadd.bf16 v22, v2;
	v3 =	vadd.bf16 v23, v3  }
0x4b: {  	v4 =	vadd.bf16 v24, v4;
	v5 =	vadd.bf16 v36, v5  }
0x4c: {  	v2 =	vadd.bf16 v37, v2;
	v3 =	vadd.bf16 v38, v3  }
0x4d: {  	v4 =	vadd.bf16 v39, v4;
	v5 =	vadd.bf16 v40, v5  }
0x4e: {  	v2 =	vadd.bf16 v41, v2;
	v3 =	vadd.bf16 v42, v3  }
0x4f: {  	v4 =	vadd.bf16 v43, v4;
	v5 =	vadd.bf16 v44, v5  }
0x50: {  	s24 =	sshra.s32 s15, $0x2  }
0x51: {  	v45 =	vld.idx.msk [tilespmem:v0+s24+$0xFFFFFFC0 ss:$0x1], $0xffff;
	v2 =	vadd.bf16 v3, v2;
	v3 =	vadd.bf16 v5, v4;
	_ =	sdelay $0x1  }
0x52: {  	v2 =	vadd.bf16 v3, v2;
	_ =	sdelay $0x1  }
0x53: {  	v3 =	vunpack.i.l.bf16.f32 v2  }
0x54: {  	v3 =	vadd.f32 v45, v3;
	_ =	sdelay $0x1  }
0x55: {  	v3 =	vmax.f32 v3, $0.0e+00  }
0x56: {  	[tilespmem:v1+s24+$0xFFFFFFC0 ss:$0x1] =	vst.idx.msk $0xffff, v3  }
0x57: {  	v3 =	vld.idx.msk [tilespmem:v0+s24+$0xFFFFFFD0 ss:$0x1], $0xffff;
	_ =	sdelay $0x3  }
0x58: {  	v2 =	vunpack.i.u.bf16.f32 v2  }
0x59: {  	v2 =	vadd.f32 v3, v2;
	_ =	sdelay $0x1  }
0x5a: {  	v2 =	vmax.f32 v2, $0.0e+00  }
0x5b: {  	[tilespmem:v1+s24+$0xFFFFFFD0 ss:$0x1] =	vst.idx.msk $0xffff, v2  }
0x5c: {  	v2 =	vld [tilespmem:s16+$0xFFFFFC10]  }
0x5d: {  	v3 =	vld [tilespmem:s16+$0xFFFFFC50]  }
0x5e: {  	v46 =	vld [tilespmem:s16+$0xFFFFFC90]  }
0x5f: {  	v47 =	vld [tilespmem:s16+$0xFFFFFCD0]  }
0x60: {  	v48 =	vld [tilespmem:s16+$0xFFFFFD10]  }
0x61: {  	v49 =	vld [tilespmem:s16+$0xFFFFFD50]  }
0x62: {  	v50 =	vld [tilespmem:s16+$0xFFFFFD90]  }
0x63: {  	v51 =	vld [tilespmem:s16+$0xFFFFFDD0]  }
0x64: {  	v52 =	vld [tilespmem:s16+$0xFFFFFE10]  }
0x65: {  	v53 =	vld [tilespmem:s16+$0xFFFFFE50]  }
0x66: {  	v54 =	vld [tilespmem:s16+$0xFFFFFE90]  }
0x67: {  	v55 =	vld [tilespmem:s16+$0xFFFFFED0]  }
0x68: {  	v56 =	vld [tilespmem:s16+$0xFFFFFF10]  }
0x69: {  	v57 =	vld [tilespmem:s16+$0xFFFFFF50]  }
0x6a: {  	v58 =	vld [tilespmem:s16+$0xFFFFFF90]  }
0x6b: {  	v59 =	vld [tilespmem:s16+$0xFFFFFFD0]  }
0x6c: {  	v60 =	vld [tilespmem:s16+$0x10]  }
0x6d: {  	v61 =	vld [tilespmem:s16+$0x50]  }
0x6e: {  	v62 =	vld [tilespmem:s16+$0x90]  }
0x6f: {  	v63 =	vld [tilespmem:s16+$0xD0]  }
0x70: {  	v28 =	vld [tilespmem:s16+$0x110]  }
0x71: {  	v29 =	vld [tilespmem:s16+$0x150]  }
0x72: {  	v30 =	vld [tilespmem:s16+$0x190]  }
0x73: {  	v31 =	vld [tilespmem:s16+$0x1D0];
	v2 =	vadd.bf16 v48, v2;
	v3 =	vadd.bf16 v49, v3  }
0x74: {  	v32 =	vld [tilespmem:s16+$0x210];
	v4 =	vadd.bf16 v50, v46;
	v5 =	vadd.bf16 v51, v47  }
0x75: {  	v33 =	vld [tilespmem:s16+$0x250];
	v2 =	vadd.bf16 v52, v2;
	v3 =	vadd.bf16 v53, v3  }
0x76: {  	v34 =	vld [tilespmem:s16+$0x290];
	v4 =	vadd.bf16 v54, v4;
	v5 =	vadd.bf16 v55, v5  }
0x77: {  	v35 =	vld [tilespmem:s16+$0x2D0];
	v2 =	vadd.bf16 v56, v2;
	v3 =	vadd.bf16 v57, v3  }
0x78: {  	v36 =	vld [tilespmem:s16+$0x310];
	v4 =	vadd.bf16 v58, v4;
	v5 =	vadd.bf16 v59, v5  }
0x79: {  	v37 =	vld [tilespmem:s16+$0x350];
	v2 =	vadd.bf16 v60, v2;
	v3 =	vadd.bf16 v61, v3  }
0x7a: {  	v38 =	vld [tilespmem:s16+$0x390];
	v4 =	vadd.bf16 v62, v4;
	v5 =	vadd.bf16 v63, v5  }
0x7b: {  	v39 =	vld [tilespmem:s16+$0x3D0];
	v2 =	vadd.bf16 v28, v2;
	v3 =	vadd.bf16 v29, v3  }
0x7c: {  	v4 =	vadd.bf16 v30, v4;
	v5 =	vadd.bf16 v31, v5  }
0x7d: {  	v2 =	vadd.bf16 v32, v2;
	v3 =	vadd.bf16 v33, v3  }
0x7e: {  	v4 =	vadd.bf16 v34, v4;
	v5 =	vadd.bf16 v35, v5  }
0x7f: {  	v2 =	vadd.bf16 v36, v2;
	v3 =	vadd.bf16 v37, v3  }
0x80: {  	v4 =	vadd.bf16 v38, v4;
	v5 =	vadd.bf16 v39, v5;
	_ =	sdelay $0x1  }
0x81: {  	v40 =	vld.idx.msk [tilespmem:v0+s24+$0xFFFFFFE0 ss:$0x1], $0xffff;
	v2 =	vadd.bf16 v3, v2;
	v3 =	vadd.bf16 v5, v4;
	_ =	sdelay $0x1  }
0x82: {  	v2 =	vadd.bf16 v3, v2;
	_ =	sdelay $0x1  }
0x83: {  	v3 =	vunpack.i.l.bf16.f32 v2  }
0x84: {  	v3 =	vadd.f32 v40, v3;
	_ =	sdelay $0x1  }
0x85: {  	v3 =	vmax.f32 v3, $0.0e+00  }
0x86: {  	[tilespmem:v1+s24+$0xFFFFFFE0 ss:$0x1] =	vst.idx.msk $0xffff, v3  }
0x87: {  	v3 =	vld.idx.msk [tilespmem:v0+s24+$0xFFFFFFF0 ss:$0x1], $0xffff;
	_ =	sdelay $0x3  }
0x88: {  	v2 =	vunpack.i.u.bf16.f32 v2  }
0x89: {  	v2 =	vadd.f32 v3, v2;
	_ =	sdelay $0x1  }
0x8a: {  	v2 =	vmax.f32 v2, $0.0e+00  }
0x8b: {  	[tilespmem:v1+s24+$0xFFFFFFF0 ss:$0x1] =	vst.idx.msk $0xffff, v2  }
0x8c: {  	v2 =	vld [tilespmem:s16+$0xFFFFFC20]  }
0x8d: {  	v3 =	vld [tilespmem:s16+$0xFFFFFC60]  }
0x8e: {  	v41 =	vld [tilespmem:s16+$0xFFFFFCA0]  }
0x8f: {  	v42 =	vld [tilespmem:s16+$0xFFFFFCE0]  }
0x90: {  	v43 =	vld [tilespmem:s16+$0xFFFFFD20]  }
0x91: {  	v44 =	vld [tilespmem:s16+$0xFFFFFD60]  }
0x92: {  	v45 =	vld [tilespmem:s16+$0xFFFFFDA0]  }
0x93: {  	v46 =	vld [tilespmem:s16+$0xFFFFFDE0]  }
0x94: {  	v47 =	vld [tilespmem:s16+$0xFFFFFE20]  }
0x95: {  	v48 =	vld [tilespmem:s16+$0xFFFFFE60]  }
0x96: {  	v49 =	vld [tilespmem:s16+$0xFFFFFEA0]  }
0x97: {  	v50 =	vld [tilespmem:s16+$0xFFFFFEE0]  }
0x98: {  	v51 =	vld [tilespmem:s16+$0xFFFFFF20]  }
0x99: {  	v52 =	vld [tilespmem:s16+$0xFFFFFF60]  }
0x9a: {  	v53 =	vld [tilespmem:s16+$0xFFFFFFA0]  }
0x9b: {  	v54 =	vld [tilespmem:s16+$0xFFFFFFE0]  }
0x9c: {  	v55 =	vld [tilespmem:s16+$0x20]  }
0x9d: {  	v56 =	vld [tilespmem:s16+$0x60]  }
0x9e: {  	v57 =	vld [tilespmem:s16+$0xA0]  }
0x9f: {  	v58 =	vld [tilespmem:s16+$0xE0]  }
0xa0: {  	v59 =	vld [tilespmem:s16+$0x120]  }
0xa1: {  	v60 =	vld [tilespmem:s16+$0x160]  }
0xa2: {  	v61 =	vld [tilespmem:s16+$0x1A0]  }
0xa3: {  	v62 =	vld [tilespmem:s16+$0x1E0];
	v2 =	vadd.bf16 v43, v2;
	v3 =	vadd.bf16 v44, v3  }
0xa4: {  	v63 =	vld [tilespmem:s16+$0x220];
	v4 =	vadd.bf16 v45, v41;
	v5 =	vadd.bf16 v46, v42  }
0xa5: {  	v25 =	vld [tilespmem:s16+$0x260];
	v2 =	vadd.bf16 v47, v2;
	v3 =	vadd.bf16 v48, v3  }
0xa6: {  	v26 =	vld [tilespmem:s16+$0x2A0];
	v4 =	vadd.bf16 v49, v4;
	v5 =	vadd.bf16 v50, v5  }
0xa7: {  	v27 =	vld [tilespmem:s16+$0x2E0];
	v2 =	vadd.bf16 v51, v2;
	v3 =	vadd.bf16 v52, v3  }
0xa8: {  	v28 =	vld [tilespmem:s16+$0x320];
	v4 =	vadd.bf16 v53, v4;
	v5 =	vadd.bf16 v54, v5  }
0xa9: {  	v29 =	vld [tilespmem:s16+$0x360];
	v2 =	vadd.bf16 v55, v2;
	v3 =	vadd.bf16 v56, v3  }
0xaa: {  	v30 =	vld [tilespmem:s16+$0x3A0];
	v4 =	vadd.bf16 v57, v4;
	v5 =	vadd.bf16 v58, v5  }
0xab: {  	v31 =	vld [tilespmem:s16+$0x3E0];
	v2 =	vadd.bf16 v59, v2;
	v3 =	vadd.bf16 v60, v3  }
0xac: {  	v4 =	vadd.bf16 v61, v4;
	v5 =	vadd.bf16 v62, v5  }
0xad: {  	v2 =	vadd.bf16 v63, v2;
	v3 =	vadd.bf16 v25, v3  }
0xae: {  	v4 =	vadd.bf16 v26, v4;
	v5 =	vadd.bf16 v27, v5  }
0xaf: {  	v2 =	vadd.bf16 v28, v2;
	v3 =	vadd.bf16 v29, v3  }
0xb0: {  	v4 =	vadd.bf16 v30, v4;
	v5 =	vadd.bf16 v31, v5;
	_ =	sdelay $0x1  }
0xb1: {  	v32 =	vld.idx.msk [tilespmem:v0+s24+$0x0 ss:$0x1], $0xffff;
	v2 =	vadd.bf16 v3, v2;
	v3 =	vadd.bf16 v5, v4;
	_ =	sdelay $0x1  }
0xb2: {  	v2 =	vadd.bf16 v3, v2;
	_ =	sdelay $0x1  }
0xb3: {  	v3 =	vunpack.i.l.bf16.f32 v2  }
0xb4: {  	v3 =	vadd.f32 v32, v3;
	_ =	sdelay $0x1  }
0xb5: {  	v3 =	vmax.f32 v3, $0.0e+00  }
0xb6: {  	[tilespmem:v1+s24+$0x0 ss:$0x1] =	vst.idx.msk $0xffff, v3  }
0xb7: {  	v3 =	vld.idx.msk [tilespmem:v0+s24+$0x10 ss:$0x1], $0xffff;
	_ =	sdelay $0x3  }
0xb8: {  	v2 =	vunpack.i.u.bf16.f32 v2  }
0xb9: {  	v2 =	vadd.f32 v3, v2;
	_ =	sdelay $0x1  }
0xba: {  	v2 =	vmax.f32 v2, $0.0e+00  }
0xbb: {  	[tilespmem:v1+s24+$0x10 ss:$0x1] =	vst.idx.msk $0xffff, v2  }
0xbc: {  	v2 =	vld [tilespmem:s16+$0xFFFFFC30]  }
0xbd: {  	v3 =	vld [tilespmem:s16+$0xFFFFFC70]  }
0xbe: {  	v33 =	vld [tilespmem:s16+$0xFFFFFCB0]  }
0xbf: {  	v34 =	vld [tilespmem:s16+$0xFFFFFCF0]  }
0xc0: {  	v35 =	vld [tilespmem:s16+$0xFFFFFD30]  }
0xc1: {  	v36 =	vld [tilespmem:s16+$0xFFFFFD70]  }
0xc2: {  	v37 =	vld [tilespmem:s16+$0xFFFFFDB0]  }
0xc3: {  	v38 =	vld [tilespmem:s16+$0xFFFFFDF0]  }
0xc4: {  	v39 =	vld [tilespmem:s16+$0xFFFFFE30]  }
0xc5: {  	v40 =	vld [tilespmem:s16+$0xFFFFFE70]  }
0xc6: {  	v41 =	vld [tilespmem:s16+$0xFFFFFEB0]  }
0xc7: {  	v42 =	vld [tilespmem:s16+$0xFFFFFEF0]  }
0xc8: {  	v43 =	vld [tilespmem:s16+$0xFFFFFF30]  }
0xc9: {  	v44 =	vld [tilespmem:s16+$0xFFFFFF70]  }
0xca: {  	v45 =	vld [tilespmem:s16+$0xFFFFFFB0]  }
0xcb: {  	v46 =	vld [tilespmem:s16+$0xFFFFFFF0]  }
0xcc: {  	v47 =	vld [tilespmem:s16+$0x30]  }
0xcd: {  	v48 =	vld [tilespmem:s16+$0x70]  }
0xce: {  	v49 =	vld [tilespmem:s16+$0xB0]  }
0xcf: {  	v50 =	vld [tilespmem:s16+$0xF0]  }
0xd0: {  	v51 =	vld [tilespmem:s16+$0x130]  }
0xd1: {  	v52 =	vld [tilespmem:s16+$0x170]  }
0xd2: {  	v53 =	vld [tilespmem:s16+$0x1B0]  }
0xd3: {  	v54 =	vld [tilespmem:s16+$0x1F0];
	v2 =	vadd.bf16 v35, v2;
	v3 =	vadd.bf16 v36, v3  }
0xd4: {  	v55 =	vld [tilespmem:s16+$0x230];
	v4 =	vadd.bf16 v37, v33;
	v5 =	vadd.bf16 v38, v34  }
0xd5: {  	v56 =	vld [tilespmem:s16+$0x270];
	v2 =	vadd.bf16 v39, v2;
	v3 =	vadd.bf16 v40, v3  }
0xd6: {  	v57 =	vld [tilespmem:s16+$0x2B0];
	v4 =	vadd.bf16 v41, v4;
	v5 =	vadd.bf16 v42, v5  }
0xd7: {  	v58 =	vld [tilespmem:s16+$0x2F0];
	v2 =	vadd.bf16 v43, v2;
	v3 =	vadd.bf16 v44, v3  }
0xd8: {  	v59 =	vld [tilespmem:s16+$0x330];
	v4 =	vadd.bf16 v45, v4;
	v5 =	vadd.bf16 v46, v5  }
0xd9: {  	v60 =	vld [tilespmem:s16+$0x370];
	v2 =	vadd.bf16 v47, v2;
	v3 =	vadd.bf16 v48, v3  }
0xda: {  	v61 =	vld [tilespmem:s16+$0x3B0];
	v4 =	vadd.bf16 v49, v4;
	v5 =	vadd.bf16 v50, v5  }
0xdb: {  	v62 =	vld [tilespmem:s16+$0x3F0];
	v2 =	vadd.bf16 v51, v2;
	v3 =	vadd.bf16 v52, v3  }
0xdc: {  	v4 =	vadd.bf16 v53, v4;
	v5 =	vadd.bf16 v54, v5  }
0xdd: {  	v2 =	vadd.bf16 v55, v2;
	v3 =	vadd.bf16 v56, v3  }
0xde: {  	v4 =	vadd.bf16 v57, v4;
	v5 =	vadd.bf16 v58, v5  }
0xdf: {  	v2 =	vadd.bf16 v59, v2;
	v3 =	vadd.bf16 v60, v3  }
0xe0: {  	v4 =	vadd.bf16 v61, v4;
	v5 =	vadd.bf16 v62, v5;
	_ =	sdelay $0x1  }
0xe1: {  	v63 =	vld.idx.msk [tilespmem:v0+s24+$0x20 ss:$0x1], $0xffff;
	v2 =	vadd.bf16 v3, v2;
	v3 =	vadd.bf16 v5, v4;
	_ =	sdelay $0x1  }
0xe2: {  	v2 =	vadd.bf16 v3, v2;
	_ =	sdelay $0x1  }
0xe3: {  	v3 =	vunpack.i.l.bf16.f32 v2  }
0xe4: {  	v3 =	vadd.f32 v63, v3;
	_ =	sdelay $0x1  }
0xe5: {  	v3 =	vmax.f32 v3, $0.0e+00  }
0xe6: {  	[tilespmem:v1+s24+$0x20 ss:$0x1] =	vst.idx.msk $0xffff, v3  }
0xe7: {  	v3 =	vld.idx.msk [tilespmem:v0+s24+$0x30 ss:$0x1], $0xffff;
	_ =	sdelay $0x2  }
0xe8: {  	p0 =	sne.s32 s15, $0xE00  }
.Ltmp2:
0xe9: {  	v2 =	vunpack.i.u.bf16.f32 v2;
	(pc) =	sbr.rel @p0 .LBB2_3-.Ltmp2, $3  }
0xea: {  	v2 =	vadd.f32 v3, v2;
	_ =	sdelay $0x1  }
0xeb: {  	v2 =	vmax.f32 v2, $0.0e+00  }
0xec: {  	s15 =	sadd.s32 $0x200, s15;
	s16 =	sadd.s32 $0x800, s16;
	[tilespmem:v1+s24+$0x30 ss:$0x1] =	vst.idx.msk $0xffff, v2  }
0xed: {  	s3 =	sor.u32 $0xC00, s14  }
0xee: {  	s3 =	sshrl.u32 s3, $0x2  }
0xef: {  	s3 =	sadd.s32 $0x80, s3  }
0xf0: {  	[tilespmem:s20], [sflag:$0x4] =	stream.indirect.gather [hbm4b:s4+s12], $0x40, s3, s12, $0xb8;
	[tilespmem:$0x19080] =	vst v63  }
0xf1: {  	_ =	swait.ge [sflag:s21], $0x4000  }
0xf2: {  	[sflag:s21] =	ssyncset.done $0x0  }
0xf3: {  	s15 =	simm.s32 $0x0;
	s16 =	simm.s32 $0x9480;
	v0 =	vmov s30;
	v1 =	vmov s29;
	[sflag:s21] =	ssyncadd.s32 $0xFFFFC000  }
.LBB2_5:
0xf4: {  	v2 =	vld [tilespmem:s16+$0xFFFFFC00]  }
0xf5: {  	v3 =	vld [tilespmem:s16+$0xFFFFFC40]  }
0xf6: {  	v4 =	vld [tilespmem:s16+$0xFFFFFC80]  }
0xf7: {  	v5 =	vld [tilespmem:s16+$0xFFFFFCC0]  }
0xf8: {  	v6 =	vld [tilespmem:s16+$0xFFFFFD00]  }
0xf9: {  	v7 =	vld [tilespmem:s16+$0xFFFFFD40]  }
0xfa: {  	v8 =	vld [tilespmem:s16+$0xFFFFFD80]  }
0xfb: {  	v9 =	vld [tilespmem:s16+$0xFFFFFDC0]  }
0xfc: {  	v10 =	vld [tilespmem:s16+$0xFFFFFE00]  }
0xfd: {  	v11 =	vld [tilespmem:s16+$0xFFFFFE40]  }
0xfe: {  	v12 =	vld [tilespmem:s16+$0xFFFFFE80]  }
0xff: {  	v13 =	vld [tilespmem:s16+$0xFFFFFEC0]  }
0x100: {  	v14 =	vld [tilespmem:s16+$0xFFFFFF00]  }
0x101: {  	v15 =	vld [tilespmem:s16+$0xFFFFFF40]  }
0x102: {  	v16 =	vld [tilespmem:s16+$0xFFFFFF80]  }
0x103: {  	v17 =	vld [tilespmem:s16+$0xFFFFFFC0]  }
0x104: {  	v18 =	vld [tilespmem:s16+$0x0]  }
0x105: {  	v19 =	vld [tilespmem:s16+$0x40]  }
0x106: {  	v20 =	vld [tilespmem:s16+$0x80]  }
0x107: {  	v21 =	vld [tilespmem:s16+$0xC0]  }
0x108: {  	v22 =	vld [tilespmem:s16+$0x100]  }
0x109: {  	v23 =	vld [tilespmem:s16+$0x140]  }
0x10a: {  	v24 =	vld [tilespmem:s16+$0x180]  }
0x10b: {  	v36 =	vld [tilespmem:s16+$0x1C0];
	v2 =	vadd.bf16 v6, v2;
	v3 =	vadd.bf16 v7, v3  }
0x10c: {  	v37 =	vld [tilespmem:s16+$0x200];
	v4 =	vadd.bf16 v8, v4;
	v5 =	vadd.bf16 v9, v5  }
0x10d: {  	v38 =	vld [tilespmem:s16+$0x240];
	v2 =	vadd.bf16 v10, v2;
	v3 =	vadd.bf16 v11, v3  }
0x10e: {  	v39 =	vld [tilespmem:s16+$0x280];
	v4 =	vadd.bf16 v12, v4;
	v5 =	vadd.bf16 v13, v5  }
0x10f: {  	v40 =	vld [tilespmem:s16+$0x2C0];
	v2 =	vadd.bf16 v14, v2;
	v3 =	vadd.bf16 v15, v3  }
0x110: {  	v41 =	vld [tilespmem:s16+$0x300];
	v4 =	vadd.bf16 v16, v4;
	v5 =	vadd.bf16 v17, v5  }
0x111: {  	v42 =	vld [tilespmem:s16+$0x340];
	v2 =	vadd.bf16 v18, v2;
	v3 =	vadd.bf16 v19, v3  }
0x112: {  	v43 =	vld [tilespmem:s16+$0x380];
	v4 =	vadd.bf16 v20, v4;
	v5 =	vadd.bf16 v21, v5  }
0x113: {  	v44 =	vld [tilespmem:s16+$0x3C0];
	v2 =	vadd.bf16 v22, v2;
	v3 =	vadd.bf16 v23, v3  }
0x114: {  	v4 =	vadd.bf16 v24, v4;
	v5 =	vadd.bf16 v36, v5  }
0x115: {  	v2 =	vadd.bf16 v37, v2;
	v3 =	vadd.bf16 v38, v3  }
0x116: {  	v4 =	vadd.bf16 v39, v4;
	v5 =	vadd.bf16 v40, v5  }
0x117: {  	v2 =	vadd.bf16 v41, v2;
	v3 =	vadd.bf16 v42, v3  }
0x118: {  	v4 =	vadd.bf16 v43, v4;
	v5 =	vadd.bf16 v44, v5  }
0x119: {  	s24 =	sshra.s32 s15, $0x2  }
0x11a: {  	v45 =	vld.idx.msk [tilespmem:v0+s24+$0xFFFFFF90 ss:$0x1], $0xffff;
	v2 =	vadd.bf16 v3, v2;
	v3 =	vadd.bf16 v5, v4;
	_ =	sdelay $0x1  }
0x11b: {  	v2 =	vadd.bf16 v3, v2;
	_ =	sdelay $0x1  }
0x11c: {  	v3 =	vunpack.i.l.bf16.f32 v2  }
0x11d: {  	v3 =	vadd.f32 v45, v3;
	_ =	sdelay $0x1  }
0x11e: {  	v3 =	vmax.f32 v3, $0.0e+00  }
0x11f: {  	[tilespmem:v1+s24+$0xFFFFFF90 ss:$0x1] =	vst.idx.msk $0xffff, v3  }
0x120: {  	v3 =	vld.idx.msk [tilespmem:v0+s24+$0xFFFFFFA0 ss:$0x1], $0xffff;
	_ =	sdelay $0x3  }
0x121: {  	v2 =	vunpack.i.u.bf16.f32 v2  }
0x122: {  	v2 =	vadd.f32 v3, v2;
	_ =	sdelay $0x1  }
0x123: {  	v2 =	vmax.f32 v2, $0.0e+00  }
0x124: {  	[tilespmem:v1+s24+$0xFFFFFFA0 ss:$0x1] =	vst.idx.msk $0xffff, v2  }
0x125: {  	v2 =	vld [tilespmem:s16+$0xFFFFFC10]  }
0x126: {  	v3 =	vld [tilespmem:s16+$0xFFFFFC50]  }
0x127: {  	v46 =	vld [tilespmem:s16+$0xFFFFFC90]  }
0x128: {  	v47 =	vld [tilespmem:s16+$0xFFFFFCD0]  }
0x129: {  	v48 =	vld [tilespmem:s16+$0xFFFFFD10]  }
0x12a: {  	v49 =	vld [tilespmem:s16+$0xFFFFFD50]  }
0x12b: {  	v50 =	vld [tilespmem:s16+$0xFFFFFD90]  }
0x12c: {  	v51 =	vld [tilespmem:s16+$0xFFFFFDD0]  }
0x12d: {  	v52 =	vld [tilespmem:s16+$0xFFFFFE10]  }
0x12e: {  	v53 =	vld [tilespmem:s16+$0xFFFFFE50]  }
0x12f: {  	v54 =	vld [tilespmem:s16+$0xFFFFFE90]  }
0x130: {  	v55 =	vld [tilespmem:s16+$0xFFFFFED0]  }
0x131: {  	v56 =	vld [tilespmem:s16+$0xFFFFFF10]  }
0x132: {  	v57 =	vld [tilespmem:s16+$0xFFFFFF50]  }
0x133: {  	v58 =	vld [tilespmem:s16+$0xFFFFFF90]  }
0x134: {  	v59 =	vld [tilespmem:s16+$0xFFFFFFD0]  }
0x135: {  	v60 =	vld [tilespmem:s16+$0x10]  }
0x136: {  	v61 =	vld [tilespmem:s16+$0x50]  }
0x137: {  	v62 =	vld [tilespmem:s16+$0x90]  }
0x138: {  	v63 =	vld [tilespmem:s16+$0xD0]  }
0x139: {  	v28 =	vld [tilespmem:s16+$0x110]  }
0x13a: {  	v29 =	vld [tilespmem:s16+$0x150]  }
0x13b: {  	v30 =	vld [tilespmem:s16+$0x190]  }
0x13c: {  	v31 =	vld [tilespmem:s16+$0x1D0];
	v2 =	vadd.bf16 v48, v2;
	v3 =	vadd.bf16 v49, v3  }
0x13d: {  	v32 =	vld [tilespmem:s16+$0x210];
	v4 =	vadd.bf16 v50, v46;
	v5 =	vadd.bf16 v51, v47  }
0x13e: {  	v33 =	vld [tilespmem:s16+$0x250];
	v2 =	vadd.bf16 v52, v2;
	v3 =	vadd.bf16 v53, v3  }
0x13f: {  	v34 =	vld [tilespmem:s16+$0x290];
	v4 =	vadd.bf16 v54, v4;
	v5 =	vadd.bf16 v55, v5  }
0x140: {  	v35 =	vld [tilespmem:s16+$0x2D0];
	v2 =	vadd.bf16 v56, v2;
	v3 =	vadd.bf16 v57, v3  }
0x141: {  	v36 =	vld [tilespmem:s16+$0x310];
	v4 =	vadd.bf16 v58, v4;
	v5 =	vadd.bf16 v59, v5  }
0x142: {  	v37 =	vld [tilespmem:s16+$0x350];
	v2 =	vadd.bf16 v60, v2;
	v3 =	vadd.bf16 v61, v3  }
0x143: {  	v38 =	vld [tilespmem:s16+$0x390];
	v4 =	vadd.bf16 v62, v4;
	v5 =	vadd.bf16 v63, v5  }
0x144: {  	v39 =	vld [tilespmem:s16+$0x3D0];
	v2 =	vadd.bf16 v28, v2;
	v3 =	vadd.bf16 v29, v3  }
0x145: {  	v4 =	vadd.bf16 v30, v4;
	v5 =	vadd.bf16 v31, v5  }
0x146: {  	v2 =	vadd.bf16 v32, v2;
	v3 =	vadd.bf16 v33, v3  }
0x147: {  	v4 =	vadd.bf16 v34, v4;
	v5 =	vadd.bf16 v35, v5  }
0x148: {  	v2 =	vadd.bf16 v36, v2;
	v3 =	vadd.bf16 v37, v3  }
0x149: {  	v4 =	vadd.bf16 v38, v4;
	v5 =	vadd.bf16 v39, v5;
	_ =	sdelay $0x1  }
0x14a: {  	v40 =	vld.idx.msk [tilespmem:v0+s24+$0xFFFFFFB0 ss:$0x1], $0xffff;
	v2 =	vadd.bf16 v3, v2;
	v3 =	vadd.bf16 v5, v4;
	_ =	sdelay $0x1  }
0x14b: {  	v2 =	vadd.bf16 v3, v2;
	_ =	sdelay $0x1  }
0x14c: {  	v3 =	vunpack.i.l.bf16.f32 v2  }
0x14d: {  	v3 =	vadd.f32 v40, v3;
	_ =	sdelay $0x1  }
0x14e: {  	v3 =	vmax.f32 v3, $0.0e+00  }
0x14f: {  	[tilespmem:v1+s24+$0xFFFFFFB0 ss:$0x1] =	vst.idx.msk $0xffff, v3  }
0x150: {  	v3 =	vld.idx.msk [tilespmem:v0+s24+$0xFFFFFFC0 ss:$0x1], $0xffff;
	_ =	sdelay $0x3  }
0x151: {  	v2 =	vunpack.i.u.bf16.f32 v2  }
0x152: {  	v2 =	vadd.f32 v3, v2;
	_ =	sdelay $0x1  }
0x153: {  	v2 =	vmax.f32 v2, $0.0e+00  }
0x154: {  	[tilespmem:v1+s24+$0xFFFFFFC0 ss:$0x1] =	vst.idx.msk $0xffff, v2  }
0x155: {  	v2 =	vld [tilespmem:s16+$0xFFFFFC20]  }
0x156: {  	v3 =	vld [tilespmem:s16+$0xFFFFFC60]  }
0x157: {  	v41 =	vld [tilespmem:s16+$0xFFFFFCA0]  }
0x158: {  	v42 =	vld [tilespmem:s16+$0xFFFFFCE0]  }
0x159: {  	v43 =	vld [tilespmem:s16+$0xFFFFFD20]  }
0x15a: {  	v44 =	vld [tilespmem:s16+$0xFFFFFD60]  }
0x15b: {  	v45 =	vld [tilespmem:s16+$0xFFFFFDA0]  }
0x15c: {  	v46 =	vld [tilespmem:s16+$0xFFFFFDE0]  }
0x15d: {  	v47 =	vld [tilespmem:s16+$0xFFFFFE20]  }
0x15e: {  	v48 =	vld [tilespmem:s16+$0xFFFFFE60]  }
0x15f: {  	v49 =	vld [tilespmem:s16+$0xFFFFFEA0]  }
0x160: {  	v50 =	vld [tilespmem:s16+$0xFFFFFEE0]  }
0x161: {  	v51 =	vld [tilespmem:s16+$0xFFFFFF20]  }
0x162: {  	v52 =	vld [tilespmem:s16+$0xFFFFFF60]  }
0x163: {  	v53 =	vld [tilespmem:s16+$0xFFFFFFA0]  }
0x164: {  	v54 =	vld [tilespmem:s16+$0xFFFFFFE0]  }
0x165: {  	v55 =	vld [tilespmem:s16+$0x20]  }
0x166: {  	v56 =	vld [tilespmem:s16+$0x60]  }
0x167: {  	v57 =	vld [tilespmem:s16+$0xA0]  }
0x168: {  	v58 =	vld [tilespmem:s16+$0xE0]  }
0x169: {  	v59 =	vld [tilespmem:s16+$0x120]  }
0x16a: {  	v60 =	vld [tilespmem:s16+$0x160]  }
0x16b: {  	v61 =	vld [tilespmem:s16+$0x1A0]  }
0x16c: {  	v62 =	vld [tilespmem:s16+$0x1E0];
	v2 =	vadd.bf16 v43, v2;
	v3 =	vadd.bf16 v44, v3  }
0x16d: {  	v63 =	vld [tilespmem:s16+$0x220];
	v4 =	vadd.bf16 v45, v41;
	v5 =	vadd.bf16 v46, v42  }
0x16e: {  	v25 =	vld [tilespmem:s16+$0x260];
	v2 =	vadd.bf16 v47, v2;
	v3 =	vadd.bf16 v48, v3  }
0x16f: {  	v26 =	vld [tilespmem:s16+$0x2A0];
	v4 =	vadd.bf16 v49, v4;
	v5 =	vadd.bf16 v50, v5  }
0x170: {  	v27 =	vld [tilespmem:s16+$0x2E0];
	v2 =	vadd.bf16 v51, v2;
	v3 =	vadd.bf16 v52, v3  }
0x171: {  	v28 =	vld [tilespmem:s16+$0x320];
	v4 =	vadd.bf16 v53, v4;
	v5 =	vadd.bf16 v54, v5  }
0x172: {  	v29 =	vld [tilespmem:s16+$0x360];
	v2 =	vadd.bf16 v55, v2;
	v3 =	vadd.bf16 v56, v3  }
0x173: {  	v30 =	vld [tilespmem:s16+$0x3A0];
	v4 =	vadd.bf16 v57, v4;
	v5 =	vadd.bf16 v58, v5  }
0x174: {  	v31 =	vld [tilespmem:s16+$0x3E0];
	v2 =	vadd.bf16 v59, v2;
	v3 =	vadd.bf16 v60, v3  }
0x175: {  	v4 =	vadd.bf16 v61, v4;
	v5 =	vadd.bf16 v62, v5  }
0x176: {  	v2 =	vadd.bf16 v63, v2;
	v3 =	vadd.bf16 v25, v3  }
0x177: {  	v4 =	vadd.bf16 v26, v4;
	v5 =	vadd.bf16 v27, v5  }
0x178: {  	v2 =	vadd.bf16 v28, v2;
	v3 =	vadd.bf16 v29, v3  }
0x179: {  	v4 =	vadd.bf16 v30, v4;
	v5 =	vadd.bf16 v31, v5;
	_ =	sdelay $0x1  }
0x17a: {  	v32 =	vld.idx.msk [tilespmem:v0+s24+$0xFFFFFFD0 ss:$0x1], $0xffff;
	v2 =	vadd.bf16 v3, v2;
	v3 =	vadd.bf16 v5, v4;
	_ =	sdelay $0x1  }
0x17b: {  	v2 =	vadd.bf16 v3, v2;
	_ =	sdelay $0x1  }
0x17c: {  	v3 =	vunpack.i.l.bf16.f32 v2  }
0x17d: {  	v3 =	vadd.f32 v32, v3;
	_ =	sdelay $0x1  }
0x17e: {  	v3 =	vmax.f32 v3, $0.0e+00  }
0x17f: {  	[tilespmem:v1+s24+$0xFFFFFFD0 ss:$0x1] =	vst.idx.msk $0xffff, v3  }
0x180: {  	v3 =	vld.idx.msk [tilespmem:v0+s24+$0xFFFFFFE0 ss:$0x1], $0xffff;
	_ =	sdelay $0x3  }
0x181: {  	v2 =	vunpack.i.u.bf16.f32 v2  }
0x182: {  	v2 =	vadd.f32 v3, v2;
	_ =	sdelay $0x1  }
0x183: {  	v2 =	vmax.f32 v2, $0.0e+00  }
0x184: {  	[tilespmem:v1+s24+$0xFFFFFFE0 ss:$0x1] =	vst.idx.msk $0xffff, v2  }
0x185: {  	v2 =	vld [tilespmem:s16+$0xFFFFFC30]  }
0x186: {  	v3 =	vld [tilespmem:s16+$0xFFFFFC70]  }
0x187: {  	v33 =	vld [tilespmem:s16+$0xFFFFFCB0]  }
0x188: {  	v34 =	vld [tilespmem:s16+$0xFFFFFCF0]  }
0x189: {  	v35 =	vld [tilespmem:s16+$0xFFFFFD30]  }
0x18a: {  	v36 =	vld [tilespmem:s16+$0xFFFFFD70]  }
0x18b: {  	v37 =	vld [tilespmem:s16+$0xFFFFFDB0]  }
0x18c: {  	v38 =	vld [tilespmem:s16+$0xFFFFFDF0]  }
0x18d: {  	v39 =	vld [tilespmem:s16+$0xFFFFFE30]  }
0x18e: {  	v40 =	vld [tilespmem:s16+$0xFFFFFE70]  }
0x18f: {  	v41 =	vld [tilespmem:s16+$0xFFFFFEB0]  }
0x190: {  	v42 =	vld [tilespmem:s16+$0xFFFFFEF0]  }
0x191: {  	v43 =	vld [tilespmem:s16+$0xFFFFFF30]  }
0x192: {  	v44 =	vld [tilespmem:s16+$0xFFFFFF70]  }
0x193: {  	v45 =	vld [tilespmem:s16+$0xFFFFFFB0]  }
0x194: {  	v46 =	vld [tilespmem:s16+$0xFFFFFFF0]  }
0x195: {  	v47 =	vld [tilespmem:s16+$0x30]  }
0x196: {  	v48 =	vld [tilespmem:s16+$0x70]  }
0x197: {  	v49 =	vld [tilespmem:s16+$0xB0]  }
0x198: {  	v50 =	vld [tilespmem:s16+$0xF0]  }
0x199: {  	v51 =	vld [tilespmem:s16+$0x130]  }
0x19a: {  	v52 =	vld [tilespmem:s16+$0x170]  }
0x19b: {  	v53 =	vld [tilespmem:s16+$0x1B0]  }
0x19c: {  	v54 =	vld [tilespmem:s16+$0x1F0];
	v2 =	vadd.bf16 v35, v2;
	v3 =	vadd.bf16 v36, v3  }
0x19d: {  	v55 =	vld [tilespmem:s16+$0x230];
	v4 =	vadd.bf16 v37, v33;
	v5 =	vadd.bf16 v38, v34  }
0x19e: {  	v56 =	vld [tilespmem:s16+$0x270];
	v2 =	vadd.bf16 v39, v2;
	v3 =	vadd.bf16 v40, v3  }
0x19f: {  	v57 =	vld [tilespmem:s16+$0x2B0];
	v4 =	vadd.bf16 v41, v4;
	v5 =	vadd.bf16 v42, v5  }
0x1a0: {  	v58 =	vld [tilespmem:s16+$0x2F0];
	v2 =	vadd.bf16 v43, v2;
	v3 =	vadd.bf16 v44, v3  }
0x1a1: {  	v59 =	vld [tilespmem:s16+$0x330];
	v4 =	vadd.bf16 v45, v4;
	v5 =	vadd.bf16 v46, v5  }
0x1a2: {  	v60 =	vld [tilespmem:s16+$0x370];
	v2 =	vadd.bf16 v47, v2;
	v3 =	vadd.bf16 v48, v3  }
0x1a3: {  	v61 =	vld [tilespmem:s16+$0x3B0];
	v4 =	vadd.bf16 v49, v4;
	v5 =	vadd.bf16 v50, v5  }
0x1a4: {  	v62 =	vld [tilespmem:s16+$0x3F0];
	v2 =	vadd.bf16 v51, v2;
	v3 =	vadd.bf16 v52, v3  }
0x1a5: {  	v4 =	vadd.bf16 v53, v4;
	v5 =	vadd.bf16 v54, v5  }
0x1a6: {  	v2 =	vadd.bf16 v55, v2;
	v3 =	vadd.bf16 v56, v3  }
0x1a7: {  	v4 =	vadd.bf16 v57, v4;
	v5 =	vadd.bf16 v58, v5  }
0x1a8: {  	v2 =	vadd.bf16 v59, v2;
	v3 =	vadd.bf16 v60, v3  }
0x1a9: {  	v4 =	vadd.bf16 v61, v4;
	v5 =	vadd.bf16 v62, v5;
	_ =	sdelay $0x1  }
0x1aa: {  	v63 =	vld.idx.msk [tilespmem:v0+s24+$0xFFFFFFF0 ss:$0x1], $0xffff;
	v2 =	vadd.bf16 v3, v2;
	v3 =	vadd.bf16 v5, v4;
	_ =	sdelay $0x1  }
0x1ab: {  	v2 =	vadd.bf16 v3, v2;
	_ =	sdelay $0x1  }
0x1ac: {  	v3 =	vunpack.i.l.bf16.f32 v2  }
0x1ad: {  	v3 =	vadd.f32 v63, v3;
	_ =	sdelay $0x1  }
0x1ae: {  	v3 =	vmax.f32 v3, $0.0e+00  }
0x1af: {  	[tilespmem:v1+s24+$0xFFFFFFF0 ss:$0x1] =	vst.idx.msk $0xffff, v3  }
0x1b0: {  	v3 =	vld.idx.msk [tilespmem:v0+s24+$0x0 ss:$0x1], $0xffff;
	_ =	sdelay $0x2  }
0x1b1: {  	p0 =	sne.s32 s15, $0xE00  }
.Ltmp3:
0x1b2: {  	v2 =	vunpack.i.u.bf16.f32 v2;
	(pc) =	sbr.rel @p0 .LBB2_5-.Ltmp3, $3  }
0x1b3: {  	v2 =	vadd.f32 v3, v2;
	_ =	sdelay $0x1  }
0x1b4: {  	v2 =	vmax.f32 v2, $0.0e+00  }
0x1b5: {  	s15 =	sadd.s32 $0x200, s15;
	s16 =	sadd.s32 $0x800, s16;
	[tilespmem:v1+s24+$0x0 ss:$0x1] =	vst.idx.msk $0xffff, v2  }
0x1b6: {  	p0 =	seq.s32 s13, $0x3  }
0x1b7: {  	s15 =	sshrl.u32 @!p0 s14, $0x2  }
0x1b8: {  	s16 =	simm.s32 @!p0 $0x100;
	s24 =	simm.s32 @!p0 $0x5080;
	s3 =	sadd.s32 @!p0 $0x480, s15  }
0x1b9: {  	[tilespmem:s24], [sflag:$0x1] =	stream.indirect.gather @!p0 [hbm4b:s4+s16], $0x40, s3, s16, $0xb8;
	[tilespmem:$0x19080] =	vst v63  }
0x1ba: {  	_ =	swait.ge [sflag:s22], $0x4000  }
0x1bb: {  	[sflag:s22] =	ssyncset.done $0x0  }
0x1bc: {  	v0 =	vmov s1;
	v1 =	vmov s31;
	s16 =	simm.s32 $0x0;
	s24 =	simm.s32 $0xD480;
	[sflag:s22] =	ssyncadd.s32 $0xFFFFC000  }
.LBB2_7:
0x1bd: {  	v2 =	vld [tilespmem:s24+$0xFFFFFC00]  }
0x1be: {  	v3 =	vld [tilespmem:s24+$0xFFFFFC40]  }
0x1bf: {  	v4 =	vld [tilespmem:s24+$0xFFFFFC80]  }
0x1c0: {  	v5 =	vld [tilespmem:s24+$0xFFFFFCC0]  }
0x1c1: {  	v6 =	vld [tilespmem:s24+$0xFFFFFD00]  }
0x1c2: {  	v7 =	vld [tilespmem:s24+$0xFFFFFD40]  }
0x1c3: {  	v8 =	vld [tilespmem:s24+$0xFFFFFD80]  }
0x1c4: {  	v9 =	vld [tilespmem:s24+$0xFFFFFDC0]  }
0x1c5: {  	v10 =	vld [tilespmem:s24+$0xFFFFFE00]  }
0x1c6: {  	v11 =	vld [tilespmem:s24+$0xFFFFFE40]  }
0x1c7: {  	v12 =	vld [tilespmem:s24+$0xFFFFFE80]  }
0x1c8: {  	v13 =	vld [tilespmem:s24+$0xFFFFFEC0]  }
0x1c9: {  	v14 =	vld [tilespmem:s24+$0xFFFFFF00]  }
0x1ca: {  	v15 =	vld [tilespmem:s24+$0xFFFFFF40]  }
0x1cb: {  	v16 =	vld [tilespmem:s24+$0xFFFFFF80]  }
0x1cc: {  	v17 =	vld [tilespmem:s24+$0xFFFFFFC0]  }
0x1cd: {  	v18 =	vld [tilespmem:s24+$0x0]  }
0x1ce: {  	v19 =	vld [tilespmem:s24+$0x40]  }
0x1cf: {  	v20 =	vld [tilespmem:s24+$0x80]  }
0x1d0: {  	v21 =	vld [tilespmem:s24+$0xC0]  }
0x1d1: {  	v22 =	vld [tilespmem:s24+$0x100]  }
0x1d2: {  	v23 =	vld [tilespmem:s24+$0x140]  }
0x1d3: {  	v24 =	vld [tilespmem:s24+$0x180]  }
0x1d4: {  	v36 =	vld [tilespmem:s24+$0x1C0];
	v2 =	vadd.bf16 v6, v2;
	v3 =	vadd.bf16 v7, v3  }
0x1d5: {  	v37 =	vld [tilespmem:s24+$0x200];
	v4 =	vadd.bf16 v8, v4;
	v5 =	vadd.bf16 v9, v5  }
0x1d6: {  	v38 =	vld [tilespmem:s24+$0x240];
	v2 =	vadd.bf16 v10, v2;
	v3 =	vadd.bf16 v11, v3  }
0x1d7: {  	v39 =	vld [tilespmem:s24+$0x280];
	v4 =	vadd.bf16 v12, v4;
	v5 =	vadd.bf16 v13, v5  }
0x1d8: {  	v40 =	vld [tilespmem:s24+$0x2C0];
	v2 =	vadd.bf16 v14, v2;
	v3 =	vadd.bf16 v15, v3  }
0x1d9: {  	v41 =	vld [tilespmem:s24+$0x300];
	v4 =	vadd.bf16 v16, v4;
	v5 =	vadd.bf16 v17, v5  }
0x1da: {  	v42 =	vld [tilespmem:s24+$0x340];
	v2 =	vadd.bf16 v18, v2;
	v3 =	vadd.bf16 v19, v3  }
0x1db: {  	v43 =	vld [tilespmem:s24+$0x380];
	v4 =	vadd.bf16 v20, v4;
	v5 =	vadd.bf16 v21, v5  }
0x1dc: {  	v44 =	vld [tilespmem:s24+$0x3C0];
	v2 =	vadd.bf16 v22, v2;
	v3 =	vadd.bf16 v23, v3  }
0x1dd: {  	v4 =	vadd.bf16 v24, v4;
	v5 =	vadd.bf16 v36, v5  }
0x1de: {  	v2 =	vadd.bf16 v37, v2;
	v3 =	vadd.bf16 v38, v3  }
0x1df: {  	v4 =	vadd.bf16 v39, v4;
	v5 =	vadd.bf16 v40, v5  }
0x1e0: {  	v2 =	vadd.bf16 v41, v2;
	v3 =	vadd.bf16 v42, v3  }
0x1e1: {  	v4 =	vadd.bf16 v43, v4;
	v5 =	vadd.bf16 v44, v5  }
0x1e2: {  	s3 =	sshra.s32 s16, $0x2  }
0x1e3: {  	v45 =	vld.idx.msk [tilespmem:v0+s3+$0xFFFFFF90 ss:$0x1], $0xffff;
	v2 =	vadd.bf16 v3, v2;
	v3 =	vadd.bf16 v5, v4;
	_ =	sdelay $0x1  }
0x1e4: {  	v2 =	vadd.bf16 v3, v2;
	_ =	sdelay $0x1  }
0x1e5: {  	v3 =	vunpack.i.l.bf16.f32 v2  }
0x1e6: {  	v3 =	vadd.f32 v45, v3;
	_ =	sdelay $0x1  }
0x1e7: {  	v3 =	vmax.f32 v3, $0.0e+00  }
0x1e8: {  	[tilespmem:v1+s3+$0xFFFFFF90 ss:$0x1] =	vst.idx.msk $0xffff, v3  }
0x1e9: {  	v3 =	vld.idx.msk [tilespmem:v0+s3+$0xFFFFFFA0 ss:$0x1], $0xffff;
	_ =	sdelay $0x3  }
0x1ea: {  	v2 =	vunpack.i.u.bf16.f32 v2  }
0x1eb: {  	v2 =	vadd.f32 v3, v2;
	_ =	sdelay $0x1  }
0x1ec: {  	v2 =	vmax.f32 v2, $0.0e+00  }
0x1ed: {  	[tilespmem:v1+s3+$0xFFFFFFA0 ss:$0x1] =	vst.idx.msk $0xffff, v2  }
0x1ee: {  	v2 =	vld [tilespmem:s24+$0xFFFFFC10]  }
0x1ef: {  	v3 =	vld [tilespmem:s24+$0xFFFFFC50]  }
0x1f0: {  	v46 =	vld [tilespmem:s24+$0xFFFFFC90]  }
0x1f1: {  	v47 =	vld [tilespmem:s24+$0xFFFFFCD0]  }
0x1f2: {  	v48 =	vld [tilespmem:s24+$0xFFFFFD10]  }
0x1f3: {  	v49 =	vld [tilespmem:s24+$0xFFFFFD50]  }
0x1f4: {  	v50 =	vld [tilespmem:s24+$0xFFFFFD90]  }
0x1f5: {  	v51 =	vld [tilespmem:s24+$0xFFFFFDD0]  }
0x1f6: {  	v52 =	vld [tilespmem:s24+$0xFFFFFE10]  }
0x1f7: {  	v53 =	vld [tilespmem:s24+$0xFFFFFE50]  }
0x1f8: {  	v54 =	vld [tilespmem:s24+$0xFFFFFE90]  }
0x1f9: {  	v55 =	vld [tilespmem:s24+$0xFFFFFED0]  }
0x1fa: {  	v56 =	vld [tilespmem:s24+$0xFFFFFF10]  }
0x1fb: {  	v57 =	vld [tilespmem:s24+$0xFFFFFF50]  }
0x1fc: {  	v58 =	vld [tilespmem:s24+$0xFFFFFF90]  }
0x1fd: {  	v59 =	vld [tilespmem:s24+$0xFFFFFFD0]  }
0x1fe: {  	v60 =	vld [tilespmem:s24+$0x10]  }
0x1ff: {  	v61 =	vld [tilespmem:s24+$0x50]  }
0x200: {  	v62 =	vld [tilespmem:s24+$0x90]  }
0x201: {  	v63 =	vld [tilespmem:s24+$0xD0]  }
0x202: {  	v28 =	vld [tilespmem:s24+$0x110]  }
0x203: {  	v29 =	vld [tilespmem:s24+$0x150]  }
0x204: {  	v30 =	vld [tilespmem:s24+$0x190]  }
0x205: {  	v31 =	vld [tilespmem:s24+$0x1D0];
	v2 =	vadd.bf16 v48, v2;
	v3 =	vadd.bf16 v49, v3  }
0x206: {  	v32 =	vld [tilespmem:s24+$0x210];
	v4 =	vadd.bf16 v50, v46;
	v5 =	vadd.bf16 v51, v47  }
0x207: {  	v33 =	vld [tilespmem:s24+$0x250];
	v2 =	vadd.bf16 v52, v2;
	v3 =	vadd.bf16 v53, v3  }
0x208: {  	v34 =	vld [tilespmem:s24+$0x290];
	v4 =	vadd.bf16 v54, v4;
	v5 =	vadd.bf16 v55, v5  }
0x209: {  	v35 =	vld [tilespmem:s24+$0x2D0];
	v2 =	vadd.bf16 v56, v2;
	v3 =	vadd.bf16 v57, v3  }
0x20a: {  	v36 =	vld [tilespmem:s24+$0x310];
	v4 =	vadd.bf16 v58, v4;
	v5 =	vadd.bf16 v59, v5  }
0x20b: {  	v37 =	vld [tilespmem:s24+$0x350];
	v2 =	vadd.bf16 v60, v2;
	v3 =	vadd.bf16 v61, v3  }
0x20c: {  	v38 =	vld [tilespmem:s24+$0x390];
	v4 =	vadd.bf16 v62, v4;
	v5 =	vadd.bf16 v63, v5  }
0x20d: {  	v39 =	vld [tilespmem:s24+$0x3D0];
	v2 =	vadd.bf16 v28, v2;
	v3 =	vadd.bf16 v29, v3  }
0x20e: {  	v4 =	vadd.bf16 v30, v4;
	v5 =	vadd.bf16 v31, v5  }
0x20f: {  	v2 =	vadd.bf16 v32, v2;
	v3 =	vadd.bf16 v33, v3  }
0x210: {  	v4 =	vadd.bf16 v34, v4;
	v5 =	vadd.bf16 v35, v5  }
0x211: {  	v2 =	vadd.bf16 v36, v2;
	v3 =	vadd.bf16 v37, v3  }
0x212: {  	v4 =	vadd.bf16 v38, v4;
	v5 =	vadd.bf16 v39, v5;
	_ =	sdelay $0x1  }
0x213: {  	v40 =	vld.idx.msk [tilespmem:v0+s3+$0xFFFFFFB0 ss:$0x1], $0xffff;
	v2 =	vadd.bf16 v3, v2;
	v3 =	vadd.bf16 v5, v4;
	_ =	sdelay $0x1  }
0x214: {  	v2 =	vadd.bf16 v3, v2;
	_ =	sdelay $0x1  }
0x215: {  	v3 =	vunpack.i.l.bf16.f32 v2  }
0x216: {  	v3 =	vadd.f32 v40, v3;
	_ =	sdelay $0x1  }
0x217: {  	v3 =	vmax.f32 v3, $0.0e+00  }
0x218: {  	[tilespmem:v1+s3+$0xFFFFFFB0 ss:$0x1] =	vst.idx.msk $0xffff, v3  }
0x219: {  	v3 =	vld.idx.msk [tilespmem:v0+s3+$0xFFFFFFC0 ss:$0x1], $0xffff;
	_ =	sdelay $0x3  }
0x21a: {  	v2 =	vunpack.i.u.bf16.f32 v2  }
0x21b: {  	v2 =	vadd.f32 v3, v2;
	_ =	sdelay $0x1  }
0x21c: {  	v2 =	vmax.f32 v2, $0.0e+00  }
0x21d: {  	[tilespmem:v1+s3+$0xFFFFFFC0 ss:$0x1] =	vst.idx.msk $0xffff, v2  }
0x21e: {  	v2 =	vld [tilespmem:s24+$0xFFFFFC20]  }
0x21f: {  	v3 =	vld [tilespmem:s24+$0xFFFFFC60]  }
0x220: {  	v41 =	vld [tilespmem:s24+$0xFFFFFCA0]  }
0x221: {  	v42 =	vld [tilespmem:s24+$0xFFFFFCE0]  }
0x222: {  	v43 =	vld [tilespmem:s24+$0xFFFFFD20]  }
0x223: {  	v44 =	vld [tilespmem:s24+$0xFFFFFD60]  }
0x224: {  	v45 =	vld [tilespmem:s24+$0xFFFFFDA0]  }
0x225: {  	v46 =	vld [tilespmem:s24+$0xFFFFFDE0]  }
0x226: {  	v47 =	vld [tilespmem:s24+$0xFFFFFE20]  }
0x227: {  	v48 =	vld [tilespmem:s24+$0xFFFFFE60]  }
0x228: {  	v49 =	vld [tilespmem:s24+$0xFFFFFEA0]  }
0x229: {  	v50 =	vld [tilespmem:s24+$0xFFFFFEE0]  }
0x22a: {  	v51 =	vld [tilespmem:s24+$0xFFFFFF20]  }
0x22b: {  	v52 =	vld [tilespmem:s24+$0xFFFFFF60]  }
0x22c: {  	v53 =	vld [tilespmem:s24+$0xFFFFFFA0]  }
0x22d: {  	v54 =	vld [tilespmem:s24+$0xFFFFFFE0]  }
0x22e: {  	v55 =	vld [tilespmem:s24+$0x20]  }
0x22f: {  	v56 =	vld [tilespmem:s24+$0x60]  }
0x230: {  	v57 =	vld [tilespmem:s24+$0xA0]  }
0x231: {  	v58 =	vld [tilespmem:s24+$0xE0]  }
0x232: {  	v59 =	vld [tilespmem:s24+$0x120]  }
0x233: {  	v60 =	vld [tilespmem:s24+$0x160]  }
0x234: {  	v61 =	vld [tilespmem:s24+$0x1A0]  }
0x235: {  	v62 =	vld [tilespmem:s24+$0x1E0];
	v2 =	vadd.bf16 v43, v2;
	v3 =	vadd.bf16 v44, v3  }
0x236: {  	v63 =	vld [tilespmem:s24+$0x220];
	v4 =	vadd.bf16 v45, v41;
	v5 =	vadd.bf16 v46, v42  }
0x237: {  	v25 =	vld [tilespmem:s24+$0x260];
	v2 =	vadd.bf16 v47, v2;
	v3 =	vadd.bf16 v48, v3  }
0x238: {  	v26 =	vld [tilespmem:s24+$0x2A0];
	v4 =	vadd.bf16 v49, v4;
	v5 =	vadd.bf16 v50, v5  }
0x239: {  	v27 =	vld [tilespmem:s24+$0x2E0];
	v2 =	vadd.bf16 v51, v2;
	v3 =	vadd.bf16 v52, v3  }
0x23a: {  	v28 =	vld [tilespmem:s24+$0x320];
	v4 =	vadd.bf16 v53, v4;
	v5 =	vadd.bf16 v54, v5  }
0x23b: {  	v29 =	vld [tilespmem:s24+$0x360];
	v2 =	vadd.bf16 v55, v2;
	v3 =	vadd.bf16 v56, v3  }
0x23c: {  	v30 =	vld [tilespmem:s24+$0x3A0];
	v4 =	vadd.bf16 v57, v4;
	v5 =	vadd.bf16 v58, v5  }
0x23d: {  	v31 =	vld [tilespmem:s24+$0x3E0];
	v2 =	vadd.bf16 v59, v2;
	v3 =	vadd.bf16 v60, v3  }
0x23e: {  	v4 =	vadd.bf16 v61, v4;
	v5 =	vadd.bf16 v62, v5  }
0x23f: {  	v2 =	vadd.bf16 v63, v2;
	v3 =	vadd.bf16 v25, v3  }
0x240: {  	v4 =	vadd.bf16 v26, v4;
	v5 =	vadd.bf16 v27, v5  }
0x241: {  	v2 =	vadd.bf16 v28, v2;
	v3 =	vadd.bf16 v29, v3  }
0x242: {  	v4 =	vadd.bf16 v30, v4;
	v5 =	vadd.bf16 v31, v5;
	_ =	sdelay $0x1  }
0x243: {  	v32 =	vld.idx.msk [tilespmem:v0+s3+$0xFFFFFFD0 ss:$0x1], $0xffff;
	v2 =	vadd.bf16 v3, v2;
	v3 =	vadd.bf16 v5, v4;
	_ =	sdelay $0x1  }
0x244: {  	v2 =	vadd.bf16 v3, v2;
	_ =	sdelay $0x1  }
0x245: {  	v3 =	vunpack.i.l.bf16.f32 v2  }
0x246: {  	v3 =	vadd.f32 v32, v3;
	_ =	sdelay $0x1  }
0x247: {  	v3 =	vmax.f32 v3, $0.0e+00  }
0x248: {  	[tilespmem:v1+s3+$0xFFFFFFD0 ss:$0x1] =	vst.idx.msk $0xffff, v3  }
0x249: {  	v3 =	vld.idx.msk [tilespmem:v0+s3+$0xFFFFFFE0 ss:$0x1], $0xffff;
	_ =	sdelay $0x3  }
0x24a: {  	v2 =	vunpack.i.u.bf16.f32 v2  }
0x24b: {  	v2 =	vadd.f32 v3, v2;
	_ =	sdelay $0x1  }
0x24c: {  	v2 =	vmax.f32 v2, $0.0e+00  }
0x24d: {  	[tilespmem:v1+s3+$0xFFFFFFE0 ss:$0x1] =	vst.idx.msk $0xffff, v2  }
0x24e: {  	v2 =	vld [tilespmem:s24+$0xFFFFFC30]  }
0x24f: {  	v3 =	vld [tilespmem:s24+$0xFFFFFC70]  }
0x250: {  	v33 =	vld [tilespmem:s24+$0xFFFFFCB0]  }
0x251: {  	v34 =	vld [tilespmem:s24+$0xFFFFFCF0]  }
0x252: {  	v35 =	vld [tilespmem:s24+$0xFFFFFD30]  }
0x253: {  	v36 =	vld [tilespmem:s24+$0xFFFFFD70]  }
0x254: {  	v37 =	vld [tilespmem:s24+$0xFFFFFDB0]  }
0x255: {  	v38 =	vld [tilespmem:s24+$0xFFFFFDF0]  }
0x256: {  	v39 =	vld [tilespmem:s24+$0xFFFFFE30]  }
0x257: {  	v40 =	vld [tilespmem:s24+$0xFFFFFE70]  }
0x258: {  	v41 =	vld [tilespmem:s24+$0xFFFFFEB0]  }
0x259: {  	v42 =	vld [tilespmem:s24+$0xFFFFFEF0]  }
0x25a: {  	v43 =	vld [tilespmem:s24+$0xFFFFFF30]  }
0x25b: {  	v44 =	vld [tilespmem:s24+$0xFFFFFF70]  }
0x25c: {  	v45 =	vld [tilespmem:s24+$0xFFFFFFB0]  }
0x25d: {  	v46 =	vld [tilespmem:s24+$0xFFFFFFF0]  }
0x25e: {  	v47 =	vld [tilespmem:s24+$0x30]  }
0x25f: {  	v48 =	vld [tilespmem:s24+$0x70]  }
0x260: {  	v49 =	vld [tilespmem:s24+$0xB0]  }
0x261: {  	v50 =	vld [tilespmem:s24+$0xF0]  }
0x262: {  	v51 =	vld [tilespmem:s24+$0x130]  }
0x263: {  	v52 =	vld [tilespmem:s24+$0x170]  }
0x264: {  	v53 =	vld [tilespmem:s24+$0x1B0]  }
0x265: {  	v54 =	vld [tilespmem:s24+$0x1F0];
	v2 =	vadd.bf16 v35, v2;
	v3 =	vadd.bf16 v36, v3  }
0x266: {  	v55 =	vld [tilespmem:s24+$0x230];
	v4 =	vadd.bf16 v37, v33;
	v5 =	vadd.bf16 v38, v34  }
0x267: {  	v56 =	vld [tilespmem:s24+$0x270];
	v2 =	vadd.bf16 v39, v2;
	v3 =	vadd.bf16 v40, v3  }
0x268: {  	v57 =	vld [tilespmem:s24+$0x2B0];
	v4 =	vadd.bf16 v41, v4;
	v5 =	vadd.bf16 v42, v5  }
0x269: {  	v58 =	vld [tilespmem:s24+$0x2F0];
	v2 =	vadd.bf16 v43, v2;
	v3 =	vadd.bf16 v44, v3  }
0x26a: {  	v59 =	vld [tilespmem:s24+$0x330];
	v4 =	vadd.bf16 v45, v4;
	v5 =	vadd.bf16 v46, v5  }
0x26b: {  	v60 =	vld [tilespmem:s24+$0x370];
	v2 =	vadd.bf16 v47, v2;
	v3 =	vadd.bf16 v48, v3  }
0x26c: {  	v61 =	vld [tilespmem:s24+$0x3B0];
	v4 =	vadd.bf16 v49, v4;
	v5 =	vadd.bf16 v50, v5  }
0x26d: {  	v62 =	vld [tilespmem:s24+$0x3F0];
	v2 =	vadd.bf16 v51, v2;
	v3 =	vadd.bf16 v52, v3  }
0x26e: {  	v4 =	vadd.bf16 v53, v4;
	v5 =	vadd.bf16 v54, v5  }
0x26f: {  	v2 =	vadd.bf16 v55, v2;
	v3 =	vadd.bf16 v56, v3  }
0x270: {  	v4 =	vadd.bf16 v57, v4;
	v5 =	vadd.bf16 v58, v5  }
0x271: {  	v2 =	vadd.bf16 v59, v2;
	v3 =	vadd.bf16 v60, v3  }
0x272: {  	v4 =	vadd.bf16 v61, v4;
	v5 =	vadd.bf16 v62, v5;
	_ =	sdelay $0x1  }
0x273: {  	v63 =	vld.idx.msk [tilespmem:v0+s3+$0xFFFFFFF0 ss:$0x1], $0xffff;
	v2 =	vadd.bf16 v3, v2;
	v3 =	vadd.bf16 v5, v4;
	_ =	sdelay $0x1  }
0x274: {  	v2 =	vadd.bf16 v3, v2;
	_ =	sdelay $0x1  }
0x275: {  	v3 =	vunpack.i.l.bf16.f32 v2  }
0x276: {  	v3 =	vadd.f32 v63, v3;
	_ =	sdelay $0x1  }
0x277: {  	v3 =	vmax.f32 v3, $0.0e+00  }
0x278: {  	[tilespmem:v1+s3+$0xFFFFFFF0 ss:$0x1] =	vst.idx.msk $0xffff, v3  }
0x279: {  	v3 =	vld.idx.msk [tilespmem:v0+s3+$0x0 ss:$0x1], $0xffff;
	_ =	sdelay $0x2  }
0x27a: {  	p1 =	sne.s32 s16, $0xE00  }
.Ltmp4:
0x27b: {  	v2 =	vunpack.i.u.bf16.f32 v2;
	(pc) =	sbr.rel @p1 .LBB2_7-.Ltmp4, $3  }
0x27c: {  	v2 =	vadd.f32 v3, v2;
	_ =	sdelay $0x1  }
0x27d: {  	v2 =	vmax.f32 v2, $0.0e+00  }
0x27e: {  	s16 =	sadd.s32 $0x200, s16;
	s24 =	sadd.s32 $0x800, s24;
	[tilespmem:v1+s3+$0x0 ss:$0x1] =	vst.idx.msk $0xffff, v2  }
0x27f: {  	s3 =	sadd.s32 @!p0 $0x580, s15;
	s15 =	simm.s32 @!p0 $0x100;
	s16 =	simm.s32 @!p0 $0x9080  }
0x280: {  	[tilespmem:s16], [sflag:$0x2] =	stream.indirect.gather @!p0 [hbm4b:s4+s15], $0x40, s3, s15, $0xb8;
	[tilespmem:$0x19080] =	vst v63  }
0x281: {  	_ =	swait.ge [sflag:s23], $0x4000  }
0x282: {  	[sflag:s23] =	ssyncset.done $0x0  }
0x283: {  	v0 =	vmov s0;
	v1 =	vmov s11;
	s15 =	simm.s32 $0x0;
	s16 =	simm.s32 $0x11480;
	[sflag:s23] =	ssyncadd.s32 $0xFFFFC000  }
.LBB2_9:
0x284: {  	v2 =	vld [tilespmem:s16+$0xFFFFFC00]  }
0x285: {  	v3 =	vld [tilespmem:s16+$0xFFFFFC40]  }
0x286: {  	v4 =	vld [tilespmem:s16+$0xFFFFFC80]  }
0x287: {  	v5 =	vld [tilespmem:s16+$0xFFFFFCC0]  }
0x288: {  	v6 =	vld [tilespmem:s16+$0xFFFFFD00]  }
0x289: {  	v7 =	vld [tilespmem:s16+$0xFFFFFD40]  }
0x28a: {  	v8 =	vld [tilespmem:s16+$0xFFFFFD80]  }
0x28b: {  	v9 =	vld [tilespmem:s16+$0xFFFFFDC0]  }
0x28c: {  	v10 =	vld [tilespmem:s16+$0xFFFFFE00]  }
0x28d: {  	v11 =	vld [tilespmem:s16+$0xFFFFFE40]  }
0x28e: {  	v12 =	vld [tilespmem:s16+$0xFFFFFE80]  }
0x28f: {  	v13 =	vld [tilespmem:s16+$0xFFFFFEC0]  }
0x290: {  	v14 =	vld [tilespmem:s16+$0xFFFFFF00]  }
0x291: {  	v15 =	vld [tilespmem:s16+$0xFFFFFF40]  }
0x292: {  	v16 =	vld [tilespmem:s16+$0xFFFFFF80]  }
0x293: {  	v17 =	vld [tilespmem:s16+$0xFFFFFFC0]  }
0x294: {  	v18 =	vld [tilespmem:s16+$0x0]  }
0x295: {  	v19 =	vld [tilespmem:s16+$0x40]  }
0x296: {  	v20 =	vld [tilespmem:s16+$0x80]  }
0x297: {  	v21 =	vld [tilespmem:s16+$0xC0]  }
0x298: {  	v22 =	vld [tilespmem:s16+$0x100]  }
0x299: {  	v23 =	vld [tilespmem:s16+$0x140]  }
0x29a: {  	v24 =	vld [tilespmem:s16+$0x180]  }
0x29b: {  	v36 =	vld [tilespmem:s16+$0x1C0];
	v2 =	vadd.bf16 v6, v2;
	v3 =	vadd.bf16 v7, v3  }
0x29c: {  	v37 =	vld [tilespmem:s16+$0x200];
	v4 =	vadd.bf16 v8, v4;
	v5 =	vadd.bf16 v9, v5  }
0x29d: {  	v38 =	vld [tilespmem:s16+$0x240];
	v2 =	vadd.bf16 v10, v2;
	v3 =	vadd.bf16 v11, v3  }
0x29e: {  	v39 =	vld [tilespmem:s16+$0x280];
	v4 =	vadd.bf16 v12, v4;
	v5 =	vadd.bf16 v13, v5  }
0x29f: {  	v40 =	vld [tilespmem:s16+$0x2C0];
	v2 =	vadd.bf16 v14, v2;
	v3 =	vadd.bf16 v15, v3  }
0x2a0: {  	v41 =	vld [tilespmem:s16+$0x300];
	v4 =	vadd.bf16 v16, v4;
	v5 =	vadd.bf16 v17, v5  }
0x2a1: {  	v42 =	vld [tilespmem:s16+$0x340];
	v2 =	vadd.bf16 v18, v2;
	v3 =	vadd.bf16 v19, v3  }
0x2a2: {  	v43 =	vld [tilespmem:s16+$0x380];
	v4 =	vadd.bf16 v20, v4;
	v5 =	vadd.bf16 v21, v5  }
0x2a3: {  	v44 =	vld [tilespmem:s16+$0x3C0];
	v2 =	vadd.bf16 v22, v2;
	v3 =	vadd.bf16 v23, v3  }
0x2a4: {  	v4 =	vadd.bf16 v24, v4;
	v5 =	vadd.bf16 v36, v5  }
0x2a5: {  	v2 =	vadd.bf16 v37, v2;
	v3 =	vadd.bf16 v38, v3  }
0x2a6: {  	v4 =	vadd.bf16 v39, v4;
	v5 =	vadd.bf16 v40, v5  }
0x2a7: {  	v2 =	vadd.bf16 v41, v2;
	v3 =	vadd.bf16 v42, v3  }
0x2a8: {  	v4 =	vadd.bf16 v43, v4;
	v5 =	vadd.bf16 v44, v5  }
0x2a9: {  	s3 =	sshra.s32 s15, $0x2  }
0x2aa: {  	v45 =	vld.idx.msk [tilespmem:v0+s3+$0x0 ss:$0x1], $0xffff;
	v2 =	vadd.bf16 v3, v2;
	v3 =	vadd.bf16 v5, v4;
	_ =	sdelay $0x1  }
0x2ab: {  	v2 =	vadd.bf16 v3, v2;
	_ =	sdelay $0x1  }
0x2ac: {  	v3 =	vunpack.i.l.bf16.f32 v2  }
0x2ad: {  	v3 =	vadd.f32 v45, v3;
	_ =	sdelay $0x1  }
0x2ae: {  	v3 =	vmax.f32 v3, $0.0e+00  }
0x2af: {  	[tilespmem:v1+s3+$0x0 ss:$0x1] =	vst.idx.msk $0xffff, v3  }
0x2b0: {  	v3 =	vld.idx.msk [tilespmem:v0+s3+$0x10 ss:$0x1], $0xffff;
	_ =	sdelay $0x3  }
0x2b1: {  	v2 =	vunpack.i.u.bf16.f32 v2  }
0x2b2: {  	v2 =	vadd.f32 v3, v2;
	_ =	sdelay $0x1  }
0x2b3: {  	v2 =	vmax.f32 v2, $0.0e+00  }
0x2b4: {  	[tilespmem:v1+s3+$0x10 ss:$0x1] =	vst.idx.msk $0xffff, v2  }
0x2b5: {  	v2 =	vld [tilespmem:s16+$0xFFFFFC10]  }
0x2b6: {  	v3 =	vld [tilespmem:s16+$0xFFFFFC50]  }
0x2b7: {  	v46 =	vld [tilespmem:s16+$0xFFFFFC90]  }
0x2b8: {  	v47 =	vld [tilespmem:s16+$0xFFFFFCD0]  }
0x2b9: {  	v48 =	vld [tilespmem:s16+$0xFFFFFD10]  }
0x2ba: {  	v49 =	vld [tilespmem:s16+$0xFFFFFD50]  }
0x2bb: {  	v50 =	vld [tilespmem:s16+$0xFFFFFD90]  }
0x2bc: {  	v51 =	vld [tilespmem:s16+$0xFFFFFDD0]  }
0x2bd: {  	v52 =	vld [tilespmem:s16+$0xFFFFFE10]  }
0x2be: {  	v53 =	vld [tilespmem:s16+$0xFFFFFE50]  }
0x2bf: {  	v54 =	vld [tilespmem:s16+$0xFFFFFE90]  }
0x2c0: {  	v55 =	vld [tilespmem:s16+$0xFFFFFED0]  }
0x2c1: {  	v56 =	vld [tilespmem:s16+$0xFFFFFF10]  }
0x2c2: {  	v57 =	vld [tilespmem:s16+$0xFFFFFF50]  }
0x2c3: {  	v58 =	vld [tilespmem:s16+$0xFFFFFF90]  }
0x2c4: {  	v59 =	vld [tilespmem:s16+$0xFFFFFFD0]  }
0x2c5: {  	v60 =	vld [tilespmem:s16+$0x10]  }
0x2c6: {  	v61 =	vld [tilespmem:s16+$0x50]  }
0x2c7: {  	v62 =	vld [tilespmem:s16+$0x90]  }
0x2c8: {  	v63 =	vld [tilespmem:s16+$0xD0]  }
0x2c9: {  	v28 =	vld [tilespmem:s16+$0x110]  }
0x2ca: {  	v29 =	vld [tilespmem:s16+$0x150]  }
0x2cb: {  	v30 =	vld [tilespmem:s16+$0x190]  }
0x2cc: {  	v31 =	vld [tilespmem:s16+$0x1D0];
	v2 =	vadd.bf16 v48, v2;
	v3 =	vadd.bf16 v49, v3  }
0x2cd: {  	v32 =	vld [tilespmem:s16+$0x210];
	v4 =	vadd.bf16 v50, v46;
	v5 =	vadd.bf16 v51, v47  }
0x2ce: {  	v33 =	vld [tilespmem:s16+$0x250];
	v2 =	vadd.bf16 v52, v2;
	v3 =	vadd.bf16 v53, v3  }
0x2cf: {  	v34 =	vld [tilespmem:s16+$0x290];
	v4 =	vadd.bf16 v54, v4;
	v5 =	vadd.bf16 v55, v5  }
0x2d0: {  	v35 =	vld [tilespmem:s16+$0x2D0];
	v2 =	vadd.bf16 v56, v2;
	v3 =	vadd.bf16 v57, v3  }
0x2d1: {  	v36 =	vld [tilespmem:s16+$0x310];
	v4 =	vadd.bf16 v58, v4;
	v5 =	vadd.bf16 v59, v5  }
0x2d2: {  	v37 =	vld [tilespmem:s16+$0x350];
	v2 =	vadd.bf16 v60, v2;
	v3 =	vadd.bf16 v61, v3  }
0x2d3: {  	v38 =	vld [tilespmem:s16+$0x390];
	v4 =	vadd.bf16 v62, v4;
	v5 =	vadd.bf16 v63, v5  }
0x2d4: {  	v39 =	vld [tilespmem:s16+$0x3D0];
	v2 =	vadd.bf16 v28, v2;
	v3 =	vadd.bf16 v29, v3  }
0x2d5: {  	v4 =	vadd.bf16 v30, v4;
	v5 =	vadd.bf16 v31, v5  }
0x2d6: {  	v2 =	vadd.bf16 v32, v2;
	v3 =	vadd.bf16 v33, v3  }
0x2d7: {  	v4 =	vadd.bf16 v34, v4;
	v5 =	vadd.bf16 v35, v5  }
0x2d8: {  	v2 =	vadd.bf16 v36, v2;
	v3 =	vadd.bf16 v37, v3  }
0x2d9: {  	v4 =	vadd.bf16 v38, v4;
	v5 =	vadd.bf16 v39, v5;
	_ =	sdelay $0x1  }
0x2da: {  	v40 =	vld.idx.msk [tilespmem:v0+s3+$0x20 ss:$0x1], $0xffff;
	v2 =	vadd.bf16 v3, v2;
	v3 =	vadd.bf16 v5, v4;
	_ =	sdelay $0x1  }
0x2db: {  	v2 =	vadd.bf16 v3, v2;
	_ =	sdelay $0x1  }
0x2dc: {  	v3 =	vunpack.i.l.bf16.f32 v2  }
0x2dd: {  	v3 =	vadd.f32 v40, v3;
	_ =	sdelay $0x1  }
0x2de: {  	v3 =	vmax.f32 v3, $0.0e+00  }
0x2df: {  	[tilespmem:v1+s3+$0x20 ss:$0x1] =	vst.idx.msk $0xffff, v3  }
0x2e0: {  	v3 =	vld.idx.msk [tilespmem:v0+s3+$0x30 ss:$0x1], $0xffff;
	_ =	sdelay $0x3  }
0x2e1: {  	v2 =	vunpack.i.u.bf16.f32 v2  }
0x2e2: {  	v2 =	vadd.f32 v3, v2;
	_ =	sdelay $0x1  }
0x2e3: {  	v2 =	vmax.f32 v2, $0.0e+00  }
0x2e4: {  	[tilespmem:v1+s3+$0x30 ss:$0x1] =	vst.idx.msk $0xffff, v2  }
0x2e5: {  	v2 =	vld [tilespmem:s16+$0xFFFFFC20]  }
0x2e6: {  	v3 =	vld [tilespmem:s16+$0xFFFFFC60]  }
0x2e7: {  	v41 =	vld [tilespmem:s16+$0xFFFFFCA0]  }
0x2e8: {  	v42 =	vld [tilespmem:s16+$0xFFFFFCE0]  }
0x2e9: {  	v43 =	vld [tilespmem:s16+$0xFFFFFD20]  }
0x2ea: {  	v44 =	vld [tilespmem:s16+$0xFFFFFD60]  }
0x2eb: {  	v45 =	vld [tilespmem:s16+$0xFFFFFDA0]  }
0x2ec: {  	v46 =	vld [tilespmem:s16+$0xFFFFFDE0]  }
0x2ed: {  	v47 =	vld [tilespmem:s16+$0xFFFFFE20]  }
0x2ee: {  	v48 =	vld [tilespmem:s16+$0xFFFFFE60]  }
0x2ef: {  	v49 =	vld [tilespmem:s16+$0xFFFFFEA0]  }
0x2f0: {  	v50 =	vld [tilespmem:s16+$0xFFFFFEE0]  }
0x2f1: {  	v51 =	vld [tilespmem:s16+$0xFFFFFF20]  }
0x2f2: {  	v52 =	vld [tilespmem:s16+$0xFFFFFF60]  }
0x2f3: {  	v53 =	vld [tilespmem:s16+$0xFFFFFFA0]  }
0x2f4: {  	v54 =	vld [tilespmem:s16+$0xFFFFFFE0]  }
0x2f5: {  	v55 =	vld [tilespmem:s16+$0x20]  }
0x2f6: {  	v56 =	vld [tilespmem:s16+$0x60]  }
0x2f7: {  	v57 =	vld [tilespmem:s16+$0xA0]  }
0x2f8: {  	v58 =	vld [tilespmem:s16+$0xE0]  }
0x2f9: {  	v59 =	vld [tilespmem:s16+$0x120]  }
0x2fa: {  	v60 =	vld [tilespmem:s16+$0x160]  }
0x2fb: {  	v61 =	vld [tilespmem:s16+$0x1A0]  }
0x2fc: {  	v62 =	vld [tilespmem:s16+$0x1E0];
	v2 =	vadd.bf16 v43, v2;
	v3 =	vadd.bf16 v44, v3  }
0x2fd: {  	v63 =	vld [tilespmem:s16+$0x220];
	v4 =	vadd.bf16 v45, v41;
	v5 =	vadd.bf16 v46, v42  }
0x2fe: {  	v25 =	vld [tilespmem:s16+$0x260];
	v2 =	vadd.bf16 v47, v2;
	v3 =	vadd.bf16 v48, v3  }
0x2ff: {  	v26 =	vld [tilespmem:s16+$0x2A0];
	v4 =	vadd.bf16 v49, v4;
	v5 =	vadd.bf16 v50, v5  }
0x300: {  	v27 =	vld [tilespmem:s16+$0x2E0];
	v2 =	vadd.bf16 v51, v2;
	v3 =	vadd.bf16 v52, v3  }
0x301: {  	v28 =	vld [tilespmem:s16+$0x320];
	v4 =	vadd.bf16 v53, v4;
	v5 =	vadd.bf16 v54, v5  }
0x302: {  	v29 =	vld [tilespmem:s16+$0x360];
	v2 =	vadd.bf16 v55, v2;
	v3 =	vadd.bf16 v56, v3  }
0x303: {  	v30 =	vld [tilespmem:s16+$0x3A0];
	v4 =	vadd.bf16 v57, v4;
	v5 =	vadd.bf16 v58, v5  }
0x304: {  	v31 =	vld [tilespmem:s16+$0x3E0];
	v2 =	vadd.bf16 v59, v2;
	v3 =	vadd.bf16 v60, v3  }
0x305: {  	v4 =	vadd.bf16 v61, v4;
	v5 =	vadd.bf16 v62, v5  }
0x306: {  	v2 =	vadd.bf16 v63, v2;
	v3 =	vadd.bf16 v25, v3  }
0x307: {  	v4 =	vadd.bf16 v26, v4;
	v5 =	vadd.bf16 v27, v5  }
0x308: {  	v2 =	vadd.bf16 v28, v2;
	v3 =	vadd.bf16 v29, v3  }
0x309: {  	v4 =	vadd.bf16 v30, v4;
	v5 =	vadd.bf16 v31, v5;
	_ =	sdelay $0x1  }
0x30a: {  	v32 =	vld.idx.msk [tilespmem:v0+s3+$0x40 ss:$0x1], $0xffff;
	v2 =	vadd.bf16 v3, v2;
	v3 =	vadd.bf16 v5, v4;
	_ =	sdelay $0x1  }
0x30b: {  	v2 =	vadd.bf16 v3, v2;
	_ =	sdelay $0x1  }
0x30c: {  	v3 =	vunpack.i.l.bf16.f32 v2  }
0x30d: {  	v3 =	vadd.f32 v32, v3;
	_ =	sdelay $0x1  }
0x30e: {  	v3 =	vmax.f32 v3, $0.0e+00  }
0x30f: {  	[tilespmem:v1+s3+$0x40 ss:$0x1] =	vst.idx.msk $0xffff, v3  }
0x310: {  	v3 =	vld.idx.msk [tilespmem:v0+s3+$0x50 ss:$0x1], $0xffff;
	_ =	sdelay $0x3  }
0x311: {  	v2 =	vunpack.i.u.bf16.f32 v2  }
0x312: {  	v2 =	vadd.f32 v3, v2;
	_ =	sdelay $0x1  }
0x313: {  	v2 =	vmax.f32 v2, $0.0e+00  }
0x314: {  	[tilespmem:v1+s3+$0x50 ss:$0x1] =	vst.idx.msk $0xffff, v2  }
0x315: {  	v2 =	vld [tilespmem:s16+$0xFFFFFC30]  }
0x316: {  	v3 =	vld [tilespmem:s16+$0xFFFFFC70]  }
0x317: {  	v33 =	vld [tilespmem:s16+$0xFFFFFCB0]  }
0x318: {  	v34 =	vld [tilespmem:s16+$0xFFFFFCF0]  }
0x319: {  	v35 =	vld [tilespmem:s16+$0xFFFFFD30]  }
0x31a: {  	v36 =	vld [tilespmem:s16+$0xFFFFFD70]  }
0x31b: {  	v37 =	vld [tilespmem:s16+$0xFFFFFDB0]  }
0x31c: {  	v38 =	vld [tilespmem:s16+$0xFFFFFDF0]  }
0x31d: {  	v39 =	vld [tilespmem:s16+$0xFFFFFE30]  }
0x31e: {  	v40 =	vld [tilespmem:s16+$0xFFFFFE70]  }
0x31f: {  	v41 =	vld [tilespmem:s16+$0xFFFFFEB0]  }
0x320: {  	v42 =	vld [tilespmem:s16+$0xFFFFFEF0]  }
0x321: {  	v43 =	vld [tilespmem:s16+$0xFFFFFF30]  }
0x322: {  	v44 =	vld [tilespmem:s16+$0xFFFFFF70]  }
0x323: {  	v45 =	vld [tilespmem:s16+$0xFFFFFFB0]  }
0x324: {  	v46 =	vld [tilespmem:s16+$0xFFFFFFF0]  }
0x325: {  	v47 =	vld [tilespmem:s16+$0x30]  }
0x326: {  	v48 =	vld [tilespmem:s16+$0x70]  }
0x327: {  	v49 =	vld [tilespmem:s16+$0xB0]  }
0x328: {  	v50 =	vld [tilespmem:s16+$0xF0]  }
0x329: {  	v51 =	vld [tilespmem:s16+$0x130]  }
0x32a: {  	v52 =	vld [tilespmem:s16+$0x170]  }
0x32b: {  	v53 =	vld [tilespmem:s16+$0x1B0]  }
0x32c: {  	v54 =	vld [tilespmem:s16+$0x1F0];
	v2 =	vadd.bf16 v35, v2;
	v3 =	vadd.bf16 v36, v3  }
0x32d: {  	v55 =	vld [tilespmem:s16+$0x230];
	v4 =	vadd.bf16 v37, v33;
	v5 =	vadd.bf16 v38, v34  }
0x32e: {  	v56 =	vld [tilespmem:s16+$0x270];
	v2 =	vadd.bf16 v39, v2;
	v3 =	vadd.bf16 v40, v3  }
0x32f: {  	v57 =	vld [tilespmem:s16+$0x2B0];
	v4 =	vadd.bf16 v41, v4;
	v5 =	vadd.bf16 v42, v5  }
0x330: {  	v58 =	vld [tilespmem:s16+$0x2F0];
	v2 =	vadd.bf16 v43, v2;
	v3 =	vadd.bf16 v44, v3  }
0x331: {  	v59 =	vld [tilespmem:s16+$0x330];
	v4 =	vadd.bf16 v45, v4;
	v5 =	vadd.bf16 v46, v5  }
0x332: {  	v60 =	vld [tilespmem:s16+$0x370];
	v2 =	vadd.bf16 v47, v2;
	v3 =	vadd.bf16 v48, v3  }
0x333: {  	v61 =	vld [tilespmem:s16+$0x3B0];
	v4 =	vadd.bf16 v49, v4;
	v5 =	vadd.bf16 v50, v5  }
0x334: {  	v62 =	vld [tilespmem:s16+$0x3F0];
	v2 =	vadd.bf16 v51, v2;
	v3 =	vadd.bf16 v52, v3  }
0x335: {  	v4 =	vadd.bf16 v53, v4;
	v5 =	vadd.bf16 v54, v5  }
0x336: {  	v2 =	vadd.bf16 v55, v2;
	v3 =	vadd.bf16 v56, v3  }
0x337: {  	v4 =	vadd.bf16 v57, v4;
	v5 =	vadd.bf16 v58, v5  }
0x338: {  	v2 =	vadd.bf16 v59, v2;
	v3 =	vadd.bf16 v60, v3  }
0x339: {  	v4 =	vadd.bf16 v61, v4;
	v5 =	vadd.bf16 v62, v5;
	_ =	sdelay $0x1  }
0x33a: {  	v63 =	vld.idx.msk [tilespmem:v0+s3+$0x60 ss:$0x1], $0xffff;
	v2 =	vadd.bf16 v3, v2;
	v3 =	vadd.bf16 v5, v4;
	_ =	sdelay $0x1  }
0x33b: {  	v2 =	vadd.bf16 v3, v2;
	_ =	sdelay $0x1  }
0x33c: {  	v3 =	vunpack.i.l.bf16.f32 v2  }
0x33d: {  	v3 =	vadd.f32 v63, v3;
	_ =	sdelay $0x1  }
0x33e: {  	v3 =	vmax.f32 v3, $0.0e+00  }
0x33f: {  	[tilespmem:v1+s3+$0x60 ss:$0x1] =	vst.idx.msk $0xffff, v3  }
0x340: {  	v3 =	vld.idx.msk [tilespmem:v0+s3+$0x70 ss:$0x1], $0xffff;
	_ =	sdelay $0x2  }
0x341: {  	p1 =	sne.s32 s15, $0xE00  }
.Ltmp5:
0x342: {  	v2 =	vunpack.i.u.bf16.f32 v2;
	(pc) =	sbr.rel @p1 .LBB2_9-.Ltmp5, $3  }
0x343: {  	v2 =	vadd.f32 v3, v2;
	_ =	sdelay $0x1  }
0x344: {  	v2 =	vmax.f32 v2, $0.0e+00  }
0x345: {  	s15 =	sadd.s32 $0x200, s15;
	s16 =	sadd.s32 $0x800, s16;
	[tilespmem:v1+s3+$0x70 ss:$0x1] =	vst.idx.msk $0xffff, v2  }
.Ltmp6:
0x346: {  	(pc) =	sbr.rel @p0 .LBB2_12-.Ltmp6, $1  }
0x347: {  	_ =	sdelay $0x3  }
.Ltmp7:
0x348: {  	s3 =	sshrl.u32 s14, $0x2;
	s13 =	sadd.s32 $0x1, s13;
	(pc) =	sbr.rel .LBB2_2-.Ltmp7, $4  }
0x349: {  	s26 =	sadd.s32 $0x1000, s26;
	s28 =	sadd.s32 $0x1000, s28;
	s29 =	sadd.s32 $0x1000, s29  }
0x34a: {  	s30 =	sadd.s32 $0x1000, s30;
	s31 =	sadd.s32 $0x1000, s31;
	s1 =	sadd.s32 $0x1000, s1  }
0x34b: {  	s0 =	sadd.s32 $0x1000, s0;
	s11 =	sadd.s32 $0x1000, s11;
	s3 =	sadd.s32 $0x680, s3  }
0x34c: {  	[tilespmem:s17], [sflag:$0x3] =	stream.indirect.gather [hbm4b:s4+s12], $0x40, s3, s12, $0xb8;
	[tilespmem:$0x19080] =	vst v63  }
.LBB2_13:
0x34d: {  	_ =	sfence.sel $0x180000  }
0x34e: {  	[bflag:$0x0] =	sbarrier.arrive $0xFFFF  }
0x34f: {  	_ =	strace $0x9000004A  }
0x350: {  	s0 =	stileid.u32;
	[bflag:$0x2] =	sbarrier.arrive $0xFFFF  }
0x351: {  	p0 =	sne.s32 s0, $0x0;
	s0 =	rddreg [dreg:$0x3]  }
0x352: {  	s0 =	sadd.s32 @!p0 $0x100000, s0  }
0x353: {  	[sflag:s0] =	ssyncadd.tile.s32 @!p0 $0x1;
	_ =	shalt  }
.Lfunc_end2:
_tile_overlayer_lowered:
.L_overlay_start_2:
0x354: {  	(tag) =	ssettag $0x2  }
0x355: {  	s0 =	rddreg [dreg:$0x0];
	s2 =	stileid.u32  }
0x356: {  	s1 =	rddreg [dreg:$0x1];
	p0 =	sne.s32 s2, $0x0  }
0x357: {  	s3 =	rddreg [dreg:$0x2];
	[bflag:$0x3] =	sbarrier.arrive $0xFFFF;
	s2 =	simm.s32 @!p0 $0x1C06  }
0x358: {  	[timem:s3], [sflag:s2] =	dma.local @!p0 [hbm:s0], s1  }
0x359: {  	s0 =	simm.s32 @!p0 $0x6  }
0x35a: {  	_ =	swait.ge @!p0 [sflag:s0], s1  }
0x35b: {  	s1 =	ssub.s32 @!p0 $0x0, s1;
	[sflag:s0] =	ssyncset.done @!p0 $0x0  }
0x35c: {  	[sflag:s0] =	ssyncadd.s32 @!p0 s1  }
0x35d: {  	[bflag:$0x3] =	sbarrier.arrive $0xFFFF  }
0x35e: {  	_ =	shalt  }

</sc_bundles>
